<compile_context>
chip_gen: v7x
topology: tpu7x:2x2x1
jax: 0.10.2.dev20260603
libtpu: 0.0.44.dev20260713+nightly
codegen_flags: <defaults>
</compile_context>

<pallas_src>
import math

import jax
import jax.numpy as jnp
from jax import lax
from jax.experimental import pallas as pl
from jax.experimental.pallas import tpu as pltpu
from jax.experimental.pallas import tpu_sc as plsc

_NA = 360
_NE = 179
_FEAT = 32
_N = 500000
_C = 384
_NSTREAM = 3
_CS = _C // _NSTREAM
_NW = 32
_NCHUNKS = -(-_N // _C)
_BASE_TRIPS = _NCHUNKS // _NW
_EXTRA = _NCHUNKS % _NW
_NPAD = _NCHUNKS * _C
_TAIL = _N - (_NCHUNKS - 1) * _C
_NROW = _NA * (_NE - 1)

_PI = math.pi
_PI_2 = math.pi / 2
_D = math.pi / 180.0
_INV_D = 180.0 / math.pi
_INV_SIND = 1.0 / math.sin(math.pi / 180.0)
_SIXTH = 1.0 / 6.0


def _interp_body(az_hbm, el_hbm, tab_hbm, out_hbm, tail_hbm,
                 az_v, el_v, idx_v, w4, rows2, out_t, gsem0, gsem1):
    wid = lax.axis_index("s") * 2 + lax.axis_index("c")
    ntrips = _BASE_TRIPS + jnp.where(wid < _EXTRA, 1, 0)
    fidx = lax.iota(jnp.int32, 16)

    def fire(t):
        par = t % 2
        g = wid + t * _NW
        base = pl.multiple_of(g * _C, _C)
        pltpu.sync_copy(az_hbm.at[pl.ds(base, _C)], az_v)
        pltpu.sync_copy(el_hbm.at[pl.ds(base, _C)], el_v)

        @plsc.parallel_loop(0, _C // 16, unroll=4)
        def _pass1(i):
            sl = pl.ds(i * 16, 16)
            az = az_v[sl]
            el = el_v[sl]
            pa = (az + _PI) * _INV_D
            al = pa.astype(jnp.int32)
            al = jnp.minimum(jnp.maximum(al, 0), _NA - 1)
            ta = az - (al.astype(jnp.float32) * _D - _PI)
            sa = ta * (1.0 - ta * ta * _SIXTH)
            dta = _D - ta
            sca = dta * (1.0 - dta * dta * _SIXTH)
            v1 = sca * _INV_SIND
            v2 = sa * _INV_SIND
            pe = (el + _PI_2) * _INV_D
            eli = pe.astype(jnp.int32) - 1
            eli = jnp.minimum(jnp.maximum(eli, 0), _NE - 2)
            te = el - ((eli.astype(jnp.float32) + 1.0) * _D - _PI_2)
            se = te * (1.0 - te * te * _SIXTH)
            dte = _D - te
            sce = dte * (1.0 - dte * dte * _SIXTH)
            u1 = sce * _INV_SIND
            u2 = se * _INV_SIND
            idx_v[par, sl] = al * (_NE - 1) + eli
            w4[par, 0, sl] = u1 * v1
            w4[par, 1, sl] = u2 * v1
            w4[par, 2, sl] = u1 * v2
            w4[par, 3, sl] = u2 * v2

        @pl.when(par == 0)
        def _fire0():
            for j in range(_NSTREAM):
                pltpu.async_copy(
                    tab_hbm.at[idx_v.at[0, pl.ds(j * _CS, _CS)]],
                    rows2.at[0, pl.ds(j * _CS, _CS)], gsem0)

        @pl.when(par == 1)
        def _fire1():
            for j in range(_NSTREAM):
                pltpu.async_copy(
                    tab_hbm.at[idx_v.at[1, pl.ds(j * _CS, _CS)]],
                    rows2.at[1, pl.ds(j * _CS, _CS)], gsem1)

    fire(0)

    def chunk_body(t, carry):
        par = t % 2
        g = wid + t * _NW
        base = pl.multiple_of(g * _C, _C)

        @pl.when(t + 1 < ntrips)
        def _next():
            fire(t + 1)

        @pl.when(par == 0)
        def _wait0():
            pltpu.make_async_copy(tab_hbm.at[pl.ds(0, _C)], rows2.at[0],
                                  gsem0).wait()

        @pl.when(par == 1)
        def _wait1():
            pltpu.make_async_copy(tab_hbm.at[pl.ds(0, _C)], rows2.at[1],
                                  gsem1).wait()

        @plsc.parallel_loop(0, _C // 16, unroll=4)
        def _combine(i):
            sl = pl.ds(i * 16, 16)
            wv1 = w4[par, 0, sl]
            wv2 = w4[par, 1, sl]
            wv3 = w4[par, 2, sl]
            wv4 = w4[par, 3, sl]
            for q in range(16):
                p = i * 16 + q
                w_bl = wv1[q]
                w_tl = wv2[q]
                w_br = wv3[q]
                w_tr = wv4[q]
                pvec = jnp.full((16,), 0, dtype=jnp.int32) + p
                for h in range(2):
                    acc = ((w_bl * rows2[par, p, pl.ds(h * 16, 16)]
                            + w_tl * rows2[par, p, pl.ds(32 + h * 16, 16)])
                           + (w_br * rows2[par, p, pl.ds(64 + h * 16, 16)]
                              + w_tr * rows2[par, p, pl.ds(96 + h * 16, 16)]))
                    plsc.store_scatter(out_t, [fidx + h * 16, pvec], acc)

        @pl.when(g < _NCHUNKS - 1)
        def _main_write():
            pltpu.sync_copy(out_t, out_hbm.at[:, pl.ds(base, _C)])

        @pl.when(g == _NCHUNKS - 1)
        def _tail_write():
            pltpu.sync_copy(out_t, tail_hbm)

        return carry

    lax.fori_loop(0, ntrips, chunk_body, 0)


def kernel(points_to_interp, grid_values, grid_values_poles):
    del grid_values_poles
    pad = jnp.full((_NPAD - _N,), 0.5, dtype=jnp.float32)
    az = jnp.concatenate([points_to_interp[0], pad])
    el = jnp.concatenate([points_to_interp[1], pad])
    t = jnp.transpose(grid_values, (1, 2, 0))
    tr = jnp.roll(t, -1, axis=0)
    tab = jnp.concatenate(
        [t[:, :-1, :], t[:, 1:, :], tr[:, :-1, :], tr[:, 1:, :]], axis=-1,
    ).reshape(_NROW, 4 * _FEAT)
    mesh = plsc.VectorSubcoreMesh(core_axis_name="c", subcore_axis_name="s")
    fn = pl.kernel(
        _interp_body,
        mesh=mesh,
        compiler_params=pltpu.CompilerParams(needs_layout_passes=False),
        out_type=(
            jax.ShapeDtypeStruct((_FEAT, _N), jnp.float32),
            jax.ShapeDtypeStruct((_FEAT, _C), jnp.float32),
        ),
        scratch_types=[
            pltpu.VMEM((_C,), jnp.float32),
            pltpu.VMEM((_C,), jnp.float32),
            pltpu.VMEM((2, _C), jnp.int32),
            pltpu.VMEM((2, 4, _C), jnp.float32),
            pltpu.VMEM((2, _C, 4 * _FEAT), jnp.float32),
            pltpu.VMEM((_FEAT, _C), jnp.float32),
            pltpu.SemaphoreType.DMA,
            pltpu.SemaphoreType.DMA,
        ],
    )
    out, tail = fn(az, el, tab)
    return lax.dynamic_update_slice(out, tail[:, :_TAIL], (0, _N - _TAIL))

# --- scband reference (transcript-rebuilt; emitter-appended) ---
"""Pipeline reference for scband-spherical-grid-interpolator-62216896250097 (READ-ONLY COPY).

The authoritative reference and input builder live on the scoring server;
editing this copy changes nothing except your own understanding.
"""

import jax, jax.numpy as jnp
import numpy as np

NA = 360
NE = 179
FEAT = 32
N = 500000
NORMALIZED = False


def slerp(f1, f2, theta, omega, normalized):
    w1 = jnp.sin(omega - theta)
    w2 = jnp.sin(theta)
    if normalized:
        s = w1 + w2
        w1 = w1 / s
        w2 = w2 / s
    else:
        so = jnp.sin(omega)
        w1 = w1 / so
        w2 = w2 / so
    return w1 * f1 + w2 * f2


def setup_inputs(seed: int = 0):
    key = jax.random.key(seed)
    k1, k2, k3 = jax.random.split(key, 3)
    points = jax.random.uniform(k1, (2, N), dtype=jnp.float32)
    gv = jax.random.normal(k2, (FEAT, NA, NE), dtype=jnp.float32) * 0.05
    gvp = jax.random.normal(k3, (FEAT, 2), dtype=jnp.float32) * 0.1
    return {"points_to_interp": points, "grid_values": gv, "grid_values_poles": gvp}


def reference(points_to_interp, grid_values, grid_values_poles):
    pi = jnp.pi
    pi_2 = pi / 2
    ticks_az = jnp.linspace(-pi, pi, NA + 1)[:-1].astype(jnp.float32)
    ticks_el = jnp.linspace(-pi_2, pi_2, NE + 2)[1:-1].astype(jnp.float32)
    az = points_to_interp[0]
    el = points_to_interp[1]
    a_r = jnp.searchsorted(ticks_az, az, side='left')
    a_l = a_r - 1
    a_r = jnp.where(a_r >= NA, 0, a_r)
    e_r = jnp.searchsorted(ticks_el, el, side='left')
    num_elev = NE + 2
    mask_sp = e_r == 0
    mask_np = e_r == num_elev - 2
    mask_mid = (~mask_sp) & (~mask_np)
    omega_az = ticks_az[1] - ticks_az[0]
    omega_el = ticks_el[0] + pi_2
    thetas_az = az - ticks_az[a_l]
    # middle branch (safe-clipped indices; non-middle lanes discarded by where)
    e_r_c = jnp.clip(e_r, 1, NE - 1)
    e_l_c = e_r_c - 1
    f_bot = slerp(grid_values[:, a_l, e_l_c], grid_values[:, a_r, e_l_c], thetas_az, omega_az, NORMALIZED)
    f_top = slerp(grid_values[:, a_l, e_r_c], grid_values[:, a_r, e_r_c], thetas_az, omega_az, NORMALIZED)
    ff_mid = slerp(f_bot, f_top, el - ticks_el[e_l_c], omega_el, NORMALIZED)
    # south pole branch
    f_sp = slerp(grid_values[:, a_l, 0], grid_values[:, a_r, 0], thetas_az, omega_az, NORMALIZED)
    ff_sp = slerp(grid_values_poles[:, 0:1], f_sp, el + pi_2, omega_el, NORMALIZED)
    # north pole branch
    f_np_ = slerp(grid_values[:, a_l, NE - 1], grid_values[:, a_r, NE - 1], thetas_az, omega_az, NORMALIZED)
    ff_np = slerp(grid_values_poles[:, 1:2], f_np_, pi_2 - el, omega_el, NORMALIZED)
    ff = jnp.where(mask_mid, ff_mid, jnp.where(mask_sp, ff_sp, ff_np))
    return ff

if __name__ == "__main__":
    import jax
    _d = setup_inputs()
    print(jax.jit(kernel)(*tuple(_d.values())))

</pallas_src>

<mosaic_0001>
#map = affine_map<(d0, d1) -> (0)>
#map1 = affine_map<(d0, d1) -> (0, 0)>
module attributes {stable_mosaic.version = 14 : i64} {
  func.func @_interp_body(%arg0: i32, %arg1: i32, %arg2: memref<500352xf32, #tpu.memory_space<hbm>>, %arg3: memref<500352xf32, #tpu.memory_space<hbm>>, %arg4: memref<64080x128xf32, #tpu.memory_space<hbm>>, %arg5: memref<32x500000xf32, #tpu.memory_space<hbm>>, %arg6: memref<32x384xf32, #tpu.memory_space<hbm>>, %arg7: memref<384xf32, #tpu.memory_space<vmem>>, %arg8: memref<384xf32, #tpu.memory_space<vmem>>, %arg9: memref<2x384xi32, #tpu.memory_space<vmem>>, %arg10: memref<2x4x384xf32, #tpu.memory_space<vmem>>, %arg11: memref<2x384x128xf32, #tpu.memory_space<vmem>>, %arg12: memref<32x384xf32, #tpu.memory_space<vmem>>, %arg13: memref<!tpu.dma_semaphore, #tpu.memory_space<semaphore_mem>>, %arg14: memref<!tpu.dma_semaphore, #tpu.memory_space<semaphore_mem>>) attributes {dimension_semantics = [#tpu.dimension_semantics<core_parallel>, #tpu.dimension_semantics<subcore_parallel>], iteration_bounds = array<i64: 2, 16>, scalar_prefetch = 0 : i64, scratch_operands = 8 : i64, tpu.core_type = #tpu.core_type<sc_vector_subcore>, window_params = [{transform_indices = #map}, {transform_indices = #map}, {transform_indices = #map1}, {transform_indices = #map1}, {transform_indices = #map1}]} {
    %mul3A = arith.constant 2 : i32
    %mul3A_0 = arith.muli %arg1, %mul3A : i32
    %add3A = arith.addi %mul3A_0, %arg0 : i32
    %lt3A = arith.constant 23 : i32
    %lt3A_1 = arith.cmpi slt, %add3A, %lt3A : i32
    %jit3A = arith.constant 1 : i32
    %jit3A_2 = arith.constant 0 : i32
    %select_n3A = arith.select %lt3A_1, %jit3A, %jit3A_2 : i32
    %add3A_3 = arith.constant 40 : i32
    %add3A_4 = arith.addi %add3A_3, %select_n3A : i32
    %iota3A = tpu.iota {dimensions = array<i32: 0>} : vector<16xi32>
    %add3A_5 = arith.constant 0 : i32
    %add3A_6 = arith.addi %add3A, %add3A_5 : i32
    %mul3A_7 = arith.constant 384 : i32
    %mul3A_8 = arith.muli %add3A_6, %mul3A_7 : i32
    %multiple_of3A = tpu.assume_multiple %mul3A_8, 384 : i32
    "tpu.region"() ({
      %run_scoped3A = tpu.sem_alloc : memref<!tpu.dma_semaphore, #tpu.memory_space<semaphore_mem>>
      %dma_start3A_55 = tpu.memref_slice %arg2[%multiple_of3A] : memref<500352xf32, #tpu.memory_space<hbm>> -> memref<384xf32, #tpu.memory_space<hbm>>
      %dma_start3A_56 = tpu.memref_slice %arg2[%multiple_of3A] : memref<500352xf32, #tpu.memory_space<hbm>> -> memref<384xf32, #tpu.memory_space<hbm>>
      tpu.enqueue_dma source(%dma_start3A_56 : memref<384xf32, #tpu.memory_space<hbm>>) target(%arg7 : memref<384xf32, #tpu.memory_space<vmem>>) target_semaphore(%run_scoped3A : memref<!tpu.dma_semaphore, #tpu.memory_space<semaphore_mem>>)
      %dma_wait3A = tpu.memref_slice %arg2[%multiple_of3A] : memref<500352xf32, #tpu.memory_space<hbm>> -> memref<384xf32, #tpu.memory_space<hbm>>
      %dma_wait3A_57 = tpu.memref_slice %arg2[%multiple_of3A] : memref<500352xf32, #tpu.memory_space<hbm>> -> memref<384xf32, #tpu.memory_space<hbm>>
      tpu.wait_dma2 semaphore(%run_scoped3A : memref<!tpu.dma_semaphore, #tpu.memory_space<semaphore_mem>>) src(%dma_wait3A_57 : memref<384xf32, #tpu.memory_space<hbm>>) dst(%arg7 : memref<384xf32, #tpu.memory_space<vmem>>)
      tpu.yield
    }) : () -> ()
    "tpu.region"() ({
      %run_scoped3A = tpu.sem_alloc : memref<!tpu.dma_semaphore, #tpu.memory_space<semaphore_mem>>
      %dma_start3A_55 = tpu.memref_slice %arg3[%multiple_of3A] : memref<500352xf32, #tpu.memory_space<hbm>> -> memref<384xf32, #tpu.memory_space<hbm>>
      %dma_start3A_56 = tpu.memref_slice %arg3[%multiple_of3A] : memref<500352xf32, #tpu.memory_space<hbm>> -> memref<384xf32, #tpu.memory_space<hbm>>
      tpu.enqueue_dma source(%dma_start3A_56 : memref<384xf32, #tpu.memory_space<hbm>>) target(%arg8 : memref<384xf32, #tpu.memory_space<vmem>>) target_semaphore(%run_scoped3A : memref<!tpu.dma_semaphore, #tpu.memory_space<semaphore_mem>>)
      %dma_wait3A = tpu.memref_slice %arg3[%multiple_of3A] : memref<500352xf32, #tpu.memory_space<hbm>> -> memref<384xf32, #tpu.memory_space<hbm>>
      %dma_wait3A_57 = tpu.memref_slice %arg3[%multiple_of3A] : memref<500352xf32, #tpu.memory_space<hbm>> -> memref<384xf32, #tpu.memory_space<hbm>>
      tpu.wait_dma2 semaphore(%run_scoped3A : memref<!tpu.dma_semaphore, #tpu.memory_space<semaphore_mem>>) src(%dma_wait3A_57 : memref<384xf32, #tpu.memory_space<hbm>>) dst(%arg8 : memref<384xf32, #tpu.memory_space<vmem>>)
      tpu.yield
    }) : () -> ()
    %parallel_loop3A = arith.constant 0 : i32
    %parallel_loop3A_9 = arith.constant 24 : i32
    %parallel_loop3A_10 = arith.constant 1 : i32
    scf.for %parallel_loop3A_55 = %parallel_loop3A to %parallel_loop3A_9 step %parallel_loop3A_10  : i32 {
      %parallel_loop3A_56 = arith.constant 16 : i32
      %parallel_loop3A_57 = arith.muli %parallel_loop3A_55, %parallel_loop3A_56 : i32
      %parallel_loop3A_58 = arith.index_cast %parallel_loop3A_57 : i32 to index
      %parallel_loop3A_59 = tpu.vector_load %arg7[%parallel_loop3A_58] {strides = array<i32>} : memref<384xf32, #tpu.memory_space<vmem>>, vector<16xf32>,
      %parallel_loop3A_60 = arith.index_cast %parallel_loop3A_57 : i32 to index
      %parallel_loop3A_61 = tpu.vector_load %arg8[%parallel_loop3A_60] {strides = array<i32>} : memref<384xf32, #tpu.memory_space<vmem>>, vector<16xf32>,
      %parallel_loop3A_62 = arith.constant 3.14159274 : f32
      %parallel_loop3A_63 = vector.broadcast %parallel_loop3A_62 : f32 to vector<16xf32>
      %parallel_loop3A_64 = arith.addf %parallel_loop3A_59, %parallel_loop3A_63 : vector<16xf32>
      %parallel_loop3A_65 = arith.constant 57.2957802 : f32
      %parallel_loop3A_66 = vector.broadcast %parallel_loop3A_65 : f32 to vector<16xf32>
      %parallel_loop3A_67 = arith.mulf %parallel_loop3A_64, %parallel_loop3A_66 : vector<16xf32>
      %parallel_loop3A_68 = arith.fptosi %parallel_loop3A_67 : vector<16xf32> to vector<16xi32>
      %parallel_loop3A_69 = arith.constant 0 : i32
      %parallel_loop3A_70 = vector.broadcast %parallel_loop3A_69 : i32 to vector<16xi32>
      %parallel_loop3A_71 = arith.maxsi %parallel_loop3A_68, %parallel_loop3A_70 : vector<16xi32>
      %parallel_loop3A_72 = arith.constant 359 : i32
      %parallel_loop3A_73 = vector.broadcast %parallel_loop3A_72 : i32 to vector<16xi32>
      %parallel_loop3A_74 = arith.minsi %parallel_loop3A_71, %parallel_loop3A_73 : vector<16xi32>
      %parallel_loop3A_75 = arith.sitofp %parallel_loop3A_74 : vector<16xi32> to vector<16xf32>
      %parallel_loop3A_76 = arith.constant 0.0174532924 : f32
      %parallel_loop3A_77 = vector.broadcast %parallel_loop3A_76 : f32 to vector<16xf32>
      %parallel_loop3A_78 = arith.mulf %parallel_loop3A_75, %parallel_loop3A_77 : vector<16xf32>
      %parallel_loop3A_79 = arith.constant 3.14159274 : f32
      %parallel_loop3A_80 = vector.broadcast %parallel_loop3A_79 : f32 to vector<16xf32>
      %parallel_loop3A_81 = arith.subf %parallel_loop3A_78, %parallel_loop3A_80 : vector<16xf32>
      %parallel_loop3A_82 = arith.subf %parallel_loop3A_59, %parallel_loop3A_81 : vector<16xf32>
      %parallel_loop3A_83 = arith.mulf %parallel_loop3A_82, %parallel_loop3A_82 : vector<16xf32>
      %parallel_loop3A_84 = arith.constant 0.166666672 : f32
      %parallel_loop3A_85 = vector.broadcast %parallel_loop3A_84 : f32 to vector<16xf32>
      %parallel_loop3A_86 = arith.mulf %parallel_loop3A_83, %parallel_loop3A_85 : vector<16xf32>
      %parallel_loop3A_87 = arith.constant 1.000000e+00 : f32
      %parallel_loop3A_88 = vector.broadcast %parallel_loop3A_87 : f32 to vector<16xf32>
      %parallel_loop3A_89 = arith.subf %parallel_loop3A_88, %parallel_loop3A_86 : vector<16xf32>
      %parallel_loop3A_90 = arith.mulf %parallel_loop3A_82, %parallel_loop3A_89 : vector<16xf32>
      %parallel_loop3A_91 = arith.constant 0.0174532924 : f32
      %parallel_loop3A_92 = vector.broadcast %parallel_loop3A_91 : f32 to vector<16xf32>
      %parallel_loop3A_93 = arith.subf %parallel_loop3A_92, %parallel_loop3A_82 : vector<16xf32>
      %parallel_loop3A_94 = arith.mulf %parallel_loop3A_93, %parallel_loop3A_93 : vector<16xf32>
      %parallel_loop3A_95 = arith.constant 0.166666672 : f32
      %parallel_loop3A_96 = vector.broadcast %parallel_loop3A_95 : f32 to vector<16xf32>
      %parallel_loop3A_97 = arith.mulf %parallel_loop3A_94, %parallel_loop3A_96 : vector<16xf32>
      %parallel_loop3A_98 = arith.constant 1.000000e+00 : f32
      %parallel_loop3A_99 = vector.broadcast %parallel_loop3A_98 : f32 to vector<16xf32>
      %parallel_loop3A_100 = arith.subf %parallel_loop3A_99, %parallel_loop3A_97 : vector<16xf32>
      %parallel_loop3A_101 = arith.mulf %parallel_loop3A_93, %parallel_loop3A_100 : vector<16xf32>
      %parallel_loop3A_102 = arith.constant 57.298687 : f32
      %parallel_loop3A_103 = vector.broadcast %parallel_loop3A_102 : f32 to vector<16xf32>
      %parallel_loop3A_104 = arith.mulf %parallel_loop3A_101, %parallel_loop3A_103 : vector<16xf32>
      %parallel_loop3A_105 = arith.constant 57.298687 : f32
      %parallel_loop3A_106 = vector.broadcast %parallel_loop3A_105 : f32 to vector<16xf32>
      %parallel_loop3A_107 = arith.mulf %parallel_loop3A_90, %parallel_loop3A_106 : vector<16xf32>
      %parallel_loop3A_108 = arith.constant 1.57079637 : f32
      %parallel_loop3A_109 = vector.broadcast %parallel_loop3A_108 : f32 to vector<16xf32>
      %parallel_loop3A_110 = arith.addf %parallel_loop3A_61, %parallel_loop3A_109 : vector<16xf32>
      %parallel_loop3A_111 = arith.constant 57.2957802 : f32
      %parallel_loop3A_112 = vector.broadcast %parallel_loop3A_111 : f32 to vector<16xf32>
      %parallel_loop3A_113 = arith.mulf %parallel_loop3A_110, %parallel_loop3A_112 : vector<16xf32>
      %parallel_loop3A_114 = arith.fptosi %parallel_loop3A_113 : vector<16xf32> to vector<16xi32>
      %parallel_loop3A_115 = arith.constant 1 : i32
      %parallel_loop3A_116 = vector.broadcast %parallel_loop3A_115 : i32 to vector<16xi32>
      %parallel_loop3A_117 = arith.subi %parallel_loop3A_114, %parallel_loop3A_116 : vector<16xi32>
      %parallel_loop3A_118 = arith.constant 0 : i32
      %parallel_loop3A_119 = vector.broadcast %parallel_loop3A_118 : i32 to vector<16xi32>
      %parallel_loop3A_120 = arith.maxsi %parallel_loop3A_117, %parallel_loop3A_119 : vector<16xi32>
      %parallel_loop3A_121 = arith.constant 177 : i32
      %parallel_loop3A_122 = vector.broadcast %parallel_loop3A_121 : i32 to vector<16xi32>
      %parallel_loop3A_123 = arith.minsi %parallel_loop3A_120, %parallel_loop3A_122 : vector<16xi32>
      %parallel_loop3A_124 = arith.sitofp %parallel_loop3A_123 : vector<16xi32> to vector<16xf32>
      %parallel_loop3A_125 = arith.constant 1.000000e+00 : f32
      %parallel_loop3A_126 = vector.broadcast %parallel_loop3A_125 : f32 to vector<16xf32>
      %parallel_loop3A_127 = arith.addf %parallel_loop3A_124, %parallel_loop3A_126 : vector<16xf32>
      %parallel_loop3A_128 = arith.constant 0.0174532924 : f32
      %parallel_loop3A_129 = vector.broadcast %parallel_loop3A_128 : f32 to vector<16xf32>
      %parallel_loop3A_130 = arith.mulf %parallel_loop3A_127, %parallel_loop3A_129 : vector<16xf32>
      %parallel_loop3A_131 = arith.constant 1.57079637 : f32
      %parallel_loop3A_132 = vector.broadcast %parallel_loop3A_131 : f32 to vector<16xf32>
      %parallel_loop3A_133 = arith.subf %parallel_loop3A_130, %parallel_loop3A_132 : vector<16xf32>
      %parallel_loop3A_134 = arith.subf %parallel_loop3A_61, %parallel_loop3A_133 : vector<16xf32>
      %parallel_loop3A_135 = arith.mulf %parallel_loop3A_134, %parallel_loop3A_134 : vector<16xf32>
      %parallel_loop3A_136 = arith.constant 0.166666672 : f32
      %parallel_loop3A_137 = vector.broadcast %parallel_loop3A_136 : f32 to vector<16xf32>
      %parallel_loop3A_138 = arith.mulf %parallel_loop3A_135, %parallel_loop3A_137 : vector<16xf32>
      %parallel_loop3A_139 = arith.constant 1.000000e+00 : f32
      %parallel_loop3A_140 = vector.broadcast %parallel_loop3A_139 : f32 to vector<16xf32>
      %parallel_loop3A_141 = arith.subf %parallel_loop3A_140, %parallel_loop3A_138 : vector<16xf32>
      %parallel_loop3A_142 = arith.mulf %parallel_loop3A_134, %parallel_loop3A_141 : vector<16xf32>
      %parallel_loop3A_143 = arith.constant 0.0174532924 : f32
      %parallel_loop3A_144 = vector.broadcast %parallel_loop3A_143 : f32 to vector<16xf32>
      %parallel_loop3A_145 = arith.subf %parallel_loop3A_144, %parallel_loop3A_134 : vector<16xf32>
      %parallel_loop3A_146 = arith.mulf %parallel_loop3A_145, %parallel_loop3A_145 : vector<16xf32>
      %parallel_loop3A_147 = arith.constant 0.166666672 : f32
      %parallel_loop3A_148 = vector.broadcast %parallel_loop3A_147 : f32 to vector<16xf32>
      %parallel_loop3A_149 = arith.mulf %parallel_loop3A_146, %parallel_loop3A_148 : vector<16xf32>
      %parallel_loop3A_150 = arith.constant 1.000000e+00 : f32
      %parallel_loop3A_151 = vector.broadcast %parallel_loop3A_150 : f32 to vector<16xf32>
      %parallel_loop3A_152 = arith.subf %parallel_loop3A_151, %parallel_loop3A_149 : vector<16xf32>
      %parallel_loop3A_153 = arith.mulf %parallel_loop3A_145, %parallel_loop3A_152 : vector<16xf32>
      %parallel_loop3A_154 = arith.constant 57.298687 : f32
      %parallel_loop3A_155 = vector.broadcast %parallel_loop3A_154 : f32 to vector<16xf32>
      %parallel_loop3A_156 = arith.mulf %parallel_loop3A_153, %parallel_loop3A_155 : vector<16xf32>
      %parallel_loop3A_157 = arith.constant 57.298687 : f32
      %parallel_loop3A_158 = vector.broadcast %parallel_loop3A_157 : f32 to vector<16xf32>
      %parallel_loop3A_159 = arith.mulf %parallel_loop3A_142, %parallel_loop3A_158 : vector<16xf32>
      %parallel_loop3A_160 = arith.constant 178 : i32
      %parallel_loop3A_161 = vector.broadcast %parallel_loop3A_160 : i32 to vector<16xi32>
      %parallel_loop3A_162 = arith.muli %parallel_loop3A_74, %parallel_loop3A_161 : vector<16xi32>
      %parallel_loop3A_163 = arith.addi %parallel_loop3A_162, %parallel_loop3A_123 : vector<16xi32>
      %parallel_loop3A_164 = arith.constant 0 : i32
      %parallel_loop3A_165 = arith.index_cast %parallel_loop3A_164 : i32 to index
      %parallel_loop3A_166 = arith.index_cast %parallel_loop3A_57 : i32 to index
      %parallel_loop3A_167 = tpu.vector_load %arg9[%parallel_loop3A_165, %parallel_loop3A_166] {strides = array<i32>} : memref<2x384xi32, #tpu.memory_space<vmem>>, vector<16xi32>,
      tpu.vector_store %arg9[%parallel_loop3A_165, %parallel_loop3A_166], %parallel_loop3A_163 {strides = array<i32>} : memref<2x384xi32, #tpu.memory_space<vmem>>, vector<16xi32>,
      %parallel_loop3A_168 = arith.mulf %parallel_loop3A_156, %parallel_loop3A_104 : vector<16xf32>
      %parallel_loop3A_169 = arith.constant 0 : i32
      %parallel_loop3A_170 = arith.constant 0 : i32
      %parallel_loop3A_171 = arith.index_cast %parallel_loop3A_169 : i32 to index
      %parallel_loop3A_172 = arith.index_cast %parallel_loop3A_170 : i32 to index
      %parallel_loop3A_173 = arith.index_cast %parallel_loop3A_57 : i32 to index
      %parallel_loop3A_174 = tpu.vector_load %arg10[%parallel_loop3A_171, %parallel_loop3A_172, %parallel_loop3A_173] {strides = array<i32>} : memref<2x4x384xf32, #tpu.memory_space<vmem>>, vector<16xf32>,
      tpu.vector_store %arg10[%parallel_loop3A_171, %parallel_loop3A_172, %parallel_loop3A_173], %parallel_loop3A_168 {strides = array<i32>} : memref<2x4x384xf32, #tpu.memory_space<vmem>>, vector<16xf32>,
      %parallel_loop3A_175 = arith.mulf %parallel_loop3A_159, %parallel_loop3A_104 : vector<16xf32>
      %parallel_loop3A_176 = arith.constant 0 : i32
      %parallel_loop3A_177 = arith.constant 1 : i32
      %parallel_loop3A_178 = arith.index_cast %parallel_loop3A_176 : i32 to index
      %parallel_loop3A_179 = arith.index_cast %parallel_loop3A_177 : i32 to index
      %parallel_loop3A_180 = arith.index_cast %parallel_loop3A_57 : i32 to index
      %parallel_loop3A_181 = tpu.vector_load %arg10[%parallel_loop3A_178, %parallel_loop3A_179, %parallel_loop3A_180] {strides = array<i32>} : memref<2x4x384xf32, #tpu.memory_space<vmem>>, vector<16xf32>,
      tpu.vector_store %arg10[%parallel_loop3A_178, %parallel_loop3A_179, %parallel_loop3A_180], %parallel_loop3A_175 {strides = array<i32>} : memref<2x4x384xf32, #tpu.memory_space<vmem>>, vector<16xf32>,
      %parallel_loop3A_182 = arith.mulf %parallel_loop3A_156, %parallel_loop3A_107 : vector<16xf32>
      %parallel_loop3A_183 = arith.constant 0 : i32
      %parallel_loop3A_184 = arith.constant 2 : i32
      %parallel_loop3A_185 = arith.index_cast %parallel_loop3A_183 : i32 to index
      %parallel_loop3A_186 = arith.index_cast %parallel_loop3A_184 : i32 to index
      %parallel_loop3A_187 = arith.index_cast %parallel_loop3A_57 : i32 to index
      %parallel_loop3A_188 = tpu.vector_load %arg10[%parallel_loop3A_185, %parallel_loop3A_186, %parallel_loop3A_187] {strides = array<i32>} : memref<2x4x384xf32, #tpu.memory_space<vmem>>, vector<16xf32>,
      tpu.vector_store %arg10[%parallel_loop3A_185, %parallel_loop3A_186, %parallel_loop3A_187], %parallel_loop3A_182 {strides = array<i32>} : memref<2x4x384xf32, #tpu.memory_space<vmem>>, vector<16xf32>,
      %parallel_loop3A_189 = arith.mulf %parallel_loop3A_159, %parallel_loop3A_107 : vector<16xf32>
      %parallel_loop3A_190 = arith.constant 0 : i32
      %parallel_loop3A_191 = arith.constant 3 : i32
      %parallel_loop3A_192 = arith.index_cast %parallel_loop3A_190 : i32 to index
      %parallel_loop3A_193 = arith.index_cast %parallel_loop3A_191 : i32 to index
      %parallel_loop3A_194 = arith.index_cast %parallel_loop3A_57 : i32 to index
      %parallel_loop3A_195 = tpu.vector_load %arg10[%parallel_loop3A_192, %parallel_loop3A_193, %parallel_loop3A_194] {strides = array<i32>} : memref<2x4x384xf32, #tpu.memory_space<vmem>>, vector<16xf32>,
      tpu.vector_store %arg10[%parallel_loop3A_192, %parallel_loop3A_193, %parallel_loop3A_194], %parallel_loop3A_189 {strides = array<i32>} : memref<2x4x384xf32, #tpu.memory_space<vmem>>, vector<16xf32>,
    } {sc.loop_unroll_factor = 4 : i64, sc.parallel_access}
    %dma_start3A = arith.constant 0 : i32
    %dma_start3A_11 = arith.constant 0 : i32
    %dma_start3A_12 = arith.constant 0 : i32
    %dma_start3A_13 = arith.constant 0 : i32
    %dma_start3A_14 = tpu.memref_slice %arg11[%dma_start3A_11, %dma_start3A_12, %dma_start3A_13] : memref<2x384x128xf32, #tpu.memory_space<vmem>> -> memref<1x128x128xf32, #tpu.memory_space<vmem>>
    %dma_start3A_15 = tpu.memref_squeeze %dma_start3A_14 : memref<1x128x128xf32, #tpu.memory_space<vmem>> -> memref<128x128xf32, #tpu.memory_space<vmem>>
    %dma_start3A_16 = arith.constant 0 : i32
    %dma_start3A_17 = tpu.memref_slice %arg9[%dma_start3A, %dma_start3A_16] : memref<2x384xi32, #tpu.memory_space<vmem>> -> memref<1x128xi32, #tpu.memory_space<vmem>>
    %dma_start3A_18 = tpu.memref_squeeze %dma_start3A_17 : memref<1x128xi32, #tpu.memory_space<vmem>> -> memref<128xi32, #tpu.memory_space<vmem>>
    %dma_start3A_19 = arith.constant 0 : i32
    %dma_start3A_20 = arith.constant 0 : i32
    %dma_start3A_21 = tpu.memref_slice %arg4[%dma_start3A_19, %dma_start3A_20] : memref<64080x128xf32, #tpu.memory_space<hbm>> -> memref<64080x128xf32, #tpu.memory_space<hbm>>
    tpu.enqueue_indirect_dma source(%dma_start3A_21 : memref<64080x128xf32, #tpu.memory_space<hbm>>) target(%dma_start3A_15 : memref<128x128xf32, #tpu.memory_space<vmem>>) offsets(%dma_start3A_18 : memref<128xi32, #tpu.memory_space<vmem>>) semaphore(%arg13 : memref<!tpu.dma_semaphore, #tpu.memory_space<semaphore_mem>>)
    %dma_start3A_22 = arith.constant 0 : i32
    %dma_start3A_23 = arith.constant 0 : i32
    %dma_start3A_24 = arith.constant 128 : i32
    %dma_start3A_25 = arith.constant 0 : i32
    %dma_start3A_26 = tpu.memref_slice %arg11[%dma_start3A_23, %dma_start3A_24, %dma_start3A_25] : memref<2x384x128xf32, #tpu.memory_space<vmem>> -> memref<1x128x128xf32, #tpu.memory_space<vmem>>
    %dma_start3A_27 = tpu.memref_squeeze %dma_start3A_26 : memref<1x128x128xf32, #tpu.memory_space<vmem>> -> memref<128x128xf32, #tpu.memory_space<vmem>>
    %dma_start3A_28 = arith.constant 128 : i32
    %dma_start3A_29 = tpu.memref_slice %arg9[%dma_start3A_22, %dma_start3A_28] : memref<2x384xi32, #tpu.memory_space<vmem>> -> memref<1x128xi32, #tpu.memory_space<vmem>>
    %dma_start3A_30 = tpu.memref_squeeze %dma_start3A_29 : memref<1x128xi32, #tpu.memory_space<vmem>> -> memref<128xi32, #tpu.memory_space<vmem>>
    %dma_start3A_31 = arith.constant 0 : i32
    %dma_start3A_32 = arith.constant 0 : i32
    %dma_start3A_33 = tpu.memref_slice %arg4[%dma_start3A_31, %dma_start3A_32] : memref<64080x128xf32, #tpu.memory_space<hbm>> -> memref<64080x128xf32, #tpu.memory_space<hbm>>
    tpu.enqueue_indirect_dma source(%dma_start3A_33 : memref<64080x128xf32, #tpu.memory_space<hbm>>) target(%dma_start3A_27 : memref<128x128xf32, #tpu.memory_space<vmem>>) offsets(%dma_start3A_30 : memref<128xi32, #tpu.memory_space<vmem>>) semaphore(%arg13 : memref<!tpu.dma_semaphore, #tpu.memory_space<semaphore_mem>>)
    %dma_start3A_34 = arith.constant 0 : i32
    %dma_start3A_35 = arith.constant 0 : i32
    %dma_start3A_36 = arith.constant 256 : i32
    %dma_start3A_37 = arith.constant 0 : i32
    %dma_start3A_38 = tpu.memref_slice %arg11[%dma_start3A_35, %dma_start3A_36, %dma_start3A_37] : memref<2x384x128xf32, #tpu.memory_space<vmem>> -> memref<1x128x128xf32, #tpu.memory_space<vmem>>
    %dma_start3A_39 = tpu.memref_squeeze %dma_start3A_38 : memref<1x128x128xf32, #tpu.memory_space<vmem>> -> memref<128x128xf32, #tpu.memory_space<vmem>>
    %dma_start3A_40 = arith.constant 256 : i32
    %dma_start3A_41 = tpu.memref_slice %arg9[%dma_start3A_34, %dma_start3A_40] : memref<2x384xi32, #tpu.memory_space<vmem>> -> memref<1x128xi32, #tpu.memory_space<vmem>>
    %dma_start3A_42 = tpu.memref_squeeze %dma_start3A_41 : memref<1x128xi32, #tpu.memory_space<vmem>> -> memref<128xi32, #tpu.memory_space<vmem>>
    %dma_start3A_43 = arith.constant 0 : i32
    %dma_start3A_44 = arith.constant 0 : i32
    %dma_start3A_45 = tpu.memref_slice %arg4[%dma_start3A_43, %dma_start3A_44] : memref<64080x128xf32, #tpu.memory_space<hbm>> -> memref<64080x128xf32, #tpu.memory_space<hbm>>
    tpu.enqueue_indirect_dma source(%dma_start3A_45 : memref<64080x128xf32, #tpu.memory_space<hbm>>) target(%dma_start3A_39 : memref<128x128xf32, #tpu.memory_space<vmem>>) offsets(%dma_start3A_42 : memref<128xi32, #tpu.memory_space<vmem>>) semaphore(%arg13 : memref<!tpu.dma_semaphore, #tpu.memory_space<semaphore_mem>>)
    %while3A = arith.constant 0 : i32
    %while3A_46 = arith.constant 0 : i32
    %while3A_47 = arith.subi %add3A_4, %while3A_46 : i32
    %while3A_48 = arith.addi %while3A_46, %while3A_47 : i32
    %while3A_49 = arith.constant 1 : i32
    %while3A_50 = arith.divsi %while3A_47, %while3A_49 : i32
    %while3A_51 = arith.muli %while3A_50, %while3A_49 : i32
    %while3A_52 = arith.addi %while3A_46, %while3A_51 : i32
    %while3A_53 = arith.constant 1 : i32
    scf.for %while3A_55 = %while3A_46 to %while3A_52 step %while3A_53  : i32 {
      %jit3A_56 = arith.constant 2 : i32
      %eq3A = arith.constant 0 : i32
      %eq3A_57 = arith.cmpi eq, %jit3A_56, %eq3A : i32
      %jit3A_58 = arith.constant 1 : i32
      %select_n3A_59 = arith.select %eq3A_57, %jit3A_58, %jit3A_56 : i32
      %rem3A = arith.remsi %while3A_55, %select_n3A_59 : i32
      %ne3A = arith.constant 0 : i32
      %ne3A_60 = arith.cmpi ne, %rem3A, %ne3A : i32
      %lt3A_61 = arith.constant 0 : i32
      %lt3A_62 = arith.cmpi slt, %rem3A, %lt3A_61 : i32
      %lt3A_63 = arith.constant 0 : i32
      %lt3A_64 = arith.cmpi slt, %select_n3A_59, %lt3A_63 : i32
      %ne3A_65 = arith.xori %lt3A_62, %lt3A_64 : i1
      %and3A = arith.andi %ne3A_65, %ne3A_60 : i1
      %add3A_66 = arith.addi %rem3A, %select_n3A_59 : i32
      %select_n3A_67 = arith.select %and3A, %add3A_66, %rem3A : i32
      %mul3A_68 = arith.constant 32 : i32
      %mul3A_69 = arith.muli %while3A_55, %mul3A_68 : i32
      %add3A_70 = arith.addi %add3A, %mul3A_69 : i32
      %mul3A_71 = arith.constant 384 : i32
      %mul3A_72 = arith.muli %add3A_70, %mul3A_71 : i32
      %multiple_of3A_73 = tpu.assume_multiple %mul3A_72, 384 : i32
      %add3A_74 = arith.constant 1 : i32
      %add3A_75 = arith.addi %while3A_55, %add3A_74 : i32
      %lt3A_76 = arith.cmpi slt, %add3A_75, %add3A_4 : i32
      %convert_element_type3A = arith.extui %lt3A_76 : i1 to i32
      %cond3A = arith.constant 0 : i32
      %cond3A_77 = arith.cmpi ne, %convert_element_type3A, %cond3A : i32
      scf.if %cond3A_77 {
        %add3A_101 = arith.constant 1 : i32
        %add3A_102 = arith.addi %while3A_55, %add3A_101 : i32
        %jit3A_103 = arith.constant 2 : i32
        %eq3A_104 = arith.constant 0 : i32
        %eq3A_105 = arith.cmpi eq, %jit3A_103, %eq3A_104 : i32
        %jit3A_106 = arith.constant 1 : i32
        %select_n3A_107 = arith.select %eq3A_105, %jit3A_106, %jit3A_103 : i32
        %rem3A_108 = arith.remsi %add3A_102, %select_n3A_107 : i32
        %ne3A_109 = arith.constant 0 : i32
        %ne3A_110 = arith.cmpi ne, %rem3A_108, %ne3A_109 : i32
        %lt3A_111 = arith.constant 0 : i32
        %lt3A_112 = arith.cmpi slt, %rem3A_108, %lt3A_111 : i32
        %lt3A_113 = arith.constant 0 : i32
        %lt3A_114 = arith.cmpi slt, %select_n3A_107, %lt3A_113 : i32
        %ne3A_115 = arith.xori %lt3A_112, %lt3A_114 : i1
        %and3A_116 = arith.andi %ne3A_115, %ne3A_110 : i1
        %add3A_117 = arith.addi %rem3A_108, %select_n3A_107 : i32
        %select_n3A_118 = arith.select %and3A_116, %add3A_117, %rem3A_108 : i32
        %mul3A_119 = arith.constant 32 : i32
        %mul3A_120 = arith.muli %add3A_102, %mul3A_119 : i32
        %add3A_121 = arith.addi %add3A, %mul3A_120 : i32
        %mul3A_122 = arith.constant 384 : i32
        %mul3A_123 = arith.muli %add3A_121, %mul3A_122 : i32
        %multiple_of3A_124 = tpu.assume_multiple %mul3A_123, 384 : i32
        "tpu.region"() ({
          %run_scoped3A = tpu.sem_alloc : memref<!tpu.dma_semaphore, #tpu.memory_space<semaphore_mem>>
          %dma_start3A_138 = tpu.memref_slice %arg2[%multiple_of3A_124] : memref<500352xf32, #tpu.memory_space<hbm>> -> memref<384xf32, #tpu.memory_space<hbm>>
          %dma_start3A_139 = tpu.memref_slice %arg2[%multiple_of3A_124] : memref<500352xf32, #tpu.memory_space<hbm>> -> memref<384xf32, #tpu.memory_space<hbm>>
          tpu.enqueue_dma source(%dma_start3A_139 : memref<384xf32, #tpu.memory_space<hbm>>) target(%arg7 : memref<384xf32, #tpu.memory_space<vmem>>) target_semaphore(%run_scoped3A : memref<!tpu.dma_semaphore, #tpu.memory_space<semaphore_mem>>)
          %dma_wait3A = tpu.memref_slice %arg2[%multiple_of3A_124] : memref<500352xf32, #tpu.memory_space<hbm>> -> memref<384xf32, #tpu.memory_space<hbm>>
          %dma_wait3A_140 = tpu.memref_slice %arg2[%multiple_of3A_124] : memref<500352xf32, #tpu.memory_space<hbm>> -> memref<384xf32, #tpu.memory_space<hbm>>
          tpu.wait_dma2 semaphore(%run_scoped3A : memref<!tpu.dma_semaphore, #tpu.memory_space<semaphore_mem>>) src(%dma_wait3A_140 : memref<384xf32, #tpu.memory_space<hbm>>) dst(%arg7 : memref<384xf32, #tpu.memory_space<vmem>>)
          tpu.yield
        }) : () -> ()
        "tpu.region"() ({
          %run_scoped3A = tpu.sem_alloc : memref<!tpu.dma_semaphore, #tpu.memory_space<semaphore_mem>>
          %dma_start3A_138 = tpu.memref_slice %arg3[%multiple_of3A_124] : memref<500352xf32, #tpu.memory_space<hbm>> -> memref<384xf32, #tpu.memory_space<hbm>>
          %dma_start3A_139 = tpu.memref_slice %arg3[%multiple_of3A_124] : memref<500352xf32, #tpu.memory_space<hbm>> -> memref<384xf32, #tpu.memory_space<hbm>>
          tpu.enqueue_dma source(%dma_start3A_139 : memref<384xf32, #tpu.memory_space<hbm>>) target(%arg8 : memref<384xf32, #tpu.memory_space<vmem>>) target_semaphore(%run_scoped3A : memref<!tpu.dma_semaphore, #tpu.memory_space<semaphore_mem>>)
          %dma_wait3A = tpu.memref_slice %arg3[%multiple_of3A_124] : memref<500352xf32, #tpu.memory_space<hbm>> -> memref<384xf32, #tpu.memory_space<hbm>>
          %dma_wait3A_140 = tpu.memref_slice %arg3[%multiple_of3A_124] : memref<500352xf32, #tpu.memory_space<hbm>> -> memref<384xf32, #tpu.memory_space<hbm>>
          tpu.wait_dma2 semaphore(%run_scoped3A : memref<!tpu.dma_semaphore, #tpu.memory_space<semaphore_mem>>) src(%dma_wait3A_140 : memref<384xf32, #tpu.memory_space<hbm>>) dst(%arg8 : memref<384xf32, #tpu.memory_space<vmem>>)
          tpu.yield
        }) : () -> ()
        %parallel_loop3A_125 = arith.constant 0 : i32
        %parallel_loop3A_126 = arith.constant 24 : i32
        %parallel_loop3A_127 = arith.constant 1 : i32
        scf.for %parallel_loop3A_138 = %parallel_loop3A_125 to %parallel_loop3A_126 step %parallel_loop3A_127  : i32 {
          %parallel_loop3A_139 = arith.constant 16 : i32
          %parallel_loop3A_140 = arith.muli %parallel_loop3A_138, %parallel_loop3A_139 : i32
          %parallel_loop3A_141 = arith.index_cast %parallel_loop3A_140 : i32 to index
          %parallel_loop3A_142 = tpu.vector_load %arg7[%parallel_loop3A_141] {strides = array<i32>} : memref<384xf32, #tpu.memory_space<vmem>>, vector<16xf32>,
          %parallel_loop3A_143 = arith.index_cast %parallel_loop3A_140 : i32 to index
          %parallel_loop3A_144 = tpu.vector_load %arg8[%parallel_loop3A_143] {strides = array<i32>} : memref<384xf32, #tpu.memory_space<vmem>>, vector<16xf32>,
          %parallel_loop3A_145 = arith.constant 3.14159274 : f32
          %parallel_loop3A_146 = vector.broadcast %parallel_loop3A_145 : f32 to vector<16xf32>
          %parallel_loop3A_147 = arith.addf %parallel_loop3A_142, %parallel_loop3A_146 : vector<16xf32>
          %parallel_loop3A_148 = arith.constant 57.2957802 : f32
          %parallel_loop3A_149 = vector.broadcast %parallel_loop3A_148 : f32 to vector<16xf32>
          %parallel_loop3A_150 = arith.mulf %parallel_loop3A_147, %parallel_loop3A_149 : vector<16xf32>
          %parallel_loop3A_151 = arith.fptosi %parallel_loop3A_150 : vector<16xf32> to vector<16xi32>
          %parallel_loop3A_152 = arith.constant 0 : i32
          %parallel_loop3A_153 = vector.broadcast %parallel_loop3A_152 : i32 to vector<16xi32>
          %parallel_loop3A_154 = arith.maxsi %parallel_loop3A_151, %parallel_loop3A_153 : vector<16xi32>
          %parallel_loop3A_155 = arith.constant 359 : i32
          %parallel_loop3A_156 = vector.broadcast %parallel_loop3A_155 : i32 to vector<16xi32>
          %parallel_loop3A_157 = arith.minsi %parallel_loop3A_154, %parallel_loop3A_156 : vector<16xi32>
          %parallel_loop3A_158 = arith.sitofp %parallel_loop3A_157 : vector<16xi32> to vector<16xf32>
          %parallel_loop3A_159 = arith.constant 0.0174532924 : f32
          %parallel_loop3A_160 = vector.broadcast %parallel_loop3A_159 : f32 to vector<16xf32>
          %parallel_loop3A_161 = arith.mulf %parallel_loop3A_158, %parallel_loop3A_160 : vector<16xf32>
          %parallel_loop3A_162 = arith.constant 3.14159274 : f32
          %parallel_loop3A_163 = vector.broadcast %parallel_loop3A_162 : f32 to vector<16xf32>
          %parallel_loop3A_164 = arith.subf %parallel_loop3A_161, %parallel_loop3A_163 : vector<16xf32>
          %parallel_loop3A_165 = arith.subf %parallel_loop3A_142, %parallel_loop3A_164 : vector<16xf32>
          %parallel_loop3A_166 = arith.mulf %parallel_loop3A_165, %parallel_loop3A_165 : vector<16xf32>
          %parallel_loop3A_167 = arith.constant 0.166666672 : f32
          %parallel_loop3A_168 = vector.broadcast %parallel_loop3A_167 : f32 to vector<16xf32>
          %parallel_loop3A_169 = arith.mulf %parallel_loop3A_166, %parallel_loop3A_168 : vector<16xf32>
          %parallel_loop3A_170 = arith.constant 1.000000e+00 : f32
          %parallel_loop3A_171 = vector.broadcast %parallel_loop3A_170 : f32 to vector<16xf32>
          %parallel_loop3A_172 = arith.subf %parallel_loop3A_171, %parallel_loop3A_169 : vector<16xf32>
          %parallel_loop3A_173 = arith.mulf %parallel_loop3A_165, %parallel_loop3A_172 : vector<16xf32>
          %parallel_loop3A_174 = arith.constant 0.0174532924 : f32
          %parallel_loop3A_175 = vector.broadcast %parallel_loop3A_174 : f32 to vector<16xf32>
          %parallel_loop3A_176 = arith.subf %parallel_loop3A_175, %parallel_loop3A_165 : vector<16xf32>
          %parallel_loop3A_177 = arith.mulf %parallel_loop3A_176, %parallel_loop3A_176 : vector<16xf32>
          %parallel_loop3A_178 = arith.constant 0.166666672 : f32
          %parallel_loop3A_179 = vector.broadcast %parallel_loop3A_178 : f32 to vector<16xf32>
          %parallel_loop3A_180 = arith.mulf %parallel_loop3A_177, %parallel_loop3A_179 : vector<16xf32>
          %parallel_loop3A_181 = arith.constant 1.000000e+00 : f32
          %parallel_loop3A_182 = vector.broadcast %parallel_loop3A_181 : f32 to vector<16xf32>
          %parallel_loop3A_183 = arith.subf %parallel_loop3A_182, %parallel_loop3A_180 : vector<16xf32>
          %parallel_loop3A_184 = arith.mulf %parallel_loop3A_176, %parallel_loop3A_183 : vector<16xf32>
          %parallel_loop3A_185 = arith.constant 57.298687 : f32
          %parallel_loop3A_186 = vector.broadcast %parallel_loop3A_185 : f32 to vector<16xf32>
          %parallel_loop3A_187 = arith.mulf %parallel_loop3A_184, %parallel_loop3A_186 : vector<16xf32>
          %parallel_loop3A_188 = arith.constant 57.298687 : f32
          %parallel_loop3A_189 = vector.broadcast %parallel_loop3A_188 : f32 to vector<16xf32>
          %parallel_loop3A_190 = arith.mulf %parallel_loop3A_173, %parallel_loop3A_189 : vector<16xf32>
          %parallel_loop3A_191 = arith.constant 1.57079637 : f32
          %parallel_loop3A_192 = vector.broadcast %parallel_loop3A_191 : f32 to vector<16xf32>
          %parallel_loop3A_193 = arith.addf %parallel_loop3A_144, %parallel_loop3A_192 : vector<16xf32>
          %parallel_loop3A_194 = arith.constant 57.2957802 : f32
          %parallel_loop3A_195 = vector.broadcast %parallel_loop3A_194 : f32 to vector<16xf32>
          %parallel_loop3A_196 = arith.mulf %parallel_loop3A_193, %parallel_loop3A_195 : vector<16xf32>
          %parallel_loop3A_197 = arith.fptosi %parallel_loop3A_196 : vector<16xf32> to vector<16xi32>
          %parallel_loop3A_198 = arith.constant 1 : i32
          %parallel_loop3A_199 = vector.broadcast %parallel_loop3A_198 : i32 to vector<16xi32>
          %parallel_loop3A_200 = arith.subi %parallel_loop3A_197, %parallel_loop3A_199 : vector<16xi32>
          %parallel_loop3A_201 = arith.constant 0 : i32
          %parallel_loop3A_202 = vector.broadcast %parallel_loop3A_201 : i32 to vector<16xi32>
          %parallel_loop3A_203 = arith.maxsi %parallel_loop3A_200, %parallel_loop3A_202 : vector<16xi32>
          %parallel_loop3A_204 = arith.constant 177 : i32
          %parallel_loop3A_205 = vector.broadcast %parallel_loop3A_204 : i32 to vector<16xi32>
          %parallel_loop3A_206 = arith.minsi %parallel_loop3A_203, %parallel_loop3A_205 : vector<16xi32>
          %parallel_loop3A_207 = arith.sitofp %parallel_loop3A_206 : vector<16xi32> to vector<16xf32>
          %parallel_loop3A_208 = arith.constant 1.000000e+00 : f32
          %parallel_loop3A_209 = vector.broadcast %parallel_loop3A_208 : f32 to vector<16xf32>
          %parallel_loop3A_210 = arith.addf %parallel_loop3A_207, %parallel_loop3A_209 : vector<16xf32>
          %parallel_loop3A_211 = arith.constant 0.0174532924 : f32
          %parallel_loop3A_212 = vector.broadcast %parallel_loop3A_211 : f32 to vector<16xf32>
          %parallel_loop3A_213 = arith.mulf %parallel_loop3A_210, %parallel_loop3A_212 : vector<16xf32>
          %parallel_loop3A_214 = arith.constant 1.57079637 : f32
          %parallel_loop3A_215 = vector.broadcast %parallel_loop3A_214 : f32 to vector<16xf32>
          %parallel_loop3A_216 = arith.subf %parallel_loop3A_213, %parallel_loop3A_215 : vector<16xf32>
          %parallel_loop3A_217 = arith.subf %parallel_loop3A_144, %parallel_loop3A_216 : vector<16xf32>
          %parallel_loop3A_218 = arith.mulf %parallel_loop3A_217, %parallel_loop3A_217 : vector<16xf32>
          %parallel_loop3A_219 = arith.constant 0.166666672 : f32
          %parallel_loop3A_220 = vector.broadcast %parallel_loop3A_219 : f32 to vector<16xf32>
          %parallel_loop3A_221 = arith.mulf %parallel_loop3A_218, %parallel_loop3A_220 : vector<16xf32>
          %parallel_loop3A_222 = arith.constant 1.000000e+00 : f32
          %parallel_loop3A_223 = vector.broadcast %parallel_loop3A_222 : f32 to vector<16xf32>
          %parallel_loop3A_224 = arith.subf %parallel_loop3A_223, %parallel_loop3A_221 : vector<16xf32>
          %parallel_loop3A_225 = arith.mulf %parallel_loop3A_217, %parallel_loop3A_224 : vector<16xf32>
          %parallel_loop3A_226 = arith.constant 0.0174532924 : f32
          %parallel_loop3A_227 = vector.broadcast %parallel_loop3A_226 : f32 to vector<16xf32>
          %parallel_loop3A_228 = arith.subf %parallel_loop3A_227, %parallel_loop3A_217 : vector<16xf32>
          %parallel_loop3A_229 = arith.mulf %parallel_loop3A_228, %parallel_loop3A_228 : vector<16xf32>
          %parallel_loop3A_230 = arith.constant 0.166666672 : f32
          %parallel_loop3A_231 = vector.broadcast %parallel_loop3A_230 : f32 to vector<16xf32>
          %parallel_loop3A_232 = arith.mulf %parallel_loop3A_229, %parallel_loop3A_231 : vector<16xf32>
          %parallel_loop3A_233 = arith.constant 1.000000e+00 : f32
          %parallel_loop3A_234 = vector.broadcast %parallel_loop3A_233 : f32 to vector<16xf32>
          %parallel_loop3A_235 = arith.subf %parallel_loop3A_234, %parallel_loop3A_232 : vector<16xf32>
          %parallel_loop3A_236 = arith.mulf %parallel_loop3A_228, %parallel_loop3A_235 : vector<16xf32>
          %parallel_loop3A_237 = arith.constant 57.298687 : f32
          %parallel_loop3A_238 = vector.broadcast %parallel_loop3A_237 : f32 to vector<16xf32>
          %parallel_loop3A_239 = arith.mulf %parallel_loop3A_236, %parallel_loop3A_238 : vector<16xf32>
          %parallel_loop3A_240 = arith.constant 57.298687 : f32
          %parallel_loop3A_241 = vector.broadcast %parallel_loop3A_240 : f32 to vector<16xf32>
          %parallel_loop3A_242 = arith.mulf %parallel_loop3A_225, %parallel_loop3A_241 : vector<16xf32>
          %parallel_loop3A_243 = arith.constant 178 : i32
          %parallel_loop3A_244 = vector.broadcast %parallel_loop3A_243 : i32 to vector<16xi32>
          %parallel_loop3A_245 = arith.muli %parallel_loop3A_157, %parallel_loop3A_244 : vector<16xi32>
          %parallel_loop3A_246 = arith.addi %parallel_loop3A_245, %parallel_loop3A_206 : vector<16xi32>
          %parallel_loop3A_247 = arith.index_cast %select_n3A_118 : i32 to index
          %parallel_loop3A_248 = arith.index_cast %parallel_loop3A_140 : i32 to index
          %parallel_loop3A_249 = tpu.vector_load %arg9[%parallel_loop3A_247, %parallel_loop3A_248] {strides = array<i32>} : memref<2x384xi32, #tpu.memory_space<vmem>>, vector<16xi32>,
          tpu.vector_store %arg9[%parallel_loop3A_247, %parallel_loop3A_248], %parallel_loop3A_246 {strides = array<i32>} : memref<2x384xi32, #tpu.memory_space<vmem>>, vector<16xi32>,
          %parallel_loop3A_250 = arith.mulf %parallel_loop3A_239, %parallel_loop3A_187 : vector<16xf32>
          %parallel_loop3A_251 = arith.constant 0 : i32
          %parallel_loop3A_252 = arith.index_cast %select_n3A_118 : i32 to index
          %parallel_loop3A_253 = arith.index_cast %parallel_loop3A_251 : i32 to index
          %parallel_loop3A_254 = arith.index_cast %parallel_loop3A_140 : i32 to index
          %parallel_loop3A_255 = tpu.vector_load %arg10[%parallel_loop3A_252, %parallel_loop3A_253, %parallel_loop3A_254] {strides = array<i32>} : memref<2x4x384xf32, #tpu.memory_space<vmem>>, vector<16xf32>,
          tpu.vector_store %arg10[%parallel_loop3A_252, %parallel_loop3A_253, %parallel_loop3A_254], %parallel_loop3A_250 {strides = array<i32>} : memref<2x4x384xf32, #tpu.memory_space<vmem>>, vector<16xf32>,
          %parallel_loop3A_256 = arith.mulf %parallel_loop3A_242, %parallel_loop3A_187 : vector<16xf32>
          %parallel_loop3A_257 = arith.constant 1 : i32
          %parallel_loop3A_258 = arith.index_cast %select_n3A_118 : i32 to index
          %parallel_loop3A_259 = arith.index_cast %parallel_loop3A_257 : i32 to index
          %parallel_loop3A_260 = arith.index_cast %parallel_loop3A_140 : i32 to index
          %parallel_loop3A_261 = tpu.vector_load %arg10[%parallel_loop3A_258, %parallel_loop3A_259, %parallel_loop3A_260] {strides = array<i32>} : memref<2x4x384xf32, #tpu.memory_space<vmem>>, vector<16xf32>,
          tpu.vector_store %arg10[%parallel_loop3A_258, %parallel_loop3A_259, %parallel_loop3A_260], %parallel_loop3A_256 {strides = array<i32>} : memref<2x4x384xf32, #tpu.memory_space<vmem>>, vector<16xf32>,
          %parallel_loop3A_262 = arith.mulf %parallel_loop3A_239, %parallel_loop3A_190 : vector<16xf32>
          %parallel_loop3A_263 = arith.constant 2 : i32
          %parallel_loop3A_264 = arith.index_cast %select_n3A_118 : i32 to index
          %parallel_loop3A_265 = arith.index_cast %parallel_loop3A_263 : i32 to index
          %parallel_loop3A_266 = arith.index_cast %parallel_loop3A_140 : i32 to index
          %parallel_loop3A_267 = tpu.vector_load %arg10[%parallel_loop3A_264, %parallel_loop3A_265, %parallel_loop3A_266] {strides = array<i32>} : memref<2x4x384xf32, #tpu.memory_space<vmem>>, vector<16xf32>,
          tpu.vector_store %arg10[%parallel_loop3A_264, %parallel_loop3A_265, %parallel_loop3A_266], %parallel_loop3A_262 {strides = array<i32>} : memref<2x4x384xf32, #tpu.memory_space<vmem>>, vector<16xf32>,
          %parallel_loop3A_268 = arith.mulf %parallel_loop3A_242, %parallel_loop3A_190 : vector<16xf32>
          %parallel_loop3A_269 = arith.constant 3 : i32
          %parallel_loop3A_270 = arith.index_cast %select_n3A_118 : i32 to index
          %parallel_loop3A_271 = arith.index_cast %parallel_loop3A_269 : i32 to index
          %parallel_loop3A_272 = arith.index_cast %parallel_loop3A_140 : i32 to index
          %parallel_loop3A_273 = tpu.vector_load %arg10[%parallel_loop3A_270, %parallel_loop3A_271, %parallel_loop3A_272] {strides = array<i32>} : memref<2x4x384xf32, #tpu.memory_space<vmem>>, vector<16xf32>,
          tpu.vector_store %arg10[%parallel_loop3A_270, %parallel_loop3A_271, %parallel_loop3A_272], %parallel_loop3A_268 {strides = array<i32>} : memref<2x4x384xf32, #tpu.memory_space<vmem>>, vector<16xf32>,
        } {sc.loop_unroll_factor = 4 : i64, sc.parallel_access}
        %eq3A_128 = arith.constant 0 : i32
        %eq3A_129 = arith.cmpi eq, %select_n3A_118, %eq3A_128 : i32
        %convert_element_type3A_130 = arith.extui %eq3A_129 : i1 to i32
        %cond3A_131 = arith.constant 0 : i32
        %cond3A_132 = arith.cmpi ne, %convert_element_type3A_130, %cond3A_131 : i32
        scf.if %cond3A_132 {
          %dma_start3A_138 = arith.constant 0 : i32
          %dma_start3A_139 = arith.constant 0 : i32
          %dma_start3A_140 = arith.constant 0 : i32
          %dma_start3A_141 = arith.constant 0 : i32
          %dma_start3A_142 = tpu.memref_slice %arg11[%dma_start3A_139, %dma_start3A_140, %dma_start3A_141] : memref<2x384x128xf32, #tpu.memory_space<vmem>> -> memref<1x128x128xf32, #tpu.memory_space<vmem>>
          %dma_start3A_143 = tpu.memref_squeeze %dma_start3A_142 : memref<1x128x128xf32, #tpu.memory_space<vmem>> -> memref<128x128xf32, #tpu.memory_space<vmem>>
          %dma_start3A_144 = arith.constant 0 : i32
          %dma_start3A_145 = tpu.memref_slice %arg9[%dma_start3A_138, %dma_start3A_144] : memref<2x384xi32, #tpu.memory_space<vmem>> -> memref<1x128xi32, #tpu.memory_space<vmem>>
          %dma_start3A_146 = tpu.memref_squeeze %dma_start3A_145 : memref<1x128xi32, #tpu.memory_space<vmem>> -> memref<128xi32, #tpu.memory_space<vmem>>
          %dma_start3A_147 = arith.constant 0 : i32
          %dma_start3A_148 = arith.constant 0 : i32
          %dma_start3A_149 = tpu.memref_slice %arg4[%dma_start3A_147, %dma_start3A_148] : memref<64080x128xf32, #tpu.memory_space<hbm>> -> memref<64080x128xf32, #tpu.memory_space<hbm>>
          tpu.enqueue_indirect_dma source(%dma_start3A_149 : memref<64080x128xf32, #tpu.memory_space<hbm>>) target(%dma_start3A_143 : memref<128x128xf32, #tpu.memory_space<vmem>>) offsets(%dma_start3A_146 : memref<128xi32, #tpu.memory_space<vmem>>) semaphore(%arg13 : memref<!tpu.dma_semaphore, #tpu.memory_space<semaphore_mem>>)
          %dma_start3A_150 = arith.constant 0 : i32
          %dma_start3A_151 = arith.constant 0 : i32
          %dma_start3A_152 = arith.constant 128 : i32
          %dma_start3A_153 = arith.constant 0 : i32
          %dma_start3A_154 = tpu.memref_slice %arg11[%dma_start3A_151, %dma_start3A_152, %dma_start3A_153] : memref<2x384x128xf32, #tpu.memory_space<vmem>> -> memref<1x128x128xf32, #tpu.memory_space<vmem>>
          %dma_start3A_155 = tpu.memref_squeeze %dma_start3A_154 : memref<1x128x128xf32, #tpu.memory_space<vmem>> -> memref<128x128xf32, #tpu.memory_space<vmem>>
          %dma_start3A_156 = arith.constant 128 : i32
          %dma_start3A_157 = tpu.memref_slice %arg9[%dma_start3A_150, %dma_start3A_156] : memref<2x384xi32, #tpu.memory_space<vmem>> -> memref<1x128xi32, #tpu.memory_space<vmem>>
          %dma_start3A_158 = tpu.memref_squeeze %dma_start3A_157 : memref<1x128xi32, #tpu.memory_space<vmem>> -> memref<128xi32, #tpu.memory_space<vmem>>
          %dma_start3A_159 = arith.constant 0 : i32
          %dma_start3A_160 = arith.constant 0 : i32
          %dma_start3A_161 = tpu.memref_slice %arg4[%dma_start3A_159, %dma_start3A_160] : memref<64080x128xf32, #tpu.memory_space<hbm>> -> memref<64080x128xf32, #tpu.memory_space<hbm>>
          tpu.enqueue_indirect_dma source(%dma_start3A_161 : memref<64080x128xf32, #tpu.memory_space<hbm>>) target(%dma_start3A_155 : memref<128x128xf32, #tpu.memory_space<vmem>>) offsets(%dma_start3A_158 : memref<128xi32, #tpu.memory_space<vmem>>) semaphore(%arg13 : memref<!tpu.dma_semaphore, #tpu.memory_space<semaphore_mem>>)
          %dma_start3A_162 = arith.constant 0 : i32
          %dma_start3A_163 = arith.constant 0 : i32
          %dma_start3A_164 = arith.constant 256 : i32
          %dma_start3A_165 = arith.constant 0 : i32
          %dma_start3A_166 = tpu.memref_slice %arg11[%dma_start3A_163, %dma_start3A_164, %dma_start3A_165] : memref<2x384x128xf32, #tpu.memory_space<vmem>> -> memref<1x128x128xf32, #tpu.memory_space<vmem>>
          %dma_start3A_167 = tpu.memref_squeeze %dma_start3A_166 : memref<1x128x128xf32, #tpu.memory_space<vmem>> -> memref<128x128xf32, #tpu.memory_space<vmem>>
          %dma_start3A_168 = arith.constant 256 : i32
          %dma_start3A_169 = tpu.memref_slice %arg9[%dma_start3A_162, %dma_start3A_168] : memref<2x384xi32, #tpu.memory_space<vmem>> -> memref<1x128xi32, #tpu.memory_space<vmem>>
          %dma_start3A_170 = tpu.memref_squeeze %dma_start3A_169 : memref<1x128xi32, #tpu.memory_space<vmem>> -> memref<128xi32, #tpu.memory_space<vmem>>
          %dma_start3A_171 = arith.constant 0 : i32
          %dma_start3A_172 = arith.constant 0 : i32
          %dma_start3A_173 = tpu.memref_slice %arg4[%dma_start3A_171, %dma_start3A_172] : memref<64080x128xf32, #tpu.memory_space<hbm>> -> memref<64080x128xf32, #tpu.memory_space<hbm>>
          tpu.enqueue_indirect_dma source(%dma_start3A_173 : memref<64080x128xf32, #tpu.memory_space<hbm>>) target(%dma_start3A_167 : memref<128x128xf32, #tpu.memory_space<vmem>>) offsets(%dma_start3A_170 : memref<128xi32, #tpu.memory_space<vmem>>) semaphore(%arg13 : memref<!tpu.dma_semaphore, #tpu.memory_space<semaphore_mem>>)
        } else {
        }
        %eq3A_133 = arith.constant 1 : i32
        %eq3A_134 = arith.cmpi eq, %select_n3A_118, %eq3A_133 : i32
        %convert_element_type3A_135 = arith.extui %eq3A_134 : i1 to i32
        %cond3A_136 = arith.constant 0 : i32
        %cond3A_137 = arith.cmpi ne, %convert_element_type3A_135, %cond3A_136 : i32
        scf.if %cond3A_137 {
          %dma_start3A_138 = arith.constant 1 : i32
          %dma_start3A_139 = arith.constant 1 : i32
          %dma_start3A_140 = arith.constant 0 : i32
          %dma_start3A_141 = arith.constant 0 : i32
          %dma_start3A_142 = tpu.memref_slice %arg11[%dma_start3A_139, %dma_start3A_140, %dma_start3A_141] : memref<2x384x128xf32, #tpu.memory_space<vmem>> -> memref<1x128x128xf32, #tpu.memory_space<vmem>>
          %dma_start3A_143 = tpu.memref_squeeze %dma_start3A_142 : memref<1x128x128xf32, #tpu.memory_space<vmem>> -> memref<128x128xf32, #tpu.memory_space<vmem>>
          %dma_start3A_144 = arith.constant 0 : i32
          %dma_start3A_145 = tpu.memref_slice %arg9[%dma_start3A_138, %dma_start3A_144] : memref<2x384xi32, #tpu.memory_space<vmem>> -> memref<1x128xi32, #tpu.memory_space<vmem>>
          %dma_start3A_146 = tpu.memref_squeeze %dma_start3A_145 : memref<1x128xi32, #tpu.memory_space<vmem>> -> memref<128xi32, #tpu.memory_space<vmem>>
          %dma_start3A_147 = arith.constant 0 : i32
          %dma_start3A_148 = arith.constant 0 : i32
          %dma_start3A_149 = tpu.memref_slice %arg4[%dma_start3A_147, %dma_start3A_148] : memref<64080x128xf32, #tpu.memory_space<hbm>> -> memref<64080x128xf32, #tpu.memory_space<hbm>>
          tpu.enqueue_indirect_dma source(%dma_start3A_149 : memref<64080x128xf32, #tpu.memory_space<hbm>>) target(%dma_start3A_143 : memref<128x128xf32, #tpu.memory_space<vmem>>) offsets(%dma_start3A_146 : memref<128xi32, #tpu.memory_space<vmem>>) semaphore(%arg14 : memref<!tpu.dma_semaphore, #tpu.memory_space<semaphore_mem>>)
          %dma_start3A_150 = arith.constant 1 : i32
          %dma_start3A_151 = arith.constant 1 : i32
          %dma_start3A_152 = arith.constant 128 : i32
          %dma_start3A_153 = arith.constant 0 : i32
          %dma_start3A_154 = tpu.memref_slice %arg11[%dma_start3A_151, %dma_start3A_152, %dma_start3A_153] : memref<2x384x128xf32, #tpu.memory_space<vmem>> -> memref<1x128x128xf32, #tpu.memory_space<vmem>>
          %dma_start3A_155 = tpu.memref_squeeze %dma_start3A_154 : memref<1x128x128xf32, #tpu.memory_space<vmem>> -> memref<128x128xf32, #tpu.memory_space<vmem>>
          %dma_start3A_156 = arith.constant 128 : i32
          %dma_start3A_157 = tpu.memref_slice %arg9[%dma_start3A_150, %dma_start3A_156] : memref<2x384xi32, #tpu.memory_space<vmem>> -> memref<1x128xi32, #tpu.memory_space<vmem>>
          %dma_start3A_158 = tpu.memref_squeeze %dma_start3A_157 : memref<1x128xi32, #tpu.memory_space<vmem>> -> memref<128xi32, #tpu.memory_space<vmem>>
          %dma_start3A_159 = arith.constant 0 : i32
          %dma_start3A_160 = arith.constant 0 : i32
          %dma_start3A_161 = tpu.memref_slice %arg4[%dma_start3A_159, %dma_start3A_160] : memref<64080x128xf32, #tpu.memory_space<hbm>> -> memref<64080x128xf32, #tpu.memory_space<hbm>>
          tpu.enqueue_indirect_dma source(%dma_start3A_161 : memref<64080x128xf32, #tpu.memory_space<hbm>>) target(%dma_start3A_155 : memref<128x128xf32, #tpu.memory_space<vmem>>) offsets(%dma_start3A_158 : memref<128xi32, #tpu.memory_space<vmem>>) semaphore(%arg14 : memref<!tpu.dma_semaphore, #tpu.memory_space<semaphore_mem>>)
          %dma_start3A_162 = arith.constant 1 : i32
          %dma_start3A_163 = arith.constant 1 : i32
          %dma_start3A_164 = arith.constant 256 : i32
          %dma_start3A_165 = arith.constant 0 : i32
          %dma_start3A_166 = tpu.memref_slice %arg11[%dma_start3A_163, %dma_start3A_164, %dma_start3A_165] : memref<2x384x128xf32, #tpu.memory_space<vmem>> -> memref<1x128x128xf32, #tpu.memory_space<vmem>>
          %dma_start3A_167 = tpu.memref_squeeze %dma_start3A_166 : memref<1x128x128xf32, #tpu.memory_space<vmem>> -> memref<128x128xf32, #tpu.memory_space<vmem>>
          %dma_start3A_168 = arith.constant 256 : i32
          %dma_start3A_169 = tpu.memref_slice %arg9[%dma_start3A_162, %dma_start3A_168] : memref<2x384xi32, #tpu.memory_space<vmem>> -> memref<1x128xi32, #tpu.memory_space<vmem>>
          %dma_start3A_170 = tpu.memref_squeeze %dma_start3A_169 : memref<1x128xi32, #tpu.memory_space<vmem>> -> memref<128xi32, #tpu.memory_space<vmem>>
          %dma_start3A_171 = arith.constant 0 : i32
          %dma_start3A_172 = arith.constant 0 : i32
          %dma_start3A_173 = tpu.memref_slice %arg4[%dma_start3A_171, %dma_start3A_172] : memref<64080x128xf32, #tpu.memory_space<hbm>> -> memref<64080x128xf32, #tpu.memory_space<hbm>>
          tpu.enqueue_indirect_dma source(%dma_start3A_173 : memref<64080x128xf32, #tpu.memory_space<hbm>>) target(%dma_start3A_167 : memref<128x128xf32, #tpu.memory_space<vmem>>) offsets(%dma_start3A_170 : memref<128xi32, #tpu.memory_space<vmem>>) semaphore(%arg14 : memref<!tpu.dma_semaphore, #tpu.memory_space<semaphore_mem>>)
        } else {
        }
      } else {
      }
      %eq3A_78 = arith.constant 0 : i32
      %eq3A_79 = arith.cmpi eq, %select_n3A_67, %eq3A_78 : i32
      %convert_element_type3A_80 = arith.extui %eq3A_79 : i1 to i32
      %cond3A_81 = arith.constant 0 : i32
      %cond3A_82 = arith.cmpi ne, %convert_element_type3A_80, %cond3A_81 : i32
      scf.if %cond3A_82 {
        %dma_wait3A = arith.constant 0 : i32
        %dma_wait3A_101 = arith.constant 0 : i32
        %dma_wait3A_102 = arith.constant 0 : i32
        %dma_wait3A_103 = tpu.memref_slice %arg11[%dma_wait3A, %dma_wait3A_101, %dma_wait3A_102] : memref<2x384x128xf32, #tpu.memory_space<vmem>> -> memref<1x384x128xf32, #tpu.memory_space<vmem>>
        %dma_wait3A_104 = tpu.memref_squeeze %dma_wait3A_103 : memref<1x384x128xf32, #tpu.memory_space<vmem>> -> memref<384x128xf32, #tpu.memory_space<vmem>>
        %dma_wait3A_105 = arith.constant 0 : i32
        %dma_wait3A_106 = arith.constant 0 : i32
        %dma_wait3A_107 = tpu.memref_slice %arg4[%dma_wait3A_105, %dma_wait3A_106] : memref<64080x128xf32, #tpu.memory_space<hbm>> -> memref<384x128xf32, #tpu.memory_space<hbm>>
        %dma_wait3A_108 = arith.constant 0 : i32
        %dma_wait3A_109 = arith.constant 0 : i32
        %dma_wait3A_110 = tpu.memref_slice %arg11[%dma_wait3A, %dma_wait3A_108, %dma_wait3A_109] : memref<2x384x128xf32, #tpu.memory_space<vmem>> -> memref<1x384x128xf32, #tpu.memory_space<vmem>>
        %dma_wait3A_111 = tpu.memref_squeeze %dma_wait3A_110 : memref<1x384x128xf32, #tpu.memory_space<vmem>> -> memref<384x128xf32, #tpu.memory_space<vmem>>
        %dma_wait3A_112 = arith.constant 0 : i32
        %dma_wait3A_113 = arith.constant 0 : i32
        %dma_wait3A_114 = tpu.memref_slice %arg4[%dma_wait3A_112, %dma_wait3A_113] : memref<64080x128xf32, #tpu.memory_space<hbm>> -> memref<384x128xf32, #tpu.memory_space<hbm>>
        tpu.wait_dma2 semaphore(%arg13 : memref<!tpu.dma_semaphore, #tpu.memory_space<semaphore_mem>>) src(%dma_wait3A_114 : memref<384x128xf32, #tpu.memory_space<hbm>>) dst(%dma_wait3A_111 : memref<384x128xf32, #tpu.memory_space<vmem>>)
      } else {
      }
      %eq3A_83 = arith.constant 1 : i32
      %eq3A_84 = arith.cmpi eq, %select_n3A_67, %eq3A_83 : i32
      %convert_element_type3A_85 = arith.extui %eq3A_84 : i1 to i32
      %cond3A_86 = arith.constant 0 : i32
      %cond3A_87 = arith.cmpi ne, %convert_element_type3A_85, %cond3A_86 : i32
      scf.if %cond3A_87 {
        %dma_wait3A = arith.constant 1 : i32
        %dma_wait3A_101 = arith.constant 0 : i32
        %dma_wait3A_102 = arith.constant 0 : i32
        %dma_wait3A_103 = tpu.memref_slice %arg11[%dma_wait3A, %dma_wait3A_101, %dma_wait3A_102] : memref<2x384x128xf32, #tpu.memory_space<vmem>> -> memref<1x384x128xf32, #tpu.memory_space<vmem>>
        %dma_wait3A_104 = tpu.memref_squeeze %dma_wait3A_103 : memref<1x384x128xf32, #tpu.memory_space<vmem>> -> memref<384x128xf32, #tpu.memory_space<vmem>>
        %dma_wait3A_105 = arith.constant 0 : i32
        %dma_wait3A_106 = arith.constant 0 : i32
        %dma_wait3A_107 = tpu.memref_slice %arg4[%dma_wait3A_105, %dma_wait3A_106] : memref<64080x128xf32, #tpu.memory_space<hbm>> -> memref<384x128xf32, #tpu.memory_space<hbm>>
        %dma_wait3A_108 = arith.constant 0 : i32
        %dma_wait3A_109 = arith.constant 0 : i32
        %dma_wait3A_110 = tpu.memref_slice %arg11[%dma_wait3A, %dma_wait3A_108, %dma_wait3A_109] : memref<2x384x128xf32, #tpu.memory_space<vmem>> -> memref<1x384x128xf32, #tpu.memory_space<vmem>>
        %dma_wait3A_111 = tpu.memref_squeeze %dma_wait3A_110 : memref<1x384x128xf32, #tpu.memory_space<vmem>> -> memref<384x128xf32, #tpu.memory_space<vmem>>
        %dma_wait3A_112 = arith.constant 0 : i32
        %dma_wait3A_113 = arith.constant 0 : i32
        %dma_wait3A_114 = tpu.memref_slice %arg4[%dma_wait3A_112, %dma_wait3A_113] : memref<64080x128xf32, #tpu.memory_space<hbm>> -> memref<384x128xf32, #tpu.memory_space<hbm>>
        tpu.wait_dma2 semaphore(%arg14 : memref<!tpu.dma_semaphore, #tpu.memory_space<semaphore_mem>>) src(%dma_wait3A_114 : memref<384x128xf32, #tpu.memory_space<hbm>>) dst(%dma_wait3A_111 : memref<384x128xf32, #tpu.memory_space<vmem>>)
      } else {
      }
      %parallel_loop3A_88 = arith.constant 0 : i32
      %parallel_loop3A_89 = arith.constant 24 : i32
      %parallel_loop3A_90 = arith.constant 1 : i32
      scf.for %parallel_loop3A_101 = %parallel_loop3A_88 to %parallel_loop3A_89 step %parallel_loop3A_90  : i32 {
        %parallel_loop3A_102 = arith.constant 16 : i32
        %parallel_loop3A_103 = arith.muli %parallel_loop3A_101, %parallel_loop3A_102 : i32
        %parallel_loop3A_104 = arith.constant 0 : i32
        %parallel_loop3A_105 = arith.index_cast %select_n3A_67 : i32 to index
        %parallel_loop3A_106 = arith.index_cast %parallel_loop3A_104 : i32 to index
        %parallel_loop3A_107 = arith.index_cast %parallel_loop3A_103 : i32 to index
        %parallel_loop3A_108 = tpu.vector_load %arg10[%parallel_loop3A_105, %parallel_loop3A_106, %parallel_loop3A_107] {strides = array<i32>} : memref<2x4x384xf32, #tpu.memory_space<vmem>>, vector<16xf32>,
        %parallel_loop3A_109 = arith.constant 1 : i32
        %parallel_loop3A_110 = arith.index_cast %select_n3A_67 : i32 to index
        %parallel_loop3A_111 = arith.index_cast %parallel_loop3A_109 : i32 to index
        %parallel_loop3A_112 = arith.index_cast %parallel_loop3A_103 : i32 to index
        %parallel_loop3A_113 = tpu.vector_load %arg10[%parallel_loop3A_110, %parallel_loop3A_111, %parallel_loop3A_112] {strides = array<i32>} : memref<2x4x384xf32, #tpu.memory_space<vmem>>, vector<16xf32>,
        %parallel_loop3A_114 = arith.constant 2 : i32
        %parallel_loop3A_115 = arith.index_cast %select_n3A_67 : i32 to index
        %parallel_loop3A_116 = arith.index_cast %parallel_loop3A_114 : i32 to index
        %parallel_loop3A_117 = arith.index_cast %parallel_loop3A_103 : i32 to index
        %parallel_loop3A_118 = tpu.vector_load %arg10[%parallel_loop3A_115, %parallel_loop3A_116, %parallel_loop3A_117] {strides = array<i32>} : memref<2x4x384xf32, #tpu.memory_space<vmem>>, vector<16xf32>,
        %parallel_loop3A_119 = arith.constant 3 : i32
        %parallel_loop3A_120 = arith.index_cast %select_n3A_67 : i32 to index
        %parallel_loop3A_121 = arith.index_cast %parallel_loop3A_119 : i32 to index
        %parallel_loop3A_122 = arith.index_cast %parallel_loop3A_103 : i32 to index
        %parallel_loop3A_123 = tpu.vector_load %arg10[%parallel_loop3A_120, %parallel_loop3A_121, %parallel_loop3A_122] {strides = array<i32>} : memref<2x4x384xf32, #tpu.memory_space<vmem>>, vector<16xf32>,
        %parallel_loop3A_124 = arith.constant 16 : i32
        %parallel_loop3A_125 = arith.muli %parallel_loop3A_101, %parallel_loop3A_124 : i32
        %parallel_loop3A_126 = arith.constant 0 : i32
        %parallel_loop3A_127 = arith.addi %parallel_loop3A_125, %parallel_loop3A_126 : i32
        %parallel_loop3A_128 = vector.extract_strided_slice %parallel_loop3A_108 {offsets = [0], sizes = [1], strides = [1]} : vector<16xf32> to vector<1xf32>
        %parallel_loop3A_129 = vector.extract %parallel_loop3A_128[0] : f32 from vector<1xf32>
        %parallel_loop3A_130 = vector.extract_strided_slice %parallel_loop3A_113 {offsets = [0], sizes = [1], strides = [1]} : vector<16xf32> to vector<1xf32>
        %parallel_loop3A_131 = vector.extract %parallel_loop3A_130[0] : f32 from vector<1xf32>
        %parallel_loop3A_132 = vector.extract_strided_slice %parallel_loop3A_118 {offsets = [0], sizes = [1], strides = [1]} : vector<16xf32> to vector<1xf32>
        %parallel_loop3A_133 = vector.extract %parallel_loop3A_132[0] : f32 from vector<1xf32>
        %parallel_loop3A_134 = vector.extract_strided_slice %parallel_loop3A_123 {offsets = [0], sizes = [1], strides = [1]} : vector<16xf32> to vector<1xf32>
        %parallel_loop3A_135 = vector.extract %parallel_loop3A_134[0] : f32 from vector<1xf32>
        %parallel_loop3A_136 = arith.constant 0 : i32
        %parallel_loop3A_137 = vector.broadcast %parallel_loop3A_136 : i32 to vector<16xi32>
        %parallel_loop3A_138 = vector.broadcast %parallel_loop3A_127 : i32 to vector<16xi32>
        %parallel_loop3A_139 = arith.addi %parallel_loop3A_137, %parallel_loop3A_138 : vector<16xi32>
        %parallel_loop3A_140 = arith.index_cast %select_n3A_67 : i32 to index
        %parallel_loop3A_141 = arith.index_cast %parallel_loop3A_127 : i32 to index
        %parallel_loop3A_142 = arith.constant 0 : index
        %parallel_loop3A_143 = tpu.vector_load %arg11[%parallel_loop3A_140, %parallel_loop3A_141, %parallel_loop3A_142] {strides = array<i32>} : memref<2x384x128xf32, #tpu.memory_space<vmem>>, vector<16xf32>,
        %parallel_loop3A_144 = vector.broadcast %parallel_loop3A_129 : f32 to vector<16xf32>
        %parallel_loop3A_145 = arith.mulf %parallel_loop3A_144, %parallel_loop3A_143 : vector<16xf32>
        %parallel_loop3A_146 = arith.index_cast %select_n3A_67 : i32 to index
        %parallel_loop3A_147 = arith.index_cast %parallel_loop3A_127 : i32 to index
        %parallel_loop3A_148 = arith.constant 32 : index
        %parallel_loop3A_149 = tpu.vector_load %arg11[%parallel_loop3A_146, %parallel_loop3A_147, %parallel_loop3A_148] {strides = array<i32>} : memref<2x384x128xf32, #tpu.memory_space<vmem>>, vector<16xf32>,
        %parallel_loop3A_150 = vector.broadcast %parallel_loop3A_131 : f32 to vector<16xf32>
        %parallel_loop3A_151 = arith.mulf %parallel_loop3A_150, %parallel_loop3A_149 : vector<16xf32>
        %parallel_loop3A_152 = arith.addf %parallel_loop3A_145, %parallel_loop3A_151 : vector<16xf32>
        %parallel_loop3A_153 = arith.index_cast %select_n3A_67 : i32 to index
        %parallel_loop3A_154 = arith.index_cast %parallel_loop3A_127 : i32 to index
        %parallel_loop3A_155 = arith.constant 64 : index
        %parallel_loop3A_156 = tpu.vector_load %arg11[%parallel_loop3A_153, %parallel_loop3A_154, %parallel_loop3A_155] {strides = array<i32>} : memref<2x384x128xf32, #tpu.memory_space<vmem>>, vector<16xf32>,
        %parallel_loop3A_157 = vector.broadcast %parallel_loop3A_133 : f32 to vector<16xf32>
        %parallel_loop3A_158 = arith.mulf %parallel_loop3A_157, %parallel_loop3A_156 : vector<16xf32>
        %parallel_loop3A_159 = arith.index_cast %select_n3A_67 : i32 to index
        %parallel_loop3A_160 = arith.index_cast %parallel_loop3A_127 : i32 to index
        %parallel_loop3A_161 = arith.constant 96 : index
        %parallel_loop3A_162 = tpu.vector_load %arg11[%parallel_loop3A_159, %parallel_loop3A_160, %parallel_loop3A_161] {strides = array<i32>} : memref<2x384x128xf32, #tpu.memory_space<vmem>>, vector<16xf32>,
        %parallel_loop3A_163 = vector.broadcast %parallel_loop3A_135 : f32 to vector<16xf32>
        %parallel_loop3A_164 = arith.mulf %parallel_loop3A_163, %parallel_loop3A_162 : vector<16xf32>
        %parallel_loop3A_165 = arith.addf %parallel_loop3A_158, %parallel_loop3A_164 : vector<16xf32>
        %parallel_loop3A_166 = arith.addf %parallel_loop3A_152, %parallel_loop3A_165 : vector<16xf32>
        %parallel_loop3A_167 = arith.constant 0 : i32
        %parallel_loop3A_168 = vector.broadcast %parallel_loop3A_167 : i32 to vector<16xi32>
        %parallel_loop3A_169 = arith.addi %iota3A, %parallel_loop3A_168 : vector<16xi32>
        tpu.vector_store_idx %arg12[%parallel_loop3A_169, %parallel_loop3A_139], %parallel_loop3A_166 : memref<32x384xf32, #tpu.memory_space<vmem>>[vector<16xi32>, vector<16xi32>], vector<16xf32>,
        %parallel_loop3A_170 = arith.index_cast %select_n3A_67 : i32 to index
        %parallel_loop3A_171 = arith.index_cast %parallel_loop3A_127 : i32 to index
        %parallel_loop3A_172 = arith.constant 16 : index
        %parallel_loop3A_173 = tpu.vector_load %arg11[%parallel_loop3A_170, %parallel_loop3A_171, %parallel_loop3A_172] {strides = array<i32>} : memref<2x384x128xf32, #tpu.memory_space<vmem>>, vector<16xf32>,
        %parallel_loop3A_174 = vector.broadcast %parallel_loop3A_129 : f32 to vector<16xf32>
        %parallel_loop3A_175 = arith.mulf %parallel_loop3A_174, %parallel_loop3A_173 : vector<16xf32>
        %parallel_loop3A_176 = arith.index_cast %select_n3A_67 : i32 to index
        %parallel_loop3A_177 = arith.index_cast %parallel_loop3A_127 : i32 to index
        %parallel_loop3A_178 = arith.constant 48 : index
        %parallel_loop3A_179 = tpu.vector_load %arg11[%parallel_loop3A_176, %parallel_loop3A_177, %parallel_loop3A_178] {strides = array<i32>} : memref<2x384x128xf32, #tpu.memory_space<vmem>>, vector<16xf32>,
        %parallel_loop3A_180 = vector.broadcast %parallel_loop3A_131 : f32 to vector<16xf32>
        %parallel_loop3A_181 = arith.mulf %parallel_loop3A_180, %parallel_loop3A_179 : vector<16xf32>
        %parallel_loop3A_182 = arith.addf %parallel_loop3A_175, %parallel_loop3A_181 : vector<16xf32>
        %parallel_loop3A_183 = arith.index_cast %select_n3A_67 : i32 to index
        %parallel_loop3A_184 = arith.index_cast %parallel_loop3A_127 : i32 to index
        %parallel_loop3A_185 = arith.constant 80 : index
        %parallel_loop3A_186 = tpu.vector_load %arg11[%parallel_loop3A_183, %parallel_loop3A_184, %parallel_loop3A_185] {strides = array<i32>} : memref<2x384x128xf32, #tpu.memory_space<vmem>>, vector<16xf32>,
        %parallel_loop3A_187 = vector.broadcast %parallel_loop3A_133 : f32 to vector<16xf32>
        %parallel_loop3A_188 = arith.mulf %parallel_loop3A_187, %parallel_loop3A_186 : vector<16xf32>
        %parallel_loop3A_189 = arith.index_cast %select_n3A_67 : i32 to index
        %parallel_loop3A_190 = arith.index_cast %parallel_loop3A_127 : i32 to index
        %parallel_loop3A_191 = arith.constant 112 : index
        %parallel_loop3A_192 = tpu.vector_load %arg11[%parallel_loop3A_189, %parallel_loop3A_190, %parallel_loop3A_191] {strides = array<i32>} : memref<2x384x128xf32, #tpu.memory_space<vmem>>, vector<16xf32>,
        %parallel_loop3A_193 = vector.broadcast %parallel_loop3A_135 : f32 to vector<16xf32>
        %parallel_loop3A_194 = arith.mulf %parallel_loop3A_193, %parallel_loop3A_192 : vector<16xf32>
        %parallel_loop3A_195 = arith.addf %parallel_loop3A_188, %parallel_loop3A_194 : vector<16xf32>
        %parallel_loop3A_196 = arith.addf %parallel_loop3A_182, %parallel_loop3A_195 : vector<16xf32>
        %parallel_loop3A_197 = arith.constant 16 : i32
        %parallel_loop3A_198 = vector.broadcast %parallel_loop3A_197 : i32 to vector<16xi32>
        %parallel_loop3A_199 = arith.addi %iota3A, %parallel_loop3A_198 : vector<16xi32>
        tpu.vector_store_idx %arg12[%parallel_loop3A_199, %parallel_loop3A_139], %parallel_loop3A_196 : memref<32x384xf32, #tpu.memory_space<vmem>>[vector<16xi32>, vector<16xi32>], vector<16xf32>,
        %parallel_loop3A_200 = arith.constant 16 : i32
        %parallel_loop3A_201 = arith.muli %parallel_loop3A_101, %parallel_loop3A_200 : i32
        %parallel_loop3A_202 = arith.constant 1 : i32
        %parallel_loop3A_203 = arith.addi %parallel_loop3A_201, %parallel_loop3A_202 : i32
        %parallel_loop3A_204 = vector.extract_strided_slice %parallel_loop3A_108 {offsets = [1], sizes = [1], strides = [1]} : vector<16xf32> to vector<1xf32>
        %parallel_loop3A_205 = vector.extract %parallel_loop3A_204[0] : f32 from vector<1xf32>
        %parallel_loop3A_206 = vector.extract_strided_slice %parallel_loop3A_113 {offsets = [1], sizes = [1], strides = [1]} : vector<16xf32> to vector<1xf32>
        %parallel_loop3A_207 = vector.extract %parallel_loop3A_206[0] : f32 from vector<1xf32>
        %parallel_loop3A_208 = vector.extract_strided_slice %parallel_loop3A_118 {offsets = [1], sizes = [1], strides = [1]} : vector<16xf32> to vector<1xf32>
        %parallel_loop3A_209 = vector.extract %parallel_loop3A_208[0] : f32 from vector<1xf32>
        %parallel_loop3A_210 = vector.extract_strided_slice %parallel_loop3A_123 {offsets = [1], sizes = [1], strides = [1]} : vector<16xf32> to vector<1xf32>
        %parallel_loop3A_211 = vector.extract %parallel_loop3A_210[0] : f32 from vector<1xf32>
        %parallel_loop3A_212 = arith.constant 0 : i32
        %parallel_loop3A_213 = vector.broadcast %parallel_loop3A_212 : i32 to vector<16xi32>
        %parallel_loop3A_214 = vector.broadcast %parallel_loop3A_203 : i32 to vector<16xi32>
        %parallel_loop3A_215 = arith.addi %parallel_loop3A_213, %parallel_loop3A_214 : vector<16xi32>
        %parallel_loop3A_216 = arith.index_cast %select_n3A_67 : i32 to index
        %parallel_loop3A_217 = arith.index_cast %parallel_loop3A_203 : i32 to index
        %parallel_loop3A_218 = arith.constant 0 : index
        %parallel_loop3A_219 = tpu.vector_load %arg11[%parallel_loop3A_216, %parallel_loop3A_217, %parallel_loop3A_218] {strides = array<i32>} : memref<2x384x128xf32, #tpu.memory_space<vmem>>, vector<16xf32>,
        %parallel_loop3A_220 = vector.broadcast %parallel_loop3A_205 : f32 to vector<16xf32>
        %parallel_loop3A_221 = arith.mulf %parallel_loop3A_220, %parallel_loop3A_219 : vector<16xf32>
        %parallel_loop3A_222 = arith.index_cast %select_n3A_67 : i32 to index
        %parallel_loop3A_223 = arith.index_cast %parallel_loop3A_203 : i32 to index
        %parallel_loop3A_224 = arith.constant 32 : index
        %parallel_loop3A_225 = tpu.vector_load %arg11[%parallel_loop3A_222, %parallel_loop3A_223, %parallel_loop3A_224] {strides = array<i32>} : memref<2x384x128xf32, #tpu.memory_space<vmem>>, vector<16xf32>,
        %parallel_loop3A_226 = vector.broadcast %parallel_loop3A_207 : f32 to vector<16xf32>
        %parallel_loop3A_227 = arith.mulf %parallel_loop3A_226, %parallel_loop3A_225 : vector<16xf32>
        %parallel_loop3A_228 = arith.addf %parallel_loop3A_221, %parallel_loop3A_227 : vector<16xf32>
        %parallel_loop3A_229 = arith.index_cast %select_n3A_67 : i32 to index
        %parallel_loop3A_230 = arith.index_cast %parallel_loop3A_203 : i32 to index
        %parallel_loop3A_231 = arith.constant 64 : index
        %parallel_loop3A_232 = tpu.vector_load %arg11[%parallel_loop3A_229, %parallel_loop3A_230, %parallel_loop3A_231] {strides = array<i32>} : memref<2x384x128xf32, #tpu.memory_space<vmem>>, vector<16xf32>,
        %parallel_loop3A_233 = vector.broadcast %parallel_loop3A_209 : f32 to vector<16xf32>
        %parallel_loop3A_234 = arith.mulf %parallel_loop3A_233, %parallel_loop3A_232 : vector<16xf32>
        %parallel_loop3A_235 = arith.index_cast %select_n3A_67 : i32 to index
        %parallel_loop3A_236 = arith.index_cast %parallel_loop3A_203 : i32 to index
        %parallel_loop3A_237 = arith.constant 96 : index
        %parallel_loop3A_238 = tpu.vector_load %arg11[%parallel_loop3A_235, %parallel_loop3A_236, %parallel_loop3A_237] {strides = array<i32>} : memref<2x384x128xf32, #tpu.memory_space<vmem>>, vector<16xf32>,
        %parallel_loop3A_239 = vector.broadcast %parallel_loop3A_211 : f32 to vector<16xf32>
        %parallel_loop3A_240 = arith.mulf %parallel_loop3A_239, %parallel_loop3A_238 : vector<16xf32>
        %parallel_loop3A_241 = arith.addf %parallel_loop3A_234, %parallel_loop3A_240 : vector<16xf32>
        %parallel_loop3A_242 = arith.addf %parallel_loop3A_228, %parallel_loop3A_241 : vector<16xf32>
        %parallel_loop3A_243 = arith.constant 0 : i32
        %parallel_loop3A_244 = vector.broadcast %parallel_loop3A_243 : i32 to vector<16xi32>
        %parallel_loop3A_245 = arith.addi %iota3A, %parallel_loop3A_244 : vector<16xi32>
        tpu.vector_store_idx %arg12[%parallel_loop3A_245, %parallel_loop3A_215], %parallel_loop3A_242 : memref<32x384xf32, #tpu.memory_space<vmem>>[vector<16xi32>, vector<16xi32>], vector<16xf32>,
        %parallel_loop3A_246 = arith.index_cast %select_n3A_67 : i32 to index
        %parallel_loop3A_247 = arith.index_cast %parallel_loop3A_203 : i32 to index
        %parallel_loop3A_248 = arith.constant 16 : index
        %parallel_loop3A_249 = tpu.vector_load %arg11[%parallel_loop3A_246, %parallel_loop3A_247, %parallel_loop3A_248] {strides = array<i32>} : memref<2x384x128xf32, #tpu.memory_space<vmem>>, vector<16xf32>,
        %parallel_loop3A_250 = vector.broadcast %parallel_loop3A_205 : f32 to vector<16xf32>
        %parallel_loop3A_251 = arith.mulf %parallel_loop3A_250, %parallel_loop3A_249 : vector<16xf32>
        %parallel_loop3A_252 = arith.index_cast %select_n3A_67 : i32 to index
        %parallel_loop3A_253 = arith.index_cast %parallel_loop3A_203 : i32 to index
        %parallel_loop3A_254 = arith.constant 48 : index
        %parallel_loop3A_255 = tpu.vector_load %arg11[%parallel_loop3A_252, %parallel_loop3A_253, %parallel_loop3A_254] {strides = array<i32>} : memref<2x384x128xf32, #tpu.memory_space<vmem>>, vector<16xf32>,
        %parallel_loop3A_256 = vector.broadcast %parallel_loop3A_207 : f32 to vector<16xf32>
        %parallel_loop3A_257 = arith.mulf %parallel_loop3A_256, %parallel_loop3A_255 : vector<16xf32>
        %parallel_loop3A_258 = arith.addf %parallel_loop3A_251, %parallel_loop3A_257 : vector<16xf32>
        %parallel_loop3A_259 = arith.index_cast %select_n3A_67 : i32 to index
        %parallel_loop3A_260 = arith.index_cast %parallel_loop3A_203 : i32 to index
        %parallel_loop3A_261 = arith.constant 80 : index
        %parallel_loop3A_262 = tpu.vector_load %arg11[%parallel_loop3A_259, %parallel_loop3A_260, %parallel_loop3A_261] {strides = array<i32>} : memref<2x384x128xf32, #tpu.memory_space<vmem>>, vector<16xf32>,
        %parallel_loop3A_263 = vector.broadcast %parallel_loop3A_209 : f32 to vector<16xf32>
        %parallel_loop3A_264 = arith.mulf %parallel_loop3A_263, %parallel_loop3A_262 : vector<16xf32>
        %parallel_loop3A_265 = arith.index_cast %select_n3A_67 : i32 to index
        %parallel_loop3A_266 = arith.index_cast %parallel_loop3A_203 : i32 to index
        %parallel_loop3A_267 = arith.constant 112 : index
        %parallel_loop3A_268 = tpu.vector_load %arg11[%parallel_loop3A_265, %parallel_loop3A_266, %parallel_loop3A_267] {strides = array<i32>} : memref<2x384x128xf32, #tpu.memory_space<vmem>>, vector<16xf32>,
        %parallel_loop3A_269 = vector.broadcast %parallel_loop3A_211 : f32 to vector<16xf32>
        %parallel_loop3A_270 = arith.mulf %parallel_loop3A_269, %parallel_loop3A_268 : vector<16xf32>
        %parallel_loop3A_271 = arith.addf %parallel_loop3A_264, %parallel_loop3A_270 : vector<16xf32>
        %parallel_loop3A_272 = arith.addf %parallel_loop3A_258, %parallel_loop3A_271 : vector<16xf32>
        %parallel_loop3A_273 = arith.constant 16 : i32
        %parallel_loop3A_274 = vector.broadcast %parallel_loop3A_273 : i32 to vector<16xi32>
        %parallel_loop3A_275 = arith.addi %iota3A, %parallel_loop3A_274 : vector<16xi32>
        tpu.vector_store_idx %arg12[%parallel_loop3A_275, %parallel_loop3A_215], %parallel_loop3A_272 : memref<32x384xf32, #tpu.memory_space<vmem>>[vector<16xi32>, vector<16xi32>], vector<16xf32>,
        %parallel_loop3A_276 = arith.constant 16 : i32
        %parallel_loop3A_277 = arith.muli %parallel_loop3A_101, %parallel_loop3A_276 : i32
        %parallel_loop3A_278 = arith.constant 2 : i32
        %parallel_loop3A_279 = arith.addi %parallel_loop3A_277, %parallel_loop3A_278 : i32
        %parallel_loop3A_280 = vector.extract_strided_slice %parallel_loop3A_108 {offsets = [2], sizes = [1], strides = [1]} : vector<16xf32> to vector<1xf32>
        %parallel_loop3A_281 = vector.extract %parallel_loop3A_280[0] : f32 from vector<1xf32>
        %parallel_loop3A_282 = vector.extract_strided_slice %parallel_loop3A_113 {offsets = [2], sizes = [1], strides = [1]} : vector<16xf32> to vector<1xf32>
        %parallel_loop3A_283 = vector.extract %parallel_loop3A_282[0] : f32 from vector<1xf32>
        %parallel_loop3A_284 = vector.extract_strided_slice %parallel_loop3A_118 {offsets = [2], sizes = [1], strides = [1]} : vector<16xf32> to vector<1xf32>
        %parallel_loop3A_285 = vector.extract %parallel_loop3A_284[0] : f32 from vector<1xf32>
        %parallel_loop3A_286 = vector.extract_strided_slice %parallel_loop3A_123 {offsets = [2], sizes = [1], strides = [1]} : vector<16xf32> to vector<1xf32>
        %parallel_loop3A_287 = vector.extract %parallel_loop3A_286[0] : f32 from vector<1xf32>
        %parallel_loop3A_288 = arith.constant 0 : i32
        %parallel_loop3A_289 = vector.broadcast %parallel_loop3A_288 : i32 to vector<16xi32>
        %parallel_loop3A_290 = vector.broadcast %parallel_loop3A_279 : i32 to vector<16xi32>
        %parallel_loop3A_291 = arith.addi %parallel_loop3A_289, %parallel_loop3A_290 : vector<16xi32>
        %parallel_loop3A_292 = arith.index_cast %select_n3A_67 : i32 to index
        %parallel_loop3A_293 = arith.index_cast %parallel_loop3A_279 : i32 to index
        %parallel_loop3A_294 = arith.constant 0 : index
        %parallel_loop3A_295 = tpu.vector_load %arg11[%parallel_loop3A_292, %parallel_loop3A_293, %parallel_loop3A_294] {strides = array<i32>} : memref<2x384x128xf32, #tpu.memory_space<vmem>>, vector<16xf32>,
        %parallel_loop3A_296 = vector.broadcast %parallel_loop3A_281 : f32 to vector<16xf32>
        %parallel_loop3A_297 = arith.mulf %parallel_loop3A_296, %parallel_loop3A_295 : vector<16xf32>
        %parallel_loop3A_298 = arith.index_cast %select_n3A_67 : i32 to index
        %parallel_loop3A_299 = arith.index_cast %parallel_loop3A_279 : i32 to index
        %parallel_loop3A_300 = arith.constant 32 : index
        %parallel_loop3A_301 = tpu.vector_load %arg11[%parallel_loop3A_298, %parallel_loop3A_299, %parallel_loop3A_300] {strides = array<i32>} : memref<2x384x128xf32, #tpu.memory_space<vmem>>, vector<16xf32>,
        %parallel_loop3A_302 = vector.broadcast %parallel_loop3A_283 : f32 to vector<16xf32>
        %parallel_loop3A_303 = arith.mulf %parallel_loop3A_302, %parallel_loop3A_301 : vector<16xf32>
        %parallel_loop3A_304 = arith.addf %parallel_loop3A_297, %parallel_loop3A_303 : vector<16xf32>
        %parallel_loop3A_305 = arith.index_cast %select_n3A_67 : i32 to index
        %parallel_loop3A_306 = arith.index_cast %parallel_loop3A_279 : i32 to index
        %parallel_loop3A_307 = arith.constant 64 : index
        %parallel_loop3A_308 = tpu.vector_load %arg11[%parallel_loop3A_305, %parallel_loop3A_306, %parallel_loop3A_307] {strides = array<i32>} : memref<2x384x128xf32, #tpu.memory_space<vmem>>, vector<16xf32>,
        %parallel_loop3A_309 = vector.broadcast %parallel_loop3A_285 : f32 to vector<16xf32>
        %parallel_loop3A_310 = arith.mulf %parallel_loop3A_309, %parallel_loop3A_308 : vector<16xf32>
        %parallel_loop3A_311 = arith.index_cast %select_n3A_67 : i32 to index
        %parallel_loop3A_312 = arith.index_cast %parallel_loop3A_279 : i32 to index
        %parallel_loop3A_313 = arith.constant 96 : index
        %parallel_loop3A_314 = tpu.vector_load %arg11[%parallel_loop3A_311, %parallel_loop3A_312, %parallel_loop3A_313] {strides = array<i32>} : memref<2x384x128xf32, #tpu.memory_space<vmem>>, vector<16xf32>,
        %parallel_loop3A_315 = vector.broadcast %parallel_loop3A_287 : f32 to vector<16xf32>
        %parallel_loop3A_316 = arith.mulf %parallel_loop3A_315, %parallel_loop3A_314 : vector<16xf32>
        %parallel_loop3A_317 = arith.addf %parallel_loop3A_310, %parallel_loop3A_316 : vector<16xf32>
        %parallel_loop3A_318 = arith.addf %parallel_loop3A_304, %parallel_loop3A_317 : vector<16xf32>
        %parallel_loop3A_319 = arith.constant 0 : i32
        %parallel_loop3A_320 = vector.broadcast %parallel_loop3A_319 : i32 to vector<16xi32>
        %parallel_loop3A_321 = arith.addi %iota3A, %parallel_loop3A_320 : vector<16xi32>
        tpu.vector_store_idx %arg12[%parallel_loop3A_321, %parallel_loop3A_291], %parallel_loop3A_318 : memref<32x384xf32, #tpu.memory_space<vmem>>[vector<16xi32>, vector<16xi32>], vector<16xf32>,
        %parallel_loop3A_322 = arith.index_cast %select_n3A_67 : i32 to index
        %parallel_loop3A_323 = arith.index_cast %parallel_loop3A_279 : i32 to index
        %parallel_loop3A_324 = arith.constant 16 : index
        %parallel_loop3A_325 = tpu.vector_load %arg11[%parallel_loop3A_322, %parallel_loop3A_323, %parallel_loop3A_324] {strides = array<i32>} : memref<2x384x128xf32, #tpu.memory_space<vmem>>, vector<16xf32>,
        %parallel_loop3A_326 = vector.broadcast %parallel_loop3A_281 : f32 to vector<16xf32>
        %parallel_loop3A_327 = arith.mulf %parallel_loop3A_326, %parallel_loop3A_325 : vector<16xf32>
        %parallel_loop3A_328 = arith.index_cast %select_n3A_67 : i32 to index
        %parallel_loop3A_329 = arith.index_cast %parallel_loop3A_279 : i32 to index
        %parallel_loop3A_330 = arith.constant 48 : index
        %parallel_loop3A_331 = tpu.vector_load %arg11[%parallel_loop3A_328, %parallel_loop3A_329, %parallel_loop3A_330] {strides = array<i32>} : memref<2x384x128xf32, #tpu.memory_space<vmem>>, vector<16xf32>,
        %parallel_loop3A_332 = vector.broadcast %parallel_loop3A_283 : f32 to vector<16xf32>
        %parallel_loop3A_333 = arith.mulf %parallel_loop3A_332, %parallel_loop3A_331 : vector<16xf32>
        %parallel_loop3A_334 = arith.addf %parallel_loop3A_327, %parallel_loop3A_333 : vector<16xf32>
        %parallel_loop3A_335 = arith.index_cast %select_n3A_67 : i32 to index
        %parallel_loop3A_336 = arith.index_cast %parallel_loop3A_279 : i32 to index
        %parallel_loop3A_337 = arith.constant 80 : index
        %parallel_loop3A_338 = tpu.vector_load %arg11[%parallel_loop3A_335, %parallel_loop3A_336, %parallel_loop3A_337] {strides = array<i32>} : memref<2x384x128xf32, #tpu.memory_space<vmem>>, vector<16xf32>,
        %parallel_loop3A_339 = vector.broadcast %parallel_loop3A_285 : f32 to vector<16xf32>
        %parallel_loop3A_340 = arith.mulf %parallel_loop3A_339, %parallel_loop3A_338 : vector<16xf32>
        %parallel_loop3A_341 = arith.index_cast %select_n3A_67 : i32 to index
        %parallel_loop3A_342 = arith.index_cast %parallel_loop3A_279 : i32 to index
        %parallel_loop3A_343 = arith.constant 112 : index
        %parallel_loop3A_344 = tpu.vector_load %arg11[%parallel_loop3A_341, %parallel_loop3A_342, %parallel_loop3A_343] {strides = array<i32>} : memref<2x384x128xf32, #tpu.memory_space<vmem>>, vector<16xf32>,
        %parallel_loop3A_345 = vector.broadcast %parallel_loop3A_287 : f32 to vector<16xf32>
        %parallel_loop3A_346 = arith.mulf %parallel_loop3A_345, %parallel_loop3A_344 : vector<16xf32>
        %parallel_loop3A_347 = arith.addf %parallel_loop3A_340, %parallel_loop3A_346 : vector<16xf32>
        %parallel_loop3A_348 = arith.addf %parallel_loop3A_334, %parallel_loop3A_347 : vector<16xf32>
        %parallel_loop3A_349 = arith.constant 16 : i32
        %parallel_loop3A_350 = vector.broadcast %parallel_loop3A_349 : i32 to vector<16xi32>
        %parallel_loop3A_351 = arith.addi %iota3A, %parallel_loop3A_350 : vector<16xi32>
        tpu.vector_store_idx %arg12[%parallel_loop3A_351, %parallel_loop3A_291], %parallel_loop3A_348 : memref<32x384xf32, #tpu.memory_space<vmem>>[vector<16xi32>, vector<16xi32>], vector<16xf32>,
        %parallel_loop3A_352 = arith.constant 16 : i32
        %parallel_loop3A_353 = arith.muli %parallel_loop3A_101, %parallel_loop3A_352 : i32
        %parallel_loop3A_354 = arith.constant 3 : i32
        %parallel_loop3A_355 = arith.addi %parallel_loop3A_353, %parallel_loop3A_354 : i32
        %parallel_loop3A_356 = vector.extract_strided_slice %parallel_loop3A_108 {offsets = [3], sizes = [1], strides = [1]} : vector<16xf32> to vector<1xf32>
        %parallel_loop3A_357 = vector.extract %parallel_loop3A_356[0] : f32 from vector<1xf32>
        %parallel_loop3A_358 = vector.extract_strided_slice %parallel_loop3A_113 {offsets = [3], sizes = [1], strides = [1]} : vector<16xf32> to vector<1xf32>
        %parallel_loop3A_359 = vector.extract %parallel_loop3A_358[0] : f32 from vector<1xf32>
        %parallel_loop3A_360 = vector.extract_strided_slice %parallel_loop3A_118 {offsets = [3], sizes = [1], strides = [1]} : vector<16xf32> to vector<1xf32>
        %parallel_loop3A_361 = vector.extract %parallel_loop3A_360[0] : f32 from vector<1xf32>
        %parallel_loop3A_362 = vector.extract_strided_slice %parallel_loop3A_123 {offsets = [3], sizes = [1], strides = [1]} : vector<16xf32> to vector<1xf32>
        %parallel_loop3A_363 = vector.extract %parallel_loop3A_362[0] : f32 from vector<1xf32>
        %parallel_loop3A_364 = arith.constant 0 : i32
        %parallel_loop3A_365 = vector.broadcast %parallel_loop3A_364 : i32 to vector<16xi32>
        %parallel_loop3A_366 = vector.broadcast %parallel_loop3A_355 : i32 to vector<16xi32>
        %parallel_loop3A_367 = arith.addi %parallel_loop3A_365, %parallel_loop3A_366 : vector<16xi32>
        %parallel_loop3A_368 = arith.index_cast %select_n3A_67 : i32 to index
        %parallel_loop3A_369 = arith.index_cast %parallel_loop3A_355 : i32 to index
        %parallel_loop3A_370 = arith.constant 0 : index
        %parallel_loop3A_371 = tpu.vector_load %arg11[%parallel_loop3A_368, %parallel_loop3A_369, %parallel_loop3A_370] {strides = array<i32>} : memref<2x384x128xf32, #tpu.memory_space<vmem>>, vector<16xf32>,
        %parallel_loop3A_372 = vector.broadcast %parallel_loop3A_357 : f32 to vector<16xf32>
        %parallel_loop3A_373 = arith.mulf %parallel_loop3A_372, %parallel_loop3A_371 : vector<16xf32>
        %parallel_loop3A_374 = arith.index_cast %select_n3A_67 : i32 to index
        %parallel_loop3A_375 = arith.index_cast %parallel_loop3A_355 : i32 to index
        %parallel_loop3A_376 = arith.constant 32 : index
        %parallel_loop3A_377 = tpu.vector_load %arg11[%parallel_loop3A_374, %parallel_loop3A_375, %parallel_loop3A_376] {strides = array<i32>} : memref<2x384x128xf32, #tpu.memory_space<vmem>>, vector<16xf32>,
        %parallel_loop3A_378 = vector.broadcast %parallel_loop3A_359 : f32 to vector<16xf32>
        %parallel_loop3A_379 = arith.mulf %parallel_loop3A_378, %parallel_loop3A_377 : vector<16xf32>
        %parallel_loop3A_380 = arith.addf %parallel_loop3A_373, %parallel_loop3A_379 : vector<16xf32>
        %parallel_loop3A_381 = arith.index_cast %select_n3A_67 : i32 to index
        %parallel_loop3A_382 = arith.index_cast %parallel_loop3A_355 : i32 to index
        %parallel_loop3A_383 = arith.constant 64 : index
        %parallel_loop3A_384 = tpu.vector_load %arg11[%parallel_loop3A_381, %parallel_loop3A_382, %parallel_loop3A_383] {strides = array<i32>} : memref<2x384x128xf32, #tpu.memory_space<vmem>>, vector<16xf32>,
        %parallel_loop3A_385 = vector.broadcast %parallel_loop3A_361 : f32 to vector<16xf32>
        %parallel_loop3A_386 = arith.mulf %parallel_loop3A_385, %parallel_loop3A_384 : vector<16xf32>
        %parallel_loop3A_387 = arith.index_cast %select_n3A_67 : i32 to index
        %parallel_loop3A_388 = arith.index_cast %parallel_loop3A_355 : i32 to index
        %parallel_loop3A_389 = arith.constant 96 : index
        %parallel_loop3A_390 = tpu.vector_load %arg11[%parallel_loop3A_387, %parallel_loop3A_388, %parallel_loop3A_389] {strides = array<i32>} : memref<2x384x128xf32, #tpu.memory_space<vmem>>, vector<16xf32>,
        %parallel_loop3A_391 = vector.broadcast %parallel_loop3A_363 : f32 to vector<16xf32>
        %parallel_loop3A_392 = arith.mulf %parallel_loop3A_391, %parallel_loop3A_390 : vector<16xf32>
        %parallel_loop3A_393 = arith.addf %parallel_loop3A_386, %parallel_loop3A_392 : vector<16xf32>
        %parallel_loop3A_394 = arith.addf %parallel_loop3A_380, %parallel_loop3A_393 : vector<16xf32>
        %parallel_loop3A_395 = arith.constant 0 : i32
        %parallel_loop3A_396 = vector.broadcast %parallel_loop3A_395 : i32 to vector<16xi32>
        %parallel_loop3A_397 = arith.addi %iota3A, %parallel_loop3A_396 : vector<16xi32>
        tpu.vector_store_idx %arg12[%parallel_loop3A_397, %parallel_loop3A_367], %parallel_loop3A_394 : memref<32x384xf32, #tpu.memory_space<vmem>>[vector<16xi32>, vector<16xi32>], vector<16xf32>,
        %parallel_loop3A_398 = arith.index_cast %select_n3A_67 : i32 to index
        %parallel_loop3A_399 = arith.index_cast %parallel_loop3A_355 : i32 to index
        %parallel_loop3A_400 = arith.constant 16 : index
        %parallel_loop3A_401 = tpu.vector_load %arg11[%parallel_loop3A_398, %parallel_loop3A_399, %parallel_loop3A_400] {strides = array<i32>} : memref<2x384x128xf32, #tpu.memory_space<vmem>>, vector<16xf32>,
        %parallel_loop3A_402 = vector.broadcast %parallel_loop3A_357 : f32 to vector<16xf32>
        %parallel_loop3A_403 = arith.mulf %parallel_loop3A_402, %parallel_loop3A_401 : vector<16xf32>
        %parallel_loop3A_404 = arith.index_cast %select_n3A_67 : i32 to index
        %parallel_loop3A_405 = arith.index_cast %parallel_loop3A_355 : i32 to index
        %parallel_loop3A_406 = arith.constant 48 : index
        %parallel_loop3A_407 = tpu.vector_load %arg11[%parallel_loop3A_404, %parallel_loop3A_405, %parallel_loop3A_406] {strides = array<i32>} : memref<2x384x128xf32, #tpu.memory_space<vmem>>, vector<16xf32>,
        %parallel_loop3A_408 = vector.broadcast %parallel_loop3A_359 : f32 to vector<16xf32>
        %parallel_loop3A_409 = arith.mulf %parallel_loop3A_408, %parallel_loop3A_407 : vector<16xf32>
        %parallel_loop3A_410 = arith.addf %parallel_loop3A_403, %parallel_loop3A_409 : vector<16xf32>
        %parallel_loop3A_411 = arith.index_cast %select_n3A_67 : i32 to index
        %parallel_loop3A_412 = arith.index_cast %parallel_loop3A_355 : i32 to index
        %parallel_loop3A_413 = arith.constant 80 : index
        %parallel_loop3A_414 = tpu.vector_load %arg11[%parallel_loop3A_411, %parallel_loop3A_412, %parallel_loop3A_413] {strides = array<i32>} : memref<2x384x128xf32, #tpu.memory_space<vmem>>, vector<16xf32>,
        %parallel_loop3A_415 = vector.broadcast %parallel_loop3A_361 : f32 to vector<16xf32>
        %parallel_loop3A_416 = arith.mulf %parallel_loop3A_415, %parallel_loop3A_414 : vector<16xf32>
        %parallel_loop3A_417 = arith.index_cast %select_n3A_67 : i32 to index
        %parallel_loop3A_418 = arith.index_cast %parallel_loop3A_355 : i32 to index
        %parallel_loop3A_419 = arith.constant 112 : index
        %parallel_loop3A_420 = tpu.vector_load %arg11[%parallel_loop3A_417, %parallel_loop3A_418, %parallel_loop3A_419] {strides = array<i32>} : memref<2x384x128xf32, #tpu.memory_space<vmem>>, vector<16xf32>,
        %parallel_loop3A_421 = vector.broadcast %parallel_loop3A_363 : f32 to vector<16xf32>
        %parallel_loop3A_422 = arith.mulf %parallel_loop3A_421, %parallel_loop3A_420 : vector<16xf32>
        %parallel_loop3A_423 = arith.addf %parallel_loop3A_416, %parallel_loop3A_422 : vector<16xf32>
        %parallel_loop3A_424 = arith.addf %parallel_loop3A_410, %parallel_loop3A_423 : vector<16xf32>
        %parallel_loop3A_425 = arith.constant 16 : i32
        %parallel_loop3A_426 = vector.broadcast %parallel_loop3A_425 : i32 to vector<16xi32>
        %parallel_loop3A_427 = arith.addi %iota3A, %parallel_loop3A_426 : vector<16xi32>
        tpu.vector_store_idx %arg12[%parallel_loop3A_427, %parallel_loop3A_367], %parallel_loop3A_424 : memref<32x384xf32, #tpu.memory_space<vmem>>[vector<16xi32>, vector<16xi32>], vector<16xf32>,
        %parallel_loop3A_428 = arith.constant 16 : i32
        %parallel_loop3A_429 = arith.muli %parallel_loop3A_101, %parallel_loop3A_428 : i32
        %parallel_loop3A_430 = arith.constant 4 : i32
        %parallel_loop3A_431 = arith.addi %parallel_loop3A_429, %parallel_loop3A_430 : i32
        %parallel_loop3A_432 = vector.extract_strided_slice %parallel_loop3A_108 {offsets = [4], sizes = [1], strides = [1]} : vector<16xf32> to vector<1xf32>
        %parallel_loop3A_433 = vector.extract %parallel_loop3A_432[0] : f32 from vector<1xf32>
        %parallel_loop3A_434 = vector.extract_strided_slice %parallel_loop3A_113 {offsets = [4], sizes = [1], strides = [1]} : vector<16xf32> to vector<1xf32>
        %parallel_loop3A_435 = vector.extract %parallel_loop3A_434[0] : f32 from vector<1xf32>
        %parallel_loop3A_436 = vector.extract_strided_slice %parallel_loop3A_118 {offsets = [4], sizes = [1], strides = [1]} : vector<16xf32> to vector<1xf32>
        %parallel_loop3A_437 = vector.extract %parallel_loop3A_436[0] : f32 from vector<1xf32>
        %parallel_loop3A_438 = vector.extract_strided_slice %parallel_loop3A_123 {offsets = [4], sizes = [1], strides = [1]} : vector<16xf32> to vector<1xf32>
        %parallel_loop3A_439 = vector.extract %parallel_loop3A_438[0] : f32 from vector<1xf32>
        %parallel_loop3A_440 = arith.constant 0 : i32
        %parallel_loop3A_441 = vector.broadcast %parallel_loop3A_440 : i32 to vector<16xi32>
        %parallel_loop3A_442 = vector.broadcast %parallel_loop3A_431 : i32 to vector<16xi32>
        %parallel_loop3A_443 = arith.addi %parallel_loop3A_441, %parallel_loop3A_442 : vector<16xi32>
        %parallel_loop3A_444 = arith.index_cast %select_n3A_67 : i32 to index
        %parallel_loop3A_445 = arith.index_cast %parallel_loop3A_431 : i32 to index
        %parallel_loop3A_446 = arith.constant 0 : index
        %parallel_loop3A_447 = tpu.vector_load %arg11[%parallel_loop3A_444, %parallel_loop3A_445, %parallel_loop3A_446] {strides = array<i32>} : memref<2x384x128xf32, #tpu.memory_space<vmem>>, vector<16xf32>,
        %parallel_loop3A_448 = vector.broadcast %parallel_loop3A_433 : f32 to vector<16xf32>
        %parallel_loop3A_449 = arith.mulf %parallel_loop3A_448, %parallel_loop3A_447 : vector<16xf32>
        %parallel_loop3A_450 = arith.index_cast %select_n3A_67 : i32 to index
        %parallel_loop3A_451 = arith.index_cast %parallel_loop3A_431 : i32 to index
        %parallel_loop3A_452 = arith.constant 32 : index
        %parallel_loop3A_453 = tpu.vector_load %arg11[%parallel_loop3A_450, %parallel_loop3A_451, %parallel_loop3A_452] {strides = array<i32>} : memref<2x384x128xf32, #tpu.memory_space<vmem>>, vector<16xf32>,
        %parallel_loop3A_454 = vector.broadcast %parallel_loop3A_435 : f32 to vector<16xf32>
        %parallel_loop3A_455 = arith.mulf %parallel_loop3A_454, %parallel_loop3A_453 : vector<16xf32>
        %parallel_loop3A_456 = arith.addf %parallel_loop3A_449, %parallel_loop3A_455 : vector<16xf32>
        %parallel_loop3A_457 = arith.index_cast %select_n3A_67 : i32 to index
        %parallel_loop3A_458 = arith.index_cast %parallel_loop3A_431 : i32 to index
        %parallel_loop3A_459 = arith.constant 64 : index
        %parallel_loop3A_460 = tpu.vector_load %arg11[%parallel_loop3A_457, %parallel_loop3A_458, %parallel_loop3A_459] {strides = array<i32>} : memref<2x384x128xf32, #tpu.memory_space<vmem>>, vector<16xf32>,
        %parallel_loop3A_461 = vector.broadcast %parallel_loop3A_437 : f32 to vector<16xf32>
        %parallel_loop3A_462 = arith.mulf %parallel_loop3A_461, %parallel_loop3A_460 : vector<16xf32>
        %parallel_loop3A_463 = arith.index_cast %select_n3A_67 : i32 to index
        %parallel_loop3A_464 = arith.index_cast %parallel_loop3A_431 : i32 to index
        %parallel_loop3A_465 = arith.constant 96 : index
        %parallel_loop3A_466 = tpu.vector_load %arg11[%parallel_loop3A_463, %parallel_loop3A_464, %parallel_loop3A_465] {strides = array<i32>} : memref<2x384x128xf32, #tpu.memory_space<vmem>>, vector<16xf32>,
        %parallel_loop3A_467 = vector.broadcast %parallel_loop3A_439 : f32 to vector<16xf32>
        %parallel_loop3A_468 = arith.mulf %parallel_loop3A_467, %parallel_loop3A_466 : vector<16xf32>
        %parallel_loop3A_469 = arith.addf %parallel_loop3A_462, %parallel_loop3A_468 : vector<16xf32>
        %parallel_loop3A_470 = arith.addf %parallel_loop3A_456, %parallel_loop3A_469 : vector<16xf32>
        %parallel_loop3A_471 = arith.constant 0 : i32
        %parallel_loop3A_472 = vector.broadcast %parallel_loop3A_471 : i32 to vector<16xi32>
        %parallel_loop3A_473 = arith.addi %iota3A, %parallel_loop3A_472 : vector<16xi32>
        tpu.vector_store_idx %arg12[%parallel_loop3A_473, %parallel_loop3A_443], %parallel_loop3A_470 : memref<32x384xf32, #tpu.memory_space<vmem>>[vector<16xi32>, vector<16xi32>], vector<16xf32>,
        %parallel_loop3A_474 = arith.index_cast %select_n3A_67 : i32 to index
        %parallel_loop3A_475 = arith.index_cast %parallel_loop3A_431 : i32 to index
        %parallel_loop3A_476 = arith.constant 16 : index
        %parallel_loop3A_477 = tpu.vector_load %arg11[%parallel_loop3A_474, %parallel_loop3A_475, %parallel_loop3A_476] {strides = array<i32>} : memref<2x384x128xf32, #tpu.memory_space<vmem>>, vector<16xf32>,
        %parallel_loop3A_478 = vector.broadcast %parallel_loop3A_433 : f32 to vector<16xf32>
        %parallel_loop3A_479 = arith.mulf %parallel_loop3A_478, %parallel_loop3A_477 : vector<16xf32>
        %parallel_loop3A_480 = arith.index_cast %select_n3A_67 : i32 to index
        %parallel_loop3A_481 = arith.index_cast %parallel_loop3A_431 : i32 to index
        %parallel_loop3A_482 = arith.constant 48 : index
        %parallel_loop3A_483 = tpu.vector_load %arg11[%parallel_loop3A_480, %parallel_loop3A_481, %parallel_loop3A_482] {strides = array<i32>} : memref<2x384x128xf32, #tpu.memory_space<vmem>>, vector<16xf32>,
        %parallel_loop3A_484 = vector.broadcast %parallel_loop3A_435 : f32 to vector<16xf32>
        %parallel_loop3A_485 = arith.mulf %parallel_loop3A_484, %parallel_loop3A_483 : vector<16xf32>
        %parallel_loop3A_486 = arith.addf %parallel_loop3A_479, %parallel_loop3A_485 : vector<16xf32>
        %parallel_loop3A_487 = arith.index_cast %select_n3A_67 : i32 to index
        %parallel_loop3A_488 = arith.index_cast %parallel_loop3A_431 : i32 to index
        %parallel_loop3A_489 = arith.constant 80 : index
        %parallel_loop3A_490 = tpu.vector_load %arg11[%parallel_loop3A_487, %parallel_loop3A_488, %parallel_loop3A_489] {strides = array<i32>} : memref<2x384x128xf32, #tpu.memory_space<vmem>>, vector<16xf32>,
        %parallel_loop3A_491 = vector.broadcast %parallel_loop3A_437 : f32 to vector<16xf32>
        %parallel_loop3A_492 = arith.mulf %parallel_loop3A_491, %parallel_loop3A_490 : vector<16xf32>
        %parallel_loop3A_493 = arith.index_cast %select_n3A_67 : i32 to index
        %parallel_loop3A_494 = arith.index_cast %parallel_loop3A_431 : i32 to index
        %parallel_loop3A_495 = arith.constant 112 : index
        %parallel_loop3A_496 = tpu.vector_load %arg11[%parallel_loop3A_493, %parallel_loop3A_494, %parallel_loop3A_495] {strides = array<i32>} : memref<2x384x128xf32, #tpu.memory_space<vmem>>, vector<16xf32>,
        %parallel_loop3A_497 = vector.broadcast %parallel_loop3A_439 : f32 to vector<16xf32>
        %parallel_loop3A_498 = arith.mulf %parallel_loop3A_497, %parallel_loop3A_496 : vector<16xf32>
        %parallel_loop3A_499 = arith.addf %parallel_loop3A_492, %parallel_loop3A_498 : vector<16xf32>
        %parallel_loop3A_500 = arith.addf %parallel_loop3A_486, %parallel_loop3A_499 : vector<16xf32>
        %parallel_loop3A_501 = arith.constant 16 : i32
        %parallel_loop3A_502 = vector.broadcast %parallel_loop3A_501 : i32 to vector<16xi32>
        %parallel_loop3A_503 = arith.addi %iota3A, %parallel_loop3A_502 : vector<16xi32>
        tpu.vector_store_idx %arg12[%parallel_loop3A_503, %parallel_loop3A_443], %parallel_loop3A_500 : memref<32x384xf32, #tpu.memory_space<vmem>>[vector<16xi32>, vector<16xi32>], vector<16xf32>,
        %parallel_loop3A_504 = arith.constant 16 : i32
        %parallel_loop3A_505 = arith.muli %parallel_loop3A_101, %parallel_loop3A_504 : i32
        %parallel_loop3A_506 = arith.constant 5 : i32
        %parallel_loop3A_507 = arith.addi %parallel_loop3A_505, %parallel_loop3A_506 : i32
        %parallel_loop3A_508 = vector.extract_strided_slice %parallel_loop3A_108 {offsets = [5], sizes = [1], strides = [1]} : vector<16xf32> to vector<1xf32>
        %parallel_loop3A_509 = vector.extract %parallel_loop3A_508[0] : f32 from vector<1xf32>
        %parallel_loop3A_510 = vector.extract_strided_slice %parallel_loop3A_113 {offsets = [5], sizes = [1], strides = [1]} : vector<16xf32> to vector<1xf32>
        %parallel_loop3A_511 = vector.extract %parallel_loop3A_510[0] : f32 from vector<1xf32>
        %parallel_loop3A_512 = vector.extract_strided_slice %parallel_loop3A_118 {offsets = [5], sizes = [1], strides = [1]} : vector<16xf32> to vector<1xf32>
        %parallel_loop3A_513 = vector.extract %parallel_loop3A_512[0] : f32 from vector<1xf32>
        %parallel_loop3A_514 = vector.extract_strided_slice %parallel_loop3A_123 {offsets = [5], sizes = [1], strides = [1]} : vector<16xf32> to vector<1xf32>
        %parallel_loop3A_515 = vector.extract %parallel_loop3A_514[0] : f32 from vector<1xf32>
        %parallel_loop3A_516 = arith.constant 0 : i32
        %parallel_loop3A_517 = vector.broadcast %parallel_loop3A_516 : i32 to vector<16xi32>
        %parallel_loop3A_518 = vector.broadcast %parallel_loop3A_507 : i32 to vector<16xi32>
        %parallel_loop3A_519 = arith.addi %parallel_loop3A_517, %parallel_loop3A_518 : vector<16xi32>
        %parallel_loop3A_520 = arith.index_cast %select_n3A_67 : i32 to index
        %parallel_loop3A_521 = arith.index_cast %parallel_loop3A_507 : i32 to index
        %parallel_loop3A_522 = arith.constant 0 : index
        %parallel_loop3A_523 = tpu.vector_load %arg11[%parallel_loop3A_520, %parallel_loop3A_521, %parallel_loop3A_522] {strides = array<i32>} : memref<2x384x128xf32, #tpu.memory_space<vmem>>, vector<16xf32>,
        %parallel_loop3A_524 = vector.broadcast %parallel_loop3A_509 : f32 to vector<16xf32>
        %parallel_loop3A_525 = arith.mulf %parallel_loop3A_524, %parallel_loop3A_523 : vector<16xf32>
        %parallel_loop3A_526 = arith.index_cast %select_n3A_67 : i32 to index
        %parallel_loop3A_527 = arith.index_cast %parallel_loop3A_507 : i32 to index
        %parallel_loop3A_528 = arith.constant 32 : index
        %parallel_loop3A_529 = tpu.vector_load %arg11[%parallel_loop3A_526, %parallel_loop3A_527, %parallel_loop3A_528] {strides = array<i32>} : memref<2x384x128xf32, #tpu.memory_space<vmem>>, vector<16xf32>,
        %parallel_loop3A_530 = vector.broadcast %parallel_loop3A_511 : f32 to vector<16xf32>
        %parallel_loop3A_531 = arith.mulf %parallel_loop3A_530, %parallel_loop3A_529 : vector<16xf32>
        %parallel_loop3A_532 = arith.addf %parallel_loop3A_525, %parallel_loop3A_531 : vector<16xf32>
        %parallel_loop3A_533 = arith.index_cast %select_n3A_67 : i32 to index
        %parallel_loop3A_534 = arith.index_cast %parallel_loop3A_507 : i32 to index
        %parallel_loop3A_535 = arith.constant 64 : index
        %parallel_loop3A_536 = tpu.vector_load %arg11[%parallel_loop3A_533, %parallel_loop3A_534, %parallel_loop3A_535] {strides = array<i32>} : memref<2x384x128xf32, #tpu.memory_space<vmem>>, vector<16xf32>,
        %parallel_loop3A_537 = vector.broadcast %parallel_loop3A_513 : f32 to vector<16xf32>
        %parallel_loop3A_538 = arith.mulf %parallel_loop3A_537, %parallel_loop3A_536 : vector<16xf32>
        %parallel_loop3A_539 = arith.index_cast %select_n3A_67 : i32 to index
        %parallel_loop3A_540 = arith.index_cast %parallel_loop3A_507 : i32 to index
        %parallel_loop3A_541 = arith.constant 96 : index
        %parallel_loop3A_542 = tpu.vector_load %arg11[%parallel_loop3A_539, %parallel_loop3A_540, %parallel_loop3A_541] {strides = array<i32>} : memref<2x384x128xf32, #tpu.memory_space<vmem>>, vector<16xf32>,
        %parallel_loop3A_543 = vector.broadcast %parallel_loop3A_515 : f32 to vector<16xf32>
        %parallel_loop3A_544 = arith.mulf %parallel_loop3A_543, %parallel_loop3A_542 : vector<16xf32>
        %parallel_loop3A_545 = arith.addf %parallel_loop3A_538, %parallel_loop3A_544 : vector<16xf32>
        %parallel_loop3A_546 = arith.addf %parallel_loop3A_532, %parallel_loop3A_545 : vector<16xf32>
        %parallel_loop3A_547 = arith.constant 0 : i32
        %parallel_loop3A_548 = vector.broadcast %parallel_loop3A_547 : i32 to vector<16xi32>
        %parallel_loop3A_549 = arith.addi %iota3A, %parallel_loop3A_548 : vector<16xi32>
        tpu.vector_store_idx %arg12[%parallel_loop3A_549, %parallel_loop3A_519], %parallel_loop3A_546 : memref<32x384xf32, #tpu.memory_space<vmem>>[vector<16xi32>, vector<16xi32>], vector<16xf32>,
        %parallel_loop3A_550 = arith.index_cast %select_n3A_67 : i32 to index
        %parallel_loop3A_551 = arith.index_cast %parallel_loop3A_507 : i32 to index
        %parallel_loop3A_552 = arith.constant 16 : index
        %parallel_loop3A_553 = tpu.vector_load %arg11[%parallel_loop3A_550, %parallel_loop3A_551, %parallel_loop3A_552] {strides = array<i32>} : memref<2x384x128xf32, #tpu.memory_space<vmem>>, vector<16xf32>,
        %parallel_loop3A_554 = vector.broadcast %parallel_loop3A_509 : f32 to vector<16xf32>
        %parallel_loop3A_555 = arith.mulf %parallel_loop3A_554, %parallel_loop3A_553 : vector<16xf32>
        %parallel_loop3A_556 = arith.index_cast %select_n3A_67 : i32 to index
        %parallel_loop3A_557 = arith.index_cast %parallel_loop3A_507 : i32 to index
        %parallel_loop3A_558 = arith.constant 48 : index
        %parallel_loop3A_559 = tpu.vector_load %arg11[%parallel_loop3A_556, %parallel_loop3A_557, %parallel_loop3A_558] {strides = array<i32>} : memref<2x384x128xf32, #tpu.memory_space<vmem>>, vector<16xf32>,
        %parallel_loop3A_560 = vector.broadcast %parallel_loop3A_511 : f32 to vector<16xf32>
        %parallel_loop3A_561 = arith.mulf %parallel_loop3A_560, %parallel_loop3A_559 : vector<16xf32>
        %parallel_loop3A_562 = arith.addf %parallel_loop3A_555, %parallel_loop3A_561 : vector<16xf32>
        %parallel_loop3A_563 = arith.index_cast %select_n3A_67 : i32 to index
        %parallel_loop3A_564 = arith.index_cast %parallel_loop3A_507 : i32 to index
        %parallel_loop3A_565 = arith.constant 80 : index
        %parallel_loop3A_566 = tpu.vector_load %arg11[%parallel_loop3A_563, %parallel_loop3A_564, %parallel_loop3A_565] {strides = array<i32>} : memref<2x384x128xf32, #tpu.memory_space<vmem>>, vector<16xf32>,
        %parallel_loop3A_567 = vector.broadcast %parallel_loop3A_513 : f32 to vector<16xf32>
        %parallel_loop3A_568 = arith.mulf %parallel_loop3A_567, %parallel_loop3A_566 : vector<16xf32>
        %parallel_loop3A_569 = arith.index_cast %select_n3A_67 : i32 to index
        %parallel_loop3A_570 = arith.index_cast %parallel_loop3A_507 : i32 to index
        %parallel_loop3A_571 = arith.constant 112 : index
        %parallel_loop3A_572 = tpu.vector_load %arg11[%parallel_loop3A_569, %parallel_loop3A_570, %parallel_loop3A_571] {strides = array<i32>} : memref<2x384x128xf32, #tpu.memory_space<vmem>>, vector<16xf32>,
        %parallel_loop3A_573 = vector.broadcast %parallel_loop3A_515 : f32 to vector<16xf32>
        %parallel_loop3A_574 = arith.mulf %parallel_loop3A_573, %parallel_loop3A_572 : vector<16xf32>
        %parallel_loop3A_575 = arith.addf %parallel_loop3A_568, %parallel_loop3A_574 : vector<16xf32>
        %parallel_loop3A_576 = arith.addf %parallel_loop3A_562, %parallel_loop3A_575 : vector<16xf32>
        %parallel_loop3A_577 = arith.constant 16 : i32
        %parallel_loop3A_578 = vector.broadcast %parallel_loop3A_577 : i32 to vector<16xi32>
        %parallel_loop3A_579 = arith.addi %iota3A, %parallel_loop3A_578 : vector<16xi32>
        tpu.vector_store_idx %arg12[%parallel_loop3A_579, %parallel_loop3A_519], %parallel_loop3A_576 : memref<32x384xf32, #tpu.memory_space<vmem>>[vector<16xi32>, vector<16xi32>], vector<16xf32>,
        %parallel_loop3A_580 = arith.constant 16 : i32
        %parallel_loop3A_581 = arith.muli %parallel_loop3A_101, %parallel_loop3A_580 : i32
        %parallel_loop3A_582 = arith.constant 6 : i32
        %parallel_loop3A_583 = arith.addi %parallel_loop3A_581, %parallel_loop3A_582 : i32
        %parallel_loop3A_584 = vector.extract_strided_slice %parallel_loop3A_108 {offsets = [6], sizes = [1], strides = [1]} : vector<16xf32> to vector<1xf32>
        %parallel_loop3A_585 = vector.extract %parallel_loop3A_584[0] : f32 from vector<1xf32>
        %parallel_loop3A_586 = vector.extract_strided_slice %parallel_loop3A_113 {offsets = [6], sizes = [1], strides = [1]} : vector<16xf32> to vector<1xf32>
        %parallel_loop3A_587 = vector.extract %parallel_loop3A_586[0] : f32 from vector<1xf32>
        %parallel_loop3A_588 = vector.extract_strided_slice %parallel_loop3A_118 {offsets = [6], sizes = [1], strides = [1]} : vector<16xf32> to vector<1xf32>
        %parallel_loop3A_589 = vector.extract %parallel_loop3A_588[0] : f32 from vector<1xf32>
        %parallel_loop3A_590 = vector.extract_strided_slice %parallel_loop3A_123 {offsets = [6], sizes = [1], strides = [1]} : vector<16xf32> to vector<1xf32>
        %parallel_loop3A_591 = vector.extract %parallel_loop3A_590[0] : f32 from vector<1xf32>
        %parallel_loop3A_592 = arith.constant 0 : i32
        %parallel_loop3A_593 = vector.broadcast %parallel_loop3A_592 : i32 to vector<16xi32>
        %parallel_loop3A_594 = vector.broadcast %parallel_loop3A_583 : i32 to vector<16xi32>
        %parallel_loop3A_595 = arith.addi %parallel_loop3A_593, %parallel_loop3A_594 : vector<16xi32>
        %parallel_loop3A_596 = arith.index_cast %select_n3A_67 : i32 to index
        %parallel_loop3A_597 = arith.index_cast %parallel_loop3A_583 : i32 to index
        %parallel_loop3A_598 = arith.constant 0 : index
        %parallel_loop3A_599 = tpu.vector_load %arg11[%parallel_loop3A_596, %parallel_loop3A_597, %parallel_loop3A_598] {strides = array<i32>} : memref<2x384x128xf32, #tpu.memory_space<vmem>>, vector<16xf32>,
        %parallel_loop3A_600 = vector.broadcast %parallel_loop3A_585 : f32 to vector<16xf32>
        %parallel_loop3A_601 = arith.mulf %parallel_loop3A_600, %parallel_loop3A_599 : vector<16xf32>
        %parallel_loop3A_602 = arith.index_cast %select_n3A_67 : i32 to index
        %parallel_loop3A_603 = arith.index_cast %parallel_loop3A_583 : i32 to index
        %parallel_loop3A_604 = arith.constant 32 : index
        %parallel_loop3A_605 = tpu.vector_load %arg11[%parallel_loop3A_602, %parallel_loop3A_603, %parallel_loop3A_604] {strides = array<i32>} : memref<2x384x128xf32, #tpu.memory_space<vmem>>, vector<16xf32>,
        %parallel_loop3A_606 = vector.broadcast %parallel_loop3A_587 : f32 to vector<16xf32>
        %parallel_loop3A_607 = arith.mulf %parallel_loop3A_606, %parallel_loop3A_605 : vector<16xf32>
        %parallel_loop3A_608 = arith.addf %parallel_loop3A_601, %parallel_loop3A_607 : vector<16xf32>
        %parallel_loop3A_609 = arith.index_cast %select_n3A_67 : i32 to index
        %parallel_loop3A_610 = arith.index_cast %parallel_loop3A_583 : i32 to index
        %parallel_loop3A_611 = arith.constant 64 : index
        %parallel_loop3A_612 = tpu.vector_load %arg11[%parallel_loop3A_609, %parallel_loop3A_610, %parallel_loop3A_611] {strides = array<i32>} : memref<2x384x128xf32, #tpu.memory_space<vmem>>, vector<16xf32>,
        %parallel_loop3A_613 = vector.broadcast %parallel_loop3A_589 : f32 to vector<16xf32>
        %parallel_loop3A_614 = arith.mulf %parallel_loop3A_613, %parallel_loop3A_612 : vector<16xf32>
        %parallel_loop3A_615 = arith.index_cast %select_n3A_67 : i32 to index
        %parallel_loop3A_616 = arith.index_cast %parallel_loop3A_583 : i32 to index
        %parallel_loop3A_617 = arith.constant 96 : index
        %parallel_loop3A_618 = tpu.vector_load %arg11[%parallel_loop3A_615, %parallel_loop3A_616, %parallel_loop3A_617] {strides = array<i32>} : memref<2x384x128xf32, #tpu.memory_space<vmem>>, vector<16xf32>,
        %parallel_loop3A_619 = vector.broadcast %parallel_loop3A_591 : f32 to vector<16xf32>
        %parallel_loop3A_620 = arith.mulf %parallel_loop3A_619, %parallel_loop3A_618 : vector<16xf32>
        %parallel_loop3A_621 = arith.addf %parallel_loop3A_614, %parallel_loop3A_620 : vector<16xf32>
        %parallel_loop3A_622 = arith.addf %parallel_loop3A_608, %parallel_loop3A_621 : vector<16xf32>
        %parallel_loop3A_623 = arith.constant 0 : i32
        %parallel_loop3A_624 = vector.broadcast %parallel_loop3A_623 : i32 to vector<16xi32>
        %parallel_loop3A_625 = arith.addi %iota3A, %parallel_loop3A_624 : vector<16xi32>
        tpu.vector_store_idx %arg12[%parallel_loop3A_625, %parallel_loop3A_595], %parallel_loop3A_622 : memref<32x384xf32, #tpu.memory_space<vmem>>[vector<16xi32>, vector<16xi32>], vector<16xf32>,
        %parallel_loop3A_626 = arith.index_cast %select_n3A_67 : i32 to index
        %parallel_loop3A_627 = arith.index_cast %parallel_loop3A_583 : i32 to index
        %parallel_loop3A_628 = arith.constant 16 : index
        %parallel_loop3A_629 = tpu.vector_load %arg11[%parallel_loop3A_626, %parallel_loop3A_627, %parallel_loop3A_628] {strides = array<i32>} : memref<2x384x128xf32, #tpu.memory_space<vmem>>, vector<16xf32>,
        %parallel_loop3A_630 = vector.broadcast %parallel_loop3A_585 : f32 to vector<16xf32>
        %parallel_loop3A_631 = arith.mulf %parallel_loop3A_630, %parallel_loop3A_629 : vector<16xf32>
        %parallel_loop3A_632 = arith.index_cast %select_n3A_67 : i32 to index
        %parallel_loop3A_633 = arith.index_cast %parallel_loop3A_583 : i32 to index
        %parallel_loop3A_634 = arith.constant 48 : index
        %parallel_loop3A_635 = tpu.vector_load %arg11[%parallel_loop3A_632, %parallel_loop3A_633, %parallel_loop3A_634] {strides = array<i32>} : memref<2x384x128xf32, #tpu.memory_space<vmem>>, vector<16xf32>,
        %parallel_loop3A_636 = vector.broadcast %parallel_loop3A_587 : f32 to vector<16xf32>
        %parallel_loop3A_637 = arith.mulf %parallel_loop3A_636, %parallel_loop3A_635 : vector<16xf32>
        %parallel_loop3A_638 = arith.addf %parallel_loop3A_631, %parallel_loop3A_637 : vector<16xf32>
        %parallel_loop3A_639 = arith.index_cast %select_n3A_67 : i32 to index
        %parallel_loop3A_640 = arith.index_cast %parallel_loop3A_583 : i32 to index
        %parallel_loop3A_641 = arith.constant 80 : index
        %parallel_loop3A_642 = tpu.vector_load %arg11[%parallel_loop3A_639, %parallel_loop3A_640, %parallel_loop3A_641] {strides = array<i32>} : memref<2x384x128xf32, #tpu.memory_space<vmem>>, vector<16xf32>,
        %parallel_loop3A_643 = vector.broadcast %parallel_loop3A_589 : f32 to vector<16xf32>
        %parallel_loop3A_644 = arith.mulf %parallel_loop3A_643, %parallel_loop3A_642 : vector<16xf32>
        %parallel_loop3A_645 = arith.index_cast %select_n3A_67 : i32 to index
        %parallel_loop3A_646 = arith.index_cast %parallel_loop3A_583 : i32 to index
        %parallel_loop3A_647 = arith.constant 112 : index
        %parallel_loop3A_648 = tpu.vector_load %arg11[%parallel_loop3A_645, %parallel_loop3A_646, %parallel_loop3A_647] {strides = array<i32>} : memref<2x384x128xf32, #tpu.memory_space<vmem>>, vector<16xf32>,
        %parallel_loop3A_649 = vector.broadcast %parallel_loop3A_591 : f32 to vector<16xf32>
        %parallel_loop3A_650 = arith.mulf %parallel_loop3A_649, %parallel_loop3A_648 : vector<16xf32>
        %parallel_loop3A_651 = arith.addf %parallel_loop3A_644, %parallel_loop3A_650 : vector<16xf32>
        %parallel_loop3A_652 = arith.addf %parallel_loop3A_638, %parallel_loop3A_651 : vector<16xf32>
        %parallel_loop3A_653 = arith.constant 16 : i32
        %parallel_loop3A_654 = vector.broadcast %parallel_loop3A_653 : i32 to vector<16xi32>
        %parallel_loop3A_655 = arith.addi %iota3A, %parallel_loop3A_654 : vector<16xi32>
        tpu.vector_store_idx %arg12[%parallel_loop3A_655, %parallel_loop3A_595], %parallel_loop3A_652 : memref<32x384xf32, #tpu.memory_space<vmem>>[vector<16xi32>, vector<16xi32>], vector<16xf32>,
        %parallel_loop3A_656 = arith.constant 16 : i32
        %parallel_loop3A_657 = arith.muli %parallel_loop3A_101, %parallel_loop3A_656 : i32
        %parallel_loop3A_658 = arith.constant 7 : i32
        %parallel_loop3A_659 = arith.addi %parallel_loop3A_657, %parallel_loop3A_658 : i32
        %parallel_loop3A_660 = vector.extract_strided_slice %parallel_loop3A_108 {offsets = [7], sizes = [1], strides = [1]} : vector<16xf32> to vector<1xf32>
        %parallel_loop3A_661 = vector.extract %parallel_loop3A_660[0] : f32 from vector<1xf32>
        %parallel_loop3A_662 = vector.extract_strided_slice %parallel_loop3A_113 {offsets = [7], sizes = [1], strides = [1]} : vector<16xf32> to vector<1xf32>
        %parallel_loop3A_663 = vector.extract %parallel_loop3A_662[0] : f32 from vector<1xf32>
        %parallel_loop3A_664 = vector.extract_strided_slice %parallel_loop3A_118 {offsets = [7], sizes = [1], strides = [1]} : vector<16xf32> to vector<1xf32>
        %parallel_loop3A_665 = vector.extract %parallel_loop3A_664[0] : f32 from vector<1xf32>
        %parallel_loop3A_666 = vector.extract_strided_slice %parallel_loop3A_123 {offsets = [7], sizes = [1], strides = [1]} : vector<16xf32> to vector<1xf32>
        %parallel_loop3A_667 = vector.extract %parallel_loop3A_666[0] : f32 from vector<1xf32>
        %parallel_loop3A_668 = arith.constant 0 : i32
        %parallel_loop3A_669 = vector.broadcast %parallel_loop3A_668 : i32 to vector<16xi32>
        %parallel_loop3A_670 = vector.broadcast %parallel_loop3A_659 : i32 to vector<16xi32>
        %parallel_loop3A_671 = arith.addi %parallel_loop3A_669, %parallel_loop3A_670 : vector<16xi32>
        %parallel_loop3A_672 = arith.index_cast %select_n3A_67 : i32 to index
        %parallel_loop3A_673 = arith.index_cast %parallel_loop3A_659 : i32 to index
        %parallel_loop3A_674 = arith.constant 0 : index
        %parallel_loop3A_675 = tpu.vector_load %arg11[%parallel_loop3A_672, %parallel_loop3A_673, %parallel_loop3A_674] {strides = array<i32>} : memref<2x384x128xf32, #tpu.memory_space<vmem>>, vector<16xf32>,
        %parallel_loop3A_676 = vector.broadcast %parallel_loop3A_661 : f32 to vector<16xf32>
        %parallel_loop3A_677 = arith.mulf %parallel_loop3A_676, %parallel_loop3A_675 : vector<16xf32>
        %parallel_loop3A_678 = arith.index_cast %select_n3A_67 : i32 to index
        %parallel_loop3A_679 = arith.index_cast %parallel_loop3A_659 : i32 to index
        %parallel_loop3A_680 = arith.constant 32 : index
        %parallel_loop3A_681 = tpu.vector_load %arg11[%parallel_loop3A_678, %parallel_loop3A_679, %parallel_loop3A_680] {strides = array<i32>} : memref<2x384x128xf32, #tpu.memory_space<vmem>>, vector<16xf32>,
        %parallel_loop3A_682 = vector.broadcast %parallel_loop3A_663 : f32 to vector<16xf32>
        %parallel_loop3A_683 = arith.mulf %parallel_loop3A_682, %parallel_loop3A_681 : vector<16xf32>
        %parallel_loop3A_684 = arith.addf %parallel_loop3A_677, %parallel_loop3A_683 : vector<16xf32>
        %parallel_loop3A_685 = arith.index_cast %select_n3A_67 : i32 to index
        %parallel_loop3A_686 = arith.index_cast %parallel_loop3A_659 : i32 to index
        %parallel_loop3A_687 = arith.constant 64 : index
        %parallel_loop3A_688 = tpu.vector_load %arg11[%parallel_loop3A_685, %parallel_loop3A_686, %parallel_loop3A_687] {strides = array<i32>} : memref<2x384x128xf32, #tpu.memory_space<vmem>>, vector<16xf32>,
        %parallel_loop3A_689 = vector.broadcast %parallel_loop3A_665 : f32 to vector<16xf32>
        %parallel_loop3A_690 = arith.mulf %parallel_loop3A_689, %parallel_loop3A_688 : vector<16xf32>
        %parallel_loop3A_691 = arith.index_cast %select_n3A_67 : i32 to index
        %parallel_loop3A_692 = arith.index_cast %parallel_loop3A_659 : i32 to index
        %parallel_loop3A_693 = arith.constant 96 : index
        %parallel_loop3A_694 = tpu.vector_load %arg11[%parallel_loop3A_691, %parallel_loop3A_692, %parallel_loop3A_693] {strides = array<i32>} : memref<2x384x128xf32, #tpu.memory_space<vmem>>, vector<16xf32>,
        %parallel_loop3A_695 = vector.broadcast %parallel_loop3A_667 : f32 to vector<16xf32>
        %parallel_loop3A_696 = arith.mulf %parallel_loop3A_695, %parallel_loop3A_694 : vector<16xf32>
        %parallel_loop3A_697 = arith.addf %parallel_loop3A_690, %parallel_loop3A_696 : vector<16xf32>
        %parallel_loop3A_698 = arith.addf %parallel_loop3A_684, %parallel_loop3A_697 : vector<16xf32>
        %parallel_loop3A_699 = arith.constant 0 : i32
        %parallel_loop3A_700 = vector.broadcast %parallel_loop3A_699 : i32 to vector<16xi32>
        %parallel_loop3A_701 = arith.addi %iota3A, %parallel_loop3A_700 : vector<16xi32>
        tpu.vector_store_idx %arg12[%parallel_loop3A_701, %parallel_loop3A_671], %parallel_loop3A_698 : memref<32x384xf32, #tpu.memory_space<vmem>>[vector<16xi32>, vector<16xi32>], vector<16xf32>,
        %parallel_loop3A_702 = arith.index_cast %select_n3A_67 : i32 to index
        %parallel_loop3A_703 = arith.index_cast %parallel_loop3A_659 : i32 to index
        %parallel_loop3A_704 = arith.constant 16 : index
        %parallel_loop3A_705 = tpu.vector_load %arg11[%parallel_loop3A_702, %parallel_loop3A_703, %parallel_loop3A_704] {strides = array<i32>} : memref<2x384x128xf32, #tpu.memory_space<vmem>>, vector<16xf32>,
        %parallel_loop3A_706 = vector.broadcast %parallel_loop3A_661 : f32 to vector<16xf32>
        %parallel_loop3A_707 = arith.mulf %parallel_loop3A_706, %parallel_loop3A_705 : vector<16xf32>
        %parallel_loop3A_708 = arith.index_cast %select_n3A_67 : i32 to index
        %parallel_loop3A_709 = arith.index_cast %parallel_loop3A_659 : i32 to index
        %parallel_loop3A_710 = arith.constant 48 : index
        %parallel_loop3A_711 = tpu.vector_load %arg11[%parallel_loop3A_708, %parallel_loop3A_709, %parallel_loop3A_710] {strides = array<i32>} : memref<2x384x128xf32, #tpu.memory_space<vmem>>, vector<16xf32>,
        %parallel_loop3A_712 = vector.broadcast %parallel_loop3A_663 : f32 to vector<16xf32>
        %parallel_loop3A_713 = arith.mulf %parallel_loop3A_712, %parallel_loop3A_711 : vector<16xf32>
        %parallel_loop3A_714 = arith.addf %parallel_loop3A_707, %parallel_loop3A_713 : vector<16xf32>
        %parallel_loop3A_715 = arith.index_cast %select_n3A_67 : i32 to index
        %parallel_loop3A_716 = arith.index_cast %parallel_loop3A_659 : i32 to index
        %parallel_loop3A_717 = arith.constant 80 : index
        %parallel_loop3A_718 = tpu.vector_load %arg11[%parallel_loop3A_715, %parallel_loop3A_716, %parallel_loop3A_717] {strides = array<i32>} : memref<2x384x128xf32, #tpu.memory_space<vmem>>, vector<16xf32>,
        %parallel_loop3A_719 = vector.broadcast %parallel_loop3A_665 : f32 to vector<16xf32>
        %parallel_loop3A_720 = arith.mulf %parallel_loop3A_719, %parallel_loop3A_718 : vector<16xf32>
        %parallel_loop3A_721 = arith.index_cast %select_n3A_67 : i32 to index
        %parallel_loop3A_722 = arith.index_cast %parallel_loop3A_659 : i32 to index
        %parallel_loop3A_723 = arith.constant 112 : index
        %parallel_loop3A_724 = tpu.vector_load %arg11[%parallel_loop3A_721, %parallel_loop3A_722, %parallel_loop3A_723] {strides = array<i32>} : memref<2x384x128xf32, #tpu.memory_space<vmem>>, vector<16xf32>,
        %parallel_loop3A_725 = vector.broadcast %parallel_loop3A_667 : f32 to vector<16xf32>
        %parallel_loop3A_726 = arith.mulf %parallel_loop3A_725, %parallel_loop3A_724 : vector<16xf32>
        %parallel_loop3A_727 = arith.addf %parallel_loop3A_720, %parallel_loop3A_726 : vector<16xf32>
        %parallel_loop3A_728 = arith.addf %parallel_loop3A_714, %parallel_loop3A_727 : vector<16xf32>
        %parallel_loop3A_729 = arith.constant 16 : i32
        %parallel_loop3A_730 = vector.broadcast %parallel_loop3A_729 : i32 to vector<16xi32>
        %parallel_loop3A_731 = arith.addi %iota3A, %parallel_loop3A_730 : vector<16xi32>
        tpu.vector_store_idx %arg12[%parallel_loop3A_731, %parallel_loop3A_671], %parallel_loop3A_728 : memref<32x384xf32, #tpu.memory_space<vmem>>[vector<16xi32>, vector<16xi32>], vector<16xf32>,
        %parallel_loop3A_732 = arith.constant 16 : i32
        %parallel_loop3A_733 = arith.muli %parallel_loop3A_101, %parallel_loop3A_732 : i32
        %parallel_loop3A_734 = arith.constant 8 : i32
        %parallel_loop3A_735 = arith.addi %parallel_loop3A_733, %parallel_loop3A_734 : i32
        %parallel_loop3A_736 = vector.extract_strided_slice %parallel_loop3A_108 {offsets = [8], sizes = [1], strides = [1]} : vector<16xf32> to vector<1xf32>
        %parallel_loop3A_737 = vector.extract %parallel_loop3A_736[0] : f32 from vector<1xf32>
        %parallel_loop3A_738 = vector.extract_strided_slice %parallel_loop3A_113 {offsets = [8], sizes = [1], strides = [1]} : vector<16xf32> to vector<1xf32>
        %parallel_loop3A_739 = vector.extract %parallel_loop3A_738[0] : f32 from vector<1xf32>
        %parallel_loop3A_740 = vector.extract_strided_slice %parallel_loop3A_118 {offsets = [8], sizes = [1], strides = [1]} : vector<16xf32> to vector<1xf32>
        %parallel_loop3A_741 = vector.extract %parallel_loop3A_740[0] : f32 from vector<1xf32>
        %parallel_loop3A_742 = vector.extract_strided_slice %parallel_loop3A_123 {offsets = [8], sizes = [1], strides = [1]} : vector<16xf32> to vector<1xf32>
        %parallel_loop3A_743 = vector.extract %parallel_loop3A_742[0] : f32 from vector<1xf32>
        %parallel_loop3A_744 = arith.constant 0 : i32
        %parallel_loop3A_745 = vector.broadcast %parallel_loop3A_744 : i32 to vector<16xi32>
        %parallel_loop3A_746 = vector.broadcast %parallel_loop3A_735 : i32 to vector<16xi32>
        %parallel_loop3A_747 = arith.addi %parallel_loop3A_745, %parallel_loop3A_746 : vector<16xi32>
        %parallel_loop3A_748 = arith.index_cast %select_n3A_67 : i32 to index
        %parallel_loop3A_749 = arith.index_cast %parallel_loop3A_735 : i32 to index
        %parallel_loop3A_750 = arith.constant 0 : index
        %parallel_loop3A_751 = tpu.vector_load %arg11[%parallel_loop3A_748, %parallel_loop3A_749, %parallel_loop3A_750] {strides = array<i32>} : memref<2x384x128xf32, #tpu.memory_space<vmem>>, vector<16xf32>,
        %parallel_loop3A_752 = vector.broadcast %parallel_loop3A_737 : f32 to vector<16xf32>
        %parallel_loop3A_753 = arith.mulf %parallel_loop3A_752, %parallel_loop3A_751 : vector<16xf32>
        %parallel_loop3A_754 = arith.index_cast %select_n3A_67 : i32 to index
        %parallel_loop3A_755 = arith.index_cast %parallel_loop3A_735 : i32 to index
        %parallel_loop3A_756 = arith.constant 32 : index
        %parallel_loop3A_757 = tpu.vector_load %arg11[%parallel_loop3A_754, %parallel_loop3A_755, %parallel_loop3A_756] {strides = array<i32>} : memref<2x384x128xf32, #tpu.memory_space<vmem>>, vector<16xf32>,
        %parallel_loop3A_758 = vector.broadcast %parallel_loop3A_739 : f32 to vector<16xf32>
        %parallel_loop3A_759 = arith.mulf %parallel_loop3A_758, %parallel_loop3A_757 : vector<16xf32>
        %parallel_loop3A_760 = arith.addf %parallel_loop3A_753, %parallel_loop3A_759 : vector<16xf32>
        %parallel_loop3A_761 = arith.index_cast %select_n3A_67 : i32 to index
        %parallel_loop3A_762 = arith.index_cast %parallel_loop3A_735 : i32 to index
        %parallel_loop3A_763 = arith.constant 64 : index
        %parallel_loop3A_764 = tpu.vector_load %arg11[%parallel_loop3A_761, %parallel_loop3A_762, %parallel_loop3A_763] {strides = array<i32>} : memref<2x384x128xf32, #tpu.memory_space<vmem>>, vector<16xf32>,
        %parallel_loop3A_765 = vector.broadcast %parallel_loop3A_741 : f32 to vector<16xf32>
        %parallel_loop3A_766 = arith.mulf %parallel_loop3A_765, %parallel_loop3A_764 : vector<16xf32>
        %parallel_loop3A_767 = arith.index_cast %select_n3A_67 : i32 to index
        %parallel_loop3A_768 = arith.index_cast %parallel_loop3A_735 : i32 to index
        %parallel_loop3A_769 = arith.constant 96 : index
        %parallel_loop3A_770 = tpu.vector_load %arg11[%parallel_loop3A_767, %parallel_loop3A_768, %parallel_loop3A_769] {strides = array<i32>} : memref<2x384x128xf32, #tpu.memory_space<vmem>>, vector<16xf32>,
        %parallel_loop3A_771 = vector.broadcast %parallel_loop3A_743 : f32 to vector<16xf32>
        %parallel_loop3A_772 = arith.mulf %parallel_loop3A_771, %parallel_loop3A_770 : vector<16xf32>
        %parallel_loop3A_773 = arith.addf %parallel_loop3A_766, %parallel_loop3A_772 : vector<16xf32>
        %parallel_loop3A_774 = arith.addf %parallel_loop3A_760, %parallel_loop3A_773 : vector<16xf32>
        %parallel_loop3A_775 = arith.constant 0 : i32
        %parallel_loop3A_776 = vector.broadcast %parallel_loop3A_775 : i32 to vector<16xi32>
        %parallel_loop3A_777 = arith.addi %iota3A, %parallel_loop3A_776 : vector<16xi32>
        tpu.vector_store_idx %arg12[%parallel_loop3A_777, %parallel_loop3A_747], %parallel_loop3A_774 : memref<32x384xf32, #tpu.memory_space<vmem>>[vector<16xi32>, vector<16xi32>], vector<16xf32>,
        %parallel_loop3A_778 = arith.index_cast %select_n3A_67 : i32 to index
        %parallel_loop3A_779 = arith.index_cast %parallel_loop3A_735 : i32 to index
        %parallel_loop3A_780 = arith.constant 16 : index
        %parallel_loop3A_781 = tpu.vector_load %arg11[%parallel_loop3A_778, %parallel_loop3A_779, %parallel_loop3A_780] {strides = array<i32>} : memref<2x384x128xf32, #tpu.memory_space<vmem>>, vector<16xf32>,
        %parallel_loop3A_782 = vector.broadcast %parallel_loop3A_737 : f32 to vector<16xf32>
        %parallel_loop3A_783 = arith.mulf %parallel_loop3A_782, %parallel_loop3A_781 : vector<16xf32>
        %parallel_loop3A_784 = arith.index_cast %select_n3A_67 : i32 to index
        %parallel_loop3A_785 = arith.index_cast %parallel_loop3A_735 : i32 to index
        %parallel_loop3A_786 = arith.constant 48 : index
        %parallel_loop3A_787 = tpu.vector_load %arg11[%parallel_loop3A_784, %parallel_loop3A_785, %parallel_loop3A_786] {strides = array<i32>} : memref<2x384x128xf32, #tpu.memory_space<vmem>>, vector<16xf32>,
        %parallel_loop3A_788 = vector.broadcast %parallel_loop3A_739 : f32 to vector<16xf32>
        %parallel_loop3A_789 = arith.mulf %parallel_loop3A_788, %parallel_loop3A_787 : vector<16xf32>
        %parallel_loop3A_790 = arith.addf %parallel_loop3A_783, %parallel_loop3A_789 : vector<16xf32>
        %parallel_loop3A_791 = arith.index_cast %select_n3A_67 : i32 to index
        %parallel_loop3A_792 = arith.index_cast %parallel_loop3A_735 : i32 to index
        %parallel_loop3A_793 = arith.constant 80 : index
        %parallel_loop3A_794 = tpu.vector_load %arg11[%parallel_loop3A_791, %parallel_loop3A_792, %parallel_loop3A_793] {strides = array<i32>} : memref<2x384x128xf32, #tpu.memory_space<vmem>>, vector<16xf32>,
        %parallel_loop3A_795 = vector.broadcast %parallel_loop3A_741 : f32 to vector<16xf32>
        %parallel_loop3A_796 = arith.mulf %parallel_loop3A_795, %parallel_loop3A_794 : vector<16xf32>
        %parallel_loop3A_797 = arith.index_cast %select_n3A_67 : i32 to index
        %parallel_loop3A_798 = arith.index_cast %parallel_loop3A_735 : i32 to index
        %parallel_loop3A_799 = arith.constant 112 : index
        %parallel_loop3A_800 = tpu.vector_load %arg11[%parallel_loop3A_797, %parallel_loop3A_798, %parallel_loop3A_799] {strides = array<i32>} : memref<2x384x128xf32, #tpu.memory_space<vmem>>, vector<16xf32>,
        %parallel_loop3A_801 = vector.broadcast %parallel_loop3A_743 : f32 to vector<16xf32>
        %parallel_loop3A_802 = arith.mulf %parallel_loop3A_801, %parallel_loop3A_800 : vector<16xf32>
        %parallel_loop3A_803 = arith.addf %parallel_loop3A_796, %parallel_loop3A_802 : vector<16xf32>
        %parallel_loop3A_804 = arith.addf %parallel_loop3A_790, %parallel_loop3A_803 : vector<16xf32>
        %parallel_loop3A_805 = arith.constant 16 : i32
        %parallel_loop3A_806 = vector.broadcast %parallel_loop3A_805 : i32 to vector<16xi32>
        %parallel_loop3A_807 = arith.addi %iota3A, %parallel_loop3A_806 : vector<16xi32>
        tpu.vector_store_idx %arg12[%parallel_loop3A_807, %parallel_loop3A_747], %parallel_loop3A_804 : memref<32x384xf32, #tpu.memory_space<vmem>>[vector<16xi32>, vector<16xi32>], vector<16xf32>,
        %parallel_loop3A_808 = arith.constant 16 : i32
        %parallel_loop3A_809 = arith.muli %parallel_loop3A_101, %parallel_loop3A_808 : i32
        %parallel_loop3A_810 = arith.constant 9 : i32
        %parallel_loop3A_811 = arith.addi %parallel_loop3A_809, %parallel_loop3A_810 : i32
        %parallel_loop3A_812 = vector.extract_strided_slice %parallel_loop3A_108 {offsets = [9], sizes = [1], strides = [1]} : vector<16xf32> to vector<1xf32>
        %parallel_loop3A_813 = vector.extract %parallel_loop3A_812[0] : f32 from vector<1xf32>
        %parallel_loop3A_814 = vector.extract_strided_slice %parallel_loop3A_113 {offsets = [9], sizes = [1], strides = [1]} : vector<16xf32> to vector<1xf32>
        %parallel_loop3A_815 = vector.extract %parallel_loop3A_814[0] : f32 from vector<1xf32>
        %parallel_loop3A_816 = vector.extract_strided_slice %parallel_loop3A_118 {offsets = [9], sizes = [1], strides = [1]} : vector<16xf32> to vector<1xf32>
        %parallel_loop3A_817 = vector.extract %parallel_loop3A_816[0] : f32 from vector<1xf32>
        %parallel_loop3A_818 = vector.extract_strided_slice %parallel_loop3A_123 {offsets = [9], sizes = [1], strides = [1]} : vector<16xf32> to vector<1xf32>
        %parallel_loop3A_819 = vector.extract %parallel_loop3A_818[0] : f32 from vector<1xf32>
        %parallel_loop3A_820 = arith.constant 0 : i32
        %parallel_loop3A_821 = vector.broadcast %parallel_loop3A_820 : i32 to vector<16xi32>
        %parallel_loop3A_822 = vector.broadcast %parallel_loop3A_811 : i32 to vector<16xi32>
        %parallel_loop3A_823 = arith.addi %parallel_loop3A_821, %parallel_loop3A_822 : vector<16xi32>
        %parallel_loop3A_824 = arith.index_cast %select_n3A_67 : i32 to index
        %parallel_loop3A_825 = arith.index_cast %parallel_loop3A_811 : i32 to index
        %parallel_loop3A_826 = arith.constant 0 : index
        %parallel_loop3A_827 = tpu.vector_load %arg11[%parallel_loop3A_824, %parallel_loop3A_825, %parallel_loop3A_826] {strides = array<i32>} : memref<2x384x128xf32, #tpu.memory_space<vmem>>, vector<16xf32>,
        %parallel_loop3A_828 = vector.broadcast %parallel_loop3A_813 : f32 to vector<16xf32>
        %parallel_loop3A_829 = arith.mulf %parallel_loop3A_828, %parallel_loop3A_827 : vector<16xf32>
        %parallel_loop3A_830 = arith.index_cast %select_n3A_67 : i32 to index
        %parallel_loop3A_831 = arith.index_cast %parallel_loop3A_811 : i32 to index
        %parallel_loop3A_832 = arith.constant 32 : index
        %parallel_loop3A_833 = tpu.vector_load %arg11[%parallel_loop3A_830, %parallel_loop3A_831, %parallel_loop3A_832] {strides = array<i32>} : memref<2x384x128xf32, #tpu.memory_space<vmem>>, vector<16xf32>,
        %parallel_loop3A_834 = vector.broadcast %parallel_loop3A_815 : f32 to vector<16xf32>
        %parallel_loop3A_835 = arith.mulf %parallel_loop3A_834, %parallel_loop3A_833 : vector<16xf32>
        %parallel_loop3A_836 = arith.addf %parallel_loop3A_829, %parallel_loop3A_835 : vector<16xf32>
        %parallel_loop3A_837 = arith.index_cast %select_n3A_67 : i32 to index
        %parallel_loop3A_838 = arith.index_cast %parallel_loop3A_811 : i32 to index
        %parallel_loop3A_839 = arith.constant 64 : index
        %parallel_loop3A_840 = tpu.vector_load %arg11[%parallel_loop3A_837, %parallel_loop3A_838, %parallel_loop3A_839] {strides = array<i32>} : memref<2x384x128xf32, #tpu.memory_space<vmem>>, vector<16xf32>,
        %parallel_loop3A_841 = vector.broadcast %parallel_loop3A_817 : f32 to vector<16xf32>
        %parallel_loop3A_842 = arith.mulf %parallel_loop3A_841, %parallel_loop3A_840 : vector<16xf32>
        %parallel_loop3A_843 = arith.index_cast %select_n3A_67 : i32 to index
        %parallel_loop3A_844 = arith.index_cast %parallel_loop3A_811 : i32 to index
        %parallel_loop3A_845 = arith.constant 96 : index
        %parallel_loop3A_846 = tpu.vector_load %arg11[%parallel_loop3A_843, %parallel_loop3A_844, %parallel_loop3A_845] {strides = array<i32>} : memref<2x384x128xf32, #tpu.memory_space<vmem>>, vector<16xf32>,
        %parallel_loop3A_847 = vector.broadcast %parallel_loop3A_819 : f32 to vector<16xf32>
        %parallel_loop3A_848 = arith.mulf %parallel_loop3A_847, %parallel_loop3A_846 : vector<16xf32>
        %parallel_loop3A_849 = arith.addf %parallel_loop3A_842, %parallel_loop3A_848 : vector<16xf32>
        %parallel_loop3A_850 = arith.addf %parallel_loop3A_836, %parallel_loop3A_849 : vector<16xf32>
        %parallel_loop3A_851 = arith.constant 0 : i32
        %parallel_loop3A_852 = vector.broadcast %parallel_loop3A_851 : i32 to vector<16xi32>
        %parallel_loop3A_853 = arith.addi %iota3A, %parallel_loop3A_852 : vector<16xi32>
        tpu.vector_store_idx %arg12[%parallel_loop3A_853, %parallel_loop3A_823], %parallel_loop3A_850 : memref<32x384xf32, #tpu.memory_space<vmem>>[vector<16xi32>, vector<16xi32>], vector<16xf32>,
        %parallel_loop3A_854 = arith.index_cast %select_n3A_67 : i32 to index
        %parallel_loop3A_855 = arith.index_cast %parallel_loop3A_811 : i32 to index
        %parallel_loop3A_856 = arith.constant 16 : index
        %parallel_loop3A_857 = tpu.vector_load %arg11[%parallel_loop3A_854, %parallel_loop3A_855, %parallel_loop3A_856] {strides = array<i32>} : memref<2x384x128xf32, #tpu.memory_space<vmem>>, vector<16xf32>,
        %parallel_loop3A_858 = vector.broadcast %parallel_loop3A_813 : f32 to vector<16xf32>
        %parallel_loop3A_859 = arith.mulf %parallel_loop3A_858, %parallel_loop3A_857 : vector<16xf32>
        %parallel_loop3A_860 = arith.index_cast %select_n3A_67 : i32 to index
        %parallel_loop3A_861 = arith.index_cast %parallel_loop3A_811 : i32 to index
        %parallel_loop3A_862 = arith.constant 48 : index
        %parallel_loop3A_863 = tpu.vector_load %arg11[%parallel_loop3A_860, %parallel_loop3A_861, %parallel_loop3A_862] {strides = array<i32>} : memref<2x384x128xf32, #tpu.memory_space<vmem>>, vector<16xf32>,
        %parallel_loop3A_864 = vector.broadcast %parallel_loop3A_815 : f32 to vector<16xf32>
        %parallel_loop3A_865 = arith.mulf %parallel_loop3A_864, %parallel_loop3A_863 : vector<16xf32>
        %parallel_loop3A_866 = arith.addf %parallel_loop3A_859, %parallel_loop3A_865 : vector<16xf32>
        %parallel_loop3A_867 = arith.index_cast %select_n3A_67 : i32 to index
        %parallel_loop3A_868 = arith.index_cast %parallel_loop3A_811 : i32 to index
        %parallel_loop3A_869 = arith.constant 80 : index
        %parallel_loop3A_870 = tpu.vector_load %arg11[%parallel_loop3A_867, %parallel_loop3A_868, %parallel_loop3A_869] {strides = array<i32>} : memref<2x384x128xf32, #tpu.memory_space<vmem>>, vector<16xf32>,
        %parallel_loop3A_871 = vector.broadcast %parallel_loop3A_817 : f32 to vector<16xf32>
        %parallel_loop3A_872 = arith.mulf %parallel_loop3A_871, %parallel_loop3A_870 : vector<16xf32>
        %parallel_loop3A_873 = arith.index_cast %select_n3A_67 : i32 to index
        %parallel_loop3A_874 = arith.index_cast %parallel_loop3A_811 : i32 to index
        %parallel_loop3A_875 = arith.constant 112 : index
        %parallel_loop3A_876 = tpu.vector_load %arg11[%parallel_loop3A_873, %parallel_loop3A_874, %parallel_loop3A_875] {strides = array<i32>} : memref<2x384x128xf32, #tpu.memory_space<vmem>>, vector<16xf32>,
        %parallel_loop3A_877 = vector.broadcast %parallel_loop3A_819 : f32 to vector<16xf32>
        %parallel_loop3A_878 = arith.mulf %parallel_loop3A_877, %parallel_loop3A_876 : vector<16xf32>
        %parallel_loop3A_879 = arith.addf %parallel_loop3A_872, %parallel_loop3A_878 : vector<16xf32>
        %parallel_loop3A_880 = arith.addf %parallel_loop3A_866, %parallel_loop3A_879 : vector<16xf32>
        %parallel_loop3A_881 = arith.constant 16 : i32
        %parallel_loop3A_882 = vector.broadcast %parallel_loop3A_881 : i32 to vector<16xi32>
        %parallel_loop3A_883 = arith.addi %iota3A, %parallel_loop3A_882 : vector<16xi32>
        tpu.vector_store_idx %arg12[%parallel_loop3A_883, %parallel_loop3A_823], %parallel_loop3A_880 : memref<32x384xf32, #tpu.memory_space<vmem>>[vector<16xi32>, vector<16xi32>], vector<16xf32>,
        %parallel_loop3A_884 = arith.constant 16 : i32
        %parallel_loop3A_885 = arith.muli %parallel_loop3A_101, %parallel_loop3A_884 : i32
        %parallel_loop3A_886 = arith.constant 10 : i32
        %parallel_loop3A_887 = arith.addi %parallel_loop3A_885, %parallel_loop3A_886 : i32
        %parallel_loop3A_888 = vector.extract_strided_slice %parallel_loop3A_108 {offsets = [10], sizes = [1], strides = [1]} : vector<16xf32> to vector<1xf32>
        %parallel_loop3A_889 = vector.extract %parallel_loop3A_888[0] : f32 from vector<1xf32>
        %parallel_loop3A_890 = vector.extract_strided_slice %parallel_loop3A_113 {offsets = [10], sizes = [1], strides = [1]} : vector<16xf32> to vector<1xf32>
        %parallel_loop3A_891 = vector.extract %parallel_loop3A_890[0] : f32 from vector<1xf32>
        %parallel_loop3A_892 = vector.extract_strided_slice %parallel_loop3A_118 {offsets = [10], sizes = [1], strides = [1]} : vector<16xf32> to vector<1xf32>
        %parallel_loop3A_893 = vector.extract %parallel_loop3A_892[0] : f32 from vector<1xf32>
        %parallel_loop3A_894 = vector.extract_strided_slice %parallel_loop3A_123 {offsets = [10], sizes = [1], strides = [1]} : vector<16xf32> to vector<1xf32>
        %parallel_loop3A_895 = vector.extract %parallel_loop3A_894[0] : f32 from vector<1xf32>
        %parallel_loop3A_896 = arith.constant 0 : i32
        %parallel_loop3A_897 = vector.broadcast %parallel_loop3A_896 : i32 to vector<16xi32>
        %parallel_loop3A_898 = vector.broadcast %parallel_loop3A_887 : i32 to vector<16xi32>
        %parallel_loop3A_899 = arith.addi %parallel_loop3A_897, %parallel_loop3A_898 : vector<16xi32>
        %parallel_loop3A_900 = arith.index_cast %select_n3A_67 : i32 to index
        %parallel_loop3A_901 = arith.index_cast %parallel_loop3A_887 : i32 to index
        %parallel_loop3A_902 = arith.constant 0 : index
        %parallel_loop3A_903 = tpu.vector_load %arg11[%parallel_loop3A_900, %parallel_loop3A_901, %parallel_loop3A_902] {strides = array<i32>} : memref<2x384x128xf32, #tpu.memory_space<vmem>>, vector<16xf32>,
        %parallel_loop3A_904 = vector.broadcast %parallel_loop3A_889 : f32 to vector<16xf32>
        %parallel_loop3A_905 = arith.mulf %parallel_loop3A_904, %parallel_loop3A_903 : vector<16xf32>
        %parallel_loop3A_906 = arith.index_cast %select_n3A_67 : i32 to index
        %parallel_loop3A_907 = arith.index_cast %parallel_loop3A_887 : i32 to index
        %parallel_loop3A_908 = arith.constant 32 : index
        %parallel_loop3A_909 = tpu.vector_load %arg11[%parallel_loop3A_906, %parallel_loop3A_907, %parallel_loop3A_908] {strides = array<i32>} : memref<2x384x128xf32, #tpu.memory_space<vmem>>, vector<16xf32>,
        %parallel_loop3A_910 = vector.broadcast %parallel_loop3A_891 : f32 to vector<16xf32>
        %parallel_loop3A_911 = arith.mulf %parallel_loop3A_910, %parallel_loop3A_909 : vector<16xf32>
        %parallel_loop3A_912 = arith.addf %parallel_loop3A_905, %parallel_loop3A_911 : vector<16xf32>
        %parallel_loop3A_913 = arith.index_cast %select_n3A_67 : i32 to index
        %parallel_loop3A_914 = arith.index_cast %parallel_loop3A_887 : i32 to index
        %parallel_loop3A_915 = arith.constant 64 : index
        %parallel_loop3A_916 = tpu.vector_load %arg11[%parallel_loop3A_913, %parallel_loop3A_914, %parallel_loop3A_915] {strides = array<i32>} : memref<2x384x128xf32, #tpu.memory_space<vmem>>, vector<16xf32>,
        %parallel_loop3A_917 = vector.broadcast %parallel_loop3A_893 : f32 to vector<16xf32>
        %parallel_loop3A_918 = arith.mulf %parallel_loop3A_917, %parallel_loop3A_916 : vector<16xf32>
        %parallel_loop3A_919 = arith.index_cast %select_n3A_67 : i32 to index
        %parallel_loop3A_920 = arith.index_cast %parallel_loop3A_887 : i32 to index
        %parallel_loop3A_921 = arith.constant 96 : index
        %parallel_loop3A_922 = tpu.vector_load %arg11[%parallel_loop3A_919, %parallel_loop3A_920, %parallel_loop3A_921] {strides = array<i32>} : memref<2x384x128xf32, #tpu.memory_space<vmem>>, vector<16xf32>,
        %parallel_loop3A_923 = vector.broadcast %parallel_loop3A_895 : f32 to vector<16xf32>
        %parallel_loop3A_924 = arith.mulf %parallel_loop3A_923, %parallel_loop3A_922 : vector<16xf32>
        %parallel_loop3A_925 = arith.addf %parallel_loop3A_918, %parallel_loop3A_924 : vector<16xf32>
        %parallel_loop3A_926 = arith.addf %parallel_loop3A_912, %parallel_loop3A_925 : vector<16xf32>
        %parallel_loop3A_927 = arith.constant 0 : i32
        %parallel_loop3A_928 = vector.broadcast %parallel_loop3A_927 : i32 to vector<16xi32>
        %parallel_loop3A_929 = arith.addi %iota3A, %parallel_loop3A_928 : vector<16xi32>
        tpu.vector_store_idx %arg12[%parallel_loop3A_929, %parallel_loop3A_899], %parallel_loop3A_926 : memref<32x384xf32, #tpu.memory_space<vmem>>[vector<16xi32>, vector<16xi32>], vector<16xf32>,
        %parallel_loop3A_930 = arith.index_cast %select_n3A_67 : i32 to index
        %parallel_loop3A_931 = arith.index_cast %parallel_loop3A_887 : i32 to index
        %parallel_loop3A_932 = arith.constant 16 : index
        %parallel_loop3A_933 = tpu.vector_load %arg11[%parallel_loop3A_930, %parallel_loop3A_931, %parallel_loop3A_932] {strides = array<i32>} : memref<2x384x128xf32, #tpu.memory_space<vmem>>, vector<16xf32>,
        %parallel_loop3A_934 = vector.broadcast %parallel_loop3A_889 : f32 to vector<16xf32>
        %parallel_loop3A_935 = arith.mulf %parallel_loop3A_934, %parallel_loop3A_933 : vector<16xf32>
        %parallel_loop3A_936 = arith.index_cast %select_n3A_67 : i32 to index
        %parallel_loop3A_937 = arith.index_cast %parallel_loop3A_887 : i32 to index
        %parallel_loop3A_938 = arith.constant 48 : index
        %parallel_loop3A_939 = tpu.vector_load %arg11[%parallel_loop3A_936, %parallel_loop3A_937, %parallel_loop3A_938] {strides = array<i32>} : memref<2x384x128xf32, #tpu.memory_space<vmem>>, vector<16xf32>,
        %parallel_loop3A_940 = vector.broadcast %parallel_loop3A_891 : f32 to vector<16xf32>
        %parallel_loop3A_941 = arith.mulf %parallel_loop3A_940, %parallel_loop3A_939 : vector<16xf32>
        %parallel_loop3A_942 = arith.addf %parallel_loop3A_935, %parallel_loop3A_941 : vector<16xf32>
        %parallel_loop3A_943 = arith.index_cast %select_n3A_67 : i32 to index
        %parallel_loop3A_944 = arith.index_cast %parallel_loop3A_887 : i32 to index
        %parallel_loop3A_945 = arith.constant 80 : index
        %parallel_loop3A_946 = tpu.vector_load %arg11[%parallel_loop3A_943, %parallel_loop3A_944, %parallel_loop3A_945] {strides = array<i32>} : memref<2x384x128xf32, #tpu.memory_space<vmem>>, vector<16xf32>,
        %parallel_loop3A_947 = vector.broadcast %parallel_loop3A_893 : f32 to vector<16xf32>
        %parallel_loop3A_948 = arith.mulf %parallel_loop3A_947, %parallel_loop3A_946 : vector<16xf32>
        %parallel_loop3A_949 = arith.index_cast %select_n3A_67 : i32 to index
        %parallel_loop3A_950 = arith.index_cast %parallel_loop3A_887 : i32 to index
        %parallel_loop3A_951 = arith.constant 112 : index
        %parallel_loop3A_952 = tpu.vector_load %arg11[%parallel_loop3A_949, %parallel_loop3A_950, %parallel_loop3A_951] {strides = array<i32>} : memref<2x384x128xf32, #tpu.memory_space<vmem>>, vector<16xf32>,
        %parallel_loop3A_953 = vector.broadcast %parallel_loop3A_895 : f32 to vector<16xf32>
        %parallel_loop3A_954 = arith.mulf %parallel_loop3A_953, %parallel_loop3A_952 : vector<16xf32>
        %parallel_loop3A_955 = arith.addf %parallel_loop3A_948, %parallel_loop3A_954 : vector<16xf32>
        %parallel_loop3A_956 = arith.addf %parallel_loop3A_942, %parallel_loop3A_955 : vector<16xf32>
        %parallel_loop3A_957 = arith.constant 16 : i32
        %parallel_loop3A_958 = vector.broadcast %parallel_loop3A_957 : i32 to vector<16xi32>
        %parallel_loop3A_959 = arith.addi %iota3A, %parallel_loop3A_958 : vector<16xi32>
        tpu.vector_store_idx %arg12[%parallel_loop3A_959, %parallel_loop3A_899], %parallel_loop3A_956 : memref<32x384xf32, #tpu.memory_space<vmem>>[vector<16xi32>, vector<16xi32>], vector<16xf32>,
        %parallel_loop3A_960 = arith.constant 16 : i32
        %parallel_loop3A_961 = arith.muli %parallel_loop3A_101, %parallel_loop3A_960 : i32
        %parallel_loop3A_962 = arith.constant 11 : i32
        %parallel_loop3A_963 = arith.addi %parallel_loop3A_961, %parallel_loop3A_962 : i32
        %parallel_loop3A_964 = vector.extract_strided_slice %parallel_loop3A_108 {offsets = [11], sizes = [1], strides = [1]} : vector<16xf32> to vector<1xf32>
        %parallel_loop3A_965 = vector.extract %parallel_loop3A_964[0] : f32 from vector<1xf32>
        %parallel_loop3A_966 = vector.extract_strided_slice %parallel_loop3A_113 {offsets = [11], sizes = [1], strides = [1]} : vector<16xf32> to vector<1xf32>
        %parallel_loop3A_967 = vector.extract %parallel_loop3A_966[0] : f32 from vector<1xf32>
        %parallel_loop3A_968 = vector.extract_strided_slice %parallel_loop3A_118 {offsets = [11], sizes = [1], strides = [1]} : vector<16xf32> to vector<1xf32>
        %parallel_loop3A_969 = vector.extract %parallel_loop3A_968[0] : f32 from vector<1xf32>
        %parallel_loop3A_970 = vector.extract_strided_slice %parallel_loop3A_123 {offsets = [11], sizes = [1], strides = [1]} : vector<16xf32> to vector<1xf32>
        %parallel_loop3A_971 = vector.extract %parallel_loop3A_970[0] : f32 from vector<1xf32>
        %parallel_loop3A_972 = arith.constant 0 : i32
        %parallel_loop3A_973 = vector.broadcast %parallel_loop3A_972 : i32 to vector<16xi32>
        %parallel_loop3A_974 = vector.broadcast %parallel_loop3A_963 : i32 to vector<16xi32>
        %parallel_loop3A_975 = arith.addi %parallel_loop3A_973, %parallel_loop3A_974 : vector<16xi32>
        %parallel_loop3A_976 = arith.index_cast %select_n3A_67 : i32 to index
        %parallel_loop3A_977 = arith.index_cast %parallel_loop3A_963 : i32 to index
        %parallel_loop3A_978 = arith.constant 0 : index
        %parallel_loop3A_979 = tpu.vector_load %arg11[%parallel_loop3A_976, %parallel_loop3A_977, %parallel_loop3A_978] {strides = array<i32>} : memref<2x384x128xf32, #tpu.memory_space<vmem>>, vector<16xf32>,
        %parallel_loop3A_980 = vector.broadcast %parallel_loop3A_965 : f32 to vector<16xf32>
        %parallel_loop3A_981 = arith.mulf %parallel_loop3A_980, %parallel_loop3A_979 : vector<16xf32>
        %parallel_loop3A_982 = arith.index_cast %select_n3A_67 : i32 to index
        %parallel_loop3A_983 = arith.index_cast %parallel_loop3A_963 : i32 to index
        %parallel_loop3A_984 = arith.constant 32 : index
        %parallel_loop3A_985 = tpu.vector_load %arg11[%parallel_loop3A_982, %parallel_loop3A_983, %parallel_loop3A_984] {strides = array<i32>} : memref<2x384x128xf32, #tpu.memory_space<vmem>>, vector<16xf32>,
        %parallel_loop3A_986 = vector.broadcast %parallel_loop3A_967 : f32 to vector<16xf32>
        %parallel_loop3A_987 = arith.mulf %parallel_loop3A_986, %parallel_loop3A_985 : vector<16xf32>
        %parallel_loop3A_988 = arith.addf %parallel_loop3A_981, %parallel_loop3A_987 : vector<16xf32>
        %parallel_loop3A_989 = arith.index_cast %select_n3A_67 : i32 to index
        %parallel_loop3A_990 = arith.index_cast %parallel_loop3A_963 : i32 to index
        %parallel_loop3A_991 = arith.constant 64 : index
        %parallel_loop3A_992 = tpu.vector_load %arg11[%parallel_loop3A_989, %parallel_loop3A_990, %parallel_loop3A_991] {strides = array<i32>} : memref<2x384x128xf32, #tpu.memory_space<vmem>>, vector<16xf32>,
        %parallel_loop3A_993 = vector.broadcast %parallel_loop3A_969 : f32 to vector<16xf32>
        %parallel_loop3A_994 = arith.mulf %parallel_loop3A_993, %parallel_loop3A_992 : vector<16xf32>
        %parallel_loop3A_995 = arith.index_cast %select_n3A_67 : i32 to index
        %parallel_loop3A_996 = arith.index_cast %parallel_loop3A_963 : i32 to index
        %parallel_loop3A_997 = arith.constant 96 : index
        %parallel_loop3A_998 = tpu.vector_load %arg11[%parallel_loop3A_995, %parallel_loop3A_996, %parallel_loop3A_997] {strides = array<i32>} : memref<2x384x128xf32, #tpu.memory_space<vmem>>, vector<16xf32>,
        %parallel_loop3A_999 = vector.broadcast %parallel_loop3A_971 : f32 to vector<16xf32>
        %parallel_loop3A_1000 = arith.mulf %parallel_loop3A_999, %parallel_loop3A_998 : vector<16xf32>
        %parallel_loop3A_1001 = arith.addf %parallel_loop3A_994, %parallel_loop3A_1000 : vector<16xf32>
        %parallel_loop3A_1002 = arith.addf %parallel_loop3A_988, %parallel_loop3A_1001 : vector<16xf32>
        %parallel_loop3A_1003 = arith.constant 0 : i32
        %parallel_loop3A_1004 = vector.broadcast %parallel_loop3A_1003 : i32 to vector<16xi32>
        %parallel_loop3A_1005 = arith.addi %iota3A, %parallel_loop3A_1004 : vector<16xi32>
        tpu.vector_store_idx %arg12[%parallel_loop3A_1005, %parallel_loop3A_975], %parallel_loop3A_1002 : memref<32x384xf32, #tpu.memory_space<vmem>>[vector<16xi32>, vector<16xi32>], vector<16xf32>,
        %parallel_loop3A_1006 = arith.index_cast %select_n3A_67 : i32 to index
        %parallel_loop3A_1007 = arith.index_cast %parallel_loop3A_963 : i32 to index
        %parallel_loop3A_1008 = arith.constant 16 : index
        %parallel_loop3A_1009 = tpu.vector_load %arg11[%parallel_loop3A_1006, %parallel_loop3A_1007, %parallel_loop3A_1008] {strides = array<i32>} : memref<2x384x128xf32, #tpu.memory_space<vmem>>, vector<16xf32>,
        %parallel_loop3A_1010 = vector.broadcast %parallel_loop3A_965 : f32 to vector<16xf32>
        %parallel_loop3A_1011 = arith.mulf %parallel_loop3A_1010, %parallel_loop3A_1009 : vector<16xf32>
        %parallel_loop3A_1012 = arith.index_cast %select_n3A_67 : i32 to index
        %parallel_loop3A_1013 = arith.index_cast %parallel_loop3A_963 : i32 to index
        %parallel_loop3A_1014 = arith.constant 48 : index
        %parallel_loop3A_1015 = tpu.vector_load %arg11[%parallel_loop3A_1012, %parallel_loop3A_1013, %parallel_loop3A_1014] {strides = array<i32>} : memref<2x384x128xf32, #tpu.memory_space<vmem>>, vector<16xf32>,
        %parallel_loop3A_1016 = vector.broadcast %parallel_loop3A_967 : f32 to vector<16xf32>
        %parallel_loop3A_1017 = arith.mulf %parallel_loop3A_1016, %parallel_loop3A_1015 : vector<16xf32>
        %parallel_loop3A_1018 = arith.addf %parallel_loop3A_1011, %parallel_loop3A_1017 : vector<16xf32>
        %parallel_loop3A_1019 = arith.index_cast %select_n3A_67 : i32 to index
        %parallel_loop3A_1020 = arith.index_cast %parallel_loop3A_963 : i32 to index
        %parallel_loop3A_1021 = arith.constant 80 : index
        %parallel_loop3A_1022 = tpu.vector_load %arg11[%parallel_loop3A_1019, %parallel_loop3A_1020, %parallel_loop3A_1021] {strides = array<i32>} : memref<2x384x128xf32, #tpu.memory_space<vmem>>, vector<16xf32>,
        %parallel_loop3A_1023 = vector.broadcast %parallel_loop3A_969 : f32 to vector<16xf32>
        %parallel_loop3A_1024 = arith.mulf %parallel_loop3A_1023, %parallel_loop3A_1022 : vector<16xf32>
        %parallel_loop3A_1025 = arith.index_cast %select_n3A_67 : i32 to index
        %parallel_loop3A_1026 = arith.index_cast %parallel_loop3A_963 : i32 to index
        %parallel_loop3A_1027 = arith.constant 112 : index
        %parallel_loop3A_1028 = tpu.vector_load %arg11[%parallel_loop3A_1025, %parallel_loop3A_1026, %parallel_loop3A_1027] {strides = array<i32>} : memref<2x384x128xf32, #tpu.memory_space<vmem>>, vector<16xf32>,
        %parallel_loop3A_1029 = vector.broadcast %parallel_loop3A_971 : f32 to vector<16xf32>
        %parallel_loop3A_1030 = arith.mulf %parallel_loop3A_1029, %parallel_loop3A_1028 : vector<16xf32>
        %parallel_loop3A_1031 = arith.addf %parallel_loop3A_1024, %parallel_loop3A_1030 : vector<16xf32>
        %parallel_loop3A_1032 = arith.addf %parallel_loop3A_1018, %parallel_loop3A_1031 : vector<16xf32>
        %parallel_loop3A_1033 = arith.constant 16 : i32
        %parallel_loop3A_1034 = vector.broadcast %parallel_loop3A_1033 : i32 to vector<16xi32>
        %parallel_loop3A_1035 = arith.addi %iota3A, %parallel_loop3A_1034 : vector<16xi32>
        tpu.vector_store_idx %arg12[%parallel_loop3A_1035, %parallel_loop3A_975], %parallel_loop3A_1032 : memref<32x384xf32, #tpu.memory_space<vmem>>[vector<16xi32>, vector<16xi32>], vector<16xf32>,
        %parallel_loop3A_1036 = arith.constant 16 : i32
        %parallel_loop3A_1037 = arith.muli %parallel_loop3A_101, %parallel_loop3A_1036 : i32
        %parallel_loop3A_1038 = arith.constant 12 : i32
        %parallel_loop3A_1039 = arith.addi %parallel_loop3A_1037, %parallel_loop3A_1038 : i32
        %parallel_loop3A_1040 = vector.extract_strided_slice %parallel_loop3A_108 {offsets = [12], sizes = [1], strides = [1]} : vector<16xf32> to vector<1xf32>
        %parallel_loop3A_1041 = vector.extract %parallel_loop3A_1040[0] : f32 from vector<1xf32>
        %parallel_loop3A_1042 = vector.extract_strided_slice %parallel_loop3A_113 {offsets = [12], sizes = [1], strides = [1]} : vector<16xf32> to vector<1xf32>
        %parallel_loop3A_1043 = vector.extract %parallel_loop3A_1042[0] : f32 from vector<1xf32>
        %parallel_loop3A_1044 = vector.extract_strided_slice %parallel_loop3A_118 {offsets = [12], sizes = [1], strides = [1]} : vector<16xf32> to vector<1xf32>
        %parallel_loop3A_1045 = vector.extract %parallel_loop3A_1044[0] : f32 from vector<1xf32>
        %parallel_loop3A_1046 = vector.extract_strided_slice %parallel_loop3A_123 {offsets = [12], sizes = [1], strides = [1]} : vector<16xf32> to vector<1xf32>
        %parallel_loop3A_1047 = vector.extract %parallel_loop3A_1046[0] : f32 from vector<1xf32>
        %parallel_loop3A_1048 = arith.constant 0 : i32
        %parallel_loop3A_1049 = vector.broadcast %parallel_loop3A_1048 : i32 to vector<16xi32>
        %parallel_loop3A_1050 = vector.broadcast %parallel_loop3A_1039 : i32 to vector<16xi32>
        %parallel_loop3A_1051 = arith.addi %parallel_loop3A_1049, %parallel_loop3A_1050 : vector<16xi32>
        %parallel_loop3A_1052 = arith.index_cast %select_n3A_67 : i32 to index
        %parallel_loop3A_1053 = arith.index_cast %parallel_loop3A_1039 : i32 to index
        %parallel_loop3A_1054 = arith.constant 0 : index
        %parallel_loop3A_1055 = tpu.vector_load %arg11[%parallel_loop3A_1052, %parallel_loop3A_1053, %parallel_loop3A_1054] {strides = array<i32>} : memref<2x384x128xf32, #tpu.memory_space<vmem>>, vector<16xf32>,
        %parallel_loop3A_1056 = vector.broadcast %parallel_loop3A_1041 : f32 to vector<16xf32>
        %parallel_loop3A_1057 = arith.mulf %parallel_loop3A_1056, %parallel_loop3A_1055 : vector<16xf32>
        %parallel_loop3A_1058 = arith.index_cast %select_n3A_67 : i32 to index
        %parallel_loop3A_1059 = arith.index_cast %parallel_loop3A_1039 : i32 to index
        %parallel_loop3A_1060 = arith.constant 32 : index
        %parallel_loop3A_1061 = tpu.vector_load %arg11[%parallel_loop3A_1058, %parallel_loop3A_1059, %parallel_loop3A_1060] {strides = array<i32>} : memref<2x384x128xf32, #tpu.memory_space<vmem>>, vector<16xf32>,
        %parallel_loop3A_1062 = vector.broadcast %parallel_loop3A_1043 : f32 to vector<16xf32>
        %parallel_loop3A_1063 = arith.mulf %parallel_loop3A_1062, %parallel_loop3A_1061 : vector<16xf32>
        %parallel_loop3A_1064 = arith.addf %parallel_loop3A_1057, %parallel_loop3A_1063 : vector<16xf32>
        %parallel_loop3A_1065 = arith.index_cast %select_n3A_67 : i32 to index
        %parallel_loop3A_1066 = arith.index_cast %parallel_loop3A_1039 : i32 to index
        %parallel_loop3A_1067 = arith.constant 64 : index
        %parallel_loop3A_1068 = tpu.vector_load %arg11[%parallel_loop3A_1065, %parallel_loop3A_1066, %parallel_loop3A_1067] {strides = array<i32>} : memref<2x384x128xf32, #tpu.memory_space<vmem>>, vector<16xf32>,
        %parallel_loop3A_1069 = vector.broadcast %parallel_loop3A_1045 : f32 to vector<16xf32>
        %parallel_loop3A_1070 = arith.mulf %parallel_loop3A_1069, %parallel_loop3A_1068 : vector<16xf32>
        %parallel_loop3A_1071 = arith.index_cast %select_n3A_67 : i32 to index
        %parallel_loop3A_1072 = arith.index_cast %parallel_loop3A_1039 : i32 to index
        %parallel_loop3A_1073 = arith.constant 96 : index
        %parallel_loop3A_1074 = tpu.vector_load %arg11[%parallel_loop3A_1071, %parallel_loop3A_1072, %parallel_loop3A_1073] {strides = array<i32>} : memref<2x384x128xf32, #tpu.memory_space<vmem>>, vector<16xf32>,
        %parallel_loop3A_1075 = vector.broadcast %parallel_loop3A_1047 : f32 to vector<16xf32>
        %parallel_loop3A_1076 = arith.mulf %parallel_loop3A_1075, %parallel_loop3A_1074 : vector<16xf32>
        %parallel_loop3A_1077 = arith.addf %parallel_loop3A_1070, %parallel_loop3A_1076 : vector<16xf32>
        %parallel_loop3A_1078 = arith.addf %parallel_loop3A_1064, %parallel_loop3A_1077 : vector<16xf32>
        %parallel_loop3A_1079 = arith.constant 0 : i32
        %parallel_loop3A_1080 = vector.broadcast %parallel_loop3A_1079 : i32 to vector<16xi32>
        %parallel_loop3A_1081 = arith.addi %iota3A, %parallel_loop3A_1080 : vector<16xi32>
        tpu.vector_store_idx %arg12[%parallel_loop3A_1081, %parallel_loop3A_1051], %parallel_loop3A_1078 : memref<32x384xf32, #tpu.memory_space<vmem>>[vector<16xi32>, vector<16xi32>], vector<16xf32>,
        %parallel_loop3A_1082 = arith.index_cast %select_n3A_67 : i32 to index
        %parallel_loop3A_1083 = arith.index_cast %parallel_loop3A_1039 : i32 to index
        %parallel_loop3A_1084 = arith.constant 16 : index
        %parallel_loop3A_1085 = tpu.vector_load %arg11[%parallel_loop3A_1082, %parallel_loop3A_1083, %parallel_loop3A_1084] {strides = array<i32>} : memref<2x384x128xf32, #tpu.memory_space<vmem>>, vector<16xf32>,
        %parallel_loop3A_1086 = vector.broadcast %parallel_loop3A_1041 : f32 to vector<16xf32>
        %parallel_loop3A_1087 = arith.mulf %parallel_loop3A_1086, %parallel_loop3A_1085 : vector<16xf32>
        %parallel_loop3A_1088 = arith.index_cast %select_n3A_67 : i32 to index
        %parallel_loop3A_1089 = arith.index_cast %parallel_loop3A_1039 : i32 to index
        %parallel_loop3A_1090 = arith.constant 48 : index
        %parallel_loop3A_1091 = tpu.vector_load %arg11[%parallel_loop3A_1088, %parallel_loop3A_1089, %parallel_loop3A_1090] {strides = array<i32>} : memref<2x384x128xf32, #tpu.memory_space<vmem>>, vector<16xf32>,
        %parallel_loop3A_1092 = vector.broadcast %parallel_loop3A_1043 : f32 to vector<16xf32>
        %parallel_loop3A_1093 = arith.mulf %parallel_loop3A_1092, %parallel_loop3A_1091 : vector<16xf32>
        %parallel_loop3A_1094 = arith.addf %parallel_loop3A_1087, %parallel_loop3A_1093 : vector<16xf32>
        %parallel_loop3A_1095 = arith.index_cast %select_n3A_67 : i32 to index
        %parallel_loop3A_1096 = arith.index_cast %parallel_loop3A_1039 : i32 to index
        %parallel_loop3A_1097 = arith.constant 80 : index
        %parallel_loop3A_1098 = tpu.vector_load %arg11[%parallel_loop3A_1095, %parallel_loop3A_1096, %parallel_loop3A_1097] {strides = array<i32>} : memref<2x384x128xf32, #tpu.memory_space<vmem>>, vector<16xf32>,
        %parallel_loop3A_1099 = vector.broadcast %parallel_loop3A_1045 : f32 to vector<16xf32>
        %parallel_loop3A_1100 = arith.mulf %parallel_loop3A_1099, %parallel_loop3A_1098 : vector<16xf32>
        %parallel_loop3A_1101 = arith.index_cast %select_n3A_67 : i32 to index
        %parallel_loop3A_1102 = arith.index_cast %parallel_loop3A_1039 : i32 to index
        %parallel_loop3A_1103 = arith.constant 112 : index
        %parallel_loop3A_1104 = tpu.vector_load %arg11[%parallel_loop3A_1101, %parallel_loop3A_1102, %parallel_loop3A_1103] {strides = array<i32>} : memref<2x384x128xf32, #tpu.memory_space<vmem>>, vector<16xf32>,
        %parallel_loop3A_1105 = vector.broadcast %parallel_loop3A_1047 : f32 to vector<16xf32>
        %parallel_loop3A_1106 = arith.mulf %parallel_loop3A_1105, %parallel_loop3A_1104 : vector<16xf32>
        %parallel_loop3A_1107 = arith.addf %parallel_loop3A_1100, %parallel_loop3A_1106 : vector<16xf32>
        %parallel_loop3A_1108 = arith.addf %parallel_loop3A_1094, %parallel_loop3A_1107 : vector<16xf32>
        %parallel_loop3A_1109 = arith.constant 16 : i32
        %parallel_loop3A_1110 = vector.broadcast %parallel_loop3A_1109 : i32 to vector<16xi32>
        %parallel_loop3A_1111 = arith.addi %iota3A, %parallel_loop3A_1110 : vector<16xi32>
        tpu.vector_store_idx %arg12[%parallel_loop3A_1111, %parallel_loop3A_1051], %parallel_loop3A_1108 : memref<32x384xf32, #tpu.memory_space<vmem>>[vector<16xi32>, vector<16xi32>], vector<16xf32>,
        %parallel_loop3A_1112 = arith.constant 16 : i32
        %parallel_loop3A_1113 = arith.muli %parallel_loop3A_101, %parallel_loop3A_1112 : i32
        %parallel_loop3A_1114 = arith.constant 13 : i32
        %parallel_loop3A_1115 = arith.addi %parallel_loop3A_1113, %parallel_loop3A_1114 : i32
        %parallel_loop3A_1116 = vector.extract_strided_slice %parallel_loop3A_108 {offsets = [13], sizes = [1], strides = [1]} : vector<16xf32> to vector<1xf32>
        %parallel_loop3A_1117 = vector.extract %parallel_loop3A_1116[0] : f32 from vector<1xf32>
        %parallel_loop3A_1118 = vector.extract_strided_slice %parallel_loop3A_113 {offsets = [13], sizes = [1], strides = [1]} : vector<16xf32> to vector<1xf32>
        %parallel_loop3A_1119 = vector.extract %parallel_loop3A_1118[0] : f32 from vector<1xf32>
        %parallel_loop3A_1120 = vector.extract_strided_slice %parallel_loop3A_118 {offsets = [13], sizes = [1], strides = [1]} : vector<16xf32> to vector<1xf32>
        %parallel_loop3A_1121 = vector.extract %parallel_loop3A_1120[0] : f32 from vector<1xf32>
        %parallel_loop3A_1122 = vector.extract_strided_slice %parallel_loop3A_123 {offsets = [13], sizes = [1], strides = [1]} : vector<16xf32> to vector<1xf32>
        %parallel_loop3A_1123 = vector.extract %parallel_loop3A_1122[0] : f32 from vector<1xf32>
        %parallel_loop3A_1124 = arith.constant 0 : i32
        %parallel_loop3A_1125 = vector.broadcast %parallel_loop3A_1124 : i32 to vector<16xi32>
        %parallel_loop3A_1126 = vector.broadcast %parallel_loop3A_1115 : i32 to vector<16xi32>
        %parallel_loop3A_1127 = arith.addi %parallel_loop3A_1125, %parallel_loop3A_1126 : vector<16xi32>
        %parallel_loop3A_1128 = arith.index_cast %select_n3A_67 : i32 to index
        %parallel_loop3A_1129 = arith.index_cast %parallel_loop3A_1115 : i32 to index
        %parallel_loop3A_1130 = arith.constant 0 : index
        %parallel_loop3A_1131 = tpu.vector_load %arg11[%parallel_loop3A_1128, %parallel_loop3A_1129, %parallel_loop3A_1130] {strides = array<i32>} : memref<2x384x128xf32, #tpu.memory_space<vmem>>, vector<16xf32>,
        %parallel_loop3A_1132 = vector.broadcast %parallel_loop3A_1117 : f32 to vector<16xf32>
        %parallel_loop3A_1133 = arith.mulf %parallel_loop3A_1132, %parallel_loop3A_1131 : vector<16xf32>
        %parallel_loop3A_1134 = arith.index_cast %select_n3A_67 : i32 to index
        %parallel_loop3A_1135 = arith.index_cast %parallel_loop3A_1115 : i32 to index
        %parallel_loop3A_1136 = arith.constant 32 : index
        %parallel_loop3A_1137 = tpu.vector_load %arg11[%parallel_loop3A_1134, %parallel_loop3A_1135, %parallel_loop3A_1136] {strides = array<i32>} : memref<2x384x128xf32, #tpu.memory_space<vmem>>, vector<16xf32>,
        %parallel_loop3A_1138 = vector.broadcast %parallel_loop3A_1119 : f32 to vector<16xf32>
        %parallel_loop3A_1139 = arith.mulf %parallel_loop3A_1138, %parallel_loop3A_1137 : vector<16xf32>
        %parallel_loop3A_1140 = arith.addf %parallel_loop3A_1133, %parallel_loop3A_1139 : vector<16xf32>
        %parallel_loop3A_1141 = arith.index_cast %select_n3A_67 : i32 to index
        %parallel_loop3A_1142 = arith.index_cast %parallel_loop3A_1115 : i32 to index
        %parallel_loop3A_1143 = arith.constant 64 : index
        %parallel_loop3A_1144 = tpu.vector_load %arg11[%parallel_loop3A_1141, %parallel_loop3A_1142, %parallel_loop3A_1143] {strides = array<i32>} : memref<2x384x128xf32, #tpu.memory_space<vmem>>, vector<16xf32>,
        %parallel_loop3A_1145 = vector.broadcast %parallel_loop3A_1121 : f32 to vector<16xf32>
        %parallel_loop3A_1146 = arith.mulf %parallel_loop3A_1145, %parallel_loop3A_1144 : vector<16xf32>
        %parallel_loop3A_1147 = arith.index_cast %select_n3A_67 : i32 to index
        %parallel_loop3A_1148 = arith.index_cast %parallel_loop3A_1115 : i32 to index
        %parallel_loop3A_1149 = arith.constant 96 : index
        %parallel_loop3A_1150 = tpu.vector_load %arg11[%parallel_loop3A_1147, %parallel_loop3A_1148, %parallel_loop3A_1149] {strides = array<i32>} : memref<2x384x128xf32, #tpu.memory_space<vmem>>, vector<16xf32>,
        %parallel_loop3A_1151 = vector.broadcast %parallel_loop3A_1123 : f32 to vector<16xf32>
        %parallel_loop3A_1152 = arith.mulf %parallel_loop3A_1151, %parallel_loop3A_1150 : vector<16xf32>
        %parallel_loop3A_1153 = arith.addf %parallel_loop3A_1146, %parallel_loop3A_1152 : vector<16xf32>
        %parallel_loop3A_1154 = arith.addf %parallel_loop3A_1140, %parallel_loop3A_1153 : vector<16xf32>
        %parallel_loop3A_1155 = arith.constant 0 : i32
        %parallel_loop3A_1156 = vector.broadcast %parallel_loop3A_1155 : i32 to vector<16xi32>
        %parallel_loop3A_1157 = arith.addi %iota3A, %parallel_loop3A_1156 : vector<16xi32>
        tpu.vector_store_idx %arg12[%parallel_loop3A_1157, %parallel_loop3A_1127], %parallel_loop3A_1154 : memref<32x384xf32, #tpu.memory_space<vmem>>[vector<16xi32>, vector<16xi32>], vector<16xf32>,
        %parallel_loop3A_1158 = arith.index_cast %select_n3A_67 : i32 to index
        %parallel_loop3A_1159 = arith.index_cast %parallel_loop3A_1115 : i32 to index
        %parallel_loop3A_1160 = arith.constant 16 : index
        %parallel_loop3A_1161 = tpu.vector_load %arg11[%parallel_loop3A_1158, %parallel_loop3A_1159, %parallel_loop3A_1160] {strides = array<i32>} : memref<2x384x128xf32, #tpu.memory_space<vmem>>, vector<16xf32>,
        %parallel_loop3A_1162 = vector.broadcast %parallel_loop3A_1117 : f32 to vector<16xf32>
        %parallel_loop3A_1163 = arith.mulf %parallel_loop3A_1162, %parallel_loop3A_1161 : vector<16xf32>
        %parallel_loop3A_1164 = arith.index_cast %select_n3A_67 : i32 to index
        %parallel_loop3A_1165 = arith.index_cast %parallel_loop3A_1115 : i32 to index
        %parallel_loop3A_1166 = arith.constant 48 : index
        %parallel_loop3A_1167 = tpu.vector_load %arg11[%parallel_loop3A_1164, %parallel_loop3A_1165, %parallel_loop3A_1166] {strides = array<i32>} : memref<2x384x128xf32, #tpu.memory_space<vmem>>, vector<16xf32>,
        %parallel_loop3A_1168 = vector.broadcast %parallel_loop3A_1119 : f32 to vector<16xf32>
        %parallel_loop3A_1169 = arith.mulf %parallel_loop3A_1168, %parallel_loop3A_1167 : vector<16xf32>
        %parallel_loop3A_1170 = arith.addf %parallel_loop3A_1163, %parallel_loop3A_1169 : vector<16xf32>
        %parallel_loop3A_1171 = arith.index_cast %select_n3A_67 : i32 to index
        %parallel_loop3A_1172 = arith.index_cast %parallel_loop3A_1115 : i32 to index
        %parallel_loop3A_1173 = arith.constant 80 : index
        %parallel_loop3A_1174 = tpu.vector_load %arg11[%parallel_loop3A_1171, %parallel_loop3A_1172, %parallel_loop3A_1173] {strides = array<i32>} : memref<2x384x128xf32, #tpu.memory_space<vmem>>, vector<16xf32>,
        %parallel_loop3A_1175 = vector.broadcast %parallel_loop3A_1121 : f32 to vector<16xf32>
        %parallel_loop3A_1176 = arith.mulf %parallel_loop3A_1175, %parallel_loop3A_1174 : vector<16xf32>
        %parallel_loop3A_1177 = arith.index_cast %select_n3A_67 : i32 to index
        %parallel_loop3A_1178 = arith.index_cast %parallel_loop3A_1115 : i32 to index
        %parallel_loop3A_1179 = arith.constant 112 : index
        %parallel_loop3A_1180 = tpu.vector_load %arg11[%parallel_loop3A_1177, %parallel_loop3A_1178, %parallel_loop3A_1179] {strides = array<i32>} : memref<2x384x128xf32, #tpu.memory_space<vmem>>, vector<16xf32>,
        %parallel_loop3A_1181 = vector.broadcast %parallel_loop3A_1123 : f32 to vector<16xf32>
        %parallel_loop3A_1182 = arith.mulf %parallel_loop3A_1181, %parallel_loop3A_1180 : vector<16xf32>
        %parallel_loop3A_1183 = arith.addf %parallel_loop3A_1176, %parallel_loop3A_1182 : vector<16xf32>
        %parallel_loop3A_1184 = arith.addf %parallel_loop3A_1170, %parallel_loop3A_1183 : vector<16xf32>
        %parallel_loop3A_1185 = arith.constant 16 : i32
        %parallel_loop3A_1186 = vector.broadcast %parallel_loop3A_1185 : i32 to vector<16xi32>
        %parallel_loop3A_1187 = arith.addi %iota3A, %parallel_loop3A_1186 : vector<16xi32>
        tpu.vector_store_idx %arg12[%parallel_loop3A_1187, %parallel_loop3A_1127], %parallel_loop3A_1184 : memref<32x384xf32, #tpu.memory_space<vmem>>[vector<16xi32>, vector<16xi32>], vector<16xf32>,
        %parallel_loop3A_1188 = arith.constant 16 : i32
        %parallel_loop3A_1189 = arith.muli %parallel_loop3A_101, %parallel_loop3A_1188 : i32
        %parallel_loop3A_1190 = arith.constant 14 : i32
        %parallel_loop3A_1191 = arith.addi %parallel_loop3A_1189, %parallel_loop3A_1190 : i32
        %parallel_loop3A_1192 = vector.extract_strided_slice %parallel_loop3A_108 {offsets = [14], sizes = [1], strides = [1]} : vector<16xf32> to vector<1xf32>
        %parallel_loop3A_1193 = vector.extract %parallel_loop3A_1192[0] : f32 from vector<1xf32>
        %parallel_loop3A_1194 = vector.extract_strided_slice %parallel_loop3A_113 {offsets = [14], sizes = [1], strides = [1]} : vector<16xf32> to vector<1xf32>
        %parallel_loop3A_1195 = vector.extract %parallel_loop3A_1194[0] : f32 from vector<1xf32>
        %parallel_loop3A_1196 = vector.extract_strided_slice %parallel_loop3A_118 {offsets = [14], sizes = [1], strides = [1]} : vector<16xf32> to vector<1xf32>
        %parallel_loop3A_1197 = vector.extract %parallel_loop3A_1196[0] : f32 from vector<1xf32>
        %parallel_loop3A_1198 = vector.extract_strided_slice %parallel_loop3A_123 {offsets = [14], sizes = [1], strides = [1]} : vector<16xf32> to vector<1xf32>
        %parallel_loop3A_1199 = vector.extract %parallel_loop3A_1198[0] : f32 from vector<1xf32>
        %parallel_loop3A_1200 = arith.constant 0 : i32
        %parallel_loop3A_1201 = vector.broadcast %parallel_loop3A_1200 : i32 to vector<16xi32>
        %parallel_loop3A_1202 = vector.broadcast %parallel_loop3A_1191 : i32 to vector<16xi32>
        %parallel_loop3A_1203 = arith.addi %parallel_loop3A_1201, %parallel_loop3A_1202 : vector<16xi32>
        %parallel_loop3A_1204 = arith.index_cast %select_n3A_67 : i32 to index
        %parallel_loop3A_1205 = arith.index_cast %parallel_loop3A_1191 : i32 to index
        %parallel_loop3A_1206 = arith.constant 0 : index
        %parallel_loop3A_1207 = tpu.vector_load %arg11[%parallel_loop3A_1204, %parallel_loop3A_1205, %parallel_loop3A_1206] {strides = array<i32>} : memref<2x384x128xf32, #tpu.memory_space<vmem>>, vector<16xf32>,
        %parallel_loop3A_1208 = vector.broadcast %parallel_loop3A_1193 : f32 to vector<16xf32>
        %parallel_loop3A_1209 = arith.mulf %parallel_loop3A_1208, %parallel_loop3A_1207 : vector<16xf32>
        %parallel_loop3A_1210 = arith.index_cast %select_n3A_67 : i32 to index
        %parallel_loop3A_1211 = arith.index_cast %parallel_loop3A_1191 : i32 to index
        %parallel_loop3A_1212 = arith.constant 32 : index
        %parallel_loop3A_1213 = tpu.vector_load %arg11[%parallel_loop3A_1210, %parallel_loop3A_1211, %parallel_loop3A_1212] {strides = array<i32>} : memref<2x384x128xf32, #tpu.memory_space<vmem>>, vector<16xf32>,
        %parallel_loop3A_1214 = vector.broadcast %parallel_loop3A_1195 : f32 to vector<16xf32>
        %parallel_loop3A_1215 = arith.mulf %parallel_loop3A_1214, %parallel_loop3A_1213 : vector<16xf32>
        %parallel_loop3A_1216 = arith.addf %parallel_loop3A_1209, %parallel_loop3A_1215 : vector<16xf32>
        %parallel_loop3A_1217 = arith.index_cast %select_n3A_67 : i32 to index
        %parallel_loop3A_1218 = arith.index_cast %parallel_loop3A_1191 : i32 to index
        %parallel_loop3A_1219 = arith.constant 64 : index
        %parallel_loop3A_1220 = tpu.vector_load %arg11[%parallel_loop3A_1217, %parallel_loop3A_1218, %parallel_loop3A_1219] {strides = array<i32>} : memref<2x384x128xf32, #tpu.memory_space<vmem>>, vector<16xf32>,
        %parallel_loop3A_1221 = vector.broadcast %parallel_loop3A_1197 : f32 to vector<16xf32>
        %parallel_loop3A_1222 = arith.mulf %parallel_loop3A_1221, %parallel_loop3A_1220 : vector<16xf32>
        %parallel_loop3A_1223 = arith.index_cast %select_n3A_67 : i32 to index
        %parallel_loop3A_1224 = arith.index_cast %parallel_loop3A_1191 : i32 to index
        %parallel_loop3A_1225 = arith.constant 96 : index
        %parallel_loop3A_1226 = tpu.vector_load %arg11[%parallel_loop3A_1223, %parallel_loop3A_1224, %parallel_loop3A_1225] {strides = array<i32>} : memref<2x384x128xf32, #tpu.memory_space<vmem>>, vector<16xf32>,
        %parallel_loop3A_1227 = vector.broadcast %parallel_loop3A_1199 : f32 to vector<16xf32>
        %parallel_loop3A_1228 = arith.mulf %parallel_loop3A_1227, %parallel_loop3A_1226 : vector<16xf32>
        %parallel_loop3A_1229 = arith.addf %parallel_loop3A_1222, %parallel_loop3A_1228 : vector<16xf32>
        %parallel_loop3A_1230 = arith.addf %parallel_loop3A_1216, %parallel_loop3A_1229 : vector<16xf32>
        %parallel_loop3A_1231 = arith.constant 0 : i32
        %parallel_loop3A_1232 = vector.broadcast %parallel_loop3A_1231 : i32 to vector<16xi32>
        %parallel_loop3A_1233 = arith.addi %iota3A, %parallel_loop3A_1232 : vector<16xi32>
        tpu.vector_store_idx %arg12[%parallel_loop3A_1233, %parallel_loop3A_1203], %parallel_loop3A_1230 : memref<32x384xf32, #tpu.memory_space<vmem>>[vector<16xi32>, vector<16xi32>], vector<16xf32>,
        %parallel_loop3A_1234 = arith.index_cast %select_n3A_67 : i32 to index
        %parallel_loop3A_1235 = arith.index_cast %parallel_loop3A_1191 : i32 to index
        %parallel_loop3A_1236 = arith.constant 16 : index
        %parallel_loop3A_1237 = tpu.vector_load %arg11[%parallel_loop3A_1234, %parallel_loop3A_1235, %parallel_loop3A_1236] {strides = array<i32>} : memref<2x384x128xf32, #tpu.memory_space<vmem>>, vector<16xf32>,
        %parallel_loop3A_1238 = vector.broadcast %parallel_loop3A_1193 : f32 to vector<16xf32>
        %parallel_loop3A_1239 = arith.mulf %parallel_loop3A_1238, %parallel_loop3A_1237 : vector<16xf32>
        %parallel_loop3A_1240 = arith.index_cast %select_n3A_67 : i32 to index
        %parallel_loop3A_1241 = arith.index_cast %parallel_loop3A_1191 : i32 to index
        %parallel_loop3A_1242 = arith.constant 48 : index
        %parallel_loop3A_1243 = tpu.vector_load %arg11[%parallel_loop3A_1240, %parallel_loop3A_1241, %parallel_loop3A_1242] {strides = array<i32>} : memref<2x384x128xf32, #tpu.memory_space<vmem>>, vector<16xf32>,
        %parallel_loop3A_1244 = vector.broadcast %parallel_loop3A_1195 : f32 to vector<16xf32>
        %parallel_loop3A_1245 = arith.mulf %parallel_loop3A_1244, %parallel_loop3A_1243 : vector<16xf32>
        %parallel_loop3A_1246 = arith.addf %parallel_loop3A_1239, %parallel_loop3A_1245 : vector<16xf32>
        %parallel_loop3A_1247 = arith.index_cast %select_n3A_67 : i32 to index
        %parallel_loop3A_1248 = arith.index_cast %parallel_loop3A_1191 : i32 to index
        %parallel_loop3A_1249 = arith.constant 80 : index
        %parallel_loop3A_1250 = tpu.vector_load %arg11[%parallel_loop3A_1247, %parallel_loop3A_1248, %parallel_loop3A_1249] {strides = array<i32>} : memref<2x384x128xf32, #tpu.memory_space<vmem>>, vector<16xf32>,
        %parallel_loop3A_1251 = vector.broadcast %parallel_loop3A_1197 : f32 to vector<16xf32>
        %parallel_loop3A_1252 = arith.mulf %parallel_loop3A_1251, %parallel_loop3A_1250 : vector<16xf32>
        %parallel_loop3A_1253 = arith.index_cast %select_n3A_67 : i32 to index
        %parallel_loop3A_1254 = arith.index_cast %parallel_loop3A_1191 : i32 to index
        %parallel_loop3A_1255 = arith.constant 112 : index
        %parallel_loop3A_1256 = tpu.vector_load %arg11[%parallel_loop3A_1253, %parallel_loop3A_1254, %parallel_loop3A_1255] {strides = array<i32>} : memref<2x384x128xf32, #tpu.memory_space<vmem>>, vector<16xf32>,
        %parallel_loop3A_1257 = vector.broadcast %parallel_loop3A_1199 : f32 to vector<16xf32>
        %parallel_loop3A_1258 = arith.mulf %parallel_loop3A_1257, %parallel_loop3A_1256 : vector<16xf32>
        %parallel_loop3A_1259 = arith.addf %parallel_loop3A_1252, %parallel_loop3A_1258 : vector<16xf32>
        %parallel_loop3A_1260 = arith.addf %parallel_loop3A_1246, %parallel_loop3A_1259 : vector<16xf32>
        %parallel_loop3A_1261 = arith.constant 16 : i32
        %parallel_loop3A_1262 = vector.broadcast %parallel_loop3A_1261 : i32 to vector<16xi32>
        %parallel_loop3A_1263 = arith.addi %iota3A, %parallel_loop3A_1262 : vector<16xi32>
        tpu.vector_store_idx %arg12[%parallel_loop3A_1263, %parallel_loop3A_1203], %parallel_loop3A_1260 : memref<32x384xf32, #tpu.memory_space<vmem>>[vector<16xi32>, vector<16xi32>], vector<16xf32>,
        %parallel_loop3A_1264 = arith.constant 16 : i32
        %parallel_loop3A_1265 = arith.muli %parallel_loop3A_101, %parallel_loop3A_1264 : i32
        %parallel_loop3A_1266 = arith.constant 15 : i32
        %parallel_loop3A_1267 = arith.addi %parallel_loop3A_1265, %parallel_loop3A_1266 : i32
        %parallel_loop3A_1268 = vector.extract_strided_slice %parallel_loop3A_108 {offsets = [15], sizes = [1], strides = [1]} : vector<16xf32> to vector<1xf32>
        %parallel_loop3A_1269 = vector.extract %parallel_loop3A_1268[0] : f32 from vector<1xf32>
        %parallel_loop3A_1270 = vector.extract_strided_slice %parallel_loop3A_113 {offsets = [15], sizes = [1], strides = [1]} : vector<16xf32> to vector<1xf32>
        %parallel_loop3A_1271 = vector.extract %parallel_loop3A_1270[0] : f32 from vector<1xf32>
        %parallel_loop3A_1272 = vector.extract_strided_slice %parallel_loop3A_118 {offsets = [15], sizes = [1], strides = [1]} : vector<16xf32> to vector<1xf32>
        %parallel_loop3A_1273 = vector.extract %parallel_loop3A_1272[0] : f32 from vector<1xf32>
        %parallel_loop3A_1274 = vector.extract_strided_slice %parallel_loop3A_123 {offsets = [15], sizes = [1], strides = [1]} : vector<16xf32> to vector<1xf32>
        %parallel_loop3A_1275 = vector.extract %parallel_loop3A_1274[0] : f32 from vector<1xf32>
        %parallel_loop3A_1276 = arith.constant 0 : i32
        %parallel_loop3A_1277 = vector.broadcast %parallel_loop3A_1276 : i32 to vector<16xi32>
        %parallel_loop3A_1278 = vector.broadcast %parallel_loop3A_1267 : i32 to vector<16xi32>
        %parallel_loop3A_1279 = arith.addi %parallel_loop3A_1277, %parallel_loop3A_1278 : vector<16xi32>
        %parallel_loop3A_1280 = arith.index_cast %select_n3A_67 : i32 to index
        %parallel_loop3A_1281 = arith.index_cast %parallel_loop3A_1267 : i32 to index
        %parallel_loop3A_1282 = arith.constant 0 : index
        %parallel_loop3A_1283 = tpu.vector_load %arg11[%parallel_loop3A_1280, %parallel_loop3A_1281, %parallel_loop3A_1282] {strides = array<i32>} : memref<2x384x128xf32, #tpu.memory_space<vmem>>, vector<16xf32>,
        %parallel_loop3A_1284 = vector.broadcast %parallel_loop3A_1269 : f32 to vector<16xf32>
        %parallel_loop3A_1285 = arith.mulf %parallel_loop3A_1284, %parallel_loop3A_1283 : vector<16xf32>
        %parallel_loop3A_1286 = arith.index_cast %select_n3A_67 : i32 to index
        %parallel_loop3A_1287 = arith.index_cast %parallel_loop3A_1267 : i32 to index
        %parallel_loop3A_1288 = arith.constant 32 : index
        %parallel_loop3A_1289 = tpu.vector_load %arg11[%parallel_loop3A_1286, %parallel_loop3A_1287, %parallel_loop3A_1288] {strides = array<i32>} : memref<2x384x128xf32, #tpu.memory_space<vmem>>, vector<16xf32>,
        %parallel_loop3A_1290 = vector.broadcast %parallel_loop3A_1271 : f32 to vector<16xf32>
        %parallel_loop3A_1291 = arith.mulf %parallel_loop3A_1290, %parallel_loop3A_1289 : vector<16xf32>
        %parallel_loop3A_1292 = arith.addf %parallel_loop3A_1285, %parallel_loop3A_1291 : vector<16xf32>
        %parallel_loop3A_1293 = arith.index_cast %select_n3A_67 : i32 to index
        %parallel_loop3A_1294 = arith.index_cast %parallel_loop3A_1267 : i32 to index
        %parallel_loop3A_1295 = arith.constant 64 : index
        %parallel_loop3A_1296 = tpu.vector_load %arg11[%parallel_loop3A_1293, %parallel_loop3A_1294, %parallel_loop3A_1295] {strides = array<i32>} : memref<2x384x128xf32, #tpu.memory_space<vmem>>, vector<16xf32>,
        %parallel_loop3A_1297 = vector.broadcast %parallel_loop3A_1273 : f32 to vector<16xf32>
        %parallel_loop3A_1298 = arith.mulf %parallel_loop3A_1297, %parallel_loop3A_1296 : vector<16xf32>
        %parallel_loop3A_1299 = arith.index_cast %select_n3A_67 : i32 to index
        %parallel_loop3A_1300 = arith.index_cast %parallel_loop3A_1267 : i32 to index
        %parallel_loop3A_1301 = arith.constant 96 : index
        %parallel_loop3A_1302 = tpu.vector_load %arg11[%parallel_loop3A_1299, %parallel_loop3A_1300, %parallel_loop3A_1301] {strides = array<i32>} : memref<2x384x128xf32, #tpu.memory_space<vmem>>, vector<16xf32>,
        %parallel_loop3A_1303 = vector.broadcast %parallel_loop3A_1275 : f32 to vector<16xf32>
        %parallel_loop3A_1304 = arith.mulf %parallel_loop3A_1303, %parallel_loop3A_1302 : vector<16xf32>
        %parallel_loop3A_1305 = arith.addf %parallel_loop3A_1298, %parallel_loop3A_1304 : vector<16xf32>
        %parallel_loop3A_1306 = arith.addf %parallel_loop3A_1292, %parallel_loop3A_1305 : vector<16xf32>
        %parallel_loop3A_1307 = arith.constant 0 : i32
        %parallel_loop3A_1308 = vector.broadcast %parallel_loop3A_1307 : i32 to vector<16xi32>
        %parallel_loop3A_1309 = arith.addi %iota3A, %parallel_loop3A_1308 : vector<16xi32>
        tpu.vector_store_idx %arg12[%parallel_loop3A_1309, %parallel_loop3A_1279], %parallel_loop3A_1306 : memref<32x384xf32, #tpu.memory_space<vmem>>[vector<16xi32>, vector<16xi32>], vector<16xf32>,
        %parallel_loop3A_1310 = arith.index_cast %select_n3A_67 : i32 to index
        %parallel_loop3A_1311 = arith.index_cast %parallel_loop3A_1267 : i32 to index
        %parallel_loop3A_1312 = arith.constant 16 : index
        %parallel_loop3A_1313 = tpu.vector_load %arg11[%parallel_loop3A_1310, %parallel_loop3A_1311, %parallel_loop3A_1312] {strides = array<i32>} : memref<2x384x128xf32, #tpu.memory_space<vmem>>, vector<16xf32>,
        %parallel_loop3A_1314 = vector.broadcast %parallel_loop3A_1269 : f32 to vector<16xf32>
        %parallel_loop3A_1315 = arith.mulf %parallel_loop3A_1314, %parallel_loop3A_1313 : vector<16xf32>
        %parallel_loop3A_1316 = arith.index_cast %select_n3A_67 : i32 to index
        %parallel_loop3A_1317 = arith.index_cast %parallel_loop3A_1267 : i32 to index
        %parallel_loop3A_1318 = arith.constant 48 : index
        %parallel_loop3A_1319 = tpu.vector_load %arg11[%parallel_loop3A_1316, %parallel_loop3A_1317, %parallel_loop3A_1318] {strides = array<i32>} : memref<2x384x128xf32, #tpu.memory_space<vmem>>, vector<16xf32>,
        %parallel_loop3A_1320 = vector.broadcast %parallel_loop3A_1271 : f32 to vector<16xf32>
        %parallel_loop3A_1321 = arith.mulf %parallel_loop3A_1320, %parallel_loop3A_1319 : vector<16xf32>
        %parallel_loop3A_1322 = arith.addf %parallel_loop3A_1315, %parallel_loop3A_1321 : vector<16xf32>
        %parallel_loop3A_1323 = arith.index_cast %select_n3A_67 : i32 to index
        %parallel_loop3A_1324 = arith.index_cast %parallel_loop3A_1267 : i32 to index
        %parallel_loop3A_1325 = arith.constant 80 : index
        %parallel_loop3A_1326 = tpu.vector_load %arg11[%parallel_loop3A_1323, %parallel_loop3A_1324, %parallel_loop3A_1325] {strides = array<i32>} : memref<2x384x128xf32, #tpu.memory_space<vmem>>, vector<16xf32>,
        %parallel_loop3A_1327 = vector.broadcast %parallel_loop3A_1273 : f32 to vector<16xf32>
        %parallel_loop3A_1328 = arith.mulf %parallel_loop3A_1327, %parallel_loop3A_1326 : vector<16xf32>
        %parallel_loop3A_1329 = arith.index_cast %select_n3A_67 : i32 to index
        %parallel_loop3A_1330 = arith.index_cast %parallel_loop3A_1267 : i32 to index
        %parallel_loop3A_1331 = arith.constant 112 : index
        %parallel_loop3A_1332 = tpu.vector_load %arg11[%parallel_loop3A_1329, %parallel_loop3A_1330, %parallel_loop3A_1331] {strides = array<i32>} : memref<2x384x128xf32, #tpu.memory_space<vmem>>, vector<16xf32>,
        %parallel_loop3A_1333 = vector.broadcast %parallel_loop3A_1275 : f32 to vector<16xf32>
        %parallel_loop3A_1334 = arith.mulf %parallel_loop3A_1333, %parallel_loop3A_1332 : vector<16xf32>
        %parallel_loop3A_1335 = arith.addf %parallel_loop3A_1328, %parallel_loop3A_1334 : vector<16xf32>
        %parallel_loop3A_1336 = arith.addf %parallel_loop3A_1322, %parallel_loop3A_1335 : vector<16xf32>
        %parallel_loop3A_1337 = arith.constant 16 : i32
        %parallel_loop3A_1338 = vector.broadcast %parallel_loop3A_1337 : i32 to vector<16xi32>
        %parallel_loop3A_1339 = arith.addi %iota3A, %parallel_loop3A_1338 : vector<16xi32>
        tpu.vector_store_idx %arg12[%parallel_loop3A_1339, %parallel_loop3A_1279], %parallel_loop3A_1336 : memref<32x384xf32, #tpu.memory_space<vmem>>[vector<16xi32>, vector<16xi32>], vector<16xf32>,
      } {sc.loop_unroll_factor = 4 : i64, sc.parallel_access}
      %lt3A_91 = arith.constant 1302 : i32
      %lt3A_92 = arith.cmpi slt, %add3A_70, %lt3A_91 : i32
      %convert_element_type3A_93 = arith.extui %lt3A_92 : i1 to i32
      %cond3A_94 = arith.constant 0 : i32
      %cond3A_95 = arith.cmpi ne, %convert_element_type3A_93, %cond3A_94 : i32
      scf.if %cond3A_95 {
        "tpu.region"() ({
          %run_scoped3A = tpu.sem_alloc : memref<!tpu.dma_semaphore, #tpu.memory_space<semaphore_mem>>
          %dma_start3A_101 = arith.constant 0 : i32
          %dma_start3A_102 = tpu.memref_slice %arg5[%dma_start3A_101, %multiple_of3A_73] : memref<32x500000xf32, #tpu.memory_space<hbm>> -> memref<32x384xf32, #tpu.memory_space<hbm>>
          %dma_start3A_103 = arith.constant 0 : i32
          %dma_start3A_104 = tpu.memref_slice %arg5[%dma_start3A_103, %multiple_of3A_73] : memref<32x500000xf32, #tpu.memory_space<hbm>> -> memref<32x384xf32, #tpu.memory_space<hbm>>
          tpu.enqueue_dma source(%arg12 : memref<32x384xf32, #tpu.memory_space<vmem>>) target(%dma_start3A_104 : memref<32x384xf32, #tpu.memory_space<hbm>>) target_semaphore(%run_scoped3A : memref<!tpu.dma_semaphore, #tpu.memory_space<semaphore_mem>>)
          %dma_wait3A = arith.constant 0 : i32
          %dma_wait3A_105 = tpu.memref_slice %arg5[%dma_wait3A, %multiple_of3A_73] : memref<32x500000xf32, #tpu.memory_space<hbm>> -> memref<32x384xf32, #tpu.memory_space<hbm>>
          %dma_wait3A_106 = arith.constant 0 : i32
          %dma_wait3A_107 = tpu.memref_slice %arg5[%dma_wait3A_106, %multiple_of3A_73] : memref<32x500000xf32, #tpu.memory_space<hbm>> -> memref<32x384xf32, #tpu.memory_space<hbm>>
          tpu.wait_dma2 semaphore(%run_scoped3A : memref<!tpu.dma_semaphore, #tpu.memory_space<semaphore_mem>>) src(%arg12 : memref<32x384xf32, #tpu.memory_space<vmem>>) dst(%dma_wait3A_107 : memref<32x384xf32, #tpu.memory_space<hbm>>)
          tpu.yield
        }) : () -> ()
      } else {
      }
      %eq3A_96 = arith.constant 1302 : i32
      %eq3A_97 = arith.cmpi eq, %add3A_70, %eq3A_96 : i32
      %convert_element_type3A_98 = arith.extui %eq3A_97 : i1 to i32
      %cond3A_99 = arith.constant 0 : i32
      %cond3A_100 = arith.cmpi ne, %convert_element_type3A_98, %cond3A_99 : i32
      scf.if %cond3A_100 {
        "tpu.region"() ({
          %run_scoped3A = tpu.sem_alloc : memref<!tpu.dma_semaphore, #tpu.memory_space<semaphore_mem>>
          tpu.enqueue_dma source(%arg12 : memref<32x384xf32, #tpu.memory_space<vmem>>) target(%arg6 : memref<32x384xf32, #tpu.memory_space<hbm>>) target_semaphore(%run_scoped3A : memref<!tpu.dma_semaphore, #tpu.memory_space<semaphore_mem>>)
          tpu.wait_dma2 semaphore(%run_scoped3A : memref<!tpu.dma_semaphore, #tpu.memory_space<semaphore_mem>>) src(%arg12 : memref<32x384xf32, #tpu.memory_space<vmem>>) dst(%arg6 : memref<32x384xf32, #tpu.memory_space<hbm>>)
          tpu.yield
        }) : () -> ()
      } else {
      }
    }
    %while3A_54 = arith.constant 1 : i32
    scf.for %while3A_55 = %while3A_52 to %while3A_48 step %while3A_54  : i32 {
      %jit3A_56 = arith.constant 2 : i32
      %eq3A = arith.constant 0 : i32
      %eq3A_57 = arith.cmpi eq, %jit3A_56, %eq3A : i32
      %jit3A_58 = arith.constant 1 : i32
      %select_n3A_59 = arith.select %eq3A_57, %jit3A_58, %jit3A_56 : i32
      %rem3A = arith.remsi %while3A_55, %select_n3A_59 : i32
      %ne3A = arith.constant 0 : i32
      %ne3A_60 = arith.cmpi ne, %rem3A, %ne3A : i32
      %lt3A_61 = arith.constant 0 : i32
      %lt3A_62 = arith.cmpi slt, %rem3A, %lt3A_61 : i32
      %lt3A_63 = arith.constant 0 : i32
      %lt3A_64 = arith.cmpi slt, %select_n3A_59, %lt3A_63 : i32
      %ne3A_65 = arith.xori %lt3A_62, %lt3A_64 : i1
      %and3A = arith.andi %ne3A_65, %ne3A_60 : i1
      %add3A_66 = arith.addi %rem3A, %select_n3A_59 : i32
      %select_n3A_67 = arith.select %and3A, %add3A_66, %rem3A : i32
      %mul3A_68 = arith.constant 32 : i32
      %mul3A_69 = arith.muli %while3A_55, %mul3A_68 : i32
      %add3A_70 = arith.addi %add3A, %mul3A_69 : i32
      %mul3A_71 = arith.constant 384 : i32
      %mul3A_72 = arith.muli %add3A_70, %mul3A_71 : i32
      %multiple_of3A_73 = tpu.assume_multiple %mul3A_72, 384 : i32
      %add3A_74 = arith.constant 1 : i32
      %add3A_75 = arith.addi %while3A_55, %add3A_74 : i32
      %lt3A_76 = arith.cmpi slt, %add3A_75, %add3A_4 : i32
      %convert_element_type3A = arith.extui %lt3A_76 : i1 to i32
      %cond3A = arith.constant 0 : i32
      %cond3A_77 = arith.cmpi ne, %convert_element_type3A, %cond3A : i32
      scf.if %cond3A_77 {
        %add3A_101 = arith.constant 1 : i32
        %add3A_102 = arith.addi %while3A_55, %add3A_101 : i32
        %jit3A_103 = arith.constant 2 : i32
        %eq3A_104 = arith.constant 0 : i32
        %eq3A_105 = arith.cmpi eq, %jit3A_103, %eq3A_104 : i32
        %jit3A_106 = arith.constant 1 : i32
        %select_n3A_107 = arith.select %eq3A_105, %jit3A_106, %jit3A_103 : i32
        %rem3A_108 = arith.remsi %add3A_102, %select_n3A_107 : i32
        %ne3A_109 = arith.constant 0 : i32
        %ne3A_110 = arith.cmpi ne, %rem3A_108, %ne3A_109 : i32
        %lt3A_111 = arith.constant 0 : i32
        %lt3A_112 = arith.cmpi slt, %rem3A_108, %lt3A_111 : i32
        %lt3A_113 = arith.constant 0 : i32
        %lt3A_114 = arith.cmpi slt, %select_n3A_107, %lt3A_113 : i32
        %ne3A_115 = arith.xori %lt3A_112, %lt3A_114 : i1
        %and3A_116 = arith.andi %ne3A_115, %ne3A_110 : i1
        %add3A_117 = arith.addi %rem3A_108, %select_n3A_107 : i32
        %select_n3A_118 = arith.select %and3A_116, %add3A_117, %rem3A_108 : i32
        %mul3A_119 = arith.constant 32 : i32
        %mul3A_120 = arith.muli %add3A_102, %mul3A_119 : i32
        %add3A_121 = arith.addi %add3A, %mul3A_120 : i32
        %mul3A_122 = arith.constant 384 : i32
        %mul3A_123 = arith.muli %add3A_121, %mul3A_122 : i32
        %multiple_of3A_124 = tpu.assume_multiple %mul3A_123, 384 : i32
        "tpu.region"() ({
          %run_scoped3A = tpu.sem_alloc : memref<!tpu.dma_semaphore, #tpu.memory_space<semaphore_mem>>
          %dma_start3A_138 = tpu.memref_slice %arg2[%multiple_of3A_124] : memref<500352xf32, #tpu.memory_space<hbm>> -> memref<384xf32, #tpu.memory_space<hbm>>
          %dma_start3A_139 = tpu.memref_slice %arg2[%multiple_of3A_124] : memref<500352xf32, #tpu.memory_space<hbm>> -> memref<384xf32, #tpu.memory_space<hbm>>
          tpu.enqueue_dma source(%dma_start3A_139 : memref<384xf32, #tpu.memory_space<hbm>>) target(%arg7 : memref<384xf32, #tpu.memory_space<vmem>>) target_semaphore(%run_scoped3A : memref<!tpu.dma_semaphore, #tpu.memory_space<semaphore_mem>>)
          %dma_wait3A = tpu.memref_slice %arg2[%multiple_of3A_124] : memref<500352xf32, #tpu.memory_space<hbm>> -> memref<384xf32, #tpu.memory_space<hbm>>
          %dma_wait3A_140 = tpu.memref_slice %arg2[%multiple_of3A_124] : memref<500352xf32, #tpu.memory_space<hbm>> -> memref<384xf32, #tpu.memory_space<hbm>>
          tpu.wait_dma2 semaphore(%run_scoped3A : memref<!tpu.dma_semaphore, #tpu.memory_space<semaphore_mem>>) src(%dma_wait3A_140 : memref<384xf32, #tpu.memory_space<hbm>>) dst(%arg7 : memref<384xf32, #tpu.memory_space<vmem>>)
          tpu.yield
        }) : () -> ()
        "tpu.region"() ({
          %run_scoped3A = tpu.sem_alloc : memref<!tpu.dma_semaphore, #tpu.memory_space<semaphore_mem>>
          %dma_start3A_138 = tpu.memref_slice %arg3[%multiple_of3A_124] : memref<500352xf32, #tpu.memory_space<hbm>> -> memref<384xf32, #tpu.memory_space<hbm>>
          %dma_start3A_139 = tpu.memref_slice %arg3[%multiple_of3A_124] : memref<500352xf32, #tpu.memory_space<hbm>> -> memref<384xf32, #tpu.memory_space<hbm>>
          tpu.enqueue_dma source(%dma_start3A_139 : memref<384xf32, #tpu.memory_space<hbm>>) target(%arg8 : memref<384xf32, #tpu.memory_space<vmem>>) target_semaphore(%run_scoped3A : memref<!tpu.dma_semaphore, #tpu.memory_space<semaphore_mem>>)
          %dma_wait3A = tpu.memref_slice %arg3[%multiple_of3A_124] : memref<500352xf32, #tpu.memory_space<hbm>> -> memref<384xf32, #tpu.memory_space<hbm>>
          %dma_wait3A_140 = tpu.memref_slice %arg3[%multiple_of3A_124] : memref<500352xf32, #tpu.memory_space<hbm>> -> memref<384xf32, #tpu.memory_space<hbm>>
          tpu.wait_dma2 semaphore(%run_scoped3A : memref<!tpu.dma_semaphore, #tpu.memory_space<semaphore_mem>>) src(%dma_wait3A_140 : memref<384xf32, #tpu.memory_space<hbm>>) dst(%arg8 : memref<384xf32, #tpu.memory_space<vmem>>)
          tpu.yield
        }) : () -> ()
        %parallel_loop3A_125 = arith.constant 0 : i32
        %parallel_loop3A_126 = arith.constant 24 : i32
        %parallel_loop3A_127 = arith.constant 1 : i32
        scf.for %parallel_loop3A_138 = %parallel_loop3A_125 to %parallel_loop3A_126 step %parallel_loop3A_127  : i32 {
          %parallel_loop3A_139 = arith.constant 16 : i32
          %parallel_loop3A_140 = arith.muli %parallel_loop3A_138, %parallel_loop3A_139 : i32
          %parallel_loop3A_141 = arith.index_cast %parallel_loop3A_140 : i32 to index
          %parallel_loop3A_142 = tpu.vector_load %arg7[%parallel_loop3A_141] {strides = array<i32>} : memref<384xf32, #tpu.memory_space<vmem>>, vector<16xf32>,
          %parallel_loop3A_143 = arith.index_cast %parallel_loop3A_140 : i32 to index
          %parallel_loop3A_144 = tpu.vector_load %arg8[%parallel_loop3A_143] {strides = array<i32>} : memref<384xf32, #tpu.memory_space<vmem>>, vector<16xf32>,
          %parallel_loop3A_145 = arith.constant 3.14159274 : f32
          %parallel_loop3A_146 = vector.broadcast %parallel_loop3A_145 : f32 to vector<16xf32>
          %parallel_loop3A_147 = arith.addf %parallel_loop3A_142, %parallel_loop3A_146 : vector<16xf32>
          %parallel_loop3A_148 = arith.constant 57.2957802 : f32
          %parallel_loop3A_149 = vector.broadcast %parallel_loop3A_148 : f32 to vector<16xf32>
          %parallel_loop3A_150 = arith.mulf %parallel_loop3A_147, %parallel_loop3A_149 : vector<16xf32>
          %parallel_loop3A_151 = arith.fptosi %parallel_loop3A_150 : vector<16xf32> to vector<16xi32>
          %parallel_loop3A_152 = arith.constant 0 : i32
          %parallel_loop3A_153 = vector.broadcast %parallel_loop3A_152 : i32 to vector<16xi32>
          %parallel_loop3A_154 = arith.maxsi %parallel_loop3A_151, %parallel_loop3A_153 : vector<16xi32>
          %parallel_loop3A_155 = arith.constant 359 : i32
          %parallel_loop3A_156 = vector.broadcast %parallel_loop3A_155 : i32 to vector<16xi32>
          %parallel_loop3A_157 = arith.minsi %parallel_loop3A_154, %parallel_loop3A_156 : vector<16xi32>
          %parallel_loop3A_158 = arith.sitofp %parallel_loop3A_157 : vector<16xi32> to vector<16xf32>
          %parallel_loop3A_159 = arith.constant 0.0174532924 : f32
          %parallel_loop3A_160 = vector.broadcast %parallel_loop3A_159 : f32 to vector<16xf32>
          %parallel_loop3A_161 = arith.mulf %parallel_loop3A_158, %parallel_loop3A_160 : vector<16xf32>
          %parallel_loop3A_162 = arith.constant 3.14159274 : f32
          %parallel_loop3A_163 = vector.broadcast %parallel_loop3A_162 : f32 to vector<16xf32>
          %parallel_loop3A_164 = arith.subf %parallel_loop3A_161, %parallel_loop3A_163 : vector<16xf32>
          %parallel_loop3A_165 = arith.subf %parallel_loop3A_142, %parallel_loop3A_164 : vector<16xf32>
          %parallel_loop3A_166 = arith.mulf %parallel_loop3A_165, %parallel_loop3A_165 : vector<16xf32>
          %parallel_loop3A_167 = arith.constant 0.166666672 : f32
          %parallel_loop3A_168 = vector.broadcast %parallel_loop3A_167 : f32 to vector<16xf32>
          %parallel_loop3A_169 = arith.mulf %parallel_loop3A_166, %parallel_loop3A_168 : vector<16xf32>
          %parallel_loop3A_170 = arith.constant 1.000000e+00 : f32
          %parallel_loop3A_171 = vector.broadcast %parallel_loop3A_170 : f32 to vector<16xf32>
          %parallel_loop3A_172 = arith.subf %parallel_loop3A_171, %parallel_loop3A_169 : vector<16xf32>
          %parallel_loop3A_173 = arith.mulf %parallel_loop3A_165, %parallel_loop3A_172 : vector<16xf32>
          %parallel_loop3A_174 = arith.constant 0.0174532924 : f32
          %parallel_loop3A_175 = vector.broadcast %parallel_loop3A_174 : f32 to vector<16xf32>
          %parallel_loop3A_176 = arith.subf %parallel_loop3A_175, %parallel_loop3A_165 : vector<16xf32>
          %parallel_loop3A_177 = arith.mulf %parallel_loop3A_176, %parallel_loop3A_176 : vector<16xf32>
          %parallel_loop3A_178 = arith.constant 0.166666672 : f32
          %parallel_loop3A_179 = vector.broadcast %parallel_loop3A_178 : f32 to vector<16xf32>
          %parallel_loop3A_180 = arith.mulf %parallel_loop3A_177, %parallel_loop3A_179 : vector<16xf32>
          %parallel_loop3A_181 = arith.constant 1.000000e+00 : f32
          %parallel_loop3A_182 = vector.broadcast %parallel_loop3A_181 : f32 to vector<16xf32>
          %parallel_loop3A_183 = arith.subf %parallel_loop3A_182, %parallel_loop3A_180 : vector<16xf32>
          %parallel_loop3A_184 = arith.mulf %parallel_loop3A_176, %parallel_loop3A_183 : vector<16xf32>
          %parallel_loop3A_185 = arith.constant 57.298687 : f32
          %parallel_loop3A_186 = vector.broadcast %parallel_loop3A_185 : f32 to vector<16xf32>
          %parallel_loop3A_187 = arith.mulf %parallel_loop3A_184, %parallel_loop3A_186 : vector<16xf32>
          %parallel_loop3A_188 = arith.constant 57.298687 : f32
          %parallel_loop3A_189 = vector.broadcast %parallel_loop3A_188 : f32 to vector<16xf32>
          %parallel_loop3A_190 = arith.mulf %parallel_loop3A_173, %parallel_loop3A_189 : vector<16xf32>
          %parallel_loop3A_191 = arith.constant 1.57079637 : f32
          %parallel_loop3A_192 = vector.broadcast %parallel_loop3A_191 : f32 to vector<16xf32>
          %parallel_loop3A_193 = arith.addf %parallel_loop3A_144, %parallel_loop3A_192 : vector<16xf32>
          %parallel_loop3A_194 = arith.constant 57.2957802 : f32
          %parallel_loop3A_195 = vector.broadcast %parallel_loop3A_194 : f32 to vector<16xf32>
          %parallel_loop3A_196 = arith.mulf %parallel_loop3A_193, %parallel_loop3A_195 : vector<16xf32>
          %parallel_loop3A_197 = arith.fptosi %parallel_loop3A_196 : vector<16xf32> to vector<16xi32>
          %parallel_loop3A_198 = arith.constant 1 : i32
          %parallel_loop3A_199 = vector.broadcast %parallel_loop3A_198 : i32 to vector<16xi32>
          %parallel_loop3A_200 = arith.subi %parallel_loop3A_197, %parallel_loop3A_199 : vector<16xi32>
          %parallel_loop3A_201 = arith.constant 0 : i32
          %parallel_loop3A_202 = vector.broadcast %parallel_loop3A_201 : i32 to vector<16xi32>
          %parallel_loop3A_203 = arith.maxsi %parallel_loop3A_200, %parallel_loop3A_202 : vector<16xi32>
          %parallel_loop3A_204 = arith.constant 177 : i32
          %parallel_loop3A_205 = vector.broadcast %parallel_loop3A_204 : i32 to vector<16xi32>
          %parallel_loop3A_206 = arith.minsi %parallel_loop3A_203, %parallel_loop3A_205 : vector<16xi32>
          %parallel_loop3A_207 = arith.sitofp %parallel_loop3A_206 : vector<16xi32> to vector<16xf32>
          %parallel_loop3A_208 = arith.constant 1.000000e+00 : f32
          %parallel_loop3A_209 = vector.broadcast %parallel_loop3A_208 : f32 to vector<16xf32>
          %parallel_loop3A_210 = arith.addf %parallel_loop3A_207, %parallel_loop3A_209 : vector<16xf32>
          %parallel_loop3A_211 = arith.constant 0.0174532924 : f32
          %parallel_loop3A_212 = vector.broadcast %parallel_loop3A_211 : f32 to vector<16xf32>
          %parallel_loop3A_213 = arith.mulf %parallel_loop3A_210, %parallel_loop3A_212 : vector<16xf32>
          %parallel_loop3A_214 = arith.constant 1.57079637 : f32
          %parallel_loop3A_215 = vector.broadcast %parallel_loop3A_214 : f32 to vector<16xf32>
          %parallel_loop3A_216 = arith.subf %parallel_loop3A_213, %parallel_loop3A_215 : vector<16xf32>
          %parallel_loop3A_217 = arith.subf %parallel_loop3A_144, %parallel_loop3A_216 : vector<16xf32>
          %parallel_loop3A_218 = arith.mulf %parallel_loop3A_217, %parallel_loop3A_217 : vector<16xf32>
          %parallel_loop3A_219 = arith.constant 0.166666672 : f32
          %parallel_loop3A_220 = vector.broadcast %parallel_loop3A_219 : f32 to vector<16xf32>
          %parallel_loop3A_221 = arith.mulf %parallel_loop3A_218, %parallel_loop3A_220 : vector<16xf32>
          %parallel_loop3A_222 = arith.constant 1.000000e+00 : f32
          %parallel_loop3A_223 = vector.broadcast %parallel_loop3A_222 : f32 to vector<16xf32>
          %parallel_loop3A_224 = arith.subf %parallel_loop3A_223, %parallel_loop3A_221 : vector<16xf32>
          %parallel_loop3A_225 = arith.mulf %parallel_loop3A_217, %parallel_loop3A_224 : vector<16xf32>
          %parallel_loop3A_226 = arith.constant 0.0174532924 : f32
          %parallel_loop3A_227 = vector.broadcast %parallel_loop3A_226 : f32 to vector<16xf32>
          %parallel_loop3A_228 = arith.subf %parallel_loop3A_227, %parallel_loop3A_217 : vector<16xf32>
          %parallel_loop3A_229 = arith.mulf %parallel_loop3A_228, %parallel_loop3A_228 : vector<16xf32>
          %parallel_loop3A_230 = arith.constant 0.166666672 : f32
          %parallel_loop3A_231 = vector.broadcast %parallel_loop3A_230 : f32 to vector<16xf32>
          %parallel_loop3A_232 = arith.mulf %parallel_loop3A_229, %parallel_loop3A_231 : vector<16xf32>
          %parallel_loop3A_233 = arith.constant 1.000000e+00 : f32
          %parallel_loop3A_234 = vector.broadcast %parallel_loop3A_233 : f32 to vector<16xf32>
          %parallel_loop3A_235 = arith.subf %parallel_loop3A_234, %parallel_loop3A_232 : vector<16xf32>
          %parallel_loop3A_236 = arith.mulf %parallel_loop3A_228, %parallel_loop3A_235 : vector<16xf32>
          %parallel_loop3A_237 = arith.constant 57.298687 : f32
          %parallel_loop3A_238 = vector.broadcast %parallel_loop3A_237 : f32 to vector<16xf32>
          %parallel_loop3A_239 = arith.mulf %parallel_loop3A_236, %parallel_loop3A_238 : vector<16xf32>
          %parallel_loop3A_240 = arith.constant 57.298687 : f32
          %parallel_loop3A_241 = vector.broadcast %parallel_loop3A_240 : f32 to vector<16xf32>
          %parallel_loop3A_242 = arith.mulf %parallel_loop3A_225, %parallel_loop3A_241 : vector<16xf32>
          %parallel_loop3A_243 = arith.constant 178 : i32
          %parallel_loop3A_244 = vector.broadcast %parallel_loop3A_243 : i32 to vector<16xi32>
          %parallel_loop3A_245 = arith.muli %parallel_loop3A_157, %parallel_loop3A_244 : vector<16xi32>
          %parallel_loop3A_246 = arith.addi %parallel_loop3A_245, %parallel_loop3A_206 : vector<16xi32>
          %parallel_loop3A_247 = arith.index_cast %select_n3A_118 : i32 to index
          %parallel_loop3A_248 = arith.index_cast %parallel_loop3A_140 : i32 to index
          %parallel_loop3A_249 = tpu.vector_load %arg9[%parallel_loop3A_247, %parallel_loop3A_248] {strides = array<i32>} : memref<2x384xi32, #tpu.memory_space<vmem>>, vector<16xi32>,
          tpu.vector_store %arg9[%parallel_loop3A_247, %parallel_loop3A_248], %parallel_loop3A_246 {strides = array<i32>} : memref<2x384xi32, #tpu.memory_space<vmem>>, vector<16xi32>,
          %parallel_loop3A_250 = arith.mulf %parallel_loop3A_239, %parallel_loop3A_187 : vector<16xf32>
          %parallel_loop3A_251 = arith.constant 0 : i32
          %parallel_loop3A_252 = arith.index_cast %select_n3A_118 : i32 to index
          %parallel_loop3A_253 = arith.index_cast %parallel_loop3A_251 : i32 to index
          %parallel_loop3A_254 = arith.index_cast %parallel_loop3A_140 : i32 to index
          %parallel_loop3A_255 = tpu.vector_load %arg10[%parallel_loop3A_252, %parallel_loop3A_253, %parallel_loop3A_254] {strides = array<i32>} : memref<2x4x384xf32, #tpu.memory_space<vmem>>, vector<16xf32>,
          tpu.vector_store %arg10[%parallel_loop3A_252, %parallel_loop3A_253, %parallel_loop3A_254], %parallel_loop3A_250 {strides = array<i32>} : memref<2x4x384xf32, #tpu.memory_space<vmem>>, vector<16xf32>,
          %parallel_loop3A_256 = arith.mulf %parallel_loop3A_242, %parallel_loop3A_187 : vector<16xf32>
          %parallel_loop3A_257 = arith.constant 1 : i32
          %parallel_loop3A_258 = arith.index_cast %select_n3A_118 : i32 to index
          %parallel_loop3A_259 = arith.index_cast %parallel_loop3A_257 : i32 to index
          %parallel_loop3A_260 = arith.index_cast %parallel_loop3A_140 : i32 to index
          %parallel_loop3A_261 = tpu.vector_load %arg10[%parallel_loop3A_258, %parallel_loop3A_259, %parallel_loop3A_260] {strides = array<i32>} : memref<2x4x384xf32, #tpu.memory_space<vmem>>, vector<16xf32>,
          tpu.vector_store %arg10[%parallel_loop3A_258, %parallel_loop3A_259, %parallel_loop3A_260], %parallel_loop3A_256 {strides = array<i32>} : memref<2x4x384xf32, #tpu.memory_space<vmem>>, vector<16xf32>,
          %parallel_loop3A_262 = arith.mulf %parallel_loop3A_239, %parallel_loop3A_190 : vector<16xf32>
          %parallel_loop3A_263 = arith.constant 2 : i32
          %parallel_loop3A_264 = arith.index_cast %select_n3A_118 : i32 to index
          %parallel_loop3A_265 = arith.index_cast %parallel_loop3A_263 : i32 to index
          %parallel_loop3A_266 = arith.index_cast %parallel_loop3A_140 : i32 to index
          %parallel_loop3A_267 = tpu.vector_load %arg10[%parallel_loop3A_264, %parallel_loop3A_265, %parallel_loop3A_266] {strides = array<i32>} : memref<2x4x384xf32, #tpu.memory_space<vmem>>, vector<16xf32>,
          tpu.vector_store %arg10[%parallel_loop3A_264, %parallel_loop3A_265, %parallel_loop3A_266], %parallel_loop3A_262 {strides = array<i32>} : memref<2x4x384xf32, #tpu.memory_space<vmem>>, vector<16xf32>,
          %parallel_loop3A_268 = arith.mulf %parallel_loop3A_242, %parallel_loop3A_190 : vector<16xf32>
          %parallel_loop3A_269 = arith.constant 3 : i32
          %parallel_loop3A_270 = arith.index_cast %select_n3A_118 : i32 to index
          %parallel_loop3A_271 = arith.index_cast %parallel_loop3A_269 : i32 to index
          %parallel_loop3A_272 = arith.index_cast %parallel_loop3A_140 : i32 to index
          %parallel_loop3A_273 = tpu.vector_load %arg10[%parallel_loop3A_270, %parallel_loop3A_271, %parallel_loop3A_272] {strides = array<i32>} : memref<2x4x384xf32, #tpu.memory_space<vmem>>, vector<16xf32>,
          tpu.vector_store %arg10[%parallel_loop3A_270, %parallel_loop3A_271, %parallel_loop3A_272], %parallel_loop3A_268 {strides = array<i32>} : memref<2x4x384xf32, #tpu.memory_space<vmem>>, vector<16xf32>,
        } {sc.loop_unroll_factor = 4 : i64, sc.parallel_access}
        %eq3A_128 = arith.constant 0 : i32
        %eq3A_129 = arith.cmpi eq, %select_n3A_118, %eq3A_128 : i32
        %convert_element_type3A_130 = arith.extui %eq3A_129 : i1 to i32
        %cond3A_131 = arith.constant 0 : i32
        %cond3A_132 = arith.cmpi ne, %convert_element_type3A_130, %cond3A_131 : i32
        scf.if %cond3A_132 {
          %dma_start3A_138 = arith.constant 0 : i32
          %dma_start3A_139 = arith.constant 0 : i32
          %dma_start3A_140 = arith.constant 0 : i32
          %dma_start3A_141 = arith.constant 0 : i32
          %dma_start3A_142 = tpu.memref_slice %arg11[%dma_start3A_139, %dma_start3A_140, %dma_start3A_141] : memref<2x384x128xf32, #tpu.memory_space<vmem>> -> memref<1x128x128xf32, #tpu.memory_space<vmem>>
          %dma_start3A_143 = tpu.memref_squeeze %dma_start3A_142 : memref<1x128x128xf32, #tpu.memory_space<vmem>> -> memref<128x128xf32, #tpu.memory_space<vmem>>
          %dma_start3A_144 = arith.constant 0 : i32
          %dma_start3A_145 = tpu.memref_slice %arg9[%dma_start3A_138, %dma_start3A_144] : memref<2x384xi32, #tpu.memory_space<vmem>> -> memref<1x128xi32, #tpu.memory_space<vmem>>
          %dma_start3A_146 = tpu.memref_squeeze %dma_start3A_145 : memref<1x128xi32, #tpu.memory_space<vmem>> -> memref<128xi32, #tpu.memory_space<vmem>>
          %dma_start3A_147 = arith.constant 0 : i32
          %dma_start3A_148 = arith.constant 0 : i32
          %dma_start3A_149 = tpu.memref_slice %arg4[%dma_start3A_147, %dma_start3A_148] : memref<64080x128xf32, #tpu.memory_space<hbm>> -> memref<64080x128xf32, #tpu.memory_space<hbm>>
          tpu.enqueue_indirect_dma source(%dma_start3A_149 : memref<64080x128xf32, #tpu.memory_space<hbm>>) target(%dma_start3A_143 : memref<128x128xf32, #tpu.memory_space<vmem>>) offsets(%dma_start3A_146 : memref<128xi32, #tpu.memory_space<vmem>>) semaphore(%arg13 : memref<!tpu.dma_semaphore, #tpu.memory_space<semaphore_mem>>)
          %dma_start3A_150 = arith.constant 0 : i32
          %dma_start3A_151 = arith.constant 0 : i32
          %dma_start3A_152 = arith.constant 128 : i32
          %dma_start3A_153 = arith.constant 0 : i32
          %dma_start3A_154 = tpu.memref_slice %arg11[%dma_start3A_151, %dma_start3A_152, %dma_start3A_153] : memref<2x384x128xf32, #tpu.memory_space<vmem>> -> memref<1x128x128xf32, #tpu.memory_space<vmem>>
          %dma_start3A_155 = tpu.memref_squeeze %dma_start3A_154 : memref<1x128x128xf32, #tpu.memory_space<vmem>> -> memref<128x128xf32, #tpu.memory_space<vmem>>
          %dma_start3A_156 = arith.constant 128 : i32
          %dma_start3A_157 = tpu.memref_slice %arg9[%dma_start3A_150, %dma_start3A_156] : memref<2x384xi32, #tpu.memory_space<vmem>> -> memref<1x128xi32, #tpu.memory_space<vmem>>
          %dma_start3A_158 = tpu.memref_squeeze %dma_start3A_157 : memref<1x128xi32, #tpu.memory_space<vmem>> -> memref<128xi32, #tpu.memory_space<vmem>>
          %dma_start3A_159 = arith.constant 0 : i32
          %dma_start3A_160 = arith.constant 0 : i32
          %dma_start3A_161 = tpu.memref_slice %arg4[%dma_start3A_159, %dma_start3A_160] : memref<64080x128xf32, #tpu.memory_space<hbm>> -> memref<64080x128xf32, #tpu.memory_space<hbm>>
          tpu.enqueue_indirect_dma source(%dma_start3A_161 : memref<64080x128xf32, #tpu.memory_space<hbm>>) target(%dma_start3A_155 : memref<128x128xf32, #tpu.memory_space<vmem>>) offsets(%dma_start3A_158 : memref<128xi32, #tpu.memory_space<vmem>>) semaphore(%arg13 : memref<!tpu.dma_semaphore, #tpu.memory_space<semaphore_mem>>)
          %dma_start3A_162 = arith.constant 0 : i32
          %dma_start3A_163 = arith.constant 0 : i32
          %dma_start3A_164 = arith.constant 256 : i32
          %dma_start3A_165 = arith.constant 0 : i32
          %dma_start3A_166 = tpu.memref_slice %arg11[%dma_start3A_163, %dma_start3A_164, %dma_start3A_165] : memref<2x384x128xf32, #tpu.memory_space<vmem>> -> memref<1x128x128xf32, #tpu.memory_space<vmem>>
          %dma_start3A_167 = tpu.memref_squeeze %dma_start3A_166 : memref<1x128x128xf32, #tpu.memory_space<vmem>> -> memref<128x128xf32, #tpu.memory_space<vmem>>
          %dma_start3A_168 = arith.constant 256 : i32
          %dma_start3A_169 = tpu.memref_slice %arg9[%dma_start3A_162, %dma_start3A_168] : memref<2x384xi32, #tpu.memory_space<vmem>> -> memref<1x128xi32, #tpu.memory_space<vmem>>
          %dma_start3A_170 = tpu.memref_squeeze %dma_start3A_169 : memref<1x128xi32, #tpu.memory_space<vmem>> -> memref<128xi32, #tpu.memory_space<vmem>>
          %dma_start3A_171 = arith.constant 0 : i32
          %dma_start3A_172 = arith.constant 0 : i32
          %dma_start3A_173 = tpu.memref_slice %arg4[%dma_start3A_171, %dma_start3A_172] : memref<64080x128xf32, #tpu.memory_space<hbm>> -> memref<64080x128xf32, #tpu.memory_space<hbm>>
          tpu.enqueue_indirect_dma source(%dma_start3A_173 : memref<64080x128xf32, #tpu.memory_space<hbm>>) target(%dma_start3A_167 : memref<128x128xf32, #tpu.memory_space<vmem>>) offsets(%dma_start3A_170 : memref<128xi32, #tpu.memory_space<vmem>>) semaphore(%arg13 : memref<!tpu.dma_semaphore, #tpu.memory_space<semaphore_mem>>)
        } else {
        }
        %eq3A_133 = arith.constant 1 : i32
        %eq3A_134 = arith.cmpi eq, %select_n3A_118, %eq3A_133 : i32
        %convert_element_type3A_135 = arith.extui %eq3A_134 : i1 to i32
        %cond3A_136 = arith.constant 0 : i32
        %cond3A_137 = arith.cmpi ne, %convert_element_type3A_135, %cond3A_136 : i32
        scf.if %cond3A_137 {
          %dma_start3A_138 = arith.constant 1 : i32
          %dma_start3A_139 = arith.constant 1 : i32
          %dma_start3A_140 = arith.constant 0 : i32
          %dma_start3A_141 = arith.constant 0 : i32
          %dma_start3A_142 = tpu.memref_slice %arg11[%dma_start3A_139, %dma_start3A_140, %dma_start3A_141] : memref<2x384x128xf32, #tpu.memory_space<vmem>> -> memref<1x128x128xf32, #tpu.memory_space<vmem>>
          %dma_start3A_143 = tpu.memref_squeeze %dma_start3A_142 : memref<1x128x128xf32, #tpu.memory_space<vmem>> -> memref<128x128xf32, #tpu.memory_space<vmem>>
          %dma_start3A_144 = arith.constant 0 : i32
          %dma_start3A_145 = tpu.memref_slice %arg9[%dma_start3A_138, %dma_start3A_144] : memref<2x384xi32, #tpu.memory_space<vmem>> -> memref<1x128xi32, #tpu.memory_space<vmem>>
          %dma_start3A_146 = tpu.memref_squeeze %dma_start3A_145 : memref<1x128xi32, #tpu.memory_space<vmem>> -> memref<128xi32, #tpu.memory_space<vmem>>
          %dma_start3A_147 = arith.constant 0 : i32
          %dma_start3A_148 = arith.constant 0 : i32
          %dma_start3A_149 = tpu.memref_slice %arg4[%dma_start3A_147, %dma_start3A_148] : memref<64080x128xf32, #tpu.memory_space<hbm>> -> memref<64080x128xf32, #tpu.memory_space<hbm>>
          tpu.enqueue_indirect_dma source(%dma_start3A_149 : memref<64080x128xf32, #tpu.memory_space<hbm>>) target(%dma_start3A_143 : memref<128x128xf32, #tpu.memory_space<vmem>>) offsets(%dma_start3A_146 : memref<128xi32, #tpu.memory_space<vmem>>) semaphore(%arg14 : memref<!tpu.dma_semaphore, #tpu.memory_space<semaphore_mem>>)
          %dma_start3A_150 = arith.constant 1 : i32
          %dma_start3A_151 = arith.constant 1 : i32
          %dma_start3A_152 = arith.constant 128 : i32
          %dma_start3A_153 = arith.constant 0 : i32
          %dma_start3A_154 = tpu.memref_slice %arg11[%dma_start3A_151, %dma_start3A_152, %dma_start3A_153] : memref<2x384x128xf32, #tpu.memory_space<vmem>> -> memref<1x128x128xf32, #tpu.memory_space<vmem>>
          %dma_start3A_155 = tpu.memref_squeeze %dma_start3A_154 : memref<1x128x128xf32, #tpu.memory_space<vmem>> -> memref<128x128xf32, #tpu.memory_space<vmem>>
          %dma_start3A_156 = arith.constant 128 : i32
          %dma_start3A_157 = tpu.memref_slice %arg9[%dma_start3A_150, %dma_start3A_156] : memref<2x384xi32, #tpu.memory_space<vmem>> -> memref<1x128xi32, #tpu.memory_space<vmem>>
          %dma_start3A_158 = tpu.memref_squeeze %dma_start3A_157 : memref<1x128xi32, #tpu.memory_space<vmem>> -> memref<128xi32, #tpu.memory_space<vmem>>
          %dma_start3A_159 = arith.constant 0 : i32
          %dma_start3A_160 = arith.constant 0 : i32
          %dma_start3A_161 = tpu.memref_slice %arg4[%dma_start3A_159, %dma_start3A_160] : memref<64080x128xf32, #tpu.memory_space<hbm>> -> memref<64080x128xf32, #tpu.memory_space<hbm>>
          tpu.enqueue_indirect_dma source(%dma_start3A_161 : memref<64080x128xf32, #tpu.memory_space<hbm>>) target(%dma_start3A_155 : memref<128x128xf32, #tpu.memory_space<vmem>>) offsets(%dma_start3A_158 : memref<128xi32, #tpu.memory_space<vmem>>) semaphore(%arg14 : memref<!tpu.dma_semaphore, #tpu.memory_space<semaphore_mem>>)
          %dma_start3A_162 = arith.constant 1 : i32
          %dma_start3A_163 = arith.constant 1 : i32
          %dma_start3A_164 = arith.constant 256 : i32
          %dma_start3A_165 = arith.constant 0 : i32
          %dma_start3A_166 = tpu.memref_slice %arg11[%dma_start3A_163, %dma_start3A_164, %dma_start3A_165] : memref<2x384x128xf32, #tpu.memory_space<vmem>> -> memref<1x128x128xf32, #tpu.memory_space<vmem>>
          %dma_start3A_167 = tpu.memref_squeeze %dma_start3A_166 : memref<1x128x128xf32, #tpu.memory_space<vmem>> -> memref<128x128xf32, #tpu.memory_space<vmem>>
          %dma_start3A_168 = arith.constant 256 : i32
          %dma_start3A_169 = tpu.memref_slice %arg9[%dma_start3A_162, %dma_start3A_168] : memref<2x384xi32, #tpu.memory_space<vmem>> -> memref<1x128xi32, #tpu.memory_space<vmem>>
          %dma_start3A_170 = tpu.memref_squeeze %dma_start3A_169 : memref<1x128xi32, #tpu.memory_space<vmem>> -> memref<128xi32, #tpu.memory_space<vmem>>
          %dma_start3A_171 = arith.constant 0 : i32
          %dma_start3A_172 = arith.constant 0 : i32
          %dma_start3A_173 = tpu.memref_slice %arg4[%dma_start3A_171, %dma_start3A_172] : memref<64080x128xf32, #tpu.memory_space<hbm>> -> memref<64080x128xf32, #tpu.memory_space<hbm>>
          tpu.enqueue_indirect_dma source(%dma_start3A_173 : memref<64080x128xf32, #tpu.memory_space<hbm>>) target(%dma_start3A_167 : memref<128x128xf32, #tpu.memory_space<vmem>>) offsets(%dma_start3A_170 : memref<128xi32, #tpu.memory_space<vmem>>) semaphore(%arg14 : memref<!tpu.dma_semaphore, #tpu.memory_space<semaphore_mem>>)
        } else {
        }
      } else {
      }
      %eq3A_78 = arith.constant 0 : i32
      %eq3A_79 = arith.cmpi eq, %select_n3A_67, %eq3A_78 : i32
      %convert_element_type3A_80 = arith.extui %eq3A_79 : i1 to i32
      %cond3A_81 = arith.constant 0 : i32
      %cond3A_82 = arith.cmpi ne, %convert_element_type3A_80, %cond3A_81 : i32
      scf.if %cond3A_82 {
        %dma_wait3A = arith.constant 0 : i32
        %dma_wait3A_101 = arith.constant 0 : i32
        %dma_wait3A_102 = arith.constant 0 : i32
        %dma_wait3A_103 = tpu.memref_slice %arg11[%dma_wait3A, %dma_wait3A_101, %dma_wait3A_102] : memref<2x384x128xf32, #tpu.memory_space<vmem>> -> memref<1x384x128xf32, #tpu.memory_space<vmem>>
        %dma_wait3A_104 = tpu.memref_squeeze %dma_wait3A_103 : memref<1x384x128xf32, #tpu.memory_space<vmem>> -> memref<384x128xf32, #tpu.memory_space<vmem>>
        %dma_wait3A_105 = arith.constant 0 : i32
        %dma_wait3A_106 = arith.constant 0 : i32
        %dma_wait3A_107 = tpu.memref_slice %arg4[%dma_wait3A_105, %dma_wait3A_106] : memref<64080x128xf32, #tpu.memory_space<hbm>> -> memref<384x128xf32, #tpu.memory_space<hbm>>
        %dma_wait3A_108 = arith.constant 0 : i32
        %dma_wait3A_109 = arith.constant 0 : i32
        %dma_wait3A_110 = tpu.memref_slice %arg11[%dma_wait3A, %dma_wait3A_108, %dma_wait3A_109] : memref<2x384x128xf32, #tpu.memory_space<vmem>> -> memref<1x384x128xf32, #tpu.memory_space<vmem>>
        %dma_wait3A_111 = tpu.memref_squeeze %dma_wait3A_110 : memref<1x384x128xf32, #tpu.memory_space<vmem>> -> memref<384x128xf32, #tpu.memory_space<vmem>>
        %dma_wait3A_112 = arith.constant 0 : i32
        %dma_wait3A_113 = arith.constant 0 : i32
        %dma_wait3A_114 = tpu.memref_slice %arg4[%dma_wait3A_112, %dma_wait3A_113] : memref<64080x128xf32, #tpu.memory_space<hbm>> -> memref<384x128xf32, #tpu.memory_space<hbm>>
        tpu.wait_dma2 semaphore(%arg13 : memref<!tpu.dma_semaphore, #tpu.memory_space<semaphore_mem>>) src(%dma_wait3A_114 : memref<384x128xf32, #tpu.memory_space<hbm>>) dst(%dma_wait3A_111 : memref<384x128xf32, #tpu.memory_space<vmem>>)
      } else {
      }
      %eq3A_83 = arith.constant 1 : i32
      %eq3A_84 = arith.cmpi eq, %select_n3A_67, %eq3A_83 : i32
      %convert_element_type3A_85 = arith.extui %eq3A_84 : i1 to i32
      %cond3A_86 = arith.constant 0 : i32
      %cond3A_87 = arith.cmpi ne, %convert_element_type3A_85, %cond3A_86 : i32
      scf.if %cond3A_87 {
        %dma_wait3A = arith.constant 1 : i32
        %dma_wait3A_101 = arith.constant 0 : i32
        %dma_wait3A_102 = arith.constant 0 : i32
        %dma_wait3A_103 = tpu.memref_slice %arg11[%dma_wait3A, %dma_wait3A_101, %dma_wait3A_102] : memref<2x384x128xf32, #tpu.memory_space<vmem>> -> memref<1x384x128xf32, #tpu.memory_space<vmem>>
        %dma_wait3A_104 = tpu.memref_squeeze %dma_wait3A_103 : memref<1x384x128xf32, #tpu.memory_space<vmem>> -> memref<384x128xf32, #tpu.memory_space<vmem>>
        %dma_wait3A_105 = arith.constant 0 : i32
        %dma_wait3A_106 = arith.constant 0 : i32
        %dma_wait3A_107 = tpu.memref_slice %arg4[%dma_wait3A_105, %dma_wait3A_106] : memref<64080x128xf32, #tpu.memory_space<hbm>> -> memref<384x128xf32, #tpu.memory_space<hbm>>
        %dma_wait3A_108 = arith.constant 0 : i32
        %dma_wait3A_109 = arith.constant 0 : i32
        %dma_wait3A_110 = tpu.memref_slice %arg11[%dma_wait3A, %dma_wait3A_108, %dma_wait3A_109] : memref<2x384x128xf32, #tpu.memory_space<vmem>> -> memref<1x384x128xf32, #tpu.memory_space<vmem>>
        %dma_wait3A_111 = tpu.memref_squeeze %dma_wait3A_110 : memref<1x384x128xf32, #tpu.memory_space<vmem>> -> memref<384x128xf32, #tpu.memory_space<vmem>>
        %dma_wait3A_112 = arith.constant 0 : i32
        %dma_wait3A_113 = arith.constant 0 : i32
        %dma_wait3A_114 = tpu.memref_slice %arg4[%dma_wait3A_112, %dma_wait3A_113] : memref<64080x128xf32, #tpu.memory_space<hbm>> -> memref<384x128xf32, #tpu.memory_space<hbm>>
        tpu.wait_dma2 semaphore(%arg14 : memref<!tpu.dma_semaphore, #tpu.memory_space<semaphore_mem>>) src(%dma_wait3A_114 : memref<384x128xf32, #tpu.memory_space<hbm>>) dst(%dma_wait3A_111 : memref<384x128xf32, #tpu.memory_space<vmem>>)
      } else {
      }
      %parallel_loop3A_88 = arith.constant 0 : i32
      %parallel_loop3A_89 = arith.constant 24 : i32
      %parallel_loop3A_90 = arith.constant 1 : i32
      scf.for %parallel_loop3A_101 = %parallel_loop3A_88 to %parallel_loop3A_89 step %parallel_loop3A_90  : i32 {
        %parallel_loop3A_102 = arith.constant 16 : i32
        %parallel_loop3A_103 = arith.muli %parallel_loop3A_101, %parallel_loop3A_102 : i32
        %parallel_loop3A_104 = arith.constant 0 : i32
        %parallel_loop3A_105 = arith.index_cast %select_n3A_67 : i32 to index
        %parallel_loop3A_106 = arith.index_cast %parallel_loop3A_104 : i32 to index
        %parallel_loop3A_107 = arith.index_cast %parallel_loop3A_103 : i32 to index
        %parallel_loop3A_108 = tpu.vector_load %arg10[%parallel_loop3A_105, %parallel_loop3A_106, %parallel_loop3A_107] {strides = array<i32>} : memref<2x4x384xf32, #tpu.memory_space<vmem>>, vector<16xf32>,
        %parallel_loop3A_109 = arith.constant 1 : i32
        %parallel_loop3A_110 = arith.index_cast %select_n3A_67 : i32 to index
        %parallel_loop3A_111 = arith.index_cast %parallel_loop3A_109 : i32 to index
        %parallel_loop3A_112 = arith.index_cast %parallel_loop3A_103 : i32 to index
        %parallel_loop3A_113 = tpu.vector_load %arg10[%parallel_loop3A_110, %parallel_loop3A_111, %parallel_loop3A_112] {strides = array<i32>} : memref<2x4x384xf32, #tpu.memory_space<vmem>>, vector<16xf32>,
        %parallel_loop3A_114 = arith.constant 2 : i32
        %parallel_loop3A_115 = arith.index_cast %select_n3A_67 : i32 to index
        %parallel_loop3A_116 = arith.index_cast %parallel_loop3A_114 : i32 to index
        %parallel_loop3A_117 = arith.index_cast %parallel_loop3A_103 : i32 to index
        %parallel_loop3A_118 = tpu.vector_load %arg10[%parallel_loop3A_115, %parallel_loop3A_116, %parallel_loop3A_117] {strides = array<i32>} : memref<2x4x384xf32, #tpu.memory_space<vmem>>, vector<16xf32>,
        %parallel_loop3A_119 = arith.constant 3 : i32
        %parallel_loop3A_120 = arith.index_cast %select_n3A_67 : i32 to index
        %parallel_loop3A_121 = arith.index_cast %parallel_loop3A_119 : i32 to index
        %parallel_loop3A_122 = arith.index_cast %parallel_loop3A_103 : i32 to index
        %parallel_loop3A_123 = tpu.vector_load %arg10[%parallel_loop3A_120, %parallel_loop3A_121, %parallel_loop3A_122] {strides = array<i32>} : memref<2x4x384xf32, #tpu.memory_space<vmem>>, vector<16xf32>,
        %parallel_loop3A_124 = arith.constant 16 : i32
        %parallel_loop3A_125 = arith.muli %parallel_loop3A_101, %parallel_loop3A_124 : i32
        %parallel_loop3A_126 = arith.constant 0 : i32
        %parallel_loop3A_127 = arith.addi %parallel_loop3A_125, %parallel_loop3A_126 : i32
        %parallel_loop3A_128 = vector.extract_strided_slice %parallel_loop3A_108 {offsets = [0], sizes = [1], strides = [1]} : vector<16xf32> to vector<1xf32>
        %parallel_loop3A_129 = vector.extract %parallel_loop3A_128[0] : f32 from vector<1xf32>
        %parallel_loop3A_130 = vector.extract_strided_slice %parallel_loop3A_113 {offsets = [0], sizes = [1], strides = [1]} : vector<16xf32> to vector<1xf32>
        %parallel_loop3A_131 = vector.extract %parallel_loop3A_130[0] : f32 from vector<1xf32>
        %parallel_loop3A_132 = vector.extract_strided_slice %parallel_loop3A_118 {offsets = [0], sizes = [1], strides = [1]} : vector<16xf32> to vector<1xf32>
        %parallel_loop3A_133 = vector.extract %parallel_loop3A_132[0] : f32 from vector<1xf32>
        %parallel_loop3A_134 = vector.extract_strided_slice %parallel_loop3A_123 {offsets = [0], sizes = [1], strides = [1]} : vector<16xf32> to vector<1xf32>
        %parallel_loop3A_135 = vector.extract %parallel_loop3A_134[0] : f32 from vector<1xf32>
        %parallel_loop3A_136 = arith.constant 0 : i32
        %parallel_loop3A_137 = vector.broadcast %parallel_loop3A_136 : i32 to vector<16xi32>
        %parallel_loop3A_138 = vector.broadcast %parallel_loop3A_127 : i32 to vector<16xi32>
        %parallel_loop3A_139 = arith.addi %parallel_loop3A_137, %parallel_loop3A_138 : vector<16xi32>
        %parallel_loop3A_140 = arith.index_cast %select_n3A_67 : i32 to index
        %parallel_loop3A_141 = arith.index_cast %parallel_loop3A_127 : i32 to index
        %parallel_loop3A_142 = arith.constant 0 : index
        %parallel_loop3A_143 = tpu.vector_load %arg11[%parallel_loop3A_140, %parallel_loop3A_141, %parallel_loop3A_142] {strides = array<i32>} : memref<2x384x128xf32, #tpu.memory_space<vmem>>, vector<16xf32>,
        %parallel_loop3A_144 = vector.broadcast %parallel_loop3A_129 : f32 to vector<16xf32>
        %parallel_loop3A_145 = arith.mulf %parallel_loop3A_144, %parallel_loop3A_143 : vector<16xf32>
        %parallel_loop3A_146 = arith.index_cast %select_n3A_67 : i32 to index
        %parallel_loop3A_147 = arith.index_cast %parallel_loop3A_127 : i32 to index
        %parallel_loop3A_148 = arith.constant 32 : index
        %parallel_loop3A_149 = tpu.vector_load %arg11[%parallel_loop3A_146, %parallel_loop3A_147, %parallel_loop3A_148] {strides = array<i32>} : memref<2x384x128xf32, #tpu.memory_space<vmem>>, vector<16xf32>,
        %parallel_loop3A_150 = vector.broadcast %parallel_loop3A_131 : f32 to vector<16xf32>
        %parallel_loop3A_151 = arith.mulf %parallel_loop3A_150, %parallel_loop3A_149 : vector<16xf32>
        %parallel_loop3A_152 = arith.addf %parallel_loop3A_145, %parallel_loop3A_151 : vector<16xf32>
        %parallel_loop3A_153 = arith.index_cast %select_n3A_67 : i32 to index
        %parallel_loop3A_154 = arith.index_cast %parallel_loop3A_127 : i32 to index
        %parallel_loop3A_155 = arith.constant 64 : index
        %parallel_loop3A_156 = tpu.vector_load %arg11[%parallel_loop3A_153, %parallel_loop3A_154, %parallel_loop3A_155] {strides = array<i32>} : memref<2x384x128xf32, #tpu.memory_space<vmem>>, vector<16xf32>,
        %parallel_loop3A_157 = vector.broadcast %parallel_loop3A_133 : f32 to vector<16xf32>
        %parallel_loop3A_158 = arith.mulf %parallel_loop3A_157, %parallel_loop3A_156 : vector<16xf32>
        %parallel_loop3A_159 = arith.index_cast %select_n3A_67 : i32 to index
        %parallel_loop3A_160 = arith.index_cast %parallel_loop3A_127 : i32 to index
        %parallel_loop3A_161 = arith.constant 96 : index
        %parallel_loop3A_162 = tpu.vector_load %arg11[%parallel_loop3A_159, %parallel_loop3A_160, %parallel_loop3A_161] {strides = array<i32>} : memref<2x384x128xf32, #tpu.memory_space<vmem>>, vector<16xf32>,
        %parallel_loop3A_163 = vector.broadcast %parallel_loop3A_135 : f32 to vector<16xf32>
        %parallel_loop3A_164 = arith.mulf %parallel_loop3A_163, %parallel_loop3A_162 : vector<16xf32>
        %parallel_loop3A_165 = arith.addf %parallel_loop3A_158, %parallel_loop3A_164 : vector<16xf32>
        %parallel_loop3A_166 = arith.addf %parallel_loop3A_152, %parallel_loop3A_165 : vector<16xf32>
        %parallel_loop3A_167 = arith.constant 0 : i32
        %parallel_loop3A_168 = vector.broadcast %parallel_loop3A_167 : i32 to vector<16xi32>
        %parallel_loop3A_169 = arith.addi %iota3A, %parallel_loop3A_168 : vector<16xi32>
        tpu.vector_store_idx %arg12[%parallel_loop3A_169, %parallel_loop3A_139], %parallel_loop3A_166 : memref<32x384xf32, #tpu.memory_space<vmem>>[vector<16xi32>, vector<16xi32>], vector<16xf32>,
        %parallel_loop3A_170 = arith.index_cast %select_n3A_67 : i32 to index
        %parallel_loop3A_171 = arith.index_cast %parallel_loop3A_127 : i32 to index
        %parallel_loop3A_172 = arith.constant 16 : index
        %parallel_loop3A_173 = tpu.vector_load %arg11[%parallel_loop3A_170, %parallel_loop3A_171, %parallel_loop3A_172] {strides = array<i32>} : memref<2x384x128xf32, #tpu.memory_space<vmem>>, vector<16xf32>,
        %parallel_loop3A_174 = vector.broadcast %parallel_loop3A_129 : f32 to vector<16xf32>
        %parallel_loop3A_175 = arith.mulf %parallel_loop3A_174, %parallel_loop3A_173 : vector<16xf32>
        %parallel_loop3A_176 = arith.index_cast %select_n3A_67 : i32 to index
        %parallel_loop3A_177 = arith.index_cast %parallel_loop3A_127 : i32 to index
        %parallel_loop3A_178 = arith.constant 48 : index
        %parallel_loop3A_179 = tpu.vector_load %arg11[%parallel_loop3A_176, %parallel_loop3A_177, %parallel_loop3A_178] {strides = array<i32>} : memref<2x384x128xf32, #tpu.memory_space<vmem>>, vector<16xf32>,
        %parallel_loop3A_180 = vector.broadcast %parallel_loop3A_131 : f32 to vector<16xf32>
        %parallel_loop3A_181 = arith.mulf %parallel_loop3A_180, %parallel_loop3A_179 : vector<16xf32>
        %parallel_loop3A_182 = arith.addf %parallel_loop3A_175, %parallel_loop3A_181 : vector<16xf32>
        %parallel_loop3A_183 = arith.index_cast %select_n3A_67 : i32 to index
        %parallel_loop3A_184 = arith.index_cast %parallel_loop3A_127 : i32 to index
        %parallel_loop3A_185 = arith.constant 80 : index
        %parallel_loop3A_186 = tpu.vector_load %arg11[%parallel_loop3A_183, %parallel_loop3A_184, %parallel_loop3A_185] {strides = array<i32>} : memref<2x384x128xf32, #tpu.memory_space<vmem>>, vector<16xf32>,
        %parallel_loop3A_187 = vector.broadcast %parallel_loop3A_133 : f32 to vector<16xf32>
        %parallel_loop3A_188 = arith.mulf %parallel_loop3A_187, %parallel_loop3A_186 : vector<16xf32>
        %parallel_loop3A_189 = arith.index_cast %select_n3A_67 : i32 to index
        %parallel_loop3A_190 = arith.index_cast %parallel_loop3A_127 : i32 to index
        %parallel_loop3A_191 = arith.constant 112 : index
        %parallel_loop3A_192 = tpu.vector_load %arg11[%parallel_loop3A_189, %parallel_loop3A_190, %parallel_loop3A_191] {strides = array<i32>} : memref<2x384x128xf32, #tpu.memory_space<vmem>>, vector<16xf32>,
        %parallel_loop3A_193 = vector.broadcast %parallel_loop3A_135 : f32 to vector<16xf32>
        %parallel_loop3A_194 = arith.mulf %parallel_loop3A_193, %parallel_loop3A_192 : vector<16xf32>
        %parallel_loop3A_195 = arith.addf %parallel_loop3A_188, %parallel_loop3A_194 : vector<16xf32>
        %parallel_loop3A_196 = arith.addf %parallel_loop3A_182, %parallel_loop3A_195 : vector<16xf32>
        %parallel_loop3A_197 = arith.constant 16 : i32
        %parallel_loop3A_198 = vector.broadcast %parallel_loop3A_197 : i32 to vector<16xi32>
        %parallel_loop3A_199 = arith.addi %iota3A, %parallel_loop3A_198 : vector<16xi32>
        tpu.vector_store_idx %arg12[%parallel_loop3A_199, %parallel_loop3A_139], %parallel_loop3A_196 : memref<32x384xf32, #tpu.memory_space<vmem>>[vector<16xi32>, vector<16xi32>], vector<16xf32>,
        %parallel_loop3A_200 = arith.constant 16 : i32
        %parallel_loop3A_201 = arith.muli %parallel_loop3A_101, %parallel_loop3A_200 : i32
        %parallel_loop3A_202 = arith.constant 1 : i32
        %parallel_loop3A_203 = arith.addi %parallel_loop3A_201, %parallel_loop3A_202 : i32
        %parallel_loop3A_204 = vector.extract_strided_slice %parallel_loop3A_108 {offsets = [1], sizes = [1], strides = [1]} : vector<16xf32> to vector<1xf32>
        %parallel_loop3A_205 = vector.extract %parallel_loop3A_204[0] : f32 from vector<1xf32>
        %parallel_loop3A_206 = vector.extract_strided_slice %parallel_loop3A_113 {offsets = [1], sizes = [1], strides = [1]} : vector<16xf32> to vector<1xf32>
        %parallel_loop3A_207 = vector.extract %parallel_loop3A_206[0] : f32 from vector<1xf32>
        %parallel_loop3A_208 = vector.extract_strided_slice %parallel_loop3A_118 {offsets = [1], sizes = [1], strides = [1]} : vector<16xf32> to vector<1xf32>
        %parallel_loop3A_209 = vector.extract %parallel_loop3A_208[0] : f32 from vector<1xf32>
        %parallel_loop3A_210 = vector.extract_strided_slice %parallel_loop3A_123 {offsets = [1], sizes = [1], strides = [1]} : vector<16xf32> to vector<1xf32>
        %parallel_loop3A_211 = vector.extract %parallel_loop3A_210[0] : f32 from vector<1xf32>
        %parallel_loop3A_212 = arith.constant 0 : i32
        %parallel_loop3A_213 = vector.broadcast %parallel_loop3A_212 : i32 to vector<16xi32>
        %parallel_loop3A_214 = vector.broadcast %parallel_loop3A_203 : i32 to vector<16xi32>
        %parallel_loop3A_215 = arith.addi %parallel_loop3A_213, %parallel_loop3A_214 : vector<16xi32>
        %parallel_loop3A_216 = arith.index_cast %select_n3A_67 : i32 to index
        %parallel_loop3A_217 = arith.index_cast %parallel_loop3A_203 : i32 to index
        %parallel_loop3A_218 = arith.constant 0 : index
        %parallel_loop3A_219 = tpu.vector_load %arg11[%parallel_loop3A_216, %parallel_loop3A_217, %parallel_loop3A_218] {strides = array<i32>} : memref<2x384x128xf32, #tpu.memory_space<vmem>>, vector<16xf32>,
        %parallel_loop3A_220 = vector.broadcast %parallel_loop3A_205 : f32 to vector<16xf32>
        %parallel_loop3A_221 = arith.mulf %parallel_loop3A_220, %parallel_loop3A_219 : vector<16xf32>
        %parallel_loop3A_222 = arith.index_cast %select_n3A_67 : i32 to index
        %parallel_loop3A_223 = arith.index_cast %parallel_loop3A_203 : i32 to index
        %parallel_loop3A_224 = arith.constant 32 : index
        %parallel_loop3A_225 = tpu.vector_load %arg11[%parallel_loop3A_222, %parallel_loop3A_223, %parallel_loop3A_224] {strides = array<i32>} : memref<2x384x128xf32, #tpu.memory_space<vmem>>, vector<16xf32>,
        %parallel_loop3A_226 = vector.broadcast %parallel_loop3A_207 : f32 to vector<16xf32>
        %parallel_loop3A_227 = arith.mulf %parallel_loop3A_226, %parallel_loop3A_225 : vector<16xf32>
        %parallel_loop3A_228 = arith.addf %parallel_loop3A_221, %parallel_loop3A_227 : vector<16xf32>
        %parallel_loop3A_229 = arith.index_cast %select_n3A_67 : i32 to index
        %parallel_loop3A_230 = arith.index_cast %parallel_loop3A_203 : i32 to index
        %parallel_loop3A_231 = arith.constant 64 : index
        %parallel_loop3A_232 = tpu.vector_load %arg11[%parallel_loop3A_229, %parallel_loop3A_230, %parallel_loop3A_231] {strides = array<i32>} : memref<2x384x128xf32, #tpu.memory_space<vmem>>, vector<16xf32>,
        %parallel_loop3A_233 = vector.broadcast %parallel_loop3A_209 : f32 to vector<16xf32>
        %parallel_loop3A_234 = arith.mulf %parallel_loop3A_233, %parallel_loop3A_232 : vector<16xf32>
        %parallel_loop3A_235 = arith.index_cast %select_n3A_67 : i32 to index
        %parallel_loop3A_236 = arith.index_cast %parallel_loop3A_203 : i32 to index
        %parallel_loop3A_237 = arith.constant 96 : index
        %parallel_loop3A_238 = tpu.vector_load %arg11[%parallel_loop3A_235, %parallel_loop3A_236, %parallel_loop3A_237] {strides = array<i32>} : memref<2x384x128xf32, #tpu.memory_space<vmem>>, vector<16xf32>,
        %parallel_loop3A_239 = vector.broadcast %parallel_loop3A_211 : f32 to vector<16xf32>
        %parallel_loop3A_240 = arith.mulf %parallel_loop3A_239, %parallel_loop3A_238 : vector<16xf32>
        %parallel_loop3A_241 = arith.addf %parallel_loop3A_234, %parallel_loop3A_240 : vector<16xf32>
        %parallel_loop3A_242 = arith.addf %parallel_loop3A_228, %parallel_loop3A_241 : vector<16xf32>
        %parallel_loop3A_243 = arith.constant 0 : i32
        %parallel_loop3A_244 = vector.broadcast %parallel_loop3A_243 : i32 to vector<16xi32>
        %parallel_loop3A_245 = arith.addi %iota3A, %parallel_loop3A_244 : vector<16xi32>
        tpu.vector_store_idx %arg12[%parallel_loop3A_245, %parallel_loop3A_215], %parallel_loop3A_242 : memref<32x384xf32, #tpu.memory_space<vmem>>[vector<16xi32>, vector<16xi32>], vector<16xf32>,
        %parallel_loop3A_246 = arith.index_cast %select_n3A_67 : i32 to index
        %parallel_loop3A_247 = arith.index_cast %parallel_loop3A_203 : i32 to index
        %parallel_loop3A_248 = arith.constant 16 : index
        %parallel_loop3A_249 = tpu.vector_load %arg11[%parallel_loop3A_246, %parallel_loop3A_247, %parallel_loop3A_248] {strides = array<i32>} : memref<2x384x128xf32, #tpu.memory_space<vmem>>, vector<16xf32>,
        %parallel_loop3A_250 = vector.broadcast %parallel_loop3A_205 : f32 to vector<16xf32>
        %parallel_loop3A_251 = arith.mulf %parallel_loop3A_250, %parallel_loop3A_249 : vector<16xf32>
        %parallel_loop3A_252 = arith.index_cast %select_n3A_67 : i32 to index
        %parallel_loop3A_253 = arith.index_cast %parallel_loop3A_203 : i32 to index
        %parallel_loop3A_254 = arith.constant 48 : index
        %parallel_loop3A_255 = tpu.vector_load %arg11[%parallel_loop3A_252, %parallel_loop3A_253, %parallel_loop3A_254] {strides = array<i32>} : memref<2x384x128xf32, #tpu.memory_space<vmem>>, vector<16xf32>,
        %parallel_loop3A_256 = vector.broadcast %parallel_loop3A_207 : f32 to vector<16xf32>
        %parallel_loop3A_257 = arith.mulf %parallel_loop3A_256, %parallel_loop3A_255 : vector<16xf32>
        %parallel_loop3A_258 = arith.addf %parallel_loop3A_251, %parallel_loop3A_257 : vector<16xf32>
        %parallel_loop3A_259 = arith.index_cast %select_n3A_67 : i32 to index
        %parallel_loop3A_260 = arith.index_cast %parallel_loop3A_203 : i32 to index
        %parallel_loop3A_261 = arith.constant 80 : index
        %parallel_loop3A_262 = tpu.vector_load %arg11[%parallel_loop3A_259, %parallel_loop3A_260, %parallel_loop3A_261] {strides = array<i32>} : memref<2x384x128xf32, #tpu.memory_space<vmem>>, vector<16xf32>,
        %parallel_loop3A_263 = vector.broadcast %parallel_loop3A_209 : f32 to vector<16xf32>
        %parallel_loop3A_264 = arith.mulf %parallel_loop3A_263, %parallel_loop3A_262 : vector<16xf32>
        %parallel_loop3A_265 = arith.index_cast %select_n3A_67 : i32 to index
        %parallel_loop3A_266 = arith.index_cast %parallel_loop3A_203 : i32 to index
        %parallel_loop3A_267 = arith.constant 112 : index
        %parallel_loop3A_268 = tpu.vector_load %arg11[%parallel_loop3A_265, %parallel_loop3A_266, %parallel_loop3A_267] {strides = array<i32>} : memref<2x384x128xf32, #tpu.memory_space<vmem>>, vector<16xf32>,
        %parallel_loop3A_269 = vector.broadcast %parallel_loop3A_211 : f32 to vector<16xf32>
        %parallel_loop3A_270 = arith.mulf %parallel_loop3A_269, %parallel_loop3A_268 : vector<16xf32>
        %parallel_loop3A_271 = arith.addf %parallel_loop3A_264, %parallel_loop3A_270 : vector<16xf32>
        %parallel_loop3A_272 = arith.addf %parallel_loop3A_258, %parallel_loop3A_271 : vector<16xf32>
        %parallel_loop3A_273 = arith.constant 16 : i32
        %parallel_loop3A_274 = vector.broadcast %parallel_loop3A_273 : i32 to vector<16xi32>
        %parallel_loop3A_275 = arith.addi %iota3A, %parallel_loop3A_274 : vector<16xi32>
        tpu.vector_store_idx %arg12[%parallel_loop3A_275, %parallel_loop3A_215], %parallel_loop3A_272 : memref<32x384xf32, #tpu.memory_space<vmem>>[vector<16xi32>, vector<16xi32>], vector<16xf32>,
        %parallel_loop3A_276 = arith.constant 16 : i32
        %parallel_loop3A_277 = arith.muli %parallel_loop3A_101, %parallel_loop3A_276 : i32
        %parallel_loop3A_278 = arith.constant 2 : i32
        %parallel_loop3A_279 = arith.addi %parallel_loop3A_277, %parallel_loop3A_278 : i32
        %parallel_loop3A_280 = vector.extract_strided_slice %parallel_loop3A_108 {offsets = [2], sizes = [1], strides = [1]} : vector<16xf32> to vector<1xf32>
        %parallel_loop3A_281 = vector.extract %parallel_loop3A_280[0] : f32 from vector<1xf32>
        %parallel_loop3A_282 = vector.extract_strided_slice %parallel_loop3A_113 {offsets = [2], sizes = [1], strides = [1]} : vector<16xf32> to vector<1xf32>
        %parallel_loop3A_283 = vector.extract %parallel_loop3A_282[0] : f32 from vector<1xf32>
        %parallel_loop3A_284 = vector.extract_strided_slice %parallel_loop3A_118 {offsets = [2], sizes = [1], strides = [1]} : vector<16xf32> to vector<1xf32>
        %parallel_loop3A_285 = vector.extract %parallel_loop3A_284[0] : f32 from vector<1xf32>
        %parallel_loop3A_286 = vector.extract_strided_slice %parallel_loop3A_123 {offsets = [2], sizes = [1], strides = [1]} : vector<16xf32> to vector<1xf32>
        %parallel_loop3A_287 = vector.extract %parallel_loop3A_286[0] : f32 from vector<1xf32>
        %parallel_loop3A_288 = arith.constant 0 : i32
        %parallel_loop3A_289 = vector.broadcast %parallel_loop3A_288 : i32 to vector<16xi32>
        %parallel_loop3A_290 = vector.broadcast %parallel_loop3A_279 : i32 to vector<16xi32>
        %parallel_loop3A_291 = arith.addi %parallel_loop3A_289, %parallel_loop3A_290 : vector<16xi32>
        %parallel_loop3A_292 = arith.index_cast %select_n3A_67 : i32 to index
        %parallel_loop3A_293 = arith.index_cast %parallel_loop3A_279 : i32 to index
        %parallel_loop3A_294 = arith.constant 0 : index
        %parallel_loop3A_295 = tpu.vector_load %arg11[%parallel_loop3A_292, %parallel_loop3A_293, %parallel_loop3A_294] {strides = array<i32>} : memref<2x384x128xf32, #tpu.memory_space<vmem>>, vector<16xf32>,
        %parallel_loop3A_296 = vector.broadcast %parallel_loop3A_281 : f32 to vector<16xf32>
        %parallel_loop3A_297 = arith.mulf %parallel_loop3A_296, %parallel_loop3A_295 : vector<16xf32>
        %parallel_loop3A_298 = arith.index_cast %select_n3A_67 : i32 to index
        %parallel_loop3A_299 = arith.index_cast %parallel_loop3A_279 : i32 to index
        %parallel_loop3A_300 = arith.constant 32 : index
        %parallel_loop3A_301 = tpu.vector_load %arg11[%parallel_loop3A_298, %parallel_loop3A_299, %parallel_loop3A_300] {strides = array<i32>} : memref<2x384x128xf32, #tpu.memory_space<vmem>>, vector<16xf32>,
        %parallel_loop3A_302 = vector.broadcast %parallel_loop3A_283 : f32 to vector<16xf32>
        %parallel_loop3A_303 = arith.mulf %parallel_loop3A_302, %parallel_loop3A_301 : vector<16xf32>
        %parallel_loop3A_304 = arith.addf %parallel_loop3A_297, %parallel_loop3A_303 : vector<16xf32>
        %parallel_loop3A_305 = arith.index_cast %select_n3A_67 : i32 to index
        %parallel_loop3A_306 = arith.index_cast %parallel_loop3A_279 : i32 to index
        %parallel_loop3A_307 = arith.constant 64 : index
        %parallel_loop3A_308 = tpu.vector_load %arg11[%parallel_loop3A_305, %parallel_loop3A_306, %parallel_loop3A_307] {strides = array<i32>} : memref<2x384x128xf32, #tpu.memory_space<vmem>>, vector<16xf32>,
        %parallel_loop3A_309 = vector.broadcast %parallel_loop3A_285 : f32 to vector<16xf32>
        %parallel_loop3A_310 = arith.mulf %parallel_loop3A_309, %parallel_loop3A_308 : vector<16xf32>
        %parallel_loop3A_311 = arith.index_cast %select_n3A_67 : i32 to index
        %parallel_loop3A_312 = arith.index_cast %parallel_loop3A_279 : i32 to index
        %parallel_loop3A_313 = arith.constant 96 : index
        %parallel_loop3A_314 = tpu.vector_load %arg11[%parallel_loop3A_311, %parallel_loop3A_312, %parallel_loop3A_313] {strides = array<i32>} : memref<2x384x128xf32, #tpu.memory_space<vmem>>, vector<16xf32>,
        %parallel_loop3A_315 = vector.broadcast %parallel_loop3A_287 : f32 to vector<16xf32>
        %parallel_loop3A_316 = arith.mulf %parallel_loop3A_315, %parallel_loop3A_314 : vector<16xf32>
        %parallel_loop3A_317 = arith.addf %parallel_loop3A_310, %parallel_loop3A_316 : vector<16xf32>
        %parallel_loop3A_318 = arith.addf %parallel_loop3A_304, %parallel_loop3A_317 : vector<16xf32>
        %parallel_loop3A_319 = arith.constant 0 : i32
        %parallel_loop3A_320 = vector.broadcast %parallel_loop3A_319 : i32 to vector<16xi32>
        %parallel_loop3A_321 = arith.addi %iota3A, %parallel_loop3A_320 : vector<16xi32>
        tpu.vector_store_idx %arg12[%parallel_loop3A_321, %parallel_loop3A_291], %parallel_loop3A_318 : memref<32x384xf32, #tpu.memory_space<vmem>>[vector<16xi32>, vector<16xi32>], vector<16xf32>,
        %parallel_loop3A_322 = arith.index_cast %select_n3A_67 : i32 to index
        %parallel_loop3A_323 = arith.index_cast %parallel_loop3A_279 : i32 to index
        %parallel_loop3A_324 = arith.constant 16 : index
        %parallel_loop3A_325 = tpu.vector_load %arg11[%parallel_loop3A_322, %parallel_loop3A_323, %parallel_loop3A_324] {strides = array<i32>} : memref<2x384x128xf32, #tpu.memory_space<vmem>>, vector<16xf32>,
        %parallel_loop3A_326 = vector.broadcast %parallel_loop3A_281 : f32 to vector<16xf32>
        %parallel_loop3A_327 = arith.mulf %parallel_loop3A_326, %parallel_loop3A_325 : vector<16xf32>
        %parallel_loop3A_328 = arith.index_cast %select_n3A_67 : i32 to index
        %parallel_loop3A_329 = arith.index_cast %parallel_loop3A_279 : i32 to index
        %parallel_loop3A_330 = arith.constant 48 : index
        %parallel_loop3A_331 = tpu.vector_load %arg11[%parallel_loop3A_328, %parallel_loop3A_329, %parallel_loop3A_330] {strides = array<i32>} : memref<2x384x128xf32, #tpu.memory_space<vmem>>, vector<16xf32>,
        %parallel_loop3A_332 = vector.broadcast %parallel_loop3A_283 : f32 to vector<16xf32>
        %parallel_loop3A_333 = arith.mulf %parallel_loop3A_332, %parallel_loop3A_331 : vector<16xf32>
        %parallel_loop3A_334 = arith.addf %parallel_loop3A_327, %parallel_loop3A_333 : vector<16xf32>
        %parallel_loop3A_335 = arith.index_cast %select_n3A_67 : i32 to index
        %parallel_loop3A_336 = arith.index_cast %parallel_loop3A_279 : i32 to index
        %parallel_loop3A_337 = arith.constant 80 : index
        %parallel_loop3A_338 = tpu.vector_load %arg11[%parallel_loop3A_335, %parallel_loop3A_336, %parallel_loop3A_337] {strides = array<i32>} : memref<2x384x128xf32, #tpu.memory_space<vmem>>, vector<16xf32>,
        %parallel_loop3A_339 = vector.broadcast %parallel_loop3A_285 : f32 to vector<16xf32>
        %parallel_loop3A_340 = arith.mulf %parallel_loop3A_339, %parallel_loop3A_338 : vector<16xf32>
        %parallel_loop3A_341 = arith.index_cast %select_n3A_67 : i32 to index
        %parallel_loop3A_342 = arith.index_cast %parallel_loop3A_279 : i32 to index
        %parallel_loop3A_343 = arith.constant 112 : index
        %parallel_loop3A_344 = tpu.vector_load %arg11[%parallel_loop3A_341, %parallel_loop3A_342, %parallel_loop3A_343] {strides = array<i32>} : memref<2x384x128xf32, #tpu.memory_space<vmem>>, vector<16xf32>,
        %parallel_loop3A_345 = vector.broadcast %parallel_loop3A_287 : f32 to vector<16xf32>
        %parallel_loop3A_346 = arith.mulf %parallel_loop3A_345, %parallel_loop3A_344 : vector<16xf32>
        %parallel_loop3A_347 = arith.addf %parallel_loop3A_340, %parallel_loop3A_346 : vector<16xf32>
        %parallel_loop3A_348 = arith.addf %parallel_loop3A_334, %parallel_loop3A_347 : vector<16xf32>
        %parallel_loop3A_349 = arith.constant 16 : i32
        %parallel_loop3A_350 = vector.broadcast %parallel_loop3A_349 : i32 to vector<16xi32>
        %parallel_loop3A_351 = arith.addi %iota3A, %parallel_loop3A_350 : vector<16xi32>
        tpu.vector_store_idx %arg12[%parallel_loop3A_351, %parallel_loop3A_291], %parallel_loop3A_348 : memref<32x384xf32, #tpu.memory_space<vmem>>[vector<16xi32>, vector<16xi32>], vector<16xf32>,
        %parallel_loop3A_352 = arith.constant 16 : i32
        %parallel_loop3A_353 = arith.muli %parallel_loop3A_101, %parallel_loop3A_352 : i32
        %parallel_loop3A_354 = arith.constant 3 : i32
        %parallel_loop3A_355 = arith.addi %parallel_loop3A_353, %parallel_loop3A_354 : i32
        %parallel_loop3A_356 = vector.extract_strided_slice %parallel_loop3A_108 {offsets = [3], sizes = [1], strides = [1]} : vector<16xf32> to vector<1xf32>
        %parallel_loop3A_357 = vector.extract %parallel_loop3A_356[0] : f32 from vector<1xf32>
        %parallel_loop3A_358 = vector.extract_strided_slice %parallel_loop3A_113 {offsets = [3], sizes = [1], strides = [1]} : vector<16xf32> to vector<1xf32>
        %parallel_loop3A_359 = vector.extract %parallel_loop3A_358[0] : f32 from vector<1xf32>
        %parallel_loop3A_360 = vector.extract_strided_slice %parallel_loop3A_118 {offsets = [3], sizes = [1], strides = [1]} : vector<16xf32> to vector<1xf32>
        %parallel_loop3A_361 = vector.extract %parallel_loop3A_360[0] : f32 from vector<1xf32>
        %parallel_loop3A_362 = vector.extract_strided_slice %parallel_loop3A_123 {offsets = [3], sizes = [1], strides = [1]} : vector<16xf32> to vector<1xf32>
        %parallel_loop3A_363 = vector.extract %parallel_loop3A_362[0] : f32 from vector<1xf32>
        %parallel_loop3A_364 = arith.constant 0 : i32
        %parallel_loop3A_365 = vector.broadcast %parallel_loop3A_364 : i32 to vector<16xi32>
        %parallel_loop3A_366 = vector.broadcast %parallel_loop3A_355 : i32 to vector<16xi32>
        %parallel_loop3A_367 = arith.addi %parallel_loop3A_365, %parallel_loop3A_366 : vector<16xi32>
        %parallel_loop3A_368 = arith.index_cast %select_n3A_67 : i32 to index
        %parallel_loop3A_369 = arith.index_cast %parallel_loop3A_355 : i32 to index
        %parallel_loop3A_370 = arith.constant 0 : index
        %parallel_loop3A_371 = tpu.vector_load %arg11[%parallel_loop3A_368, %parallel_loop3A_369, %parallel_loop3A_370] {strides = array<i32>} : memref<2x384x128xf32, #tpu.memory_space<vmem>>, vector<16xf32>,
        %parallel_loop3A_372 = vector.broadcast %parallel_loop3A_357 : f32 to vector<16xf32>
        %parallel_loop3A_373 = arith.mulf %parallel_loop3A_372, %parallel_loop3A_371 : vector<16xf32>
        %parallel_loop3A_374 = arith.index_cast %select_n3A_67 : i32 to index
        %parallel_loop3A_375 = arith.index_cast %parallel_loop3A_355 : i32 to index
        %parallel_loop3A_376 = arith.constant 32 : index
        %parallel_loop3A_377 = tpu.vector_load %arg11[%parallel_loop3A_374, %parallel_loop3A_375, %parallel_loop3A_376] {strides = array<i32>} : memref<2x384x128xf32, #tpu.memory_space<vmem>>, vector<16xf32>,
        %parallel_loop3A_378 = vector.broadcast %parallel_loop3A_359 : f32 to vector<16xf32>
        %parallel_loop3A_379 = arith.mulf %parallel_loop3A_378, %parallel_loop3A_377 : vector<16xf32>
        %parallel_loop3A_380 = arith.addf %parallel_loop3A_373, %parallel_loop3A_379 : vector<16xf32>
        %parallel_loop3A_381 = arith.index_cast %select_n3A_67 : i32 to index
        %parallel_loop3A_382 = arith.index_cast %parallel_loop3A_355 : i32 to index
        %parallel_loop3A_383 = arith.constant 64 : index
        %parallel_loop3A_384 = tpu.vector_load %arg11[%parallel_loop3A_381, %parallel_loop3A_382, %parallel_loop3A_383] {strides = array<i32>} : memref<2x384x128xf32, #tpu.memory_space<vmem>>, vector<16xf32>,
        %parallel_loop3A_385 = vector.broadcast %parallel_loop3A_361 : f32 to vector<16xf32>
        %parallel_loop3A_386 = arith.mulf %parallel_loop3A_385, %parallel_loop3A_384 : vector<16xf32>
        %parallel_loop3A_387 = arith.index_cast %select_n3A_67 : i32 to index
        %parallel_loop3A_388 = arith.index_cast %parallel_loop3A_355 : i32 to index
        %parallel_loop3A_389 = arith.constant 96 : index
        %parallel_loop3A_390 = tpu.vector_load %arg11[%parallel_loop3A_387, %parallel_loop3A_388, %parallel_loop3A_389] {strides = array<i32>} : memref<2x384x128xf32, #tpu.memory_space<vmem>>, vector<16xf32>,
        %parallel_loop3A_391 = vector.broadcast %parallel_loop3A_363 : f32 to vector<16xf32>
        %parallel_loop3A_392 = arith.mulf %parallel_loop3A_391, %parallel_loop3A_390 : vector<16xf32>
        %parallel_loop3A_393 = arith.addf %parallel_loop3A_386, %parallel_loop3A_392 : vector<16xf32>
        %parallel_loop3A_394 = arith.addf %parallel_loop3A_380, %parallel_loop3A_393 : vector<16xf32>
        %parallel_loop3A_395 = arith.constant 0 : i32
        %parallel_loop3A_396 = vector.broadcast %parallel_loop3A_395 : i32 to vector<16xi32>
        %parallel_loop3A_397 = arith.addi %iota3A, %parallel_loop3A_396 : vector<16xi32>
        tpu.vector_store_idx %arg12[%parallel_loop3A_397, %parallel_loop3A_367], %parallel_loop3A_394 : memref<32x384xf32, #tpu.memory_space<vmem>>[vector<16xi32>, vector<16xi32>], vector<16xf32>,
        %parallel_loop3A_398 = arith.index_cast %select_n3A_67 : i32 to index
        %parallel_loop3A_399 = arith.index_cast %parallel_loop3A_355 : i32 to index
        %parallel_loop3A_400 = arith.constant 16 : index
        %parallel_loop3A_401 = tpu.vector_load %arg11[%parallel_loop3A_398, %parallel_loop3A_399, %parallel_loop3A_400] {strides = array<i32>} : memref<2x384x128xf32, #tpu.memory_space<vmem>>, vector<16xf32>,
        %parallel_loop3A_402 = vector.broadcast %parallel_loop3A_357 : f32 to vector<16xf32>
        %parallel_loop3A_403 = arith.mulf %parallel_loop3A_402, %parallel_loop3A_401 : vector<16xf32>
        %parallel_loop3A_404 = arith.index_cast %select_n3A_67 : i32 to index
        %parallel_loop3A_405 = arith.index_cast %parallel_loop3A_355 : i32 to index
        %parallel_loop3A_406 = arith.constant 48 : index
        %parallel_loop3A_407 = tpu.vector_load %arg11[%parallel_loop3A_404, %parallel_loop3A_405, %parallel_loop3A_406] {strides = array<i32>} : memref<2x384x128xf32, #tpu.memory_space<vmem>>, vector<16xf32>,
        %parallel_loop3A_408 = vector.broadcast %parallel_loop3A_359 : f32 to vector<16xf32>
        %parallel_loop3A_409 = arith.mulf %parallel_loop3A_408, %parallel_loop3A_407 : vector<16xf32>
        %parallel_loop3A_410 = arith.addf %parallel_loop3A_403, %parallel_loop3A_409 : vector<16xf32>
        %parallel_loop3A_411 = arith.index_cast %select_n3A_67 : i32 to index
        %parallel_loop3A_412 = arith.index_cast %parallel_loop3A_355 : i32 to index
        %parallel_loop3A_413 = arith.constant 80 : index
        %parallel_loop3A_414 = tpu.vector_load %arg11[%parallel_loop3A_411, %parallel_loop3A_412, %parallel_loop3A_413] {strides = array<i32>} : memref<2x384x128xf32, #tpu.memory_space<vmem>>, vector<16xf32>,
        %parallel_loop3A_415 = vector.broadcast %parallel_loop3A_361 : f32 to vector<16xf32>
        %parallel_loop3A_416 = arith.mulf %parallel_loop3A_415, %parallel_loop3A_414 : vector<16xf32>
        %parallel_loop3A_417 = arith.index_cast %select_n3A_67 : i32 to index
        %parallel_loop3A_418 = arith.index_cast %parallel_loop3A_355 : i32 to index
        %parallel_loop3A_419 = arith.constant 112 : index
        %parallel_loop3A_420 = tpu.vector_load %arg11[%parallel_loop3A_417, %parallel_loop3A_418, %parallel_loop3A_419] {strides = array<i32>} : memref<2x384x128xf32, #tpu.memory_space<vmem>>, vector<16xf32>,
        %parallel_loop3A_421 = vector.broadcast %parallel_loop3A_363 : f32 to vector<16xf32>
        %parallel_loop3A_422 = arith.mulf %parallel_loop3A_421, %parallel_loop3A_420 : vector<16xf32>
        %parallel_loop3A_423 = arith.addf %parallel_loop3A_416, %parallel_loop3A_422 : vector<16xf32>
        %parallel_loop3A_424 = arith.addf %parallel_loop3A_410, %parallel_loop3A_423 : vector<16xf32>
        %parallel_loop3A_425 = arith.constant 16 : i32
        %parallel_loop3A_426 = vector.broadcast %parallel_loop3A_425 : i32 to vector<16xi32>
        %parallel_loop3A_427 = arith.addi %iota3A, %parallel_loop3A_426 : vector<16xi32>
        tpu.vector_store_idx %arg12[%parallel_loop3A_427, %parallel_loop3A_367], %parallel_loop3A_424 : memref<32x384xf32, #tpu.memory_space<vmem>>[vector<16xi32>, vector<16xi32>], vector<16xf32>,
        %parallel_loop3A_428 = arith.constant 16 : i32
        %parallel_loop3A_429 = arith.muli %parallel_loop3A_101, %parallel_loop3A_428 : i32
        %parallel_loop3A_430 = arith.constant 4 : i32
        %parallel_loop3A_431 = arith.addi %parallel_loop3A_429, %parallel_loop3A_430 : i32
        %parallel_loop3A_432 = vector.extract_strided_slice %parallel_loop3A_108 {offsets = [4], sizes = [1], strides = [1]} : vector<16xf32> to vector<1xf32>
        %parallel_loop3A_433 = vector.extract %parallel_loop3A_432[0] : f32 from vector<1xf32>
        %parallel_loop3A_434 = vector.extract_strided_slice %parallel_loop3A_113 {offsets = [4], sizes = [1], strides = [1]} : vector<16xf32> to vector<1xf32>
        %parallel_loop3A_435 = vector.extract %parallel_loop3A_434[0] : f32 from vector<1xf32>
        %parallel_loop3A_436 = vector.extract_strided_slice %parallel_loop3A_118 {offsets = [4], sizes = [1], strides = [1]} : vector<16xf32> to vector<1xf32>
        %parallel_loop3A_437 = vector.extract %parallel_loop3A_436[0] : f32 from vector<1xf32>
        %parallel_loop3A_438 = vector.extract_strided_slice %parallel_loop3A_123 {offsets = [4], sizes = [1], strides = [1]} : vector<16xf32> to vector<1xf32>
        %parallel_loop3A_439 = vector.extract %parallel_loop3A_438[0] : f32 from vector<1xf32>
        %parallel_loop3A_440 = arith.constant 0 : i32
        %parallel_loop3A_441 = vector.broadcast %parallel_loop3A_440 : i32 to vector<16xi32>
        %parallel_loop3A_442 = vector.broadcast %parallel_loop3A_431 : i32 to vector<16xi32>
        %parallel_loop3A_443 = arith.addi %parallel_loop3A_441, %parallel_loop3A_442 : vector<16xi32>
        %parallel_loop3A_444 = arith.index_cast %select_n3A_67 : i32 to index
        %parallel_loop3A_445 = arith.index_cast %parallel_loop3A_431 : i32 to index
        %parallel_loop3A_446 = arith.constant 0 : index
        %parallel_loop3A_447 = tpu.vector_load %arg11[%parallel_loop3A_444, %parallel_loop3A_445, %parallel_loop3A_446] {strides = array<i32>} : memref<2x384x128xf32, #tpu.memory_space<vmem>>, vector<16xf32>,
        %parallel_loop3A_448 = vector.broadcast %parallel_loop3A_433 : f32 to vector<16xf32>
        %parallel_loop3A_449 = arith.mulf %parallel_loop3A_448, %parallel_loop3A_447 : vector<16xf32>
        %parallel_loop3A_450 = arith.index_cast %select_n3A_67 : i32 to index
        %parallel_loop3A_451 = arith.index_cast %parallel_loop3A_431 : i32 to index
        %parallel_loop3A_452 = arith.constant 32 : index
        %parallel_loop3A_453 = tpu.vector_load %arg11[%parallel_loop3A_450, %parallel_loop3A_451, %parallel_loop3A_452] {strides = array<i32>} : memref<2x384x128xf32, #tpu.memory_space<vmem>>, vector<16xf32>,
        %parallel_loop3A_454 = vector.broadcast %parallel_loop3A_435 : f32 to vector<16xf32>
        %parallel_loop3A_455 = arith.mulf %parallel_loop3A_454, %parallel_loop3A_453 : vector<16xf32>
        %parallel_loop3A_456 = arith.addf %parallel_loop3A_449, %parallel_loop3A_455 : vector<16xf32>
        %parallel_loop3A_457 = arith.index_cast %select_n3A_67 : i32 to index
        %parallel_loop3A_458 = arith.index_cast %parallel_loop3A_431 : i32 to index
        %parallel_loop3A_459 = arith.constant 64 : index
        %parallel_loop3A_460 = tpu.vector_load %arg11[%parallel_loop3A_457, %parallel_loop3A_458, %parallel_loop3A_459] {strides = array<i32>} : memref<2x384x128xf32, #tpu.memory_space<vmem>>, vector<16xf32>,
        %parallel_loop3A_461 = vector.broadcast %parallel_loop3A_437 : f32 to vector<16xf32>
        %parallel_loop3A_462 = arith.mulf %parallel_loop3A_461, %parallel_loop3A_460 : vector<16xf32>
        %parallel_loop3A_463 = arith.index_cast %select_n3A_67 : i32 to index
        %parallel_loop3A_464 = arith.index_cast %parallel_loop3A_431 : i32 to index
        %parallel_loop3A_465 = arith.constant 96 : index
        %parallel_loop3A_466 = tpu.vector_load %arg11[%parallel_loop3A_463, %parallel_loop3A_464, %parallel_loop3A_465] {strides = array<i32>} : memref<2x384x128xf32, #tpu.memory_space<vmem>>, vector<16xf32>,
        %parallel_loop3A_467 = vector.broadcast %parallel_loop3A_439 : f32 to vector<16xf32>
        %parallel_loop3A_468 = arith.mulf %parallel_loop3A_467, %parallel_loop3A_466 : vector<16xf32>
        %parallel_loop3A_469 = arith.addf %parallel_loop3A_462, %parallel_loop3A_468 : vector<16xf32>
        %parallel_loop3A_470 = arith.addf %parallel_loop3A_456, %parallel_loop3A_469 : vector<16xf32>
        %parallel_loop3A_471 = arith.constant 0 : i32
        %parallel_loop3A_472 = vector.broadcast %parallel_loop3A_471 : i32 to vector<16xi32>
        %parallel_loop3A_473 = arith.addi %iota3A, %parallel_loop3A_472 : vector<16xi32>
        tpu.vector_store_idx %arg12[%parallel_loop3A_473, %parallel_loop3A_443], %parallel_loop3A_470 : memref<32x384xf32, #tpu.memory_space<vmem>>[vector<16xi32>, vector<16xi32>], vector<16xf32>,
        %parallel_loop3A_474 = arith.index_cast %select_n3A_67 : i32 to index
        %parallel_loop3A_475 = arith.index_cast %parallel_loop3A_431 : i32 to index
        %parallel_loop3A_476 = arith.constant 16 : index
        %parallel_loop3A_477 = tpu.vector_load %arg11[%parallel_loop3A_474, %parallel_loop3A_475, %parallel_loop3A_476] {strides = array<i32>} : memref<2x384x128xf32, #tpu.memory_space<vmem>>, vector<16xf32>,
        %parallel_loop3A_478 = vector.broadcast %parallel_loop3A_433 : f32 to vector<16xf32>
        %parallel_loop3A_479 = arith.mulf %parallel_loop3A_478, %parallel_loop3A_477 : vector<16xf32>
        %parallel_loop3A_480 = arith.index_cast %select_n3A_67 : i32 to index
        %parallel_loop3A_481 = arith.index_cast %parallel_loop3A_431 : i32 to index
        %parallel_loop3A_482 = arith.constant 48 : index
        %parallel_loop3A_483 = tpu.vector_load %arg11[%parallel_loop3A_480, %parallel_loop3A_481, %parallel_loop3A_482] {strides = array<i32>} : memref<2x384x128xf32, #tpu.memory_space<vmem>>, vector<16xf32>,
        %parallel_loop3A_484 = vector.broadcast %parallel_loop3A_435 : f32 to vector<16xf32>
        %parallel_loop3A_485 = arith.mulf %parallel_loop3A_484, %parallel_loop3A_483 : vector<16xf32>
        %parallel_loop3A_486 = arith.addf %parallel_loop3A_479, %parallel_loop3A_485 : vector<16xf32>
        %parallel_loop3A_487 = arith.index_cast %select_n3A_67 : i32 to index
        %parallel_loop3A_488 = arith.index_cast %parallel_loop3A_431 : i32 to index
        %parallel_loop3A_489 = arith.constant 80 : index
        %parallel_loop3A_490 = tpu.vector_load %arg11[%parallel_loop3A_487, %parallel_loop3A_488, %parallel_loop3A_489] {strides = array<i32>} : memref<2x384x128xf32, #tpu.memory_space<vmem>>, vector<16xf32>,
        %parallel_loop3A_491 = vector.broadcast %parallel_loop3A_437 : f32 to vector<16xf32>
        %parallel_loop3A_492 = arith.mulf %parallel_loop3A_491, %parallel_loop3A_490 : vector<16xf32>
        %parallel_loop3A_493 = arith.index_cast %select_n3A_67 : i32 to index
        %parallel_loop3A_494 = arith.index_cast %parallel_loop3A_431 : i32 to index
        %parallel_loop3A_495 = arith.constant 112 : index
        %parallel_loop3A_496 = tpu.vector_load %arg11[%parallel_loop3A_493, %parallel_loop3A_494, %parallel_loop3A_495] {strides = array<i32>} : memref<2x384x128xf32, #tpu.memory_space<vmem>>, vector<16xf32>,
        %parallel_loop3A_497 = vector.broadcast %parallel_loop3A_439 : f32 to vector<16xf32>
        %parallel_loop3A_498 = arith.mulf %parallel_loop3A_497, %parallel_loop3A_496 : vector<16xf32>
        %parallel_loop3A_499 = arith.addf %parallel_loop3A_492, %parallel_loop3A_498 : vector<16xf32>
        %parallel_loop3A_500 = arith.addf %parallel_loop3A_486, %parallel_loop3A_499 : vector<16xf32>
        %parallel_loop3A_501 = arith.constant 16 : i32
        %parallel_loop3A_502 = vector.broadcast %parallel_loop3A_501 : i32 to vector<16xi32>
        %parallel_loop3A_503 = arith.addi %iota3A, %parallel_loop3A_502 : vector<16xi32>
        tpu.vector_store_idx %arg12[%parallel_loop3A_503, %parallel_loop3A_443], %parallel_loop3A_500 : memref<32x384xf32, #tpu.memory_space<vmem>>[vector<16xi32>, vector<16xi32>], vector<16xf32>,
        %parallel_loop3A_504 = arith.constant 16 : i32
        %parallel_loop3A_505 = arith.muli %parallel_loop3A_101, %parallel_loop3A_504 : i32
        %parallel_loop3A_506 = arith.constant 5 : i32
        %parallel_loop3A_507 = arith.addi %parallel_loop3A_505, %parallel_loop3A_506 : i32
        %parallel_loop3A_508 = vector.extract_strided_slice %parallel_loop3A_108 {offsets = [5], sizes = [1], strides = [1]} : vector<16xf32> to vector<1xf32>
        %parallel_loop3A_509 = vector.extract %parallel_loop3A_508[0] : f32 from vector<1xf32>
        %parallel_loop3A_510 = vector.extract_strided_slice %parallel_loop3A_113 {offsets = [5], sizes = [1], strides = [1]} : vector<16xf32> to vector<1xf32>
        %parallel_loop3A_511 = vector.extract %parallel_loop3A_510[0] : f32 from vector<1xf32>
        %parallel_loop3A_512 = vector.extract_strided_slice %parallel_loop3A_118 {offsets = [5], sizes = [1], strides = [1]} : vector<16xf32> to vector<1xf32>
        %parallel_loop3A_513 = vector.extract %parallel_loop3A_512[0] : f32 from vector<1xf32>
        %parallel_loop3A_514 = vector.extract_strided_slice %parallel_loop3A_123 {offsets = [5], sizes = [1], strides = [1]} : vector<16xf32> to vector<1xf32>
        %parallel_loop3A_515 = vector.extract %parallel_loop3A_514[0] : f32 from vector<1xf32>
        %parallel_loop3A_516 = arith.constant 0 : i32
        %parallel_loop3A_517 = vector.broadcast %parallel_loop3A_516 : i32 to vector<16xi32>
        %parallel_loop3A_518 = vector.broadcast %parallel_loop3A_507 : i32 to vector<16xi32>
        %parallel_loop3A_519 = arith.addi %parallel_loop3A_517, %parallel_loop3A_518 : vector<16xi32>
        %parallel_loop3A_520 = arith.index_cast %select_n3A_67 : i32 to index
        %parallel_loop3A_521 = arith.index_cast %parallel_loop3A_507 : i32 to index
        %parallel_loop3A_522 = arith.constant 0 : index
        %parallel_loop3A_523 = tpu.vector_load %arg11[%parallel_loop3A_520, %parallel_loop3A_521, %parallel_loop3A_522] {strides = array<i32>} : memref<2x384x128xf32, #tpu.memory_space<vmem>>, vector<16xf32>,
        %parallel_loop3A_524 = vector.broadcast %parallel_loop3A_509 : f32 to vector<16xf32>
        %parallel_loop3A_525 = arith.mulf %parallel_loop3A_524, %parallel_loop3A_523 : vector<16xf32>
        %parallel_loop3A_526 = arith.index_cast %select_n3A_67 : i32 to index
        %parallel_loop3A_527 = arith.index_cast %parallel_loop3A_507 : i32 to index
        %parallel_loop3A_528 = arith.constant 32 : index
        %parallel_loop3A_529 = tpu.vector_load %arg11[%parallel_loop3A_526, %parallel_loop3A_527, %parallel_loop3A_528] {strides = array<i32>} : memref<2x384x128xf32, #tpu.memory_space<vmem>>, vector<16xf32>,
        %parallel_loop3A_530 = vector.broadcast %parallel_loop3A_511 : f32 to vector<16xf32>
        %parallel_loop3A_531 = arith.mulf %parallel_loop3A_530, %parallel_loop3A_529 : vector<16xf32>
        %parallel_loop3A_532 = arith.addf %parallel_loop3A_525, %parallel_loop3A_531 : vector<16xf32>
        %parallel_loop3A_533 = arith.index_cast %select_n3A_67 : i32 to index
        %parallel_loop3A_534 = arith.index_cast %parallel_loop3A_507 : i32 to index
        %parallel_loop3A_535 = arith.constant 64 : index
        %parallel_loop3A_536 = tpu.vector_load %arg11[%parallel_loop3A_533, %parallel_loop3A_534, %parallel_loop3A_535] {strides = array<i32>} : memref<2x384x128xf32, #tpu.memory_space<vmem>>, vector<16xf32>,
        %parallel_loop3A_537 = vector.broadcast %parallel_loop3A_513 : f32 to vector<16xf32>
        %parallel_loop3A_538 = arith.mulf %parallel_loop3A_537, %parallel_loop3A_536 : vector<16xf32>
        %parallel_loop3A_539 = arith.index_cast %select_n3A_67 : i32 to index
        %parallel_loop3A_540 = arith.index_cast %parallel_loop3A_507 : i32 to index
        %parallel_loop3A_541 = arith.constant 96 : index
        %parallel_loop3A_542 = tpu.vector_load %arg11[%parallel_loop3A_539, %parallel_loop3A_540, %parallel_loop3A_541] {strides = array<i32>} : memref<2x384x128xf32, #tpu.memory_space<vmem>>, vector<16xf32>,
        %parallel_loop3A_543 = vector.broadcast %parallel_loop3A_515 : f32 to vector<16xf32>
        %parallel_loop3A_544 = arith.mulf %parallel_loop3A_543, %parallel_loop3A_542 : vector<16xf32>
        %parallel_loop3A_545 = arith.addf %parallel_loop3A_538, %parallel_loop3A_544 : vector<16xf32>
        %parallel_loop3A_546 = arith.addf %parallel_loop3A_532, %parallel_loop3A_545 : vector<16xf32>
        %parallel_loop3A_547 = arith.constant 0 : i32
        %parallel_loop3A_548 = vector.broadcast %parallel_loop3A_547 : i32 to vector<16xi32>
        %parallel_loop3A_549 = arith.addi %iota3A, %parallel_loop3A_548 : vector<16xi32>
        tpu.vector_store_idx %arg12[%parallel_loop3A_549, %parallel_loop3A_519], %parallel_loop3A_546 : memref<32x384xf32, #tpu.memory_space<vmem>>[vector<16xi32>, vector<16xi32>], vector<16xf32>,
        %parallel_loop3A_550 = arith.index_cast %select_n3A_67 : i32 to index
        %parallel_loop3A_551 = arith.index_cast %parallel_loop3A_507 : i32 to index
        %parallel_loop3A_552 = arith.constant 16 : index
        %parallel_loop3A_553 = tpu.vector_load %arg11[%parallel_loop3A_550, %parallel_loop3A_551, %parallel_loop3A_552] {strides = array<i32>} : memref<2x384x128xf32, #tpu.memory_space<vmem>>, vector<16xf32>,
        %parallel_loop3A_554 = vector.broadcast %parallel_loop3A_509 : f32 to vector<16xf32>
        %parallel_loop3A_555 = arith.mulf %parallel_loop3A_554, %parallel_loop3A_553 : vector<16xf32>
        %parallel_loop3A_556 = arith.index_cast %select_n3A_67 : i32 to index
        %parallel_loop3A_557 = arith.index_cast %parallel_loop3A_507 : i32 to index
        %parallel_loop3A_558 = arith.constant 48 : index
        %parallel_loop3A_559 = tpu.vector_load %arg11[%parallel_loop3A_556, %parallel_loop3A_557, %parallel_loop3A_558] {strides = array<i32>} : memref<2x384x128xf32, #tpu.memory_space<vmem>>, vector<16xf32>,
        %parallel_loop3A_560 = vector.broadcast %parallel_loop3A_511 : f32 to vector<16xf32>
        %parallel_loop3A_561 = arith.mulf %parallel_loop3A_560, %parallel_loop3A_559 : vector<16xf32>
        %parallel_loop3A_562 = arith.addf %parallel_loop3A_555, %parallel_loop3A_561 : vector<16xf32>
        %parallel_loop3A_563 = arith.index_cast %select_n3A_67 : i32 to index
        %parallel_loop3A_564 = arith.index_cast %parallel_loop3A_507 : i32 to index
        %parallel_loop3A_565 = arith.constant 80 : index
        %parallel_loop3A_566 = tpu.vector_load %arg11[%parallel_loop3A_563, %parallel_loop3A_564, %parallel_loop3A_565] {strides = array<i32>} : memref<2x384x128xf32, #tpu.memory_space<vmem>>, vector<16xf32>,
        %parallel_loop3A_567 = vector.broadcast %parallel_loop3A_513 : f32 to vector<16xf32>
        %parallel_loop3A_568 = arith.mulf %parallel_loop3A_567, %parallel_loop3A_566 : vector<16xf32>
        %parallel_loop3A_569 = arith.index_cast %select_n3A_67 : i32 to index
        %parallel_loop3A_570 = arith.index_cast %parallel_loop3A_507 : i32 to index
        %parallel_loop3A_571 = arith.constant 112 : index
        %parallel_loop3A_572 = tpu.vector_load %arg11[%parallel_loop3A_569, %parallel_loop3A_570, %parallel_loop3A_571] {strides = array<i32>} : memref<2x384x128xf32, #tpu.memory_space<vmem>>, vector<16xf32>,
        %parallel_loop3A_573 = vector.broadcast %parallel_loop3A_515 : f32 to vector<16xf32>
        %parallel_loop3A_574 = arith.mulf %parallel_loop3A_573, %parallel_loop3A_572 : vector<16xf32>
        %parallel_loop3A_575 = arith.addf %parallel_loop3A_568, %parallel_loop3A_574 : vector<16xf32>
        %parallel_loop3A_576 = arith.addf %parallel_loop3A_562, %parallel_loop3A_575 : vector<16xf32>
        %parallel_loop3A_577 = arith.constant 16 : i32
        %parallel_loop3A_578 = vector.broadcast %parallel_loop3A_577 : i32 to vector<16xi32>
        %parallel_loop3A_579 = arith.addi %iota3A, %parallel_loop3A_578 : vector<16xi32>
        tpu.vector_store_idx %arg12[%parallel_loop3A_579, %parallel_loop3A_519], %parallel_loop3A_576 : memref<32x384xf32, #tpu.memory_space<vmem>>[vector<16xi32>, vector<16xi32>], vector<16xf32>,
        %parallel_loop3A_580 = arith.constant 16 : i32
        %parallel_loop3A_581 = arith.muli %parallel_loop3A_101, %parallel_loop3A_580 : i32
        %parallel_loop3A_582 = arith.constant 6 : i32
        %parallel_loop3A_583 = arith.addi %parallel_loop3A_581, %parallel_loop3A_582 : i32
        %parallel_loop3A_584 = vector.extract_strided_slice %parallel_loop3A_108 {offsets = [6], sizes = [1], strides = [1]} : vector<16xf32> to vector<1xf32>
        %parallel_loop3A_585 = vector.extract %parallel_loop3A_584[0] : f32 from vector<1xf32>
        %parallel_loop3A_586 = vector.extract_strided_slice %parallel_loop3A_113 {offsets = [6], sizes = [1], strides = [1]} : vector<16xf32> to vector<1xf32>
        %parallel_loop3A_587 = vector.extract %parallel_loop3A_586[0] : f32 from vector<1xf32>
        %parallel_loop3A_588 = vector.extract_strided_slice %parallel_loop3A_118 {offsets = [6], sizes = [1], strides = [1]} : vector<16xf32> to vector<1xf32>
        %parallel_loop3A_589 = vector.extract %parallel_loop3A_588[0] : f32 from vector<1xf32>
        %parallel_loop3A_590 = vector.extract_strided_slice %parallel_loop3A_123 {offsets = [6], sizes = [1], strides = [1]} : vector<16xf32> to vector<1xf32>
        %parallel_loop3A_591 = vector.extract %parallel_loop3A_590[0] : f32 from vector<1xf32>
        %parallel_loop3A_592 = arith.constant 0 : i32
        %parallel_loop3A_593 = vector.broadcast %parallel_loop3A_592 : i32 to vector<16xi32>
        %parallel_loop3A_594 = vector.broadcast %parallel_loop3A_583 : i32 to vector<16xi32>
        %parallel_loop3A_595 = arith.addi %parallel_loop3A_593, %parallel_loop3A_594 : vector<16xi32>
        %parallel_loop3A_596 = arith.index_cast %select_n3A_67 : i32 to index
        %parallel_loop3A_597 = arith.index_cast %parallel_loop3A_583 : i32 to index
        %parallel_loop3A_598 = arith.constant 0 : index
        %parallel_loop3A_599 = tpu.vector_load %arg11[%parallel_loop3A_596, %parallel_loop3A_597, %parallel_loop3A_598] {strides = array<i32>} : memref<2x384x128xf32, #tpu.memory_space<vmem>>, vector<16xf32>,
        %parallel_loop3A_600 = vector.broadcast %parallel_loop3A_585 : f32 to vector<16xf32>
        %parallel_loop3A_601 = arith.mulf %parallel_loop3A_600, %parallel_loop3A_599 : vector<16xf32>
        %parallel_loop3A_602 = arith.index_cast %select_n3A_67 : i32 to index
        %parallel_loop3A_603 = arith.index_cast %parallel_loop3A_583 : i32 to index
        %parallel_loop3A_604 = arith.constant 32 : index
        %parallel_loop3A_605 = tpu.vector_load %arg11[%parallel_loop3A_602, %parallel_loop3A_603, %parallel_loop3A_604] {strides = array<i32>} : memref<2x384x128xf32, #tpu.memory_space<vmem>>, vector<16xf32>,
        %parallel_loop3A_606 = vector.broadcast %parallel_loop3A_587 : f32 to vector<16xf32>
        %parallel_loop3A_607 = arith.mulf %parallel_loop3A_606, %parallel_loop3A_605 : vector<16xf32>
        %parallel_loop3A_608 = arith.addf %parallel_loop3A_601, %parallel_loop3A_607 : vector<16xf32>
        %parallel_loop3A_609 = arith.index_cast %select_n3A_67 : i32 to index
        %parallel_loop3A_610 = arith.index_cast %parallel_loop3A_583 : i32 to index
        %parallel_loop3A_611 = arith.constant 64 : index
        %parallel_loop3A_612 = tpu.vector_load %arg11[%parallel_loop3A_609, %parallel_loop3A_610, %parallel_loop3A_611] {strides = array<i32>} : memref<2x384x128xf32, #tpu.memory_space<vmem>>, vector<16xf32>,
        %parallel_loop3A_613 = vector.broadcast %parallel_loop3A_589 : f32 to vector<16xf32>
        %parallel_loop3A_614 = arith.mulf %parallel_loop3A_613, %parallel_loop3A_612 : vector<16xf32>
        %parallel_loop3A_615 = arith.index_cast %select_n3A_67 : i32 to index
        %parallel_loop3A_616 = arith.index_cast %parallel_loop3A_583 : i32 to index
        %parallel_loop3A_617 = arith.constant 96 : index
        %parallel_loop3A_618 = tpu.vector_load %arg11[%parallel_loop3A_615, %parallel_loop3A_616, %parallel_loop3A_617] {strides = array<i32>} : memref<2x384x128xf32, #tpu.memory_space<vmem>>, vector<16xf32>,
        %parallel_loop3A_619 = vector.broadcast %parallel_loop3A_591 : f32 to vector<16xf32>
        %parallel_loop3A_620 = arith.mulf %parallel_loop3A_619, %parallel_loop3A_618 : vector<16xf32>
        %parallel_loop3A_621 = arith.addf %parallel_loop3A_614, %parallel_loop3A_620 : vector<16xf32>
        %parallel_loop3A_622 = arith.addf %parallel_loop3A_608, %parallel_loop3A_621 : vector<16xf32>
        %parallel_loop3A_623 = arith.constant 0 : i32
        %parallel_loop3A_624 = vector.broadcast %parallel_loop3A_623 : i32 to vector<16xi32>
        %parallel_loop3A_625 = arith.addi %iota3A, %parallel_loop3A_624 : vector<16xi32>
        tpu.vector_store_idx %arg12[%parallel_loop3A_625, %parallel_loop3A_595], %parallel_loop3A_622 : memref<32x384xf32, #tpu.memory_space<vmem>>[vector<16xi32>, vector<16xi32>], vector<16xf32>,
        %parallel_loop3A_626 = arith.index_cast %select_n3A_67 : i32 to index
        %parallel_loop3A_627 = arith.index_cast %parallel_loop3A_583 : i32 to index
        %parallel_loop3A_628 = arith.constant 16 : index
        %parallel_loop3A_629 = tpu.vector_load %arg11[%parallel_loop3A_626, %parallel_loop3A_627, %parallel_loop3A_628] {strides = array<i32>} : memref<2x384x128xf32, #tpu.memory_space<vmem>>, vector<16xf32>,
        %parallel_loop3A_630 = vector.broadcast %parallel_loop3A_585 : f32 to vector<16xf32>
        %parallel_loop3A_631 = arith.mulf %parallel_loop3A_630, %parallel_loop3A_629 : vector<16xf32>
        %parallel_loop3A_632 = arith.index_cast %select_n3A_67 : i32 to index
        %parallel_loop3A_633 = arith.index_cast %parallel_loop3A_583 : i32 to index
        %parallel_loop3A_634 = arith.constant 48 : index
        %parallel_loop3A_635 = tpu.vector_load %arg11[%parallel_loop3A_632, %parallel_loop3A_633, %parallel_loop3A_634] {strides = array<i32>} : memref<2x384x128xf32, #tpu.memory_space<vmem>>, vector<16xf32>,
        %parallel_loop3A_636 = vector.broadcast %parallel_loop3A_587 : f32 to vector<16xf32>
        %parallel_loop3A_637 = arith.mulf %parallel_loop3A_636, %parallel_loop3A_635 : vector<16xf32>
        %parallel_loop3A_638 = arith.addf %parallel_loop3A_631, %parallel_loop3A_637 : vector<16xf32>
        %parallel_loop3A_639 = arith.index_cast %select_n3A_67 : i32 to index
        %parallel_loop3A_640 = arith.index_cast %parallel_loop3A_583 : i32 to index
        %parallel_loop3A_641 = arith.constant 80 : index
        %parallel_loop3A_642 = tpu.vector_load %arg11[%parallel_loop3A_639, %parallel_loop3A_640, %parallel_loop3A_641] {strides = array<i32>} : memref<2x384x128xf32, #tpu.memory_space<vmem>>, vector<16xf32>,
        %parallel_loop3A_643 = vector.broadcast %parallel_loop3A_589 : f32 to vector<16xf32>
        %parallel_loop3A_644 = arith.mulf %parallel_loop3A_643, %parallel_loop3A_642 : vector<16xf32>
        %parallel_loop3A_645 = arith.index_cast %select_n3A_67 : i32 to index
        %parallel_loop3A_646 = arith.index_cast %parallel_loop3A_583 : i32 to index
        %parallel_loop3A_647 = arith.constant 112 : index
        %parallel_loop3A_648 = tpu.vector_load %arg11[%parallel_loop3A_645, %parallel_loop3A_646, %parallel_loop3A_647] {strides = array<i32>} : memref<2x384x128xf32, #tpu.memory_space<vmem>>, vector<16xf32>,
        %parallel_loop3A_649 = vector.broadcast %parallel_loop3A_591 : f32 to vector<16xf32>
        %parallel_loop3A_650 = arith.mulf %parallel_loop3A_649, %parallel_loop3A_648 : vector<16xf32>
        %parallel_loop3A_651 = arith.addf %parallel_loop3A_644, %parallel_loop3A_650 : vector<16xf32>
        %parallel_loop3A_652 = arith.addf %parallel_loop3A_638, %parallel_loop3A_651 : vector<16xf32>
        %parallel_loop3A_653 = arith.constant 16 : i32
        %parallel_loop3A_654 = vector.broadcast %parallel_loop3A_653 : i32 to vector<16xi32>
        %parallel_loop3A_655 = arith.addi %iota3A, %parallel_loop3A_654 : vector<16xi32>
        tpu.vector_store_idx %arg12[%parallel_loop3A_655, %parallel_loop3A_595], %parallel_loop3A_652 : memref<32x384xf32, #tpu.memory_space<vmem>>[vector<16xi32>, vector<16xi32>], vector<16xf32>,
        %parallel_loop3A_656 = arith.constant 16 : i32
        %parallel_loop3A_657 = arith.muli %parallel_loop3A_101, %parallel_loop3A_656 : i32
        %parallel_loop3A_658 = arith.constant 7 : i32
        %parallel_loop3A_659 = arith.addi %parallel_loop3A_657, %parallel_loop3A_658 : i32
        %parallel_loop3A_660 = vector.extract_strided_slice %parallel_loop3A_108 {offsets = [7], sizes = [1], strides = [1]} : vector<16xf32> to vector<1xf32>
        %parallel_loop3A_661 = vector.extract %parallel_loop3A_660[0] : f32 from vector<1xf32>
        %parallel_loop3A_662 = vector.extract_strided_slice %parallel_loop3A_113 {offsets = [7], sizes = [1], strides = [1]} : vector<16xf32> to vector<1xf32>
        %parallel_loop3A_663 = vector.extract %parallel_loop3A_662[0] : f32 from vector<1xf32>
        %parallel_loop3A_664 = vector.extract_strided_slice %parallel_loop3A_118 {offsets = [7], sizes = [1], strides = [1]} : vector<16xf32> to vector<1xf32>
        %parallel_loop3A_665 = vector.extract %parallel_loop3A_664[0] : f32 from vector<1xf32>
        %parallel_loop3A_666 = vector.extract_strided_slice %parallel_loop3A_123 {offsets = [7], sizes = [1], strides = [1]} : vector<16xf32> to vector<1xf32>
        %parallel_loop3A_667 = vector.extract %parallel_loop3A_666[0] : f32 from vector<1xf32>
        %parallel_loop3A_668 = arith.constant 0 : i32
        %parallel_loop3A_669 = vector.broadcast %parallel_loop3A_668 : i32 to vector<16xi32>
        %parallel_loop3A_670 = vector.broadcast %parallel_loop3A_659 : i32 to vector<16xi32>
        %parallel_loop3A_671 = arith.addi %parallel_loop3A_669, %parallel_loop3A_670 : vector<16xi32>
        %parallel_loop3A_672 = arith.index_cast %select_n3A_67 : i32 to index
        %parallel_loop3A_673 = arith.index_cast %parallel_loop3A_659 : i32 to index
        %parallel_loop3A_674 = arith.constant 0 : index
        %parallel_loop3A_675 = tpu.vector_load %arg11[%parallel_loop3A_672, %parallel_loop3A_673, %parallel_loop3A_674] {strides = array<i32>} : memref<2x384x128xf32, #tpu.memory_space<vmem>>, vector<16xf32>,
        %parallel_loop3A_676 = vector.broadcast %parallel_loop3A_661 : f32 to vector<16xf32>
        %parallel_loop3A_677 = arith.mulf %parallel_loop3A_676, %parallel_loop3A_675 : vector<16xf32>
        %parallel_loop3A_678 = arith.index_cast %select_n3A_67 : i32 to index
        %parallel_loop3A_679 = arith.index_cast %parallel_loop3A_659 : i32 to index
        %parallel_loop3A_680 = arith.constant 32 : index
        %parallel_loop3A_681 = tpu.vector_load %arg11[%parallel_loop3A_678, %parallel_loop3A_679, %parallel_loop3A_680] {strides = array<i32>} : memref<2x384x128xf32, #tpu.memory_space<vmem>>, vector<16xf32>,
        %parallel_loop3A_682 = vector.broadcast %parallel_loop3A_663 : f32 to vector<16xf32>
        %parallel_loop3A_683 = arith.mulf %parallel_loop3A_682, %parallel_loop3A_681 : vector<16xf32>
        %parallel_loop3A_684 = arith.addf %parallel_loop3A_677, %parallel_loop3A_683 : vector<16xf32>
        %parallel_loop3A_685 = arith.index_cast %select_n3A_67 : i32 to index
        %parallel_loop3A_686 = arith.index_cast %parallel_loop3A_659 : i32 to index
        %parallel_loop3A_687 = arith.constant 64 : index
        %parallel_loop3A_688 = tpu.vector_load %arg11[%parallel_loop3A_685, %parallel_loop3A_686, %parallel_loop3A_687] {strides = array<i32>} : memref<2x384x128xf32, #tpu.memory_space<vmem>>, vector<16xf32>,
        %parallel_loop3A_689 = vector.broadcast %parallel_loop3A_665 : f32 to vector<16xf32>
        %parallel_loop3A_690 = arith.mulf %parallel_loop3A_689, %parallel_loop3A_688 : vector<16xf32>
        %parallel_loop3A_691 = arith.index_cast %select_n3A_67 : i32 to index
        %parallel_loop3A_692 = arith.index_cast %parallel_loop3A_659 : i32 to index
        %parallel_loop3A_693 = arith.constant 96 : index
        %parallel_loop3A_694 = tpu.vector_load %arg11[%parallel_loop3A_691, %parallel_loop3A_692, %parallel_loop3A_693] {strides = array<i32>} : memref<2x384x128xf32, #tpu.memory_space<vmem>>, vector<16xf32>,
        %parallel_loop3A_695 = vector.broadcast %parallel_loop3A_667 : f32 to vector<16xf32>
        %parallel_loop3A_696 = arith.mulf %parallel_loop3A_695, %parallel_loop3A_694 : vector<16xf32>
        %parallel_loop3A_697 = arith.addf %parallel_loop3A_690, %parallel_loop3A_696 : vector<16xf32>
        %parallel_loop3A_698 = arith.addf %parallel_loop3A_684, %parallel_loop3A_697 : vector<16xf32>
        %parallel_loop3A_699 = arith.constant 0 : i32
        %parallel_loop3A_700 = vector.broadcast %parallel_loop3A_699 : i32 to vector<16xi32>
        %parallel_loop3A_701 = arith.addi %iota3A, %parallel_loop3A_700 : vector<16xi32>
        tpu.vector_store_idx %arg12[%parallel_loop3A_701, %parallel_loop3A_671], %parallel_loop3A_698 : memref<32x384xf32, #tpu.memory_space<vmem>>[vector<16xi32>, vector<16xi32>], vector<16xf32>,
        %parallel_loop3A_702 = arith.index_cast %select_n3A_67 : i32 to index
        %parallel_loop3A_703 = arith.index_cast %parallel_loop3A_659 : i32 to index
        %parallel_loop3A_704 = arith.constant 16 : index
        %parallel_loop3A_705 = tpu.vector_load %arg11[%parallel_loop3A_702, %parallel_loop3A_703, %parallel_loop3A_704] {strides = array<i32>} : memref<2x384x128xf32, #tpu.memory_space<vmem>>, vector<16xf32>,
        %parallel_loop3A_706 = vector.broadcast %parallel_loop3A_661 : f32 to vector<16xf32>
        %parallel_loop3A_707 = arith.mulf %parallel_loop3A_706, %parallel_loop3A_705 : vector<16xf32>
        %parallel_loop3A_708 = arith.index_cast %select_n3A_67 : i32 to index
        %parallel_loop3A_709 = arith.index_cast %parallel_loop3A_659 : i32 to index
        %parallel_loop3A_710 = arith.constant 48 : index
        %parallel_loop3A_711 = tpu.vector_load %arg11[%parallel_loop3A_708, %parallel_loop3A_709, %parallel_loop3A_710] {strides = array<i32>} : memref<2x384x128xf32, #tpu.memory_space<vmem>>, vector<16xf32>,
        %parallel_loop3A_712 = vector.broadcast %parallel_loop3A_663 : f32 to vector<16xf32>
        %parallel_loop3A_713 = arith.mulf %parallel_loop3A_712, %parallel_loop3A_711 : vector<16xf32>
        %parallel_loop3A_714 = arith.addf %parallel_loop3A_707, %parallel_loop3A_713 : vector<16xf32>
        %parallel_loop3A_715 = arith.index_cast %select_n3A_67 : i32 to index
        %parallel_loop3A_716 = arith.index_cast %parallel_loop3A_659 : i32 to index
        %parallel_loop3A_717 = arith.constant 80 : index
        %parallel_loop3A_718 = tpu.vector_load %arg11[%parallel_loop3A_715, %parallel_loop3A_716, %parallel_loop3A_717] {strides = array<i32>} : memref<2x384x128xf32, #tpu.memory_space<vmem>>, vector<16xf32>,
        %parallel_loop3A_719 = vector.broadcast %parallel_loop3A_665 : f32 to vector<16xf32>
        %parallel_loop3A_720 = arith.mulf %parallel_loop3A_719, %parallel_loop3A_718 : vector<16xf32>
        %parallel_loop3A_721 = arith.index_cast %select_n3A_67 : i32 to index
        %parallel_loop3A_722 = arith.index_cast %parallel_loop3A_659 : i32 to index
        %parallel_loop3A_723 = arith.constant 112 : index
        %parallel_loop3A_724 = tpu.vector_load %arg11[%parallel_loop3A_721, %parallel_loop3A_722, %parallel_loop3A_723] {strides = array<i32>} : memref<2x384x128xf32, #tpu.memory_space<vmem>>, vector<16xf32>,
        %parallel_loop3A_725 = vector.broadcast %parallel_loop3A_667 : f32 to vector<16xf32>
        %parallel_loop3A_726 = arith.mulf %parallel_loop3A_725, %parallel_loop3A_724 : vector<16xf32>
        %parallel_loop3A_727 = arith.addf %parallel_loop3A_720, %parallel_loop3A_726 : vector<16xf32>
        %parallel_loop3A_728 = arith.addf %parallel_loop3A_714, %parallel_loop3A_727 : vector<16xf32>
        %parallel_loop3A_729 = arith.constant 16 : i32
        %parallel_loop3A_730 = vector.broadcast %parallel_loop3A_729 : i32 to vector<16xi32>
        %parallel_loop3A_731 = arith.addi %iota3A, %parallel_loop3A_730 : vector<16xi32>
        tpu.vector_store_idx %arg12[%parallel_loop3A_731, %parallel_loop3A_671], %parallel_loop3A_728 : memref<32x384xf32, #tpu.memory_space<vmem>>[vector<16xi32>, vector<16xi32>], vector<16xf32>,
        %parallel_loop3A_732 = arith.constant 16 : i32
        %parallel_loop3A_733 = arith.muli %parallel_loop3A_101, %parallel_loop3A_732 : i32
        %parallel_loop3A_734 = arith.constant 8 : i32
        %parallel_loop3A_735 = arith.addi %parallel_loop3A_733, %parallel_loop3A_734 : i32
        %parallel_loop3A_736 = vector.extract_strided_slice %parallel_loop3A_108 {offsets = [8], sizes = [1], strides = [1]} : vector<16xf32> to vector<1xf32>
        %parallel_loop3A_737 = vector.extract %parallel_loop3A_736[0] : f32 from vector<1xf32>
        %parallel_loop3A_738 = vector.extract_strided_slice %parallel_loop3A_113 {offsets = [8], sizes = [1], strides = [1]} : vector<16xf32> to vector<1xf32>
        %parallel_loop3A_739 = vector.extract %parallel_loop3A_738[0] : f32 from vector<1xf32>
        %parallel_loop3A_740 = vector.extract_strided_slice %parallel_loop3A_118 {offsets = [8], sizes = [1], strides = [1]} : vector<16xf32> to vector<1xf32>
        %parallel_loop3A_741 = vector.extract %parallel_loop3A_740[0] : f32 from vector<1xf32>
        %parallel_loop3A_742 = vector.extract_strided_slice %parallel_loop3A_123 {offsets = [8], sizes = [1], strides = [1]} : vector<16xf32> to vector<1xf32>
        %parallel_loop3A_743 = vector.extract %parallel_loop3A_742[0] : f32 from vector<1xf32>
        %parallel_loop3A_744 = arith.constant 0 : i32
        %parallel_loop3A_745 = vector.broadcast %parallel_loop3A_744 : i32 to vector<16xi32>
        %parallel_loop3A_746 = vector.broadcast %parallel_loop3A_735 : i32 to vector<16xi32>
        %parallel_loop3A_747 = arith.addi %parallel_loop3A_745, %parallel_loop3A_746 : vector<16xi32>
        %parallel_loop3A_748 = arith.index_cast %select_n3A_67 : i32 to index
        %parallel_loop3A_749 = arith.index_cast %parallel_loop3A_735 : i32 to index
        %parallel_loop3A_750 = arith.constant 0 : index
        %parallel_loop3A_751 = tpu.vector_load %arg11[%parallel_loop3A_748, %parallel_loop3A_749, %parallel_loop3A_750] {strides = array<i32>} : memref<2x384x128xf32, #tpu.memory_space<vmem>>, vector<16xf32>,
        %parallel_loop3A_752 = vector.broadcast %parallel_loop3A_737 : f32 to vector<16xf32>
        %parallel_loop3A_753 = arith.mulf %parallel_loop3A_752, %parallel_loop3A_751 : vector<16xf32>
        %parallel_loop3A_754 = arith.index_cast %select_n3A_67 : i32 to index
        %parallel_loop3A_755 = arith.index_cast %parallel_loop3A_735 : i32 to index
        %parallel_loop3A_756 = arith.constant 32 : index
        %parallel_loop3A_757 = tpu.vector_load %arg11[%parallel_loop3A_754, %parallel_loop3A_755, %parallel_loop3A_756] {strides = array<i32>} : memref<2x384x128xf32, #tpu.memory_space<vmem>>, vector<16xf32>,
        %parallel_loop3A_758 = vector.broadcast %parallel_loop3A_739 : f32 to vector<16xf32>
        %parallel_loop3A_759 = arith.mulf %parallel_loop3A_758, %parallel_loop3A_757 : vector<16xf32>
        %parallel_loop3A_760 = arith.addf %parallel_loop3A_753, %parallel_loop3A_759 : vector<16xf32>
        %parallel_loop3A_761 = arith.index_cast %select_n3A_67 : i32 to index
        %parallel_loop3A_762 = arith.index_cast %parallel_loop3A_735 : i32 to index
        %parallel_loop3A_763 = arith.constant 64 : index
        %parallel_loop3A_764 = tpu.vector_load %arg11[%parallel_loop3A_761, %parallel_loop3A_762, %parallel_loop3A_763] {strides = array<i32>} : memref<2x384x128xf32, #tpu.memory_space<vmem>>, vector<16xf32>,
        %parallel_loop3A_765 = vector.broadcast %parallel_loop3A_741 : f32 to vector<16xf32>
        %parallel_loop3A_766 = arith.mulf %parallel_loop3A_765, %parallel_loop3A_764 : vector<16xf32>
        %parallel_loop3A_767 = arith.index_cast %select_n3A_67 : i32 to index
        %parallel_loop3A_768 = arith.index_cast %parallel_loop3A_735 : i32 to index
        %parallel_loop3A_769 = arith.constant 96 : index
        %parallel_loop3A_770 = tpu.vector_load %arg11[%parallel_loop3A_767, %parallel_loop3A_768, %parallel_loop3A_769] {strides = array<i32>} : memref<2x384x128xf32, #tpu.memory_space<vmem>>, vector<16xf32>,
        %parallel_loop3A_771 = vector.broadcast %parallel_loop3A_743 : f32 to vector<16xf32>
        %parallel_loop3A_772 = arith.mulf %parallel_loop3A_771, %parallel_loop3A_770 : vector<16xf32>
        %parallel_loop3A_773 = arith.addf %parallel_loop3A_766, %parallel_loop3A_772 : vector<16xf32>
        %parallel_loop3A_774 = arith.addf %parallel_loop3A_760, %parallel_loop3A_773 : vector<16xf32>
        %parallel_loop3A_775 = arith.constant 0 : i32
        %parallel_loop3A_776 = vector.broadcast %parallel_loop3A_775 : i32 to vector<16xi32>
        %parallel_loop3A_777 = arith.addi %iota3A, %parallel_loop3A_776 : vector<16xi32>
        tpu.vector_store_idx %arg12[%parallel_loop3A_777, %parallel_loop3A_747], %parallel_loop3A_774 : memref<32x384xf32, #tpu.memory_space<vmem>>[vector<16xi32>, vector<16xi32>], vector<16xf32>,
        %parallel_loop3A_778 = arith.index_cast %select_n3A_67 : i32 to index
        %parallel_loop3A_779 = arith.index_cast %parallel_loop3A_735 : i32 to index
        %parallel_loop3A_780 = arith.constant 16 : index
        %parallel_loop3A_781 = tpu.vector_load %arg11[%parallel_loop3A_778, %parallel_loop3A_779, %parallel_loop3A_780] {strides = array<i32>} : memref<2x384x128xf32, #tpu.memory_space<vmem>>, vector<16xf32>,
        %parallel_loop3A_782 = vector.broadcast %parallel_loop3A_737 : f32 to vector<16xf32>
        %parallel_loop3A_783 = arith.mulf %parallel_loop3A_782, %parallel_loop3A_781 : vector<16xf32>
        %parallel_loop3A_784 = arith.index_cast %select_n3A_67 : i32 to index
        %parallel_loop3A_785 = arith.index_cast %parallel_loop3A_735 : i32 to index
        %parallel_loop3A_786 = arith.constant 48 : index
        %parallel_loop3A_787 = tpu.vector_load %arg11[%parallel_loop3A_784, %parallel_loop3A_785, %parallel_loop3A_786] {strides = array<i32>} : memref<2x384x128xf32, #tpu.memory_space<vmem>>, vector<16xf32>,
        %parallel_loop3A_788 = vector.broadcast %parallel_loop3A_739 : f32 to vector<16xf32>
        %parallel_loop3A_789 = arith.mulf %parallel_loop3A_788, %parallel_loop3A_787 : vector<16xf32>
        %parallel_loop3A_790 = arith.addf %parallel_loop3A_783, %parallel_loop3A_789 : vector<16xf32>
        %parallel_loop3A_791 = arith.index_cast %select_n3A_67 : i32 to index
        %parallel_loop3A_792 = arith.index_cast %parallel_loop3A_735 : i32 to index
        %parallel_loop3A_793 = arith.constant 80 : index
        %parallel_loop3A_794 = tpu.vector_load %arg11[%parallel_loop3A_791, %parallel_loop3A_792, %parallel_loop3A_793] {strides = array<i32>} : memref<2x384x128xf32, #tpu.memory_space<vmem>>, vector<16xf32>,
        %parallel_loop3A_795 = vector.broadcast %parallel_loop3A_741 : f32 to vector<16xf32>
        %parallel_loop3A_796 = arith.mulf %parallel_loop3A_795, %parallel_loop3A_794 : vector<16xf32>
        %parallel_loop3A_797 = arith.index_cast %select_n3A_67 : i32 to index
        %parallel_loop3A_798 = arith.index_cast %parallel_loop3A_735 : i32 to index
        %parallel_loop3A_799 = arith.constant 112 : index
        %parallel_loop3A_800 = tpu.vector_load %arg11[%parallel_loop3A_797, %parallel_loop3A_798, %parallel_loop3A_799] {strides = array<i32>} : memref<2x384x128xf32, #tpu.memory_space<vmem>>, vector<16xf32>,
        %parallel_loop3A_801 = vector.broadcast %parallel_loop3A_743 : f32 to vector<16xf32>
        %parallel_loop3A_802 = arith.mulf %parallel_loop3A_801, %parallel_loop3A_800 : vector<16xf32>
        %parallel_loop3A_803 = arith.addf %parallel_loop3A_796, %parallel_loop3A_802 : vector<16xf32>
        %parallel_loop3A_804 = arith.addf %parallel_loop3A_790, %parallel_loop3A_803 : vector<16xf32>
        %parallel_loop3A_805 = arith.constant 16 : i32
        %parallel_loop3A_806 = vector.broadcast %parallel_loop3A_805 : i32 to vector<16xi32>
        %parallel_loop3A_807 = arith.addi %iota3A, %parallel_loop3A_806 : vector<16xi32>
        tpu.vector_store_idx %arg12[%parallel_loop3A_807, %parallel_loop3A_747], %parallel_loop3A_804 : memref<32x384xf32, #tpu.memory_space<vmem>>[vector<16xi32>, vector<16xi32>], vector<16xf32>,
        %parallel_loop3A_808 = arith.constant 16 : i32
        %parallel_loop3A_809 = arith.muli %parallel_loop3A_101, %parallel_loop3A_808 : i32
        %parallel_loop3A_810 = arith.constant 9 : i32
        %parallel_loop3A_811 = arith.addi %parallel_loop3A_809, %parallel_loop3A_810 : i32
        %parallel_loop3A_812 = vector.extract_strided_slice %parallel_loop3A_108 {offsets = [9], sizes = [1], strides = [1]} : vector<16xf32> to vector<1xf32>
        %parallel_loop3A_813 = vector.extract %parallel_loop3A_812[0] : f32 from vector<1xf32>
        %parallel_loop3A_814 = vector.extract_strided_slice %parallel_loop3A_113 {offsets = [9], sizes = [1], strides = [1]} : vector<16xf32> to vector<1xf32>
        %parallel_loop3A_815 = vector.extract %parallel_loop3A_814[0] : f32 from vector<1xf32>
        %parallel_loop3A_816 = vector.extract_strided_slice %parallel_loop3A_118 {offsets = [9], sizes = [1], strides = [1]} : vector<16xf32> to vector<1xf32>
        %parallel_loop3A_817 = vector.extract %parallel_loop3A_816[0] : f32 from vector<1xf32>
        %parallel_loop3A_818 = vector.extract_strided_slice %parallel_loop3A_123 {offsets = [9], sizes = [1], strides = [1]} : vector<16xf32> to vector<1xf32>
        %parallel_loop3A_819 = vector.extract %parallel_loop3A_818[0] : f32 from vector<1xf32>
        %parallel_loop3A_820 = arith.constant 0 : i32
        %parallel_loop3A_821 = vector.broadcast %parallel_loop3A_820 : i32 to vector<16xi32>
        %parallel_loop3A_822 = vector.broadcast %parallel_loop3A_811 : i32 to vector<16xi32>
        %parallel_loop3A_823 = arith.addi %parallel_loop3A_821, %parallel_loop3A_822 : vector<16xi32>
        %parallel_loop3A_824 = arith.index_cast %select_n3A_67 : i32 to index
        %parallel_loop3A_825 = arith.index_cast %parallel_loop3A_811 : i32 to index
        %parallel_loop3A_826 = arith.constant 0 : index
        %parallel_loop3A_827 = tpu.vector_load %arg11[%parallel_loop3A_824, %parallel_loop3A_825, %parallel_loop3A_826] {strides = array<i32>} : memref<2x384x128xf32, #tpu.memory_space<vmem>>, vector<16xf32>,
        %parallel_loop3A_828 = vector.broadcast %parallel_loop3A_813 : f32 to vector<16xf32>
        %parallel_loop3A_829 = arith.mulf %parallel_loop3A_828, %parallel_loop3A_827 : vector<16xf32>
        %parallel_loop3A_830 = arith.index_cast %select_n3A_67 : i32 to index
        %parallel_loop3A_831 = arith.index_cast %parallel_loop3A_811 : i32 to index
        %parallel_loop3A_832 = arith.constant 32 : index
        %parallel_loop3A_833 = tpu.vector_load %arg11[%parallel_loop3A_830, %parallel_loop3A_831, %parallel_loop3A_832] {strides = array<i32>} : memref<2x384x128xf32, #tpu.memory_space<vmem>>, vector<16xf32>,
        %parallel_loop3A_834 = vector.broadcast %parallel_loop3A_815 : f32 to vector<16xf32>
        %parallel_loop3A_835 = arith.mulf %parallel_loop3A_834, %parallel_loop3A_833 : vector<16xf32>
        %parallel_loop3A_836 = arith.addf %parallel_loop3A_829, %parallel_loop3A_835 : vector<16xf32>
        %parallel_loop3A_837 = arith.index_cast %select_n3A_67 : i32 to index
        %parallel_loop3A_838 = arith.index_cast %parallel_loop3A_811 : i32 to index
        %parallel_loop3A_839 = arith.constant 64 : index
        %parallel_loop3A_840 = tpu.vector_load %arg11[%parallel_loop3A_837, %parallel_loop3A_838, %parallel_loop3A_839] {strides = array<i32>} : memref<2x384x128xf32, #tpu.memory_space<vmem>>, vector<16xf32>,
        %parallel_loop3A_841 = vector.broadcast %parallel_loop3A_817 : f32 to vector<16xf32>
        %parallel_loop3A_842 = arith.mulf %parallel_loop3A_841, %parallel_loop3A_840 : vector<16xf32>
        %parallel_loop3A_843 = arith.index_cast %select_n3A_67 : i32 to index
        %parallel_loop3A_844 = arith.index_cast %parallel_loop3A_811 : i32 to index
        %parallel_loop3A_845 = arith.constant 96 : index
        %parallel_loop3A_846 = tpu.vector_load %arg11[%parallel_loop3A_843, %parallel_loop3A_844, %parallel_loop3A_845] {strides = array<i32>} : memref<2x384x128xf32, #tpu.memory_space<vmem>>, vector<16xf32>,
        %parallel_loop3A_847 = vector.broadcast %parallel_loop3A_819 : f32 to vector<16xf32>
        %parallel_loop3A_848 = arith.mulf %parallel_loop3A_847, %parallel_loop3A_846 : vector<16xf32>
        %parallel_loop3A_849 = arith.addf %parallel_loop3A_842, %parallel_loop3A_848 : vector<16xf32>
        %parallel_loop3A_850 = arith.addf %parallel_loop3A_836, %parallel_loop3A_849 : vector<16xf32>
        %parallel_loop3A_851 = arith.constant 0 : i32
        %parallel_loop3A_852 = vector.broadcast %parallel_loop3A_851 : i32 to vector<16xi32>
        %parallel_loop3A_853 = arith.addi %iota3A, %parallel_loop3A_852 : vector<16xi32>
        tpu.vector_store_idx %arg12[%parallel_loop3A_853, %parallel_loop3A_823], %parallel_loop3A_850 : memref<32x384xf32, #tpu.memory_space<vmem>>[vector<16xi32>, vector<16xi32>], vector<16xf32>,
        %parallel_loop3A_854 = arith.index_cast %select_n3A_67 : i32 to index
        %parallel_loop3A_855 = arith.index_cast %parallel_loop3A_811 : i32 to index
        %parallel_loop3A_856 = arith.constant 16 : index
        %parallel_loop3A_857 = tpu.vector_load %arg11[%parallel_loop3A_854, %parallel_loop3A_855, %parallel_loop3A_856] {strides = array<i32>} : memref<2x384x128xf32, #tpu.memory_space<vmem>>, vector<16xf32>,
        %parallel_loop3A_858 = vector.broadcast %parallel_loop3A_813 : f32 to vector<16xf32>
        %parallel_loop3A_859 = arith.mulf %parallel_loop3A_858, %parallel_loop3A_857 : vector<16xf32>
        %parallel_loop3A_860 = arith.index_cast %select_n3A_67 : i32 to index
        %parallel_loop3A_861 = arith.index_cast %parallel_loop3A_811 : i32 to index
        %parallel_loop3A_862 = arith.constant 48 : index
        %parallel_loop3A_863 = tpu.vector_load %arg11[%parallel_loop3A_860, %parallel_loop3A_861, %parallel_loop3A_862] {strides = array<i32>} : memref<2x384x128xf32, #tpu.memory_space<vmem>>, vector<16xf32>,
        %parallel_loop3A_864 = vector.broadcast %parallel_loop3A_815 : f32 to vector<16xf32>
        %parallel_loop3A_865 = arith.mulf %parallel_loop3A_864, %parallel_loop3A_863 : vector<16xf32>
        %parallel_loop3A_866 = arith.addf %parallel_loop3A_859, %parallel_loop3A_865 : vector<16xf32>
        %parallel_loop3A_867 = arith.index_cast %select_n3A_67 : i32 to index
        %parallel_loop3A_868 = arith.index_cast %parallel_loop3A_811 : i32 to index
        %parallel_loop3A_869 = arith.constant 80 : index
        %parallel_loop3A_870 = tpu.vector_load %arg11[%parallel_loop3A_867, %parallel_loop3A_868, %parallel_loop3A_869] {strides = array<i32>} : memref<2x384x128xf32, #tpu.memory_space<vmem>>, vector<16xf32>,
        %parallel_loop3A_871 = vector.broadcast %parallel_loop3A_817 : f32 to vector<16xf32>
        %parallel_loop3A_872 = arith.mulf %parallel_loop3A_871, %parallel_loop3A_870 : vector<16xf32>
        %parallel_loop3A_873 = arith.index_cast %select_n3A_67 : i32 to index
        %parallel_loop3A_874 = arith.index_cast %parallel_loop3A_811 : i32 to index
        %parallel_loop3A_875 = arith.constant 112 : index
        %parallel_loop3A_876 = tpu.vector_load %arg11[%parallel_loop3A_873, %parallel_loop3A_874, %parallel_loop3A_875] {strides = array<i32>} : memref<2x384x128xf32, #tpu.memory_space<vmem>>, vector<16xf32>,
        %parallel_loop3A_877 = vector.broadcast %parallel_loop3A_819 : f32 to vector<16xf32>
        %parallel_loop3A_878 = arith.mulf %parallel_loop3A_877, %parallel_loop3A_876 : vector<16xf32>
        %parallel_loop3A_879 = arith.addf %parallel_loop3A_872, %parallel_loop3A_878 : vector<16xf32>
        %parallel_loop3A_880 = arith.addf %parallel_loop3A_866, %parallel_loop3A_879 : vector<16xf32>
        %parallel_loop3A_881 = arith.constant 16 : i32
        %parallel_loop3A_882 = vector.broadcast %parallel_loop3A_881 : i32 to vector<16xi32>
        %parallel_loop3A_883 = arith.addi %iota3A, %parallel_loop3A_882 : vector<16xi32>
        tpu.vector_store_idx %arg12[%parallel_loop3A_883, %parallel_loop3A_823], %parallel_loop3A_880 : memref<32x384xf32, #tpu.memory_space<vmem>>[vector<16xi32>, vector<16xi32>], vector<16xf32>,
        %parallel_loop3A_884 = arith.constant 16 : i32
        %parallel_loop3A_885 = arith.muli %parallel_loop3A_101, %parallel_loop3A_884 : i32
        %parallel_loop3A_886 = arith.constant 10 : i32
        %parallel_loop3A_887 = arith.addi %parallel_loop3A_885, %parallel_loop3A_886 : i32
        %parallel_loop3A_888 = vector.extract_strided_slice %parallel_loop3A_108 {offsets = [10], sizes = [1], strides = [1]} : vector<16xf32> to vector<1xf32>
        %parallel_loop3A_889 = vector.extract %parallel_loop3A_888[0] : f32 from vector<1xf32>
        %parallel_loop3A_890 = vector.extract_strided_slice %parallel_loop3A_113 {offsets = [10], sizes = [1], strides = [1]} : vector<16xf32> to vector<1xf32>
        %parallel_loop3A_891 = vector.extract %parallel_loop3A_890[0] : f32 from vector<1xf32>
        %parallel_loop3A_892 = vector.extract_strided_slice %parallel_loop3A_118 {offsets = [10], sizes = [1], strides = [1]} : vector<16xf32> to vector<1xf32>
        %parallel_loop3A_893 = vector.extract %parallel_loop3A_892[0] : f32 from vector<1xf32>
        %parallel_loop3A_894 = vector.extract_strided_slice %parallel_loop3A_123 {offsets = [10], sizes = [1], strides = [1]} : vector<16xf32> to vector<1xf32>
        %parallel_loop3A_895 = vector.extract %parallel_loop3A_894[0] : f32 from vector<1xf32>
        %parallel_loop3A_896 = arith.constant 0 : i32
        %parallel_loop3A_897 = vector.broadcast %parallel_loop3A_896 : i32 to vector<16xi32>
        %parallel_loop3A_898 = vector.broadcast %parallel_loop3A_887 : i32 to vector<16xi32>
        %parallel_loop3A_899 = arith.addi %parallel_loop3A_897, %parallel_loop3A_898 : vector<16xi32>
        %parallel_loop3A_900 = arith.index_cast %select_n3A_67 : i32 to index
        %parallel_loop3A_901 = arith.index_cast %parallel_loop3A_887 : i32 to index
        %parallel_loop3A_902 = arith.constant 0 : index
        %parallel_loop3A_903 = tpu.vector_load %arg11[%parallel_loop3A_900, %parallel_loop3A_901, %parallel_loop3A_902] {strides = array<i32>} : memref<2x384x128xf32, #tpu.memory_space<vmem>>, vector<16xf32>,
        %parallel_loop3A_904 = vector.broadcast %parallel_loop3A_889 : f32 to vector<16xf32>
        %parallel_loop3A_905 = arith.mulf %parallel_loop3A_904, %parallel_loop3A_903 : vector<16xf32>
        %parallel_loop3A_906 = arith.index_cast %select_n3A_67 : i32 to index
        %parallel_loop3A_907 = arith.index_cast %parallel_loop3A_887 : i32 to index
        %parallel_loop3A_908 = arith.constant 32 : index
        %parallel_loop3A_909 = tpu.vector_load %arg11[%parallel_loop3A_906, %parallel_loop3A_907, %parallel_loop3A_908] {strides = array<i32>} : memref<2x384x128xf32, #tpu.memory_space<vmem>>, vector<16xf32>,
        %parallel_loop3A_910 = vector.broadcast %parallel_loop3A_891 : f32 to vector<16xf32>
        %parallel_loop3A_911 = arith.mulf %parallel_loop3A_910, %parallel_loop3A_909 : vector<16xf32>
        %parallel_loop3A_912 = arith.addf %parallel_loop3A_905, %parallel_loop3A_911 : vector<16xf32>
        %parallel_loop3A_913 = arith.index_cast %select_n3A_67 : i32 to index
        %parallel_loop3A_914 = arith.index_cast %parallel_loop3A_887 : i32 to index
        %parallel_loop3A_915 = arith.constant 64 : index
        %parallel_loop3A_916 = tpu.vector_load %arg11[%parallel_loop3A_913, %parallel_loop3A_914, %parallel_loop3A_915] {strides = array<i32>} : memref<2x384x128xf32, #tpu.memory_space<vmem>>, vector<16xf32>,
        %parallel_loop3A_917 = vector.broadcast %parallel_loop3A_893 : f32 to vector<16xf32>
        %parallel_loop3A_918 = arith.mulf %parallel_loop3A_917, %parallel_loop3A_916 : vector<16xf32>
        %parallel_loop3A_919 = arith.index_cast %select_n3A_67 : i32 to index
        %parallel_loop3A_920 = arith.index_cast %parallel_loop3A_887 : i32 to index
        %parallel_loop3A_921 = arith.constant 96 : index
        %parallel_loop3A_922 = tpu.vector_load %arg11[%parallel_loop3A_919, %parallel_loop3A_920, %parallel_loop3A_921] {strides = array<i32>} : memref<2x384x128xf32, #tpu.memory_space<vmem>>, vector<16xf32>,
        %parallel_loop3A_923 = vector.broadcast %parallel_loop3A_895 : f32 to vector<16xf32>
        %parallel_loop3A_924 = arith.mulf %parallel_loop3A_923, %parallel_loop3A_922 : vector<16xf32>
        %parallel_loop3A_925 = arith.addf %parallel_loop3A_918, %parallel_loop3A_924 : vector<16xf32>
        %parallel_loop3A_926 = arith.addf %parallel_loop3A_912, %parallel_loop3A_925 : vector<16xf32>
        %parallel_loop3A_927 = arith.constant 0 : i32
        %parallel_loop3A_928 = vector.broadcast %parallel_loop3A_927 : i32 to vector<16xi32>
        %parallel_loop3A_929 = arith.addi %iota3A, %parallel_loop3A_928 : vector<16xi32>
        tpu.vector_store_idx %arg12[%parallel_loop3A_929, %parallel_loop3A_899], %parallel_loop3A_926 : memref<32x384xf32, #tpu.memory_space<vmem>>[vector<16xi32>, vector<16xi32>], vector<16xf32>,
        %parallel_loop3A_930 = arith.index_cast %select_n3A_67 : i32 to index
        %parallel_loop3A_931 = arith.index_cast %parallel_loop3A_887 : i32 to index
        %parallel_loop3A_932 = arith.constant 16 : index
        %parallel_loop3A_933 = tpu.vector_load %arg11[%parallel_loop3A_930, %parallel_loop3A_931, %parallel_loop3A_932] {strides = array<i32>} : memref<2x384x128xf32, #tpu.memory_space<vmem>>, vector<16xf32>,
        %parallel_loop3A_934 = vector.broadcast %parallel_loop3A_889 : f32 to vector<16xf32>
        %parallel_loop3A_935 = arith.mulf %parallel_loop3A_934, %parallel_loop3A_933 : vector<16xf32>
        %parallel_loop3A_936 = arith.index_cast %select_n3A_67 : i32 to index
        %parallel_loop3A_937 = arith.index_cast %parallel_loop3A_887 : i32 to index
        %parallel_loop3A_938 = arith.constant 48 : index
        %parallel_loop3A_939 = tpu.vector_load %arg11[%parallel_loop3A_936, %parallel_loop3A_937, %parallel_loop3A_938] {strides = array<i32>} : memref<2x384x128xf32, #tpu.memory_space<vmem>>, vector<16xf32>,
        %parallel_loop3A_940 = vector.broadcast %parallel_loop3A_891 : f32 to vector<16xf32>
        %parallel_loop3A_941 = arith.mulf %parallel_loop3A_940, %parallel_loop3A_939 : vector<16xf32>
        %parallel_loop3A_942 = arith.addf %parallel_loop3A_935, %parallel_loop3A_941 : vector<16xf32>
        %parallel_loop3A_943 = arith.index_cast %select_n3A_67 : i32 to index
        %parallel_loop3A_944 = arith.index_cast %parallel_loop3A_887 : i32 to index
        %parallel_loop3A_945 = arith.constant 80 : index
        %parallel_loop3A_946 = tpu.vector_load %arg11[%parallel_loop3A_943, %parallel_loop3A_944, %parallel_loop3A_945] {strides = array<i32>} : memref<2x384x128xf32, #tpu.memory_space<vmem>>, vector<16xf32>,
        %parallel_loop3A_947 = vector.broadcast %parallel_loop3A_893 : f32 to vector<16xf32>
        %parallel_loop3A_948 = arith.mulf %parallel_loop3A_947, %parallel_loop3A_946 : vector<16xf32>
        %parallel_loop3A_949 = arith.index_cast %select_n3A_67 : i32 to index
        %parallel_loop3A_950 = arith.index_cast %parallel_loop3A_887 : i32 to index
        %parallel_loop3A_951 = arith.constant 112 : index
        %parallel_loop3A_952 = tpu.vector_load %arg11[%parallel_loop3A_949, %parallel_loop3A_950, %parallel_loop3A_951] {strides = array<i32>} : memref<2x384x128xf32, #tpu.memory_space<vmem>>, vector<16xf32>,
        %parallel_loop3A_953 = vector.broadcast %parallel_loop3A_895 : f32 to vector<16xf32>
        %parallel_loop3A_954 = arith.mulf %parallel_loop3A_953, %parallel_loop3A_952 : vector<16xf32>
        %parallel_loop3A_955 = arith.addf %parallel_loop3A_948, %parallel_loop3A_954 : vector<16xf32>
        %parallel_loop3A_956 = arith.addf %parallel_loop3A_942, %parallel_loop3A_955 : vector<16xf32>
        %parallel_loop3A_957 = arith.constant 16 : i32
        %parallel_loop3A_958 = vector.broadcast %parallel_loop3A_957 : i32 to vector<16xi32>
        %parallel_loop3A_959 = arith.addi %iota3A, %parallel_loop3A_958 : vector<16xi32>
        tpu.vector_store_idx %arg12[%parallel_loop3A_959, %parallel_loop3A_899], %parallel_loop3A_956 : memref<32x384xf32, #tpu.memory_space<vmem>>[vector<16xi32>, vector<16xi32>], vector<16xf32>,
        %parallel_loop3A_960 = arith.constant 16 : i32
        %parallel_loop3A_961 = arith.muli %parallel_loop3A_101, %parallel_loop3A_960 : i32
        %parallel_loop3A_962 = arith.constant 11 : i32
        %parallel_loop3A_963 = arith.addi %parallel_loop3A_961, %parallel_loop3A_962 : i32
        %parallel_loop3A_964 = vector.extract_strided_slice %parallel_loop3A_108 {offsets = [11], sizes = [1], strides = [1]} : vector<16xf32> to vector<1xf32>
        %parallel_loop3A_965 = vector.extract %parallel_loop3A_964[0] : f32 from vector<1xf32>
        %parallel_loop3A_966 = vector.extract_strided_slice %parallel_loop3A_113 {offsets = [11], sizes = [1], strides = [1]} : vector<16xf32> to vector<1xf32>
        %parallel_loop3A_967 = vector.extract %parallel_loop3A_966[0] : f32 from vector<1xf32>
        %parallel_loop3A_968 = vector.extract_strided_slice %parallel_loop3A_118 {offsets = [11], sizes = [1], strides = [1]} : vector<16xf32> to vector<1xf32>
        %parallel_loop3A_969 = vector.extract %parallel_loop3A_968[0] : f32 from vector<1xf32>
        %parallel_loop3A_970 = vector.extract_strided_slice %parallel_loop3A_123 {offsets = [11], sizes = [1], strides = [1]} : vector<16xf32> to vector<1xf32>
        %parallel_loop3A_971 = vector.extract %parallel_loop3A_970[0] : f32 from vector<1xf32>
        %parallel_loop3A_972 = arith.constant 0 : i32
        %parallel_loop3A_973 = vector.broadcast %parallel_loop3A_972 : i32 to vector<16xi32>
        %parallel_loop3A_974 = vector.broadcast %parallel_loop3A_963 : i32 to vector<16xi32>
        %parallel_loop3A_975 = arith.addi %parallel_loop3A_973, %parallel_loop3A_974 : vector<16xi32>
        %parallel_loop3A_976 = arith.index_cast %select_n3A_67 : i32 to index
        %parallel_loop3A_977 = arith.index_cast %parallel_loop3A_963 : i32 to index
        %parallel_loop3A_978 = arith.constant 0 : index
        %parallel_loop3A_979 = tpu.vector_load %arg11[%parallel_loop3A_976, %parallel_loop3A_977, %parallel_loop3A_978] {strides = array<i32>} : memref<2x384x128xf32, #tpu.memory_space<vmem>>, vector<16xf32>,
        %parallel_loop3A_980 = vector.broadcast %parallel_loop3A_965 : f32 to vector<16xf32>
        %parallel_loop3A_981 = arith.mulf %parallel_loop3A_980, %parallel_loop3A_979 : vector<16xf32>
        %parallel_loop3A_982 = arith.index_cast %select_n3A_67 : i32 to index
        %parallel_loop3A_983 = arith.index_cast %parallel_loop3A_963 : i32 to index
        %parallel_loop3A_984 = arith.constant 32 : index
        %parallel_loop3A_985 = tpu.vector_load %arg11[%parallel_loop3A_982, %parallel_loop3A_983, %parallel_loop3A_984] {strides = array<i32>} : memref<2x384x128xf32, #tpu.memory_space<vmem>>, vector<16xf32>,
        %parallel_loop3A_986 = vector.broadcast %parallel_loop3A_967 : f32 to vector<16xf32>
        %parallel_loop3A_987 = arith.mulf %parallel_loop3A_986, %parallel_loop3A_985 : vector<16xf32>
        %parallel_loop3A_988 = arith.addf %parallel_loop3A_981, %parallel_loop3A_987 : vector<16xf32>
        %parallel_loop3A_989 = arith.index_cast %select_n3A_67 : i32 to index
        %parallel_loop3A_990 = arith.index_cast %parallel_loop3A_963 : i32 to index
        %parallel_loop3A_991 = arith.constant 64 : index
        %parallel_loop3A_992 = tpu.vector_load %arg11[%parallel_loop3A_989, %parallel_loop3A_990, %parallel_loop3A_991] {strides = array<i32>} : memref<2x384x128xf32, #tpu.memory_space<vmem>>, vector<16xf32>,
        %parallel_loop3A_993 = vector.broadcast %parallel_loop3A_969 : f32 to vector<16xf32>
        %parallel_loop3A_994 = arith.mulf %parallel_loop3A_993, %parallel_loop3A_992 : vector<16xf32>
        %parallel_loop3A_995 = arith.index_cast %select_n3A_67 : i32 to index
        %parallel_loop3A_996 = arith.index_cast %parallel_loop3A_963 : i32 to index
        %parallel_loop3A_997 = arith.constant 96 : index
        %parallel_loop3A_998 = tpu.vector_load %arg11[%parallel_loop3A_995, %parallel_loop3A_996, %parallel_loop3A_997] {strides = array<i32>} : memref<2x384x128xf32, #tpu.memory_space<vmem>>, vector<16xf32>,
        %parallel_loop3A_999 = vector.broadcast %parallel_loop3A_971 : f32 to vector<16xf32>
        %parallel_loop3A_1000 = arith.mulf %parallel_loop3A_999, %parallel_loop3A_998 : vector<16xf32>
        %parallel_loop3A_1001 = arith.addf %parallel_loop3A_994, %parallel_loop3A_1000 : vector<16xf32>
        %parallel_loop3A_1002 = arith.addf %parallel_loop3A_988, %parallel_loop3A_1001 : vector<16xf32>
        %parallel_loop3A_1003 = arith.constant 0 : i32
        %parallel_loop3A_1004 = vector.broadcast %parallel_loop3A_1003 : i32 to vector<16xi32>
        %parallel_loop3A_1005 = arith.addi %iota3A, %parallel_loop3A_1004 : vector<16xi32>
        tpu.vector_store_idx %arg12[%parallel_loop3A_1005, %parallel_loop3A_975], %parallel_loop3A_1002 : memref<32x384xf32, #tpu.memory_space<vmem>>[vector<16xi32>, vector<16xi32>], vector<16xf32>,
        %parallel_loop3A_1006 = arith.index_cast %select_n3A_67 : i32 to index
        %parallel_loop3A_1007 = arith.index_cast %parallel_loop3A_963 : i32 to index
        %parallel_loop3A_1008 = arith.constant 16 : index
        %parallel_loop3A_1009 = tpu.vector_load %arg11[%parallel_loop3A_1006, %parallel_loop3A_1007, %parallel_loop3A_1008] {strides = array<i32>} : memref<2x384x128xf32, #tpu.memory_space<vmem>>, vector<16xf32>,
        %parallel_loop3A_1010 = vector.broadcast %parallel_loop3A_965 : f32 to vector<16xf32>
        %parallel_loop3A_1011 = arith.mulf %parallel_loop3A_1010, %parallel_loop3A_1009 : vector<16xf32>
        %parallel_loop3A_1012 = arith.index_cast %select_n3A_67 : i32 to index
        %parallel_loop3A_1013 = arith.index_cast %parallel_loop3A_963 : i32 to index
        %parallel_loop3A_1014 = arith.constant 48 : index
        %parallel_loop3A_1015 = tpu.vector_load %arg11[%parallel_loop3A_1012, %parallel_loop3A_1013, %parallel_loop3A_1014] {strides = array<i32>} : memref<2x384x128xf32, #tpu.memory_space<vmem>>, vector<16xf32>,
        %parallel_loop3A_1016 = vector.broadcast %parallel_loop3A_967 : f32 to vector<16xf32>
        %parallel_loop3A_1017 = arith.mulf %parallel_loop3A_1016, %parallel_loop3A_1015 : vector<16xf32>
        %parallel_loop3A_1018 = arith.addf %parallel_loop3A_1011, %parallel_loop3A_1017 : vector<16xf32>
        %parallel_loop3A_1019 = arith.index_cast %select_n3A_67 : i32 to index
        %parallel_loop3A_1020 = arith.index_cast %parallel_loop3A_963 : i32 to index
        %parallel_loop3A_1021 = arith.constant 80 : index
        %parallel_loop3A_1022 = tpu.vector_load %arg11[%parallel_loop3A_1019, %parallel_loop3A_1020, %parallel_loop3A_1021] {strides = array<i32>} : memref<2x384x128xf32, #tpu.memory_space<vmem>>, vector<16xf32>,
        %parallel_loop3A_1023 = vector.broadcast %parallel_loop3A_969 : f32 to vector<16xf32>
        %parallel_loop3A_1024 = arith.mulf %parallel_loop3A_1023, %parallel_loop3A_1022 : vector<16xf32>
        %parallel_loop3A_1025 = arith.index_cast %select_n3A_67 : i32 to index
        %parallel_loop3A_1026 = arith.index_cast %parallel_loop3A_963 : i32 to index
        %parallel_loop3A_1027 = arith.constant 112 : index
        %parallel_loop3A_1028 = tpu.vector_load %arg11[%parallel_loop3A_1025, %parallel_loop3A_1026, %parallel_loop3A_1027] {strides = array<i32>} : memref<2x384x128xf32, #tpu.memory_space<vmem>>, vector<16xf32>,
        %parallel_loop3A_1029 = vector.broadcast %parallel_loop3A_971 : f32 to vector<16xf32>
        %parallel_loop3A_1030 = arith.mulf %parallel_loop3A_1029, %parallel_loop3A_1028 : vector<16xf32>
        %parallel_loop3A_1031 = arith.addf %parallel_loop3A_1024, %parallel_loop3A_1030 : vector<16xf32>
        %parallel_loop3A_1032 = arith.addf %parallel_loop3A_1018, %parallel_loop3A_1031 : vector<16xf32>
        %parallel_loop3A_1033 = arith.constant 16 : i32
        %parallel_loop3A_1034 = vector.broadcast %parallel_loop3A_1033 : i32 to vector<16xi32>
        %parallel_loop3A_1035 = arith.addi %iota3A, %parallel_loop3A_1034 : vector<16xi32>
        tpu.vector_store_idx %arg12[%parallel_loop3A_1035, %parallel_loop3A_975], %parallel_loop3A_1032 : memref<32x384xf32, #tpu.memory_space<vmem>>[vector<16xi32>, vector<16xi32>], vector<16xf32>,
        %parallel_loop3A_1036 = arith.constant 16 : i32
        %parallel_loop3A_1037 = arith.muli %parallel_loop3A_101, %parallel_loop3A_1036 : i32
        %parallel_loop3A_1038 = arith.constant 12 : i32
        %parallel_loop3A_1039 = arith.addi %parallel_loop3A_1037, %parallel_loop3A_1038 : i32
        %parallel_loop3A_1040 = vector.extract_strided_slice %parallel_loop3A_108 {offsets = [12], sizes = [1], strides = [1]} : vector<16xf32> to vector<1xf32>
        %parallel_loop3A_1041 = vector.extract %parallel_loop3A_1040[0] : f32 from vector<1xf32>
        %parallel_loop3A_1042 = vector.extract_strided_slice %parallel_loop3A_113 {offsets = [12], sizes = [1], strides = [1]} : vector<16xf32> to vector<1xf32>
        %parallel_loop3A_1043 = vector.extract %parallel_loop3A_1042[0] : f32 from vector<1xf32>
        %parallel_loop3A_1044 = vector.extract_strided_slice %parallel_loop3A_118 {offsets = [12], sizes = [1], strides = [1]} : vector<16xf32> to vector<1xf32>
        %parallel_loop3A_1045 = vector.extract %parallel_loop3A_1044[0] : f32 from vector<1xf32>
        %parallel_loop3A_1046 = vector.extract_strided_slice %parallel_loop3A_123 {offsets = [12], sizes = [1], strides = [1]} : vector<16xf32> to vector<1xf32>
        %parallel_loop3A_1047 = vector.extract %parallel_loop3A_1046[0] : f32 from vector<1xf32>
        %parallel_loop3A_1048 = arith.constant 0 : i32
        %parallel_loop3A_1049 = vector.broadcast %parallel_loop3A_1048 : i32 to vector<16xi32>
        %parallel_loop3A_1050 = vector.broadcast %parallel_loop3A_1039 : i32 to vector<16xi32>
        %parallel_loop3A_1051 = arith.addi %parallel_loop3A_1049, %parallel_loop3A_1050 : vector<16xi32>
        %parallel_loop3A_1052 = arith.index_cast %select_n3A_67 : i32 to index
        %parallel_loop3A_1053 = arith.index_cast %parallel_loop3A_1039 : i32 to index
        %parallel_loop3A_1054 = arith.constant 0 : index
        %parallel_loop3A_1055 = tpu.vector_load %arg11[%parallel_loop3A_1052, %parallel_loop3A_1053, %parallel_loop3A_1054] {strides = array<i32>} : memref<2x384x128xf32, #tpu.memory_space<vmem>>, vector<16xf32>,
        %parallel_loop3A_1056 = vector.broadcast %parallel_loop3A_1041 : f32 to vector<16xf32>
        %parallel_loop3A_1057 = arith.mulf %parallel_loop3A_1056, %parallel_loop3A_1055 : vector<16xf32>
        %parallel_loop3A_1058 = arith.index_cast %select_n3A_67 : i32 to index
        %parallel_loop3A_1059 = arith.index_cast %parallel_loop3A_1039 : i32 to index
        %parallel_loop3A_1060 = arith.constant 32 : index
        %parallel_loop3A_1061 = tpu.vector_load %arg11[%parallel_loop3A_1058, %parallel_loop3A_1059, %parallel_loop3A_1060] {strides = array<i32>} : memref<2x384x128xf32, #tpu.memory_space<vmem>>, vector<16xf32>,
        %parallel_loop3A_1062 = vector.broadcast %parallel_loop3A_1043 : f32 to vector<16xf32>
        %parallel_loop3A_1063 = arith.mulf %parallel_loop3A_1062, %parallel_loop3A_1061 : vector<16xf32>
        %parallel_loop3A_1064 = arith.addf %parallel_loop3A_1057, %parallel_loop3A_1063 : vector<16xf32>
        %parallel_loop3A_1065 = arith.index_cast %select_n3A_67 : i32 to index
        %parallel_loop3A_1066 = arith.index_cast %parallel_loop3A_1039 : i32 to index
        %parallel_loop3A_1067 = arith.constant 64 : index
        %parallel_loop3A_1068 = tpu.vector_load %arg11[%parallel_loop3A_1065, %parallel_loop3A_1066, %parallel_loop3A_1067] {strides = array<i32>} : memref<2x384x128xf32, #tpu.memory_space<vmem>>, vector<16xf32>,
        %parallel_loop3A_1069 = vector.broadcast %parallel_loop3A_1045 : f32 to vector<16xf32>
        %parallel_loop3A_1070 = arith.mulf %parallel_loop3A_1069, %parallel_loop3A_1068 : vector<16xf32>
        %parallel_loop3A_1071 = arith.index_cast %select_n3A_67 : i32 to index
        %parallel_loop3A_1072 = arith.index_cast %parallel_loop3A_1039 : i32 to index
        %parallel_loop3A_1073 = arith.constant 96 : index
        %parallel_loop3A_1074 = tpu.vector_load %arg11[%parallel_loop3A_1071, %parallel_loop3A_1072, %parallel_loop3A_1073] {strides = array<i32>} : memref<2x384x128xf32, #tpu.memory_space<vmem>>, vector<16xf32>,
        %parallel_loop3A_1075 = vector.broadcast %parallel_loop3A_1047 : f32 to vector<16xf32>
        %parallel_loop3A_1076 = arith.mulf %parallel_loop3A_1075, %parallel_loop3A_1074 : vector<16xf32>
        %parallel_loop3A_1077 = arith.addf %parallel_loop3A_1070, %parallel_loop3A_1076 : vector<16xf32>
        %parallel_loop3A_1078 = arith.addf %parallel_loop3A_1064, %parallel_loop3A_1077 : vector<16xf32>
        %parallel_loop3A_1079 = arith.constant 0 : i32
        %parallel_loop3A_1080 = vector.broadcast %parallel_loop3A_1079 : i32 to vector<16xi32>
        %parallel_loop3A_1081 = arith.addi %iota3A, %parallel_loop3A_1080 : vector<16xi32>
        tpu.vector_store_idx %arg12[%parallel_loop3A_1081, %parallel_loop3A_1051], %parallel_loop3A_1078 : memref<32x384xf32, #tpu.memory_space<vmem>>[vector<16xi32>, vector<16xi32>], vector<16xf32>,
        %parallel_loop3A_1082 = arith.index_cast %select_n3A_67 : i32 to index
        %parallel_loop3A_1083 = arith.index_cast %parallel_loop3A_1039 : i32 to index
        %parallel_loop3A_1084 = arith.constant 16 : index
        %parallel_loop3A_1085 = tpu.vector_load %arg11[%parallel_loop3A_1082, %parallel_loop3A_1083, %parallel_loop3A_1084] {strides = array<i32>} : memref<2x384x128xf32, #tpu.memory_space<vmem>>, vector<16xf32>,
        %parallel_loop3A_1086 = vector.broadcast %parallel_loop3A_1041 : f32 to vector<16xf32>
        %parallel_loop3A_1087 = arith.mulf %parallel_loop3A_1086, %parallel_loop3A_1085 : vector<16xf32>
        %parallel_loop3A_1088 = arith.index_cast %select_n3A_67 : i32 to index
        %parallel_loop3A_1089 = arith.index_cast %parallel_loop3A_1039 : i32 to index
        %parallel_loop3A_1090 = arith.constant 48 : index
        %parallel_loop3A_1091 = tpu.vector_load %arg11[%parallel_loop3A_1088, %parallel_loop3A_1089, %parallel_loop3A_1090] {strides = array<i32>} : memref<2x384x128xf32, #tpu.memory_space<vmem>>, vector<16xf32>,
        %parallel_loop3A_1092 = vector.broadcast %parallel_loop3A_1043 : f32 to vector<16xf32>
        %parallel_loop3A_1093 = arith.mulf %parallel_loop3A_1092, %parallel_loop3A_1091 : vector<16xf32>
        %parallel_loop3A_1094 = arith.addf %parallel_loop3A_1087, %parallel_loop3A_1093 : vector<16xf32>
        %parallel_loop3A_1095 = arith.index_cast %select_n3A_67 : i32 to index
        %parallel_loop3A_1096 = arith.index_cast %parallel_loop3A_1039 : i32 to index
        %parallel_loop3A_1097 = arith.constant 80 : index
        %parallel_loop3A_1098 = tpu.vector_load %arg11[%parallel_loop3A_1095, %parallel_loop3A_1096, %parallel_loop3A_1097] {strides = array<i32>} : memref<2x384x128xf32, #tpu.memory_space<vmem>>, vector<16xf32>,
        %parallel_loop3A_1099 = vector.broadcast %parallel_loop3A_1045 : f32 to vector<16xf32>
        %parallel_loop3A_1100 = arith.mulf %parallel_loop3A_1099, %parallel_loop3A_1098 : vector<16xf32>
        %parallel_loop3A_1101 = arith.index_cast %select_n3A_67 : i32 to index
        %parallel_loop3A_1102 = arith.index_cast %parallel_loop3A_1039 : i32 to index
        %parallel_loop3A_1103 = arith.constant 112 : index
        %parallel_loop3A_1104 = tpu.vector_load %arg11[%parallel_loop3A_1101, %parallel_loop3A_1102, %parallel_loop3A_1103] {strides = array<i32>} : memref<2x384x128xf32, #tpu.memory_space<vmem>>, vector<16xf32>,
        %parallel_loop3A_1105 = vector.broadcast %parallel_loop3A_1047 : f32 to vector<16xf32>
        %parallel_loop3A_1106 = arith.mulf %parallel_loop3A_1105, %parallel_loop3A_1104 : vector<16xf32>
        %parallel_loop3A_1107 = arith.addf %parallel_loop3A_1100, %parallel_loop3A_1106 : vector<16xf32>
        %parallel_loop3A_1108 = arith.addf %parallel_loop3A_1094, %parallel_loop3A_1107 : vector<16xf32>
        %parallel_loop3A_1109 = arith.constant 16 : i32
        %parallel_loop3A_1110 = vector.broadcast %parallel_loop3A_1109 : i32 to vector<16xi32>
        %parallel_loop3A_1111 = arith.addi %iota3A, %parallel_loop3A_1110 : vector<16xi32>
        tpu.vector_store_idx %arg12[%parallel_loop3A_1111, %parallel_loop3A_1051], %parallel_loop3A_1108 : memref<32x384xf32, #tpu.memory_space<vmem>>[vector<16xi32>, vector<16xi32>], vector<16xf32>,
        %parallel_loop3A_1112 = arith.constant 16 : i32
        %parallel_loop3A_1113 = arith.muli %parallel_loop3A_101, %parallel_loop3A_1112 : i32
        %parallel_loop3A_1114 = arith.constant 13 : i32
        %parallel_loop3A_1115 = arith.addi %parallel_loop3A_1113, %parallel_loop3A_1114 : i32
        %parallel_loop3A_1116 = vector.extract_strided_slice %parallel_loop3A_108 {offsets = [13], sizes = [1], strides = [1]} : vector<16xf32> to vector<1xf32>
        %parallel_loop3A_1117 = vector.extract %parallel_loop3A_1116[0] : f32 from vector<1xf32>
        %parallel_loop3A_1118 = vector.extract_strided_slice %parallel_loop3A_113 {offsets = [13], sizes = [1], strides = [1]} : vector<16xf32> to vector<1xf32>
        %parallel_loop3A_1119 = vector.extract %parallel_loop3A_1118[0] : f32 from vector<1xf32>
        %parallel_loop3A_1120 = vector.extract_strided_slice %parallel_loop3A_118 {offsets = [13], sizes = [1], strides = [1]} : vector<16xf32> to vector<1xf32>
        %parallel_loop3A_1121 = vector.extract %parallel_loop3A_1120[0] : f32 from vector<1xf32>
        %parallel_loop3A_1122 = vector.extract_strided_slice %parallel_loop3A_123 {offsets = [13], sizes = [1], strides = [1]} : vector<16xf32> to vector<1xf32>
        %parallel_loop3A_1123 = vector.extract %parallel_loop3A_1122[0] : f32 from vector<1xf32>
        %parallel_loop3A_1124 = arith.constant 0 : i32
        %parallel_loop3A_1125 = vector.broadcast %parallel_loop3A_1124 : i32 to vector<16xi32>
        %parallel_loop3A_1126 = vector.broadcast %parallel_loop3A_1115 : i32 to vector<16xi32>
        %parallel_loop3A_1127 = arith.addi %parallel_loop3A_1125, %parallel_loop3A_1126 : vector<16xi32>
        %parallel_loop3A_1128 = arith.index_cast %select_n3A_67 : i32 to index
        %parallel_loop3A_1129 = arith.index_cast %parallel_loop3A_1115 : i32 to index
        %parallel_loop3A_1130 = arith.constant 0 : index
        %parallel_loop3A_1131 = tpu.vector_load %arg11[%parallel_loop3A_1128, %parallel_loop3A_1129, %parallel_loop3A_1130] {strides = array<i32>} : memref<2x384x128xf32, #tpu.memory_space<vmem>>, vector<16xf32>,
        %parallel_loop3A_1132 = vector.broadcast %parallel_loop3A_1117 : f32 to vector<16xf32>
        %parallel_loop3A_1133 = arith.mulf %parallel_loop3A_1132, %parallel_loop3A_1131 : vector<16xf32>
        %parallel_loop3A_1134 = arith.index_cast %select_n3A_67 : i32 to index
        %parallel_loop3A_1135 = arith.index_cast %parallel_loop3A_1115 : i32 to index
        %parallel_loop3A_1136 = arith.constant 32 : index
        %parallel_loop3A_1137 = tpu.vector_load %arg11[%parallel_loop3A_1134, %parallel_loop3A_1135, %parallel_loop3A_1136] {strides = array<i32>} : memref<2x384x128xf32, #tpu.memory_space<vmem>>, vector<16xf32>,
        %parallel_loop3A_1138 = vector.broadcast %parallel_loop3A_1119 : f32 to vector<16xf32>
        %parallel_loop3A_1139 = arith.mulf %parallel_loop3A_1138, %parallel_loop3A_1137 : vector<16xf32>
        %parallel_loop3A_1140 = arith.addf %parallel_loop3A_1133, %parallel_loop3A_1139 : vector<16xf32>
        %parallel_loop3A_1141 = arith.index_cast %select_n3A_67 : i32 to index
        %parallel_loop3A_1142 = arith.index_cast %parallel_loop3A_1115 : i32 to index
        %parallel_loop3A_1143 = arith.constant 64 : index
        %parallel_loop3A_1144 = tpu.vector_load %arg11[%parallel_loop3A_1141, %parallel_loop3A_1142, %parallel_loop3A_1143] {strides = array<i32>} : memref<2x384x128xf32, #tpu.memory_space<vmem>>, vector<16xf32>,
        %parallel_loop3A_1145 = vector.broadcast %parallel_loop3A_1121 : f32 to vector<16xf32>
        %parallel_loop3A_1146 = arith.mulf %parallel_loop3A_1145, %parallel_loop3A_1144 : vector<16xf32>
        %parallel_loop3A_1147 = arith.index_cast %select_n3A_67 : i32 to index
        %parallel_loop3A_1148 = arith.index_cast %parallel_loop3A_1115 : i32 to index
        %parallel_loop3A_1149 = arith.constant 96 : index
        %parallel_loop3A_1150 = tpu.vector_load %arg11[%parallel_loop3A_1147, %parallel_loop3A_1148, %parallel_loop3A_1149] {strides = array<i32>} : memref<2x384x128xf32, #tpu.memory_space<vmem>>, vector<16xf32>,
        %parallel_loop3A_1151 = vector.broadcast %parallel_loop3A_1123 : f32 to vector<16xf32>
        %parallel_loop3A_1152 = arith.mulf %parallel_loop3A_1151, %parallel_loop3A_1150 : vector<16xf32>
        %parallel_loop3A_1153 = arith.addf %parallel_loop3A_1146, %parallel_loop3A_1152 : vector<16xf32>
        %parallel_loop3A_1154 = arith.addf %parallel_loop3A_1140, %parallel_loop3A_1153 : vector<16xf32>
        %parallel_loop3A_1155 = arith.constant 0 : i32
        %parallel_loop3A_1156 = vector.broadcast %parallel_loop3A_1155 : i32 to vector<16xi32>
        %parallel_loop3A_1157 = arith.addi %iota3A, %parallel_loop3A_1156 : vector<16xi32>
        tpu.vector_store_idx %arg12[%parallel_loop3A_1157, %parallel_loop3A_1127], %parallel_loop3A_1154 : memref<32x384xf32, #tpu.memory_space<vmem>>[vector<16xi32>, vector<16xi32>], vector<16xf32>,
        %parallel_loop3A_1158 = arith.index_cast %select_n3A_67 : i32 to index
        %parallel_loop3A_1159 = arith.index_cast %parallel_loop3A_1115 : i32 to index
        %parallel_loop3A_1160 = arith.constant 16 : index
        %parallel_loop3A_1161 = tpu.vector_load %arg11[%parallel_loop3A_1158, %parallel_loop3A_1159, %parallel_loop3A_1160] {strides = array<i32>} : memref<2x384x128xf32, #tpu.memory_space<vmem>>, vector<16xf32>,
        %parallel_loop3A_1162 = vector.broadcast %parallel_loop3A_1117 : f32 to vector<16xf32>
        %parallel_loop3A_1163 = arith.mulf %parallel_loop3A_1162, %parallel_loop3A_1161 : vector<16xf32>
        %parallel_loop3A_1164 = arith.index_cast %select_n3A_67 : i32 to index
        %parallel_loop3A_1165 = arith.index_cast %parallel_loop3A_1115 : i32 to index
        %parallel_loop3A_1166 = arith.constant 48 : index
        %parallel_loop3A_1167 = tpu.vector_load %arg11[%parallel_loop3A_1164, %parallel_loop3A_1165, %parallel_loop3A_1166] {strides = array<i32>} : memref<2x384x128xf32, #tpu.memory_space<vmem>>, vector<16xf32>,
        %parallel_loop3A_1168 = vector.broadcast %parallel_loop3A_1119 : f32 to vector<16xf32>
        %parallel_loop3A_1169 = arith.mulf %parallel_loop3A_1168, %parallel_loop3A_1167 : vector<16xf32>
        %parallel_loop3A_1170 = arith.addf %parallel_loop3A_1163, %parallel_loop3A_1169 : vector<16xf32>
        %parallel_loop3A_1171 = arith.index_cast %select_n3A_67 : i32 to index
        %parallel_loop3A_1172 = arith.index_cast %parallel_loop3A_1115 : i32 to index
        %parallel_loop3A_1173 = arith.constant 80 : index
        %parallel_loop3A_1174 = tpu.vector_load %arg11[%parallel_loop3A_1171, %parallel_loop3A_1172, %parallel_loop3A_1173] {strides = array<i32>} : memref<2x384x128xf32, #tpu.memory_space<vmem>>, vector<16xf32>,
        %parallel_loop3A_1175 = vector.broadcast %parallel_loop3A_1121 : f32 to vector<16xf32>
        %parallel_loop3A_1176 = arith.mulf %parallel_loop3A_1175, %parallel_loop3A_1174 : vector<16xf32>
        %parallel_loop3A_1177 = arith.index_cast %select_n3A_67 : i32 to index
        %parallel_loop3A_1178 = arith.index_cast %parallel_loop3A_1115 : i32 to index
        %parallel_loop3A_1179 = arith.constant 112 : index
        %parallel_loop3A_1180 = tpu.vector_load %arg11[%parallel_loop3A_1177, %parallel_loop3A_1178, %parallel_loop3A_1179] {strides = array<i32>} : memref<2x384x128xf32, #tpu.memory_space<vmem>>, vector<16xf32>,
        %parallel_loop3A_1181 = vector.broadcast %parallel_loop3A_1123 : f32 to vector<16xf32>
        %parallel_loop3A_1182 = arith.mulf %parallel_loop3A_1181, %parallel_loop3A_1180 : vector<16xf32>
        %parallel_loop3A_1183 = arith.addf %parallel_loop3A_1176, %parallel_loop3A_1182 : vector<16xf32>
        %parallel_loop3A_1184 = arith.addf %parallel_loop3A_1170, %parallel_loop3A_1183 : vector<16xf32>
        %parallel_loop3A_1185 = arith.constant 16 : i32
        %parallel_loop3A_1186 = vector.broadcast %parallel_loop3A_1185 : i32 to vector<16xi32>
        %parallel_loop3A_1187 = arith.addi %iota3A, %parallel_loop3A_1186 : vector<16xi32>
        tpu.vector_store_idx %arg12[%parallel_loop3A_1187, %parallel_loop3A_1127], %parallel_loop3A_1184 : memref<32x384xf32, #tpu.memory_space<vmem>>[vector<16xi32>, vector<16xi32>], vector<16xf32>,
        %parallel_loop3A_1188 = arith.constant 16 : i32
        %parallel_loop3A_1189 = arith.muli %parallel_loop3A_101, %parallel_loop3A_1188 : i32
        %parallel_loop3A_1190 = arith.constant 14 : i32
        %parallel_loop3A_1191 = arith.addi %parallel_loop3A_1189, %parallel_loop3A_1190 : i32
        %parallel_loop3A_1192 = vector.extract_strided_slice %parallel_loop3A_108 {offsets = [14], sizes = [1], strides = [1]} : vector<16xf32> to vector<1xf32>
        %parallel_loop3A_1193 = vector.extract %parallel_loop3A_1192[0] : f32 from vector<1xf32>
        %parallel_loop3A_1194 = vector.extract_strided_slice %parallel_loop3A_113 {offsets = [14], sizes = [1], strides = [1]} : vector<16xf32> to vector<1xf32>
        %parallel_loop3A_1195 = vector.extract %parallel_loop3A_1194[0] : f32 from vector<1xf32>
        %parallel_loop3A_1196 = vector.extract_strided_slice %parallel_loop3A_118 {offsets = [14], sizes = [1], strides = [1]} : vector<16xf32> to vector<1xf32>
        %parallel_loop3A_1197 = vector.extract %parallel_loop3A_1196[0] : f32 from vector<1xf32>
        %parallel_loop3A_1198 = vector.extract_strided_slice %parallel_loop3A_123 {offsets = [14], sizes = [1], strides = [1]} : vector<16xf32> to vector<1xf32>
        %parallel_loop3A_1199 = vector.extract %parallel_loop3A_1198[0] : f32 from vector<1xf32>
        %parallel_loop3A_1200 = arith.constant 0 : i32
        %parallel_loop3A_1201 = vector.broadcast %parallel_loop3A_1200 : i32 to vector<16xi32>
        %parallel_loop3A_1202 = vector.broadcast %parallel_loop3A_1191 : i32 to vector<16xi32>
        %parallel_loop3A_1203 = arith.addi %parallel_loop3A_1201, %parallel_loop3A_1202 : vector<16xi32>
        %parallel_loop3A_1204 = arith.index_cast %select_n3A_67 : i32 to index
        %parallel_loop3A_1205 = arith.index_cast %parallel_loop3A_1191 : i32 to index
        %parallel_loop3A_1206 = arith.constant 0 : index
        %parallel_loop3A_1207 = tpu.vector_load %arg11[%parallel_loop3A_1204, %parallel_loop3A_1205, %parallel_loop3A_1206] {strides = array<i32>} : memref<2x384x128xf32, #tpu.memory_space<vmem>>, vector<16xf32>,
        %parallel_loop3A_1208 = vector.broadcast %parallel_loop3A_1193 : f32 to vector<16xf32>
        %parallel_loop3A_1209 = arith.mulf %parallel_loop3A_1208, %parallel_loop3A_1207 : vector<16xf32>
        %parallel_loop3A_1210 = arith.index_cast %select_n3A_67 : i32 to index
        %parallel_loop3A_1211 = arith.index_cast %parallel_loop3A_1191 : i32 to index
        %parallel_loop3A_1212 = arith.constant 32 : index
        %parallel_loop3A_1213 = tpu.vector_load %arg11[%parallel_loop3A_1210, %parallel_loop3A_1211, %parallel_loop3A_1212] {strides = array<i32>} : memref<2x384x128xf32, #tpu.memory_space<vmem>>, vector<16xf32>,
        %parallel_loop3A_1214 = vector.broadcast %parallel_loop3A_1195 : f32 to vector<16xf32>
        %parallel_loop3A_1215 = arith.mulf %parallel_loop3A_1214, %parallel_loop3A_1213 : vector<16xf32>
        %parallel_loop3A_1216 = arith.addf %parallel_loop3A_1209, %parallel_loop3A_1215 : vector<16xf32>
        %parallel_loop3A_1217 = arith.index_cast %select_n3A_67 : i32 to index
        %parallel_loop3A_1218 = arith.index_cast %parallel_loop3A_1191 : i32 to index
        %parallel_loop3A_1219 = arith.constant 64 : index
        %parallel_loop3A_1220 = tpu.vector_load %arg11[%parallel_loop3A_1217, %parallel_loop3A_1218, %parallel_loop3A_1219] {strides = array<i32>} : memref<2x384x128xf32, #tpu.memory_space<vmem>>, vector<16xf32>,
        %parallel_loop3A_1221 = vector.broadcast %parallel_loop3A_1197 : f32 to vector<16xf32>
        %parallel_loop3A_1222 = arith.mulf %parallel_loop3A_1221, %parallel_loop3A_1220 : vector<16xf32>
        %parallel_loop3A_1223 = arith.index_cast %select_n3A_67 : i32 to index
        %parallel_loop3A_1224 = arith.index_cast %parallel_loop3A_1191 : i32 to index
        %parallel_loop3A_1225 = arith.constant 96 : index
        %parallel_loop3A_1226 = tpu.vector_load %arg11[%parallel_loop3A_1223, %parallel_loop3A_1224, %parallel_loop3A_1225] {strides = array<i32>} : memref<2x384x128xf32, #tpu.memory_space<vmem>>, vector<16xf32>,
        %parallel_loop3A_1227 = vector.broadcast %parallel_loop3A_1199 : f32 to vector<16xf32>
        %parallel_loop3A_1228 = arith.mulf %parallel_loop3A_1227, %parallel_loop3A_1226 : vector<16xf32>
        %parallel_loop3A_1229 = arith.addf %parallel_loop3A_1222, %parallel_loop3A_1228 : vector<16xf32>
        %parallel_loop3A_1230 = arith.addf %parallel_loop3A_1216, %parallel_loop3A_1229 : vector<16xf32>
        %parallel_loop3A_1231 = arith.constant 0 : i32
        %parallel_loop3A_1232 = vector.broadcast %parallel_loop3A_1231 : i32 to vector<16xi32>
        %parallel_loop3A_1233 = arith.addi %iota3A, %parallel_loop3A_1232 : vector<16xi32>
        tpu.vector_store_idx %arg12[%parallel_loop3A_1233, %parallel_loop3A_1203], %parallel_loop3A_1230 : memref<32x384xf32, #tpu.memory_space<vmem>>[vector<16xi32>, vector<16xi32>], vector<16xf32>,
        %parallel_loop3A_1234 = arith.index_cast %select_n3A_67 : i32 to index
        %parallel_loop3A_1235 = arith.index_cast %parallel_loop3A_1191 : i32 to index
        %parallel_loop3A_1236 = arith.constant 16 : index
        %parallel_loop3A_1237 = tpu.vector_load %arg11[%parallel_loop3A_1234, %parallel_loop3A_1235, %parallel_loop3A_1236] {strides = array<i32>} : memref<2x384x128xf32, #tpu.memory_space<vmem>>, vector<16xf32>,
        %parallel_loop3A_1238 = vector.broadcast %parallel_loop3A_1193 : f32 to vector<16xf32>
        %parallel_loop3A_1239 = arith.mulf %parallel_loop3A_1238, %parallel_loop3A_1237 : vector<16xf32>
        %parallel_loop3A_1240 = arith.index_cast %select_n3A_67 : i32 to index
        %parallel_loop3A_1241 = arith.index_cast %parallel_loop3A_1191 : i32 to index
        %parallel_loop3A_1242 = arith.constant 48 : index
        %parallel_loop3A_1243 = tpu.vector_load %arg11[%parallel_loop3A_1240, %parallel_loop3A_1241, %parallel_loop3A_1242] {strides = array<i32>} : memref<2x384x128xf32, #tpu.memory_space<vmem>>, vector<16xf32>,
        %parallel_loop3A_1244 = vector.broadcast %parallel_loop3A_1195 : f32 to vector<16xf32>
        %parallel_loop3A_1245 = arith.mulf %parallel_loop3A_1244, %parallel_loop3A_1243 : vector<16xf32>
        %parallel_loop3A_1246 = arith.addf %parallel_loop3A_1239, %parallel_loop3A_1245 : vector<16xf32>
        %parallel_loop3A_1247 = arith.index_cast %select_n3A_67 : i32 to index
        %parallel_loop3A_1248 = arith.index_cast %parallel_loop3A_1191 : i32 to index
        %parallel_loop3A_1249 = arith.constant 80 : index
        %parallel_loop3A_1250 = tpu.vector_load %arg11[%parallel_loop3A_1247, %parallel_loop3A_1248, %parallel_loop3A_1249] {strides = array<i32>} : memref<2x384x128xf32, #tpu.memory_space<vmem>>, vector<16xf32>,
        %parallel_loop3A_1251 = vector.broadcast %parallel_loop3A_1197 : f32 to vector<16xf32>
        %parallel_loop3A_1252 = arith.mulf %parallel_loop3A_1251, %parallel_loop3A_1250 : vector<16xf32>
        %parallel_loop3A_1253 = arith.index_cast %select_n3A_67 : i32 to index
        %parallel_loop3A_1254 = arith.index_cast %parallel_loop3A_1191 : i32 to index
        %parallel_loop3A_1255 = arith.constant 112 : index
        %parallel_loop3A_1256 = tpu.vector_load %arg11[%parallel_loop3A_1253, %parallel_loop3A_1254, %parallel_loop3A_1255] {strides = array<i32>} : memref<2x384x128xf32, #tpu.memory_space<vmem>>, vector<16xf32>,
        %parallel_loop3A_1257 = vector.broadcast %parallel_loop3A_1199 : f32 to vector<16xf32>
        %parallel_loop3A_1258 = arith.mulf %parallel_loop3A_1257, %parallel_loop3A_1256 : vector<16xf32>
        %parallel_loop3A_1259 = arith.addf %parallel_loop3A_1252, %parallel_loop3A_1258 : vector<16xf32>
        %parallel_loop3A_1260 = arith.addf %parallel_loop3A_1246, %parallel_loop3A_1259 : vector<16xf32>
        %parallel_loop3A_1261 = arith.constant 16 : i32
        %parallel_loop3A_1262 = vector.broadcast %parallel_loop3A_1261 : i32 to vector<16xi32>
        %parallel_loop3A_1263 = arith.addi %iota3A, %parallel_loop3A_1262 : vector<16xi32>
        tpu.vector_store_idx %arg12[%parallel_loop3A_1263, %parallel_loop3A_1203], %parallel_loop3A_1260 : memref<32x384xf32, #tpu.memory_space<vmem>>[vector<16xi32>, vector<16xi32>], vector<16xf32>,
        %parallel_loop3A_1264 = arith.constant 16 : i32
        %parallel_loop3A_1265 = arith.muli %parallel_loop3A_101, %parallel_loop3A_1264 : i32
        %parallel_loop3A_1266 = arith.constant 15 : i32
        %parallel_loop3A_1267 = arith.addi %parallel_loop3A_1265, %parallel_loop3A_1266 : i32
        %parallel_loop3A_1268 = vector.extract_strided_slice %parallel_loop3A_108 {offsets = [15], sizes = [1], strides = [1]} : vector<16xf32> to vector<1xf32>
        %parallel_loop3A_1269 = vector.extract %parallel_loop3A_1268[0] : f32 from vector<1xf32>
        %parallel_loop3A_1270 = vector.extract_strided_slice %parallel_loop3A_113 {offsets = [15], sizes = [1], strides = [1]} : vector<16xf32> to vector<1xf32>
        %parallel_loop3A_1271 = vector.extract %parallel_loop3A_1270[0] : f32 from vector<1xf32>
        %parallel_loop3A_1272 = vector.extract_strided_slice %parallel_loop3A_118 {offsets = [15], sizes = [1], strides = [1]} : vector<16xf32> to vector<1xf32>
        %parallel_loop3A_1273 = vector.extract %parallel_loop3A_1272[0] : f32 from vector<1xf32>
        %parallel_loop3A_1274 = vector.extract_strided_slice %parallel_loop3A_123 {offsets = [15], sizes = [1], strides = [1]} : vector<16xf32> to vector<1xf32>
        %parallel_loop3A_1275 = vector.extract %parallel_loop3A_1274[0] : f32 from vector<1xf32>
        %parallel_loop3A_1276 = arith.constant 0 : i32
        %parallel_loop3A_1277 = vector.broadcast %parallel_loop3A_1276 : i32 to vector<16xi32>
        %parallel_loop3A_1278 = vector.broadcast %parallel_loop3A_1267 : i32 to vector<16xi32>
        %parallel_loop3A_1279 = arith.addi %parallel_loop3A_1277, %parallel_loop3A_1278 : vector<16xi32>
        %parallel_loop3A_1280 = arith.index_cast %select_n3A_67 : i32 to index
        %parallel_loop3A_1281 = arith.index_cast %parallel_loop3A_1267 : i32 to index
        %parallel_loop3A_1282 = arith.constant 0 : index
        %parallel_loop3A_1283 = tpu.vector_load %arg11[%parallel_loop3A_1280, %parallel_loop3A_1281, %parallel_loop3A_1282] {strides = array<i32>} : memref<2x384x128xf32, #tpu.memory_space<vmem>>, vector<16xf32>,
        %parallel_loop3A_1284 = vector.broadcast %parallel_loop3A_1269 : f32 to vector<16xf32>
        %parallel_loop3A_1285 = arith.mulf %parallel_loop3A_1284, %parallel_loop3A_1283 : vector<16xf32>
        %parallel_loop3A_1286 = arith.index_cast %select_n3A_67 : i32 to index
        %parallel_loop3A_1287 = arith.index_cast %parallel_loop3A_1267 : i32 to index
        %parallel_loop3A_1288 = arith.constant 32 : index
        %parallel_loop3A_1289 = tpu.vector_load %arg11[%parallel_loop3A_1286, %parallel_loop3A_1287, %parallel_loop3A_1288] {strides = array<i32>} : memref<2x384x128xf32, #tpu.memory_space<vmem>>, vector<16xf32>,
        %parallel_loop3A_1290 = vector.broadcast %parallel_loop3A_1271 : f32 to vector<16xf32>
        %parallel_loop3A_1291 = arith.mulf %parallel_loop3A_1290, %parallel_loop3A_1289 : vector<16xf32>
        %parallel_loop3A_1292 = arith.addf %parallel_loop3A_1285, %parallel_loop3A_1291 : vector<16xf32>
        %parallel_loop3A_1293 = arith.index_cast %select_n3A_67 : i32 to index
        %parallel_loop3A_1294 = arith.index_cast %parallel_loop3A_1267 : i32 to index
        %parallel_loop3A_1295 = arith.constant 64 : index
        %parallel_loop3A_1296 = tpu.vector_load %arg11[%parallel_loop3A_1293, %parallel_loop3A_1294, %parallel_loop3A_1295] {strides = array<i32>} : memref<2x384x128xf32, #tpu.memory_space<vmem>>, vector<16xf32>,
        %parallel_loop3A_1297 = vector.broadcast %parallel_loop3A_1273 : f32 to vector<16xf32>
        %parallel_loop3A_1298 = arith.mulf %parallel_loop3A_1297, %parallel_loop3A_1296 : vector<16xf32>
        %parallel_loop3A_1299 = arith.index_cast %select_n3A_67 : i32 to index
        %parallel_loop3A_1300 = arith.index_cast %parallel_loop3A_1267 : i32 to index
        %parallel_loop3A_1301 = arith.constant 96 : index
        %parallel_loop3A_1302 = tpu.vector_load %arg11[%parallel_loop3A_1299, %parallel_loop3A_1300, %parallel_loop3A_1301] {strides = array<i32>} : memref<2x384x128xf32, #tpu.memory_space<vmem>>, vector<16xf32>,
        %parallel_loop3A_1303 = vector.broadcast %parallel_loop3A_1275 : f32 to vector<16xf32>
        %parallel_loop3A_1304 = arith.mulf %parallel_loop3A_1303, %parallel_loop3A_1302 : vector<16xf32>
        %parallel_loop3A_1305 = arith.addf %parallel_loop3A_1298, %parallel_loop3A_1304 : vector<16xf32>
        %parallel_loop3A_1306 = arith.addf %parallel_loop3A_1292, %parallel_loop3A_1305 : vector<16xf32>
        %parallel_loop3A_1307 = arith.constant 0 : i32
        %parallel_loop3A_1308 = vector.broadcast %parallel_loop3A_1307 : i32 to vector<16xi32>
        %parallel_loop3A_1309 = arith.addi %iota3A, %parallel_loop3A_1308 : vector<16xi32>
        tpu.vector_store_idx %arg12[%parallel_loop3A_1309, %parallel_loop3A_1279], %parallel_loop3A_1306 : memref<32x384xf32, #tpu.memory_space<vmem>>[vector<16xi32>, vector<16xi32>], vector<16xf32>,
        %parallel_loop3A_1310 = arith.index_cast %select_n3A_67 : i32 to index
        %parallel_loop3A_1311 = arith.index_cast %parallel_loop3A_1267 : i32 to index
        %parallel_loop3A_1312 = arith.constant 16 : index
        %parallel_loop3A_1313 = tpu.vector_load %arg11[%parallel_loop3A_1310, %parallel_loop3A_1311, %parallel_loop3A_1312] {strides = array<i32>} : memref<2x384x128xf32, #tpu.memory_space<vmem>>, vector<16xf32>,
        %parallel_loop3A_1314 = vector.broadcast %parallel_loop3A_1269 : f32 to vector<16xf32>
        %parallel_loop3A_1315 = arith.mulf %parallel_loop3A_1314, %parallel_loop3A_1313 : vector<16xf32>
        %parallel_loop3A_1316 = arith.index_cast %select_n3A_67 : i32 to index
        %parallel_loop3A_1317 = arith.index_cast %parallel_loop3A_1267 : i32 to index
        %parallel_loop3A_1318 = arith.constant 48 : index
        %parallel_loop3A_1319 = tpu.vector_load %arg11[%parallel_loop3A_1316, %parallel_loop3A_1317, %parallel_loop3A_1318] {strides = array<i32>} : memref<2x384x128xf32, #tpu.memory_space<vmem>>, vector<16xf32>,
        %parallel_loop3A_1320 = vector.broadcast %parallel_loop3A_1271 : f32 to vector<16xf32>
        %parallel_loop3A_1321 = arith.mulf %parallel_loop3A_1320, %parallel_loop3A_1319 : vector<16xf32>
        %parallel_loop3A_1322 = arith.addf %parallel_loop3A_1315, %parallel_loop3A_1321 : vector<16xf32>
        %parallel_loop3A_1323 = arith.index_cast %select_n3A_67 : i32 to index
        %parallel_loop3A_1324 = arith.index_cast %parallel_loop3A_1267 : i32 to index
        %parallel_loop3A_1325 = arith.constant 80 : index
        %parallel_loop3A_1326 = tpu.vector_load %arg11[%parallel_loop3A_1323, %parallel_loop3A_1324, %parallel_loop3A_1325] {strides = array<i32>} : memref<2x384x128xf32, #tpu.memory_space<vmem>>, vector<16xf32>,
        %parallel_loop3A_1327 = vector.broadcast %parallel_loop3A_1273 : f32 to vector<16xf32>
        %parallel_loop3A_1328 = arith.mulf %parallel_loop3A_1327, %parallel_loop3A_1326 : vector<16xf32>
        %parallel_loop3A_1329 = arith.index_cast %select_n3A_67 : i32 to index
        %parallel_loop3A_1330 = arith.index_cast %parallel_loop3A_1267 : i32 to index
        %parallel_loop3A_1331 = arith.constant 112 : index
        %parallel_loop3A_1332 = tpu.vector_load %arg11[%parallel_loop3A_1329, %parallel_loop3A_1330, %parallel_loop3A_1331] {strides = array<i32>} : memref<2x384x128xf32, #tpu.memory_space<vmem>>, vector<16xf32>,
        %parallel_loop3A_1333 = vector.broadcast %parallel_loop3A_1275 : f32 to vector<16xf32>
        %parallel_loop3A_1334 = arith.mulf %parallel_loop3A_1333, %parallel_loop3A_1332 : vector<16xf32>
        %parallel_loop3A_1335 = arith.addf %parallel_loop3A_1328, %parallel_loop3A_1334 : vector<16xf32>
        %parallel_loop3A_1336 = arith.addf %parallel_loop3A_1322, %parallel_loop3A_1335 : vector<16xf32>
        %parallel_loop3A_1337 = arith.constant 16 : i32
        %parallel_loop3A_1338 = vector.broadcast %parallel_loop3A_1337 : i32 to vector<16xi32>
        %parallel_loop3A_1339 = arith.addi %iota3A, %parallel_loop3A_1338 : vector<16xi32>
        tpu.vector_store_idx %arg12[%parallel_loop3A_1339, %parallel_loop3A_1279], %parallel_loop3A_1336 : memref<32x384xf32, #tpu.memory_space<vmem>>[vector<16xi32>, vector<16xi32>], vector<16xf32>,
      } {sc.loop_unroll_factor = 4 : i64, sc.parallel_access}
      %lt3A_91 = arith.constant 1302 : i32
      %lt3A_92 = arith.cmpi slt, %add3A_70, %lt3A_91 : i32
      %convert_element_type3A_93 = arith.extui %lt3A_92 : i1 to i32
      %cond3A_94 = arith.constant 0 : i32
      %cond3A_95 = arith.cmpi ne, %convert_element_type3A_93, %cond3A_94 : i32
      scf.if %cond3A_95 {
        "tpu.region"() ({
          %run_scoped3A = tpu.sem_alloc : memref<!tpu.dma_semaphore, #tpu.memory_space<semaphore_mem>>
          %dma_start3A_101 = arith.constant 0 : i32
          %dma_start3A_102 = tpu.memref_slice %arg5[%dma_start3A_101, %multiple_of3A_73] : memref<32x500000xf32, #tpu.memory_space<hbm>> -> memref<32x384xf32, #tpu.memory_space<hbm>>
          %dma_start3A_103 = arith.constant 0 : i32
          %dma_start3A_104 = tpu.memref_slice %arg5[%dma_start3A_103, %multiple_of3A_73] : memref<32x500000xf32, #tpu.memory_space<hbm>> -> memref<32x384xf32, #tpu.memory_space<hbm>>
          tpu.enqueue_dma source(%arg12 : memref<32x384xf32, #tpu.memory_space<vmem>>) target(%dma_start3A_104 : memref<32x384xf32, #tpu.memory_space<hbm>>) target_semaphore(%run_scoped3A : memref<!tpu.dma_semaphore, #tpu.memory_space<semaphore_mem>>)
          %dma_wait3A = arith.constant 0 : i32
          %dma_wait3A_105 = tpu.memref_slice %arg5[%dma_wait3A, %multiple_of3A_73] : memref<32x500000xf32, #tpu.memory_space<hbm>> -> memref<32x384xf32, #tpu.memory_space<hbm>>
          %dma_wait3A_106 = arith.constant 0 : i32
          %dma_wait3A_107 = tpu.memref_slice %arg5[%dma_wait3A_106, %multiple_of3A_73] : memref<32x500000xf32, #tpu.memory_space<hbm>> -> memref<32x384xf32, #tpu.memory_space<hbm>>
          tpu.wait_dma2 semaphore(%run_scoped3A : memref<!tpu.dma_semaphore, #tpu.memory_space<semaphore_mem>>) src(%arg12 : memref<32x384xf32, #tpu.memory_space<vmem>>) dst(%dma_wait3A_107 : memref<32x384xf32, #tpu.memory_space<hbm>>)
          tpu.yield
        }) : () -> ()
      } else {
      }
      %eq3A_96 = arith.constant 1302 : i32
      %eq3A_97 = arith.cmpi eq, %add3A_70, %eq3A_96 : i32
      %convert_element_type3A_98 = arith.extui %eq3A_97 : i1 to i32
      %cond3A_99 = arith.constant 0 : i32
      %cond3A_100 = arith.cmpi ne, %convert_element_type3A_98, %cond3A_99 : i32
      scf.if %cond3A_100 {
        "tpu.region"() ({
          %run_scoped3A = tpu.sem_alloc : memref<!tpu.dma_semaphore, #tpu.memory_space<semaphore_mem>>
          tpu.enqueue_dma source(%arg12 : memref<32x384xf32, #tpu.memory_space<vmem>>) target(%arg6 : memref<32x384xf32, #tpu.memory_space<hbm>>) target_semaphore(%run_scoped3A : memref<!tpu.dma_semaphore, #tpu.memory_space<semaphore_mem>>)
          tpu.wait_dma2 semaphore(%run_scoped3A : memref<!tpu.dma_semaphore, #tpu.memory_space<semaphore_mem>>) src(%arg12 : memref<32x384xf32, #tpu.memory_space<vmem>>) dst(%arg6 : memref<32x384xf32, #tpu.memory_space<hbm>>)
          tpu.yield
        }) : () -> ()
      } else {
      }
    }
    return
  }
}

</mosaic_0001>

<sc_bundles>
// kernel: kernel.3.cloned.1.call-start
scs
__scs_entry_jumppad:
0x0: {  	(pc) =	sbr.rel $0x88, $3  }
0x1: {  	(tag) =	ssettag $0x0;
	lr =	simm.s32 $0x1  }
0x2: {  	[smem:$0x3F9F] =	sst lr;
	_ =	strace $0xD0000000  }
0x3: {  	_ = 	snop  }
0x4: {  	_ = 	snop  }
0x5: {  	_ = 	snop  }
0x6: {  	_ = 	snop  }
0x7: {  	_ = 	snop  }
__scs_overlays_trampoline_lowered:
0x8: {  	[smem:$0x3FAE] =	sst s0  }
0x9: {  	[smem:$0x3FAF] =	sst s1  }
0xa: {  	[smem:$0x3FB0] =	sst s2  }
0xb: {  	[smem:$0x3FB1] =	sst s3  }
0xc: {  	[smem:$0x3FB2] =	sst s4  }
0xd: {  	[smem:$0x3FB3] =	sst s5  }
0xe: {  	[smem:$0x3FB4] =	sst s6  }
0xf: {  	[smem:$0x3FB5] =	sst s7  }
0x10: {  	[smem:$0x3FB6] =	sst s8  }
0x11: {  	[smem:$0x3FB7] =	sst s9;
	s0 =	simm.s32 @!p0 $0x0  }
0x12: {  	s1 =	sld [smem:$0x3F9D];
	s0 =	simm.s32 @p0 $0x1  }
0x13: {  	[smem:$0x3FB8] =	sst s0;
	s0 =	simm.s32 @!p1 $0x0  }
0x14: {  	s2 =	sld [smem:$0x3F9C];
	s0 =	simm.s32 @p1 $0x1  }
0x15: {  	[smem:$0x3FB9] =	sst s0;
	s0 =	simm.s32 @!p2 $0x0  }
0x16: {  	s3 =	sld [smem:$0x3FDB];
	s0 =	simm.s32 @p2 $0x1  }
0x17: {  	s4 =	simm.s32 $0x1BF5;
	[smem:$0x3FBB] =	sst s0  }
0x18: {  	s0 =	sld [smem:$0x3F9E];
	_ =	swait.ge [sflag:s4], $0x0  }
0x19: {  	s7 =	sld [smem:$0x3F9F]  }
0x1a: {  	s8 =	sadd.s32 $0xFFFFE003, lr  }
0x1b: {  	s9 =	sadd.s32 $0xFFFFFEF7, lr;
	s5 =	simm.s32 $0xFFFFFFFF;
	p2 =	slt.u32 s8, $0xFFFFF086  }
0x1c: {  	p1 =	slt.u32 s9, $0xF7A;
	s5 =	simm.s32 @!p2 $0x0  }
0x1d: {  	s5 =	simm.s32 @p1 $0x1;
	p0 =	seq.s32 s7, s2  }
0x1e: {  	s7 =	smul.u32 @!p0 $0xF7A, s2;
	p2 =	seq.s32 @!p0 s5, $0x0  }
0x1f: {  	s9 =	smul.u32 $0xF7A, s1;
	s8 =	simm.s32 @!p0 $0x1BF5;
	p2 =	por !p2, p0  }
0x20: {  	[sflag:s8] =	ssyncset.s32 @!p0 $0xFFFFF086;
	s6 =	sadd.s32 @!p0 s3, s7;
	s7 =	simm.s32 @!p0 $0x108  }
0x21: {  	s3 =	sadd.s32 s3, s9;
	s6 =	sadd.s32 @!p0 $0x88, s6;
	s7 =	simm.s32 @p2 $0x1082  }
0x22: {  	[simem:s7], [sflag:s8] =	dma.local @!p0 [hbm:s6], $0xF7A  }
0x23: {  	s9 =	sor.u32 $0xD0000000, s2;
	s6 =	simm.s32 $0x108;
	_ =	swait.ge @!p0 [sflag:s8], $0x0  }
0x24: {  	s3 =	sadd.s32 $0x88, s3;
	s6 =	simm.s32 @!p1 $0x1082;
	[sflag:s4] =	ssyncset.s32 $0xFFFFF086  }
0x25: {  	[simem:s6], [sflag:s4] =	dma.local [hbm:s3], $0xF7A  }
0x26: {  	[smem:$0x3F9F] =	sst s1;
	(tag) =	ssettag s2;
	_ =	strace s9  }
0x27: {  	s1 =	sld [smem:$0x3FAF]  }
0x28: {  	s2 =	sld [smem:$0x3FB0]  }
0x29: {  	s4 =	sld [smem:$0x3FB2]  }
0x2a: {  	p0 =	seq.s32 s5, $0x0;
	s5 =	sld [smem:$0x3FB3]  }
0x2b: {  	s6 =	sld [smem:$0x3FB4]  }
0x2c: {  	s7 =	sld [smem:$0x3FB5]  }
0x2d: {  	s3 =	simm.s32 $0x108;
	s8 =	sld [smem:$0x3FB6]  }
0x2e: {  	s3 =	simm.s32 @!p0 $0x1082;
	s9 =	sld [smem:$0x3FB7]  }
0x2f: {  	lr =	sadd.s32 s0, s3;
	s0 =	sld [smem:$0x3FAE]  }
0x30: {  	s3 =	sld [smem:$0x3FB1]  }
0x31: {  	[smem:$0x3FBA] =	sst s10  }
0x32: {  	s10 =	sld [smem:$0x3FB8];
	_ =	sdelay $0x3  }
0x33: {  	p0 =	seq.s32 s10, $0x1;
	s10 =	sld [smem:$0x3FBA];
	_ =	sdelay $0x3  }
0x34: {  	[smem:$0x3FBA] =	sst s10  }
0x35: {  	s10 =	sld [smem:$0x3FB9];
	_ =	sdelay $0x3  }
0x36: {  	p1 =	seq.s32 s10, $0x1;
	s10 =	sld [smem:$0x3FBA];
	_ =	sdelay $0x3  }
0x37: {  	[smem:$0x3FBA] =	sst s10  }
0x38: {  	s10 =	sld [smem:$0x3FBB]  }
0x39: {  	_ = 	snop;
	(pc) =	sbr.ind lr, $3  }
0x3a: {  	_ = 	snop  }
0x3b: {  	_ = 	snop  }
0x3c: {  	p2 =	seq.s32 s10, $0x1;
	s10 =	sld [smem:$0x3FBA]  }
0x3d: {  	_ =	shalt  }
0x3e: {  	_ =	shalt  }
0x3f: {  	_ =	shalt  }
0x40: {  	_ =	shalt  }
0x41: {  	_ =	shalt  }
0x42: {  	_ =	shalt  }
0x43: {  	_ =	shalt  }
0x44: {  	_ =	shalt  }
0x45: {  	_ =	shalt  }
0x46: {  	_ =	shalt  }
0x47: {  	_ =	shalt  }
0x48: {  	_ =	shalt  }
0x49: {  	_ =	shalt  }
0x4a: {  	_ =	shalt  }
0x4b: {  	_ =	shalt  }
0x4c: {  	_ =	shalt  }
0x4d: {  	_ =	shalt  }
0x4e: {  	_ =	shalt  }
0x4f: {  	_ =	shalt  }
0x50: {  	_ =	shalt  }
0x51: {  	_ =	shalt  }
0x52: {  	_ =	shalt  }
0x53: {  	_ =	shalt  }
0x54: {  	_ =	shalt  }
0x55: {  	_ =	shalt  }
0x56: {  	_ =	shalt  }
0x57: {  	_ =	shalt  }
0x58: {  	_ =	shalt  }
0x59: {  	_ =	shalt  }
0x5a: {  	_ =	shalt  }
0x5b: {  	_ =	shalt  }
0x5c: {  	_ =	shalt  }
0x5d: {  	_ =	shalt  }
0x5e: {  	_ =	shalt  }
0x5f: {  	_ =	shalt  }
0x60: {  	_ =	shalt  }
0x61: {  	_ =	shalt  }
0x62: {  	_ =	shalt  }
0x63: {  	_ =	shalt  }
0x64: {  	_ =	shalt  }
0x65: {  	_ =	shalt  }
0x66: {  	_ =	shalt  }
0x67: {  	_ =	shalt  }
0x68: {  	_ =	shalt  }
0x69: {  	_ =	shalt  }
0x6a: {  	_ =	shalt  }
0x6b: {  	_ =	shalt  }
0x6c: {  	_ =	shalt  }
0x6d: {  	_ =	shalt  }
0x6e: {  	_ =	shalt  }
0x6f: {  	_ =	shalt  }
0x70: {  	_ =	shalt  }
0x71: {  	_ =	shalt  }
0x72: {  	_ =	shalt  }
0x73: {  	_ =	shalt  }
0x74: {  	_ =	shalt  }
0x75: {  	_ =	shalt  }
0x76: {  	_ =	shalt  }
0x77: {  	_ =	shalt  }
0x78: {  	_ =	shalt  }
0x79: {  	_ =	shalt  }
0x7a: {  	_ =	shalt  }
0x7b: {  	_ =	shalt  }
0x7c: {  	_ =	shalt  }
0x7d: {  	_ =	shalt  }
0x7e: {  	_ =	shalt  }
0x7f: {  	_ =	shalt  }
0x80: {  	_ =	shalt  }
0x81: {  	_ =	shalt  }
0x82: {  	_ =	shalt  }
0x83: {  	_ =	shalt  }
0x84: {  	_ =	shalt  }
0x85: {  	_ =	shalt  }
0x86: {  	_ =	shalt  }
0x87: {  	_ =	shalt  }
.Lfunc_end0:
.L_simem_size_0:
called_computation_lowered:
.L_overlay_start_0:
0x88: {  	s2 =	sld [smem:$0x3FD9]  }
0x89: {  	s3 =	sld [smem:$0x3FFE];
	_ =	sdelay $0x1  }
0x8a: {  	s1 =	srdreg.scid  }
0x8b: {  	s0 =	sand.u32 $0x1, s1  }
0x8c: {  	s17 =	sshll.u32 s0, $0xA;
	s2 =	sadd.s32 s3, s2  }
0x8d: {  	s2 =	sadd.s32 s2, s17  }
0x8e: {  	[smem:$0x3FC6] =	sst s2  }
0x8f: {  	_ = 	snop  }
0x90: {  	s2 =	sld [smem:$0x3FD0];
	(tm) =	ssettm $0x1  }
0x91: {  	s18 =	sld [smem:$0x3FFB];
	_ =	sdelay $0x3  }
0x92: {  	_ =	strace s18  }
0x93: {  	s3 =	sld [smem:$0x3FFC];
	_ =	sdelay $0x3  }
0x94: {  	_ =	strace s3  }
0x95: {  	s3 =	sld [smem:$0x3FFD];
	_ =	sdelay $0x3  }
0x96: {  	_ =	strace s3  }
0x97: {  	_ =	strace $0x8FFFFFFF  }
0x98: {  	s19 =	sld [smem:$0x3FDB];
	_ =	sdelay $0x1  }
0x99: {  	s4 =	simm.s32 $_scs_section_size  }
0x9a: {  	s5 =	simm.s32 $_size__tile_overlayer_lowered;
	s6 =	simm.s32 $_tile_overlayer_lowered  }
0x9b: {  	s22 =	simm.s32 $0x1BFF;
	s21 =	sshll.u32 s6, $0x1;
	s3 =	sadd.s32 s4, s19  }
0x9c: {  	s7 =	simm.s32 $0x0;
	s20 =	sshll.u32 s5, $0x1;
	s5 =	sadd.s32 s21, s3  }
0x9d: {  	[timem:s7], [sflag:s22] =	dma.local [hbm:s5], s20  }
0x9e: {  	_ =	swait.ge [sflag:s22], s20  }
0x9f: {  	s4 =	ssub.s32 $0x0, s20;
	[sflag:s22] =	ssyncset.done $0x0  }
0xa0: {  	[sflag:s22] =	ssyncadd.s32 s4;
	_ =	sdelay $0x1  }
0xa1: {  	s23 =	simm.s32 $0x1B8B  }
0xa2: {  	_ =	swait.ge [sflag:s23], $0x1  }
0xa3: {  	[sflag:s23] =	ssyncset.done $0x0  }
0xa4: {  	s25 =	simm.s32 $0x1B8E;
	s24 =	sld [smem:$0x3FFE];
	[sflag:s23] =	ssyncadd.s32 $0xFFFFFFFF  }
0xa5: {  	s26 =	simm.s32 $execute0_lowered;
	[smem:$0x3FD2] =	sst s25  }
0xa6: {  	s5 =	sshll.u32 s26, $0x1;
	_ =	strace $0x80000046;
	[dreg:$0x1] =	wrdreg $0xFFFFFFFF  }
0xa7: {  	s28 =	simm.s32 $_size_execute0_lowered;
	s3 =	sadd.s32 s3, s5;
	[dreg:$0x0] =	wrdreg $0x0  }
0xa8: {  	s5 =	sshll.u32 s28, $0x1;
	[dreg:$0x2] =	wrdreg s3  }
0xa9: {  	[dreg:$0x3] =	wrdreg s5  }
0xaa: {  	[dreg:$0x4] =	wrdreg $0xC0  }
0xab: {  	_ =	task [dreg:s7], $0x5FFFF  }
0xac: {  	[dreg:$0x1] =	wrdreg $0xFFFFFFFF  }
0xad: {  	[dreg:$0x0] =	wrdreg $0x60  }
0xae: {  	[dreg:$0x2] =	wrdreg s24  }
0xaf: {  	[dreg:$0x3] =	wrdreg s2  }
0xb0: {  	[dreg:$0x4] =	wrdreg $0x9  }
0xb1: {  	_ =	task.clear_ibuf [dreg:s7], $0x5FFFF;
	_ =	strace $0x90000046  }
0xb2: {  	s29 =	simm.s32 $0x9;
	_ =	strace $0x80000048  }
0xb3: {  	_ =	swait.ge [sflag:s29], $0x1  }
0xb4: {  	[sflag:s29] =	ssyncadd.s32 $0xFFFFFFFF  }
0xb5: {  	_ =	strace $0x90000048  }
0xb6: {  	_ =	sfence  }
0xb7: {  	s30 =	sld [smem:$0x0];
	_ =	sdelay $0x2  }
0xb8: {  	s31 =	sshll.u32 s1, $0xD;
	s1 =	sshrl.u32 s1, $0x2  }
0xb9: {  	s3 =	sand.u32 $0x4000, s31;
	s1 =	sadd.s32 s1, s30  }
0xba: {  	s0 =	sor.u32 s3, s0;
	s1 =	sshll.u32 s1, $0x11  }
0xbb: {  	s0 =	sor.u32 s1, s0  }
0xbc: {  	s0 =	sadd.s32 $0x8F2B, s0  }
0xbd: {  	[sflag:s0] =	ssyncadd.remote.s32 $0x1  }
0xbe: {  	_ =	sfence.sel $0xFFFF  }
0xbf: {  	[dreg:$0x0] =	wrdreg $0xFFFFFFFF;
	(pc) =	sbr.abs _section_cstart, $3  }
0xc0: {  	[dreg:$0x1] =	wrdreg $0xFFFFFFFF  }
0xc1: {  	_ =	task.clear_ibuf [dreg:s7], $0x2FFFF;
	_ =	strace $0x9FFFFFFF  }
0xc2: {  	(tm) =	ssettm $0x7FFFFFFF  }
0xc3: {  	_ =	shalt  }
tec
execute0_lowered:
.L_overlay_start_1:
0x0: {  	(tag) =	ssettag $0x1  }
0x1: {  	v0 =	vimm.s32 $0xF80;
	vm0 =	vcmask $0x300;
	v1 =	vimm.s32 $0x2780  }
0x2: {  	vm1 =	vcmask $0x704;
	v0 =	vsel vm0, $0x0, v0;
	v1 =	vsel vm0, $0x1800, v1  }
0x3: {  	vm15 =	vcmask $0xB08;
	v0 =	vsel vm1, $0x80, v0;
	v1 =	vsel vm1, $0x1880, v1  }
0x4: {  	vm4 =	vcmask $0xF0C;
	v0 =	vsel vm15, $0x100, v0;
	v1 =	vsel vm15, $0x1900, v1  }
0x5: {  	vm5 =	vcmask $0x1310;
	v0 =	vsel vm4, $0x180, v0;
	v1 =	vsel vm4, $0x1980, v1  }
0x6: {  	s0 =	rddreg [dreg:$0x0];
	s1 =	simm.s32 $0x0;
	vm6 =	vcmask $0x1714;
	v0 =	vsel vm5, $0x200, v0;
	v1 =	vsel vm5, $0x1A00, v1  }
0x7: {  	s26 =	srdreg.scid;
	s2 =	stileid.u32;
	vm7 =	vcmask $0x1B18;
	s9 =	simm.s32 $0x29;
	v0 =	vsel vm6, $0x280, v0;
	v1 =	vsel vm6, $0x1A80, v1  }
0x8: {  	vm8 =	vcmask $0x1F1C;
	s22 =	simm.s32 $0x19200;
	[smem:$0x7FF] =	sst s1;
	s3 =	sadd.s32 $0x53200, s0;
	v0 =	vsel vm7, $0x300, v0;
	v1 =	vsel vm7, $0x1B00, v1  }
0x9: {  	vm9 =	vcmask $0x2320;
	s1 =	sand.u32 $0x1, s26;
	s2 =	sshll.u32 s2, $0x1;
	s4 =	sadd.s32 $0x43C00, s0;
	v0 =	vsel vm8, $0x380, v0;
	v1 =	vsel vm8, $0x1B80, v1  }
0xa: {  	vm10 =	vcmask $0x2724;
	s6 =	sadd.s32 $0x165400, s0;
	s0 =	sadd.s32 $0x1000, s0;
	s23 =	sor.u32 s1, s2;
	v0 =	vsel vm9, $0xC00, v0;
	v1 =	vsel vm9, $0x2400, v1  }
0xb: {  	vm11 =	vcmask $0x2B28;
	_ =	strace $0x80000047;
	[dreg:$0x6] =	wrdreg s0;
	s29 =	smul.u32 $0x30, s23;
	v0 =	vsel vm10, $0xC80, v0;
	v1 =	vsel vm10, $0x2480, v1  }
.Ltmp0:
0xc: {  	vm12 =	vcmask $0x2F2C;
	s28 =	ssub.s32 $0x2, s1;
	[dreg:$0x4] =	wrdreg s3;
	v0 =	vsel vm11, $0xD00, v0;
	v1 =	vsel vm11, $0x2500, v1;
	(pc) =	sbr.rel .LBB2_1-.Ltmp0, $4  }
0xd: {  	vm13 =	vcmask $0x3330;
	[dreg:$0x5] =	wrdreg s4;
	s30 =	sshrl.u32 s28, $0x1;
	s31 =	sadd.s32 s3, s29;
	v0 =	vsel vm12, $0xD80, v0;
	v1 =	vsel vm12, $0x2580, v1  }
0xe: {  	vm14 =	vcmask $0x3734;
	s0 =	ssub.s32 s28, s30;
	s1 =	sadd.s32 s4, s29;
	[dreg:$0x7] =	wrdreg s31;
	v0 =	vsel vm13, $0xE00, v0;
	v1 =	vsel vm13, $0x2600, v1  }
0xf: {  	p0 =	slt.u32 s23, $0x17;
	vm15 =	vcmask $0x3B38;
	s0 =	smax.u32 s0, $0x1;
	[dreg:$0x8] =	wrdreg s1;
	v0 =	vsel vm14, $0xE80, v0;
	v1 =	vsel vm14, $0x2680, v1  }
0x10: {  	s9 =	simm.s32 @!p0 $0x28;
	[dreg:$0x9] =	wrdreg s0;
	s1 =	simm.s32 $0x0;
	v0 =	vsel vm15, $0xF00, v0;
	v1 =	vsel vm15, $0x2700, v1  }
.LBB2_16:
0x11: {  	s1 =	rddreg [dreg:$0xa]  }
0x12: {  	s0 =	rddreg [dreg:$0x9];
	s1 =	sadd.s32 $0x1, s1  }
0x13: {  	p0 =	sne.s32 s1, s0  }
.Ltmp1:
0x14: {  	_ = 	snop;
	(pc) =	sbr.rel @!p0 .LBB2_17-.Ltmp1, $1  }
0x15: {  	_ =	sdelay $0x3  }
.LBB2_1:
0x16: {  	[dreg:$0xa] =	wrdreg s1  }
0x17: {  	s4 =	simm.s32 $0x0;
	s0 =	rddreg [dreg:$0x7];
	s3 =	simm.s32 $0x3  }
0x18: {  	[tilespmem:s4], [sflag:$0x3] =	stream.linear.gather [hbm4b:s0+s4], $0x180, $0x38;
	[tilespmem:$0x1C200] =	vst v63  }
0x19: {  	_ =	swait.ge [sflag:s3], $0x180  }
0x1a: {  	[sflag:s3] =	ssyncset.done $0x0  }
0x1b: {  	s21 =	simm.s32 $0x180;
	s24 =	rddreg [dreg:$0x8];
	[sflag:s3] =	ssyncadd.s32 $0xFFFFFE80  }
0x1c: {  	[tilespmem:s21], [sflag:$0x3] =	stream.linear.gather [hbm4b:s24+s4], $0x180, $0x38;
	[tilespmem:$0x1C200] =	vst v63  }
0x1d: {  	s0 =	sand.u32 $0x40, s4;
	_ =	swait.ge [sflag:s3], $0x180  }
0x1e: {  	s2 =	sand.u32 $0x180, s4;
	s10 =	sor.u32 $0x30, s0;
	[sflag:s3] =	ssyncset.done $0x0  }
0x1f: {  	s11 =	sor.u32 s2, s10;
	[sflag:s3] =	ssyncadd.s32 $0xFFFFFE80  }
0x20: {  	v2 =	vld [tilespmem:s11+$0x180]  }
0x21: {  	v7 =	vld [tilespmem:s21+$0x0]  }
0x22: {  	s3 =	sor.u32 $0x20, s0;
	v3 =	vld [tilespmem:s4+$0x0]  }
0x23: {  	s26 =	sor.u32 $0x10, s0;
	s25 =	sor.u32 s2, s3;
	v9 =	vld [tilespmem:s11+$0x0]  }
0x24: {  	s2 =	sor.u32 s2, s26;
	v4 =	vld [tilespmem:s25+$0x0]  }
0x25: {  	v10 =	vld [tilespmem:s2+$0x0]  }
0x26: {  	v11 =	vld [tilespmem:s2+$0x180];
	v5 =	vadd.f32 $1.570796370e+00, v2  }
0x27: {  	v12 =	vld [tilespmem:s25+$0x180]  }
0x28: {  	v6 =	vadd.f32 $1.570796370e+00, v7;
	v8 =	vadd.f32 $3.141592740e+00, v3;
	v5 =	vmul.f32 $5.729578020e+01, v5  }
0x29: {  	v15 =	vadd.f32 $3.141592740e+00, v9;
	v13 =	vadd.f32 $3.141592740e+00, v4  }
0x2a: {  	v14 =	vadd.f32 $3.141592740e+00, v10;
	v6 =	vmul.f32 $5.729578020e+01, v6;
	v5 =	vtrunc.f32 v5  }
0x2b: {  	v16 =	vadd.f32 $1.570796370e+00, v11;
	v13 =	vmul.f32 $5.729578020e+01, v13;
	v5 =	vcvt.f32.s32 v5  }
0x2c: {  	v17 =	vadd.f32 $1.570796370e+00, v12;
	v8 =	vmul.f32 $5.729578020e+01, v8;
	v15 =	vmul.f32 $5.729578020e+01, v15  }
0x2d: {  	v14 =	vmul.f32 $5.729578020e+01, v14;
	v13 =	vtrunc.f32 v13;
	v5 =	vadd.s32 $0xFFFFFFFF, v5  }
0x2e: {  	v16 =	vmul.f32 $5.729578020e+01, v16;
	v13 =	vcvt.f32.s32 v13;
	vm0 =	vgt.s32 v5, $0x0  }
0x2f: {  	v17 =	vmul.f32 $5.729578020e+01, v17;
	v6 =	vtrunc.f32 v6;
	v5 =	vnsel vm0, $0x0, v5  }
0x30: {  	v8 =	vtrunc.f32 v8;
	vm11 =	vgt.s32 v13, $0x0;
	v18 =	vmin.u32 v5, $0xB1  }
0x31: {  	v17 =	vtrunc.f32 v17;
	v5 =	vnsel vm11, $0x0, v13;
	v13 =	vcvt.s32.f32 v18  }
0x32: {  	v8 =	vcvt.f32.s32 v8;
	v6 =	vcvt.f32.s32 v6  }
0x33: {  	v16 =	vtrunc.f32 v16;
	v14 =	vtrunc.f32 v14;
	v13 =	vadd.f32 $1.000000000e+00, v13  }
0x34: {  	v17 =	vcvt.f32.s32 v17;
	vm12 =	vgt.s32 v8, $0x0;
	v6 =	vadd.s32 $0xFFFFFFFF, v6  }
0x35: {  	v8 =	vnsel vm12, $0x0, v8;
	vm13 =	vgt.s32 v6, $0x0;
	v13 =	vmul.f32 $1.745329240e-02, v13  }
0x36: {  	v20 =	vmin.u32 v8, $0x167;
	v8 =	vcvt.f32.s32 v16;
	v16 =	vadd.s32 $0xFFFFFFFF, v17  }
0x37: {  	v17 =	vnsel vm13, $0x0, v6;
	v6 =	vcvt.f32.s32 v14;
	v13 =	vadd.f32 $-1.570796370e+00, v13  }
0x38: {  	v14 =	vtrunc.f32 v15;
	vm15 =	vgt.s32 v16, $0x0;
	v5 =	vmin.u32 v5, $0x167  }
0x39: {  	v8 =	vadd.s32 $0xFFFFFFFF, v8;
	vm1 =	vgt.s32 v6, $0x0;
	v13 =	vsub.f32 v2, v13  }
0x3a: {  	v19 =	vcvt.s32.f32 v5;
	vm14 =	vgt.s32 v8, $0x0;
	v6 =	vnsel vm1, $0x0, v6  }
0x3b: {  	v5 =	vmul.u32 $0xB2, v5;
	v8 =	vnsel vm14, $0x0, v8;
	v15 =	vsub.f32 $1.745329240e-02, v13  }
0x3c: {  	v24 =	vmin.u32 v6, $0x167;
	v23 =	vmin.u32 v8, $0xB1;
	v2 =	vcvt.f32.s32 v14  }
0x3d: {  	v25 =	vmul.u32 $0xB2, v24;
	v14 =	vcvt.s32.f32 v20;
	v8 =	vmul.f32 v15, v15  }
0x3e: {  	v22 =	vcvt.s32.f32 v23;
	v21 =	vmul.f32 v13, v13;
	vm2 =	vgt.s32 v2, $0x0  }
0x3f: {  	v14 =	vmul.f32 $1.745329240e-02, v14;
	v2 =	vnsel vm2, $0x0, v2;
	v6 =	vmul.f32 $1.666666720e-01, v8  }
0x40: {  	v21 =	vmul.f32 $1.666666720e-01, v21;
	v2 =	vmin.u32 v2, $0x167;
	v8 =	vmul.f32 $1.745329240e-02, v19  }
0x41: {  	v26 =	vmul.u32 $0xB2, v2;
	v19 =	vadd.f32 $1.000000000e+00, v22;
	v6 =	vsub.f32 $1.000000000e+00, v6  }
0x42: {  	v22 =	vcvt.s32.f32 v2;
	v2 =	vnsel vm15, $0x0, v16;
	v8 =	vadd.f32 $-3.141592740e+00, v8  }
0x43: {  	v16 =	vsub.f32 $1.000000000e+00, v21;
	v19 =	vmul.f32 $1.745329240e-02, v19;
	v6 =	vmul.f32 v6, v15  }
0x44: {  	v15 =	vmul.f32 $1.745329240e-02, v22;
	v21 =	vsub.f32 v4, v8;
	v4 =	vmin.u32 v2, $0xB1  }
0x45: {  	v26 =	vadd.s32 v26, v18;
	v19 =	vadd.f32 $-1.570796370e+00, v19;
	v8 =	vadd.s32 v5, v4  }
0x46: {  	v2 =	vmul.f32 $5.729868700e+01, v6;
	v6 =	vadd.f32 $-3.141592740e+00, v14;
	v5 =	vadd.f32 $-3.141592740e+00, v15  }
0x47: {  	v14 =	vmul.f32 v21, v21;
	v27 =	vsub.f32 $1.745329240e-02, v21;
	v28 =	vsub.f32 v11, v19  }
0x48: {  	v15 =	vcvt.s32.f32 v4;
	v6 =	vsub.f32 v3, v6;
	v4 =	vsub.f32 v9, v5  }
0x49: {  	v3 =	vmul.f32 v16, v13;
	v5 =	vmul.u32 $0xB2, v20;
	v13 =	vcvt.s32.f32 v24  }
0x4a: {  	v16 =	vmul.f32 v27, v27;
	v14 =	vmul.f32 $1.666666720e-01, v14;
	v18 =	vsub.f32 $1.745329240e-02, v28  }
0x4b: {  	v30 =	vmul.f32 v28, v28;
	v9 =	vsub.f32 $1.745329240e-02, v6;
	v20 =	vsub.f32 $1.745329240e-02, v4  }
0x4c: {  	v3 =	vmul.f32 $5.729868700e+01, v3;
	v24 =	vmul.f32 $1.666666720e-01, v16;
	v16 =	vmin.u32 v17, $0xB1  }
0x4d: {  	v17 =	vadd.f32 $1.000000000e+00, v15;
	v13 =	vmul.f32 $1.745329240e-02, v13;
	v15 =	vmul.f32 v4, v4  }
0x4e: {  	v30 =	vmul.f32 $1.666666720e-01, v30;
	v5 =	vadd.s32 v5, v16;
	v16 =	vcvt.s32.f32 v16  }
0x4f: {  	v14 =	vsub.f32 $1.000000000e+00, v14;
	v22 =	vmul.f32 v20, v20;
	v11 =	vmul.f32 $1.745329240e-02, v17  }
0x50: {  	v13 =	vadd.f32 $-3.141592740e+00, v13;
	v19 =	vmul.f32 v9, v9;
	v31 =	vadd.f32 $1.000000000e+00, v16  }
0x51: {  	v16 =	vmul.f32 v14, v21;
	v21 =	vsub.f32 $1.000000000e+00, v24;
	v17 =	vmul.f32 $1.666666720e-01, v22  }
0x52: {  	v29 =	vsub.f32 v10, v13;
	v11 =	vadd.f32 $-1.570796370e+00, v11;
	v22 =	vmul.f32 v18, v18  }
0x53: {  	v19 =	vmul.f32 $1.666666720e-01, v19;
	v21 =	vmul.f32 v21, v27  }
0x54: {  	v32 =	vmul.f32 v29, v29;
	v10 =	vsub.f32 $1.745329240e-02, v29;
	v13 =	vsub.f32 v12, v11  }
0x55: {  	v12 =	vmul.f32 $1.666666720e-01, v22;
	v11 =	vsub.f32 $1.000000000e+00, v19;
	v17 =	vsub.f32 $1.000000000e+00, v17  }
0x56: {  	v14 =	vmul.f32 $1.666666720e-01, v32;
	v19 =	vmul.f32 v10, v10;
	v22 =	vsub.f32 $1.745329240e-02, v13  }
0x57: {  	v24 =	vmul.f32 v13, v13;
	v12 =	vsub.f32 $1.000000000e+00, v12;
	v17 =	vmul.f32 v17, v20  }
0x58: {  	v27 =	vsub.f32 $1.000000000e+00, v30;
	v20 =	vmul.f32 $1.745329240e-02, v31;
	v63 =	vmul.f32 v22, v22  }
0x59: {  	v12 =	vmul.f32 v12, v18;
	v14 =	vsub.f32 $1.000000000e+00, v14;
	v30 =	vmul.f32 $1.666666720e-01, v24  }
0x5a: {  	s29 =	simm.s32 $0x0;
	v17 =	vmul.f32 $5.729868700e+01, v17;
	v18 =	vadd.f32 $-1.570796370e+00, v20;
	v20 =	vmul.f32 $1.666666720e-01, v19  }
0x5b: {  	s30 =	simm.s32 $0x0;
	s1 =	sand.u32 $0x3FFFFF00, s29;
	v19 =	vadd.s32 v25, v23;
	v25 =	vmul.f32 v27, v28;
	v24 =	vmul.f32 v6, v6  }
0x5c: {  	s15 =	simm.s32 $0x0;
	s1 =	sadd.s32 $0x300, s1;
	s2 =	sand.u32 $0x3FFFFE00, s30;
	v28 =	vmul.f32 v14, v29;
	v29 =	vmul.f32 v2, v17;
	v18 =	vsub.f32 v7, v18  }
0x5d: {  	s16 =	simm.s32 $0x40;
	s31 =	sor.u32 s10, s1;
	s28 =	sadd.s32 $0x600, s2;
	v27 =	vsub.f32 $1.000000000e+00, v20;
	v14 =	vmul.f32 $5.729868700e+01, v21;
	v7 =	vmul.f32 $1.666666720e-01, v63  }
0x5e: {  	s17 =	simm.s32 $0x40;
	s18 =	simm.s32 $0x1C0;
	s10 =	sor.u32 s10, s28;
	[tilespmem:s31+$0x0] =	vst v26;
	v21 =	vmul.f32 $5.729868700e+01, v25;
	v25 =	vsub.f32 $1.000000000e+00, v30;
	v23 =	vsub.f32 $1.745329240e-02, v18  }
0x5f: {  	s12 =	sor.u32 s0, s1;
	s20 =	sor.u32 s26, s1;
	s2 =	sor.u32 s3, s1;
	v20 =	vmul.f32 $5.729868700e+01, v28;
	[tilespmem:s10+$0x0] =	vst v29;
	v26 =	vmul.f32 v18, v18;
	v28 =	vsub.f32 $1.000000000e+00, v7  }
.LBB2_2:
0x60: {  	s15 =	sadd.s32 $0x4, s15;
	s14 =	sand.u32 $0x40, s16;
	v7 =	vld [tilespmem:s18+$0x0];
	s1 =	sand.u32 $0x180, s16;
	v29 =	vmul.f32 v23, v23;
	v30 =	vmul.f32 $5.729868700e+01, v12  }
0x61: {  	v10 =	vmul.f32 v27, v10;
	v27 =	vmul.f32 $5.729868700e+01, v16;
	v12 =	vld [tilespmem:s17+$0x0];
	s11 =	sshll.u32 s15, $0x5;
	s25 =	sor.u32 $0x10, s14;
	s29 =	sor.u32 $0x20, s14  }
0x62: {  	s19 =	sor.u32 $0x30, s14;
	v22 =	vmul.f32 v28, v22;
	s30 =	sor.u32 s1, s25;
	s31 =	sor.u32 s1, s29;
	v29 =	vmul.f32 $1.666666720e-01, v29  }
0x63: {  	v31 =	vmul.f32 $1.666666720e-01, v15;
	s13 =	sshll.u32 s15, $0x6;
	s11 =	sand.u32 $0x3FFFFF00, s11;
	s8 =	sor.u32 s1, s19;
	v28 =	vmul.f32 $5.729868700e+01, v10;
	v16 =	vld [tilespmem:s31+$0x0]  }
0x64: {  	v26 =	vmul.f32 $1.666666720e-01, v26;
	s1 =	sand.u32 $0x3FFFFE00, s13;
	v22 =	vmul.f32 $5.729868700e+01, v22;
	v10 =	vld [tilespmem:s30+$0x0];
	v29 =	vsub.f32 $1.000000000e+00, v29  }
0x65: {  	v24 =	vmul.f32 $1.666666720e-01, v24;
	p0 =	slt.u32 s15, $0x14;
	v25 =	vmul.f32 v25, v13;
	s13 =	sadd.s32 $0x600, s1;
	v32 =	vadd.f32 $1.570796370e+00, v7;
	v15 =	vld [tilespmem:s8+$0x0]  }
0x66: {  	v9 =	vmul.f32 v11, v9;
	v33 =	vadd.f32 $3.141592740e+00, v12;
	v13 =	vld [tilespmem:s30+$0x180];
	[tilespmem:s2+$0x0] =	vst v8;
	v8 =	vmul.f32 v22, v14  }
0x67: {  	v26 =	vsub.f32 $1.000000000e+00, v26;
	s1 =	sor.u32 s3, s28;
	s3 =	smov.u32 s29;
	v32 =	vmul.f32 $5.729578020e+01, v32;
	v11 =	vld [tilespmem:s31+$0x180];
	[tilespmem:s20+$0x0] =	vst v19;
	v19 =	vmul.f32 v30, v28  }
0x68: {  	s2 =	sor.u32 s26, s28;
	s26 =	smov.u32 s25;
	v28 =	vmul.f32 v21, v28;
	v33 =	vmul.f32 $5.729578020e+01, v33;
	v34 =	vadd.f32 $3.141592740e+00, v16;
	v35 =	vld [tilespmem:s8+$0x180];
	[tilespmem:s1+$0x0] =	vst v8  }
0x69: {  	v8 =	vtrunc.f32 v32;
	v32 =	vadd.f32 $3.141592740e+00, v10;
	[tilespmem:s2+$0x0] =	vst v19;
	v19 =	vmul.f32 v30, v20  }
0x6a: {  	v23 =	vmul.f32 v29, v23;
	v30 =	vmul.f32 $5.729578020e+01, v34;
	v34 =	vadd.f32 $3.141592740e+00, v15;
	[tilespmem:s2+$0x80] =	vst v28  }
0x6b: {  	v18 =	vmul.f32 v26, v18;
	v28 =	vmul.f32 $5.729578020e+01, v32;
	v29 =	vadd.f32 $1.570796370e+00, v13;
	[tilespmem:s2+$0x100] =	vst v19  }
0x6c: {  	v9 =	vmul.f32 $5.729868700e+01, v9;
	v19 =	vtrunc.f32 v30;
	v26 =	vadd.f32 $1.570796370e+00, v11  }
0x6d: {  	v20 =	vmul.f32 v21, v20;
	v29 =	vmul.f32 $5.729578020e+01, v29;
	v30 =	vadd.f32 $1.570796370e+00, v35  }
0x6e: {  	v24 =	vsub.f32 $1.000000000e+00, v24;
	v19 =	vcvt.f32.s32 v19;
	v21 =	vmul.f32 $5.729578020e+01, v26  }
0x6f: {  	v17 =	vmul.f32 v3, v17;
	v26 =	vmul.f32 $5.729578020e+01, v30;
	[tilespmem:s2+$0x180] =	vst v20  }
0x70: {  	vm0 =	vgt.s32 v19, $0x0;
	v20 =	vtrunc.f32 v21;
	v21 =	vmul.f32 v22, v27  }
0x71: {  	v6 =	vmul.f32 v24, v6;
	v19 =	vnsel vm0, $0x0, v19;
	v22 =	vtrunc.f32 v26;
	[tilespmem:s10+$0x80] =	vst v17  }
0x72: {  	v17 =	vtrunc.f32 v33;
	v19 =	vmin.u32 v19, $0x167;
	v22 =	vcvt.f32.s32 v22;
	[tilespmem:s1+$0x100] =	vst v21  }
0x73: {  	v17 =	vcvt.f32.s32 v17;
	v21 =	vcvt.s32.f32 v19  }
0x74: {  	v6 =	vmul.f32 $5.729868700e+01, v6;
	v24 =	vtrunc.f32 v29;
	v22 =	vadd.s32 $0xFFFFFFFF, v22  }
0x75: {  	v25 =	vmul.f32 $5.729868700e+01, v25;
	vm0 =	vgt.s32 v17, $0x0;
	vm1 =	vgt.s32 v22, $0x0  }
0x76: {  	v8 =	vcvt.f32.s32 v8;
	v26 =	vnsel vm0, $0x0, v17;
	v17 =	vnsel vm1, $0x0, v22  }
0x77: {  	v20 =	vcvt.f32.s32 v20;
	v22 =	vmul.f32 $5.729868700e+01, v23;
	v17 =	vmin.u32 v17, $0xB1  }
0x78: {  	v30 =	vsub.f32 $1.000000000e+00, v31;
	v23 =	vmul.f32 $5.729578020e+01, v34;
	v29 =	vcvt.s32.f32 v17  }
0x79: {  	v14 =	vmul.f32 v25, v14;
	v20 =	vadd.s32 $0xFFFFFFFF, v20;
	v26 =	vmin.u32 v26, $0x167  }
0x7a: {  	v25 =	vmul.f32 v25, v27;
	v24 =	vcvt.f32.s32 v24;
	v29 =	vadd.f32 $1.000000000e+00, v29  }
0x7b: {  	v18 =	vmul.f32 $5.729868700e+01, v18;
	v8 =	vadd.s32 $0xFFFFFFFF, v8;
	v27 =	vtrunc.f32 v28;
	[tilespmem:s1+$0x80] =	vst v14  }
0x7c: {  	v4 =	vmul.f32 v30, v4;
	vm0 =	vgt.s32 v8, $0x0;
	v14 =	vmul.f32 $1.745329240e-02, v29;
	[tilespmem:s1+$0x180] =	vst v25  }
0x7d: {  	v25 =	vnsel vm0, $0x0, v8;
	v8 =	vcvt.f32.s32 v27;
	v27 =	vmul.f32 v18, v9  }
0x7e: {  	v24 =	vadd.s32 $0xFFFFFFFF, v24;
	v4 =	vmul.f32 $5.729868700e+01, v4;
	s1 =	sor.u32 s0, s28;
	s0 =	smov.u32 s14;
	s28 =	smov.u32 s13;
	v14 =	vadd.f32 $-1.570796370e+00, v14;
	[tilespmem:s12+$0x0] =	vst v5  }
0x7f: {  	vm0 =	vgt.s32 v24, $0x0;
	v9 =	vmul.f32 v22, v9;
	v5 =	vtrunc.f32 v23;
	[tilespmem:s1+$0x80] =	vst v27  }
0x80: {  	v18 =	vmul.f32 v18, v6;
	v5 =	vcvt.f32.s32 v5;
	v14 =	vsub.f32 v35, v14  }
0x81: {  	v24 =	vnsel vm0, $0x0, v24;
	vm0 =	vgt.s32 v20, $0x0;
	v23 =	vcvt.s32.f32 v26;
	[tilespmem:s1+$0x0] =	vst v9  }
0x82: {  	v6 =	vmul.f32 v22, v6;
	v9 =	vmul.f32 v14, v14;
	v27 =	vsub.f32 $1.745329240e-02, v14;
	[tilespmem:s1+$0x180] =	vst v18  }
0x83: {  	v3 =	vmul.f32 v3, v4;
	vm1 =	vgt.s32 v5, $0x0;
	v18 =	vmin.u32 v24, $0xB1  }
0x84: {  	v2 =	vmul.f32 v2, v4;
	vm2 =	vgt.s32 v8, $0x0;
	v22 =	vmul.f32 v27, v27;
	[tilespmem:s1+$0x100] =	vst v6  }
0x85: {  	v4 =	vnsel vm2, $0x0, v8;
	v6 =	vcvt.s32.f32 v18;
	v8 =	vmul.f32 $1.666666720e-01, v9;
	[tilespmem:s10+$0x180] =	vst v3  }
0x86: {  	v3 =	vmin.u32 v4, $0x167;
	v4 =	vnsel vm1, $0x0, v5;
	v5 =	vmul.f32 $1.666666720e-01, v22;
	[tilespmem:s10+$0x100] =	vst v2  }
0x87: {  	v9 =	vmul.f32 $1.745329240e-02, v23;
	v2 =	vmul.f32 $1.745329240e-02, v21;
	v4 =	vmin.u32 v4, $0x167  }
0x88: {  	v6 =	vadd.f32 $1.000000000e+00, v6;
	v21 =	vmul.u32 $0xB2, v3;
	v5 =	vsub.f32 $1.000000000e+00, v5  }
0x89: {  	v19 =	vmul.u32 $0xB2, v19;
	v22 =	vcvt.s32.f32 v4;
	v2 =	vadd.f32 $-3.141592740e+00, v2  }
0x8a: {  	v24 =	vmul.u32 $0xB2, v4;
	v23 =	vmul.f32 $1.745329240e-02, v6;
	v5 =	vmul.f32 v5, v27  }
0x8b: {  	v4 =	vnsel vm0, $0x0, v20;
	v20 =	vsub.f32 $1.000000000e+00, v8;
	v6 =	vmul.f32 $1.745329240e-02, v22  }
0x8c: {  	v4 =	vmin.u32 v4, $0xB1;
	v16 =	vsub.f32 v16, v2;
	v2 =	vmul.f32 $5.729868700e+01, v5  }
0x8d: {  	v8 =	vadd.s32 v19, v4;
	v5 =	vadd.f32 $-3.141592740e+00, v9;
	v9 =	vadd.f32 $-3.141592740e+00, v6  }
0x8e: {  	v22 =	vcvt.s32.f32 v4;
	v19 =	vmul.f32 v16, v16;
	v27 =	vsub.f32 $1.745329240e-02, v16  }
0x8f: {  	v6 =	vsub.f32 v12, v5;
	v4 =	vsub.f32 v15, v9;
	v5 =	vmul.f32 v20, v14  }
0x90: {  	v12 =	vmul.u32 $0xB2, v26;
	v14 =	vcvt.s32.f32 v3;
	v15 =	vmul.f32 v27, v27  }
0x91: {  	v9 =	vsub.f32 $1.745329240e-02, v6;
	v20 =	vsub.f32 $1.745329240e-02, v4;
	v3 =	vmul.f32 $5.729868700e+01, v5  }
0x92: {  	v23 =	vadd.f32 $-1.570796370e+00, v23;
	v19 =	vmul.f32 $1.666666720e-01, v19;
	v26 =	vmul.f32 $1.666666720e-01, v15  }
0x93: {  	v25 =	vmin.u32 v25, $0xB1;
	v22 =	vadd.f32 $1.000000000e+00, v22;
	v28 =	vmul.f32 v20, v20  }
0x94: {  	v5 =	vadd.s32 v12, v25;
	v12 =	vmul.f32 $1.745329240e-02, v14;
	v15 =	vmul.f32 v4, v4  }
0x95: {  	v14 =	vsub.f32 v13, v23;
	v13 =	vmul.f32 $1.745329240e-02, v22;
	v23 =	vmul.f32 $1.666666720e-01, v28  }
0x96: {  	v22 =	vmul.f32 v9, v9;
	v12 =	vadd.f32 $-3.141592740e+00, v12;
	v28 =	vadd.s32 v24, v17  }
0x97: {  	v19 =	vsub.f32 $1.000000000e+00, v19;
	v17 =	vcvt.s32.f32 v25;
	v24 =	vsub.f32 $1.745329240e-02, v14  }
0x98: {  	v13 =	vadd.f32 $-1.570796370e+00, v13;
	v25 =	vsub.f32 v10, v12;
	v12 =	vmul.f32 v14, v14  }
0x99: {  	v22 =	vmul.f32 $1.666666720e-01, v22;
	v17 =	vadd.f32 $1.000000000e+00, v17;
	v29 =	vmul.f32 v24, v24  }
0x9a: {  	v13 =	vsub.f32 v11, v13;
	v30 =	vmul.f32 v25, v25;
	v10 =	vsub.f32 $1.745329240e-02, v25  }
0x9b: {  	v16 =	vmul.f32 v19, v16;
	v11 =	vsub.f32 $1.000000000e+00, v22;
	v29 =	vmul.f32 $1.666666720e-01, v29  }
0x9c: {  	v22 =	vsub.f32 $1.745329240e-02, v13;
	v30 =	vmul.f32 $1.666666720e-01, v30;
	v31 =	vmul.f32 v10, v10  }
0x9d: {  	v26 =	vsub.f32 $1.000000000e+00, v26;
	v32 =	vmul.f32 v13, v13;
	v23 =	vsub.f32 $1.000000000e+00, v23  }
0x9e: {  	v12 =	vmul.f32 $1.666666720e-01, v12;
	v33 =	vmul.f32 v22, v22;
	v29 =	vsub.f32 $1.000000000e+00, v29  }
0x9f: {  	v19 =	vadd.s32 v21, v18;
	v21 =	vmul.f32 v26, v27;
	v18 =	vmul.f32 v23, v20  }
0xa0: {  	v20 =	vmul.f32 $1.745329240e-02, v17;
	v23 =	vsub.f32 $1.000000000e+00, v12;
	v12 =	vmul.f32 v29, v24  }
0xa1: {  	v17 =	vmul.f32 $5.729868700e+01, v18;
	v24 =	vsub.f32 $1.000000000e+00, v30;
	v29 =	vmul.f32 $1.666666720e-01, v32  }
0xa2: {  	s1 =	sadd.s32 $0x300, s11;
	v18 =	vadd.f32 $-1.570796370e+00, v20;
	v20 =	vmul.f32 $1.666666720e-01, v31;
	v26 =	vmul.f32 v23, v14  }
.Ltmp2:
0xa3: {  	s2 =	sor.u32 s3, s1;
	s8 =	sor.u32 s19, s1;
	v23 =	vmul.f32 v2, v17;
	v25 =	vmul.f32 v24, v25;
	(pc) =	sbr.rel @p0 .LBB2_2-.Ltmp2, $4  }
0xa4: {  	s12 =	sor.u32 s0, s1;
	s20 =	sor.u32 s26, s1;
	s10 =	sor.u32 s19, s28;
	v18 =	vsub.f32 v7, v18;
	v27 =	vsub.f32 $1.000000000e+00, v20;
	v24 =	vmul.f32 v6, v6;
	[tilespmem:s8+$0x0] =	vst v28  }
0xa5: {  	v14 =	vmul.f32 $5.729868700e+01, v21;
	v7 =	vmul.f32 $1.666666720e-01, v33;
	[tilespmem:s10+$0x0] =	vst v23  }
0xa6: {  	v21 =	vmul.f32 $5.729868700e+01, v26;
	v20 =	vmul.f32 $5.729868700e+01, v25;
	v23 =	vsub.f32 $1.745329240e-02, v18  }
0xa7: {  	s16 =	sadd.s32 $0x40, s16;
	s18 =	sadd.s32 $0x40, s18;
	s17 =	sadd.s32 $0x40, s17;
	v26 =	vmul.f32 v18, v18;
	v25 =	vsub.f32 $1.000000000e+00, v29;
	v28 =	vsub.f32 $1.000000000e+00, v7  }
0xa8: {  	v7 =	vmul.f32 v23, v23  }
0xa9: {  	v12 =	vmul.f32 $5.729868700e+01, v12;
	v10 =	vmul.f32 v27, v10  }
0xaa: {  	v16 =	vmul.f32 $5.729868700e+01, v16;
	v15 =	vmul.f32 $1.666666720e-01, v15  }
0xab: {  	v24 =	vmul.f32 $1.666666720e-01, v24;
	v9 =	vmul.f32 v11, v9  }
0xac: {  	v53 =	vmul.f32 v21, v20;
	v55 =	vmul.f32 v3, v17  }
0xad: {  	[tilespmem:s2+$0x0] =	vst v8;
	v22 =	vmul.f32 v28, v22;
	v26 =	vmul.f32 $1.666666720e-01, v26  }
0xae: {  	[tilespmem:s20+$0x0] =	vst v19;
	v13 =	vmul.f32 v25, v13;
	v7 =	vmul.f32 $1.666666720e-01, v7  }
0xaf: {  	s21 =	sor.u32 s26, s28;
	[tilespmem:s12+$0x0] =	vst v5;
	v10 =	vmul.f32 $5.729868700e+01, v10;
	v51 =	vmul.f32 v12, v20  }
0xb0: {  	v54 =	vsub.f32 $1.000000000e+00, v24;
	v9 =	vmul.f32 $5.729868700e+01, v9;
	[tilespmem:s21+$0x180] =	vst v53;
	v22 =	vmul.f32 $5.729868700e+01, v22  }
0xb1: {  	[tilespmem:s10+$0x80] =	vst v55;
	v58 =	vsub.f32 $1.000000000e+00, v15;
	v13 =	vmul.f32 $5.729868700e+01, v13;
	v49 =	vmul.f32 v12, v10  }
0xb2: {  	v50 =	vsub.f32 $1.000000000e+00, v26;
	v10 =	vmul.f32 v21, v10;
	[tilespmem:s21+$0x100] =	vst v51;
	v6 =	vmul.f32 v54, v6  }
0xb3: {  	v4 =	vmul.f32 v58, v4;
	v48 =	vmul.f32 v22, v14;
	[tilespmem:s21+$0x0] =	vst v49  }
0xb4: {  	s1 =	sor.u32 s3, s28;
	v7 =	vsub.f32 $1.000000000e+00, v7;
	v52 =	vmul.f32 v50, v18;
	v56 =	vmul.f32 v22, v16;
	[tilespmem:s21+$0x80] =	vst v10  }
0xb5: {  	v57 =	vmul.f32 v13, v14;
	v4 =	vmul.f32 $5.729868700e+01, v4;
	[tilespmem:s1+$0x0] =	vst v48  }
0xb6: {  	v59 =	vmul.f32 v13, v16;
	v7 =	vmul.f32 v7, v23;
	[tilespmem:s1+$0x100] =	vst v56  }
0xb7: {  	v10 =	vmul.f32 $5.729868700e+01, v52;
	[tilespmem:s1+$0x80] =	vst v57;
	v3 =	vmul.f32 v3, v4  }
0xb8: {  	v6 =	vmul.f32 $5.729868700e+01, v6;
	[tilespmem:s1+$0x180] =	vst v59;
	v2 =	vmul.f32 v2, v4  }
0xb9: {  	v7 =	vmul.f32 $5.729868700e+01, v7;
	v60 =	vmul.f32 v10, v9;
	[tilespmem:s10+$0x180] =	vst v3  }
0xba: {  	s0 =	sor.u32 s0, s28;
	v62 =	vmul.f32 v10, v6;
	[tilespmem:s10+$0x100] =	vst v2  }
0xbb: {  	v61 =	vmul.f32 v7, v9;
	[tilespmem:s0+$0x80] =	vst v60  }
0xbc: {  	v63 =	vmul.f32 v7, v6;
	[tilespmem:s0+$0x180] =	vst v62  }
0xbd: {  	[tilespmem:s0+$0x0] =	vst v61  }
0xbe: {  	s24 =	simm.s32 $0x80;
	s25 =	simm.s32 $0x300;
	s26 =	simm.s32 $0x1200;
	[tilespmem:s0+$0x100] =	vst v63  }
0xbf: {  	[tilespmem:s26], [sflag:$0x1] =	stream.indirect.gather [hbm4b:s6+s24], $0x80, s25, s24, $0xb8;
	[tilespmem:$0x1C200] =	vst v63  }
.Ltmp3:
0xc0: {  	_ = 	snop;
	(pc) =	sbr.rel .LBB2_4-.Ltmp3, $4  }
0xc1: {  	s28 =	simm.s32 $0x400;
	s29 =	simm.s32 $0x5200  }
0xc2: {  	[tilespmem:s29], [sflag:$0x1] =	stream.indirect.gather [hbm4b:s6+s24], $0x80, s28, s24, $0xb8;
	[tilespmem:$0x1C200] =	vst v63  }
0xc3: {  	s30 =	simm.s32 $0x500;
	s31 =	simm.s32 $0x9200;
	s0 =	simm.s32 $0x0  }
0xc4: {  	[tilespmem:s31], [sflag:$0x1] =	stream.indirect.gather [hbm4b:s6+s24], $0x80, s30, s24, $0xb8;
	[tilespmem:$0x1C200] =	vst v63  }
.LBB2_11:
0xc5: {  	s0 =	smul.u32 $0x180, s28  }
0xc6: {  	s1 =	rddreg [dreg:$0x1]  }
0xc7: {  	s31 =	simm.s32 $0xC00;
	s2 =	simm.s32 $0x3D0C00;
	s0 =	sadd.s32 s1, s0  }
0xc8: {  	[hbm4b:s0+s31] =	stream.strided.scatter [tilespmem:s22], [sflag:$0x4], $0x3000, s2, s31, $0x38;
	[tilespmem:$0x1C200] =	vst v63  }
0xc9: {  	s0 =	simm.s32 $0x4  }
.LBB2_14:
0xca: {  	_ =	swait.ge [sflag:s0], $0x3000  }
0xcb: {  	[sflag:s0] =	ssyncset.done $0x0  }
0xcc: {  	[sflag:s0] =	ssyncadd.s32 $0xFFFFD000  }
.LBB2_15:
0xcd: {  	p0 =	sne.s32 s26, s9  }
.Ltmp4:
0xce: {  	_ = 	snop;
	(pc) =	sbr.rel @!p0 .LBB2_16-.Ltmp4, $2  }
0xcf: {  	_ =	sdelay $0x2  }
0xd0: {  	s0 =	smov.u32 s26  }
.LBB2_4:
0xd1: {  	s26 =	sadd.s32 $0x1, s0  }
0xd2: {  	p0 =	sge.u32 s26, s9  }
.Ltmp5:
0xd3: {  	_ = 	snop;
	(pc) =	sbr.rel @p0 .LBB2_8-.Ltmp5, $1  }
0xd4: {  	_ =	sdelay $0x3  }
0xd5: {  	s1 =	sshll.u32 s26, $0x5  }
0xd6: {  	s1 =	sor.u32 s23, s1  }
0xd7: {  	s1 =	smul.u32 $0x30, s1  }
0xd8: {  	s2 =	rddreg [dreg:$0x4]  }
0xd9: {  	s8 =	simm.s32 $0x0;
	s4 =	simm.s32 $0x4;
	s2 =	sadd.s32 s2, s1  }
0xda: {  	[tilespmem:s8], [sflag:$0x4] =	stream.linear.gather [hbm4b:s2+s8], $0x180, $0x38;
	[tilespmem:$0x1C200] =	vst v63  }
0xdb: {  	_ =	swait.ge [sflag:s4], $0x180  }
0xdc: {  	[sflag:s4] =	ssyncset.done $0x0;
	s12 =	rddreg [dreg:$0x5]  }
0xdd: {  	s13 =	simm.s32 $0x180;
	[sflag:s4] =	ssyncadd.s32 $0xFFFFFE80;
	s1 =	sadd.s32 s12, s1  }
0xde: {  	[tilespmem:s13], [sflag:$0x4] =	stream.linear.gather [hbm4b:s1+s8], $0x180, $0x38;
	[tilespmem:$0x1C200] =	vst v63  }
0xdf: {  	s3 =	sand.u32 $0x40, s8;
	_ =	swait.ge [sflag:s4], $0x180  }
0xe0: {  	s14 =	sand.u32 $0x180, s8;
	s10 =	sor.u32 $0x30, s3;
	[sflag:s4] =	ssyncset.done $0x0  }
0xe1: {  	s11 =	sor.u32 s14, s10;
	[sflag:s4] =	ssyncadd.s32 $0xFFFFFE80  }
0xe2: {  	v2 =	vld [tilespmem:s11+$0x180]  }
0xe3: {  	s28 =	sor.u32 $0x20, s3;
	v7 =	vld [tilespmem:s13+$0x0]  }
0xe4: {  	s29 =	sor.u32 $0x10, s3;
	s15 =	sor.u32 s14, s28;
	v3 =	vld [tilespmem:s8+$0x0]  }
0xe5: {  	s1 =	sor.u32 s14, s29;
	v4 =	vld [tilespmem:s15+$0x0]  }
0xe6: {  	v10 =	vld [tilespmem:s1+$0x0]  }
0xe7: {  	v9 =	vld [tilespmem:s11+$0x0]  }
0xe8: {  	v11 =	vld [tilespmem:s1+$0x180];
	v5 =	vadd.f32 $1.570796370e+00, v2  }
0xe9: {  	v12 =	vld [tilespmem:s15+$0x180]  }
0xea: {  	v6 =	vadd.f32 $1.570796370e+00, v7;
	v8 =	vadd.f32 $3.141592740e+00, v3;
	v5 =	vmul.f32 $5.729578020e+01, v5  }
0xeb: {  	v13 =	vadd.f32 $3.141592740e+00, v4;
	v14 =	vadd.f32 $3.141592740e+00, v10  }
0xec: {  	v15 =	vadd.f32 $3.141592740e+00, v9;
	v6 =	vmul.f32 $5.729578020e+01, v6;
	v5 =	vtrunc.f32 v5  }
0xed: {  	v16 =	vadd.f32 $1.570796370e+00, v11;
	v13 =	vmul.f32 $5.729578020e+01, v13;
	v5 =	vcvt.f32.s32 v5  }
0xee: {  	v17 =	vadd.f32 $1.570796370e+00, v12;
	v8 =	vmul.f32 $5.729578020e+01, v8;
	v14 =	vmul.f32 $5.729578020e+01, v14  }
0xef: {  	v16 =	vmul.f32 $5.729578020e+01, v16;
	v13 =	vtrunc.f32 v13;
	v5 =	vadd.s32 $0xFFFFFFFF, v5  }
0xf0: {  	v17 =	vmul.f32 $5.729578020e+01, v17;
	v13 =	vcvt.f32.s32 v13;
	vm0 =	vgt.s32 v5, $0x0  }
0xf1: {  	v15 =	vmul.f32 $5.729578020e+01, v15;
	v6 =	vtrunc.f32 v6;
	v5 =	vnsel vm0, $0x0, v5  }
0xf2: {  	v8 =	vtrunc.f32 v8;
	vm11 =	vgt.s32 v13, $0x0;
	v18 =	vmin.u32 v5, $0xB1  }
0xf3: {  	v17 =	vtrunc.f32 v17;
	v5 =	vnsel vm11, $0x0, v13;
	v13 =	vcvt.s32.f32 v18  }
0xf4: {  	v8 =	vcvt.f32.s32 v8;
	v6 =	vcvt.f32.s32 v6  }
0xf5: {  	v16 =	vtrunc.f32 v16;
	v14 =	vtrunc.f32 v14;
	v13 =	vadd.f32 $1.000000000e+00, v13  }
0xf6: {  	v17 =	vcvt.f32.s32 v17;
	vm12 =	vgt.s32 v8, $0x0;
	v6 =	vadd.s32 $0xFFFFFFFF, v6  }
0xf7: {  	v8 =	vnsel vm12, $0x0, v8;
	vm13 =	vgt.s32 v6, $0x0;
	v13 =	vmul.f32 $1.745329240e-02, v13  }
0xf8: {  	v20 =	vmin.u32 v8, $0x167;
	v8 =	vcvt.f32.s32 v16;
	v16 =	vadd.s32 $0xFFFFFFFF, v17  }
0xf9: {  	v17 =	vnsel vm13, $0x0, v6;
	v6 =	vcvt.f32.s32 v14;
	v13 =	vadd.f32 $-1.570796370e+00, v13  }
0xfa: {  	v14 =	vtrunc.f32 v15;
	vm15 =	vgt.s32 v16, $0x0;
	v5 =	vmin.u32 v5, $0x167  }
0xfb: {  	v8 =	vadd.s32 $0xFFFFFFFF, v8;
	vm1 =	vgt.s32 v6, $0x0;
	v13 =	vsub.f32 v2, v13  }
0xfc: {  	v19 =	vcvt.s32.f32 v5;
	vm14 =	vgt.s32 v8, $0x0;
	v6 =	vnsel vm1, $0x0, v6  }
0xfd: {  	v8 =	vnsel vm14, $0x0, v8;
	v2 =	vcvt.f32.s32 v14;
	v15 =	vsub.f32 $1.745329240e-02, v13  }
0xfe: {  	v24 =	vmin.u32 v6, $0x167;
	v22 =	vmin.u32 v8, $0xB1;
	v14 =	vcvt.s32.f32 v20  }
0xff: {  	v21 =	vmul.f32 v13, v13;
	vm2 =	vgt.s32 v2, $0x0;
	v8 =	vmul.f32 v15, v15  }
0x100: {  	v23 =	vcvt.s32.f32 v22;
	v14 =	vmul.f32 $1.745329240e-02, v14;
	v2 =	vnsel vm2, $0x0, v2  }
0x101: {  	v21 =	vmul.f32 $1.666666720e-01, v21;
	v2 =	vmin.u32 v2, $0x167;
	v6 =	vmul.f32 $1.666666720e-01, v8  }
0x102: {  	v5 =	vmul.u32 $0xB2, v5;
	v25 =	vcvt.s32.f32 v2;
	v8 =	vmul.f32 $1.745329240e-02, v19  }
0x103: {  	v26 =	vmul.u32 $0xB2, v2;
	v19 =	vadd.f32 $1.000000000e+00, v23;
	v6 =	vsub.f32 $1.000000000e+00, v6  }
0x104: {  	v2 =	vnsel vm15, $0x0, v16;
	v23 =	vmul.u32 $0xB2, v24;
	v8 =	vadd.f32 $-3.141592740e+00, v8  }
0x105: {  	v16 =	vsub.f32 $1.000000000e+00, v21;
	v19 =	vmul.f32 $1.745329240e-02, v19;
	v6 =	vmul.f32 v6, v15  }
0x106: {  	v15 =	vmul.f32 $1.745329240e-02, v25;
	v21 =	vsub.f32 v4, v8;
	v4 =	vmin.u32 v2, $0xB1  }
0x107: {  	v26 =	vadd.s32 v26, v18;
	v19 =	vadd.f32 $-1.570796370e+00, v19;
	v8 =	vadd.s32 v5, v4  }
0x108: {  	v2 =	vmul.f32 $5.729868700e+01, v6;
	v6 =	vadd.f32 $-3.141592740e+00, v14;
	v5 =	vadd.f32 $-3.141592740e+00, v15  }
0x109: {  	v14 =	vmul.f32 v21, v21;
	v25 =	vsub.f32 $1.745329240e-02, v21;
	v28 =	vsub.f32 v11, v19  }
0x10a: {  	v15 =	vcvt.s32.f32 v4;
	v6 =	vsub.f32 v3, v6;
	v4 =	vsub.f32 v9, v5  }
0x10b: {  	v3 =	vmul.f32 v16, v13;
	v5 =	vmul.u32 $0xB2, v20;
	v13 =	vcvt.s32.f32 v24  }
0x10c: {  	v16 =	vmul.f32 v25, v25;
	v14 =	vmul.f32 $1.666666720e-01, v14;
	v18 =	vsub.f32 $1.745329240e-02, v28  }
0x10d: {  	v30 =	vmul.f32 v28, v28;
	v9 =	vsub.f32 $1.745329240e-02, v6;
	v24 =	vsub.f32 $1.745329240e-02, v4  }
0x10e: {  	v3 =	vmul.f32 $5.729868700e+01, v3;
	v27 =	vmul.f32 $1.666666720e-01, v16;
	v16 =	vmin.u32 v17, $0xB1  }
0x10f: {  	v17 =	vadd.f32 $1.000000000e+00, v15;
	v13 =	vmul.f32 $1.745329240e-02, v13;
	v15 =	vmul.f32 v4, v4  }
0x110: {  	v30 =	vmul.f32 $1.666666720e-01, v30;
	v5 =	vadd.s32 v5, v16;
	v16 =	vcvt.s32.f32 v16  }
0x111: {  	v14 =	vsub.f32 $1.000000000e+00, v14;
	v20 =	vmul.f32 v24, v24;
	v11 =	vmul.f32 $1.745329240e-02, v17  }
0x112: {  	v13 =	vadd.f32 $-3.141592740e+00, v13;
	v19 =	vmul.f32 v9, v9;
	v31 =	vadd.f32 $1.000000000e+00, v16  }
0x113: {  	v16 =	vmul.f32 v14, v21;
	v21 =	vsub.f32 $1.000000000e+00, v27;
	v17 =	vmul.f32 $1.666666720e-01, v20  }
0x114: {  	v29 =	vsub.f32 v10, v13;
	v11 =	vadd.f32 $-1.570796370e+00, v11;
	v20 =	vmul.f32 v18, v18  }
0x115: {  	v19 =	vmul.f32 $1.666666720e-01, v19;
	v21 =	vmul.f32 v21, v25  }
0x116: {  	v32 =	vmul.f32 v29, v29;
	v10 =	vsub.f32 $1.745329240e-02, v29;
	v13 =	vsub.f32 v12, v11  }
0x117: {  	v12 =	vmul.f32 $1.666666720e-01, v20;
	v11 =	vsub.f32 $1.000000000e+00, v19;
	v17 =	vsub.f32 $1.000000000e+00, v17  }
0x118: {  	v14 =	vmul.f32 $1.666666720e-01, v32;
	v19 =	vmul.f32 v10, v10;
	v20 =	vsub.f32 $1.745329240e-02, v13  }
0x119: {  	v27 =	vmul.f32 v13, v13;
	v12 =	vsub.f32 $1.000000000e+00, v12;
	v17 =	vmul.f32 v17, v24  }
0x11a: {  	s30 =	sand.u32 $0x1, s26;
	s19 =	simm.s32 $0x0;
	v25 =	vsub.f32 $1.000000000e+00, v30;
	v24 =	vmul.f32 $1.745329240e-02, v31;
	v63 =	vmul.f32 v20, v20  }
0x11b: {  	s17 =	smul.u32 $0x1800, s30;
	s20 =	sand.u32 $0x3FFFFF00, s19;
	v12 =	vmul.f32 v12, v18;
	v14 =	vsub.f32 $1.000000000e+00, v14;
	v30 =	vmul.f32 $1.666666720e-01, v27  }
0x11c: {  	s21 =	smov.u32 s23;
	s16 =	sshll.u32 s30, $0x7;
	s23 =	simm.s32 $0x0;
	v17 =	vmul.f32 $5.729868700e+01, v17;
	v18 =	vadd.f32 $-1.570796370e+00, v24;
	v27 =	vmul.f32 $1.666666720e-01, v19  }
0x11d: {  	s19 =	simm.s32 $0x40;
	s18 =	sshrl.u32 s17, $0x2;
	s15 =	sor.u32 $0x300, s16;
	v19 =	vadd.s32 v23, v22;
	v22 =	vmul.f32 v25, v28;
	v24 =	vmul.f32 v6, v6  }
0x11e: {  	s2 =	sand.u32 $0x3FFFFE00, s23;
	s16 =	sadd.s32 $0x600, s18;
	s1 =	sadd.s32 s20, s15;
	v25 =	vmul.f32 v14, v29;
	v28 =	vmul.f32 v2, v17;
	v18 =	vsub.f32 v7, v18  }
0x11f: {  	s17 =	simm.s32 $0x0;
	s31 =	sadd.s32 s2, s16;
	s24 =	sadd.s32 s10, s1;
	v27 =	vsub.f32 $1.000000000e+00, v27;
	v14 =	vmul.f32 $5.729868700e+01, v21;
	v7 =	vmul.f32 $1.666666720e-01, v63  }
0x120: {  	s18 =	simm.s32 $0x40;
	s20 =	simm.s32 $0x1C0;
	s11 =	sadd.s32 s10, s31;
	[tilespmem:s24+$0x0] =	vst v26;
	v22 =	vmul.f32 $5.729868700e+01, v22;
	v23 =	vsub.f32 $1.745329240e-02, v18;
	v21 =	vmul.f32 $5.729868700e+01, v25  }
0x121: {  	s25 =	sadd.s32 s28, s1;
	s14 =	sadd.s32 s3, s1;
	s1 =	sadd.s32 s29, s1;
	[tilespmem:s11+$0x0] =	vst v28;
	v26 =	vmul.f32 v18, v18;
	v25 =	vsub.f32 $1.000000000e+00, v30;
	v28 =	vsub.f32 $1.000000000e+00, v7  }
.LBB2_6:
0x122: {  	s17 =	sadd.s32 $0x4, s17;
	s13 =	sand.u32 $0x40, s18;
	v7 =	vld [tilespmem:s20+$0x0];
	s2 =	sand.u32 $0x180, s18;
	v29 =	vmul.f32 v23, v23;
	v30 =	vmul.f32 $5.729868700e+01, v12  }
0x123: {  	v10 =	vmul.f32 v27, v10;
	v27 =	vmul.f32 $5.729868700e+01, v16;
	v12 =	vld [tilespmem:s19+$0x0];
	s8 =	sshll.u32 s17, $0x5;
	s23 =	sor.u32 $0x10, s13;
	s24 =	sor.u32 $0x20, s13  }
0x124: {  	s10 =	sor.u32 $0x30, s13;
	v20 =	vmul.f32 v28, v20;
	s4 =	sor.u32 s2, s23;
	s5 =	sor.u32 s2, s24;
	v29 =	vmul.f32 $1.666666720e-01, v29  }
0x125: {  	v31 =	vmul.f32 $1.666666720e-01, v15;
	s12 =	sand.u32 $0x3FFFFF00, s8;
	s8 =	sshll.u32 s17, $0x6;
	s7 =	sor.u32 s2, s10;
	v28 =	vmul.f32 $5.729868700e+01, v10;
	v16 =	vld [tilespmem:s5+$0x0]  }
0x126: {  	v26 =	vmul.f32 $1.666666720e-01, v26;
	s2 =	sand.u32 $0x3FFFFE00, s8;
	v20 =	vmul.f32 $5.729868700e+01, v20;
	v10 =	vld [tilespmem:s4+$0x0];
	v29 =	vsub.f32 $1.000000000e+00, v29  }
0x127: {  	v24 =	vmul.f32 $1.666666720e-01, v24;
	p0 =	slt.u32 s17, $0x14;
	v25 =	vmul.f32 v25, v13;
	s2 =	sadd.s32 s2, s16;
	v32 =	vadd.f32 $1.570796370e+00, v7;
	v15 =	vld [tilespmem:s7+$0x0]  }
0x128: {  	v9 =	vmul.f32 v11, v9;
	v33 =	vadd.f32 $3.141592740e+00, v12;
	v13 =	vld [tilespmem:s4+$0x180];
	[tilespmem:s25+$0x0] =	vst v8;
	v8 =	vmul.f32 v20, v14  }
0x129: {  	v26 =	vsub.f32 $1.000000000e+00, v26;
	v32 =	vmul.f32 $5.729578020e+01, v32;
	v11 =	vld [tilespmem:s5+$0x180];
	[tilespmem:s1+$0x0] =	vst v19;
	v19 =	vmul.f32 v30, v28;
	s1 =	sadd.s32 s28, s31;
	s28 =	smov.u32 s24  }
0x12a: {  	s4 =	sadd.s32 s29, s31;
	s29 =	smov.u32 s23;
	v28 =	vmul.f32 v22, v28;
	v33 =	vmul.f32 $5.729578020e+01, v33;
	v34 =	vadd.f32 $3.141592740e+00, v16;
	v35 =	vld [tilespmem:s7+$0x180];
	[tilespmem:s1+$0x0] =	vst v8  }
0x12b: {  	v8 =	vtrunc.f32 v32;
	v32 =	vadd.f32 $3.141592740e+00, v10;
	[tilespmem:s4+$0x0] =	vst v19;
	v19 =	vmul.f32 v30, v21  }
0x12c: {  	v23 =	vmul.f32 v29, v23;
	v30 =	vmul.f32 $5.729578020e+01, v34;
	v34 =	vadd.f32 $3.141592740e+00, v15;
	[tilespmem:s4+$0x80] =	vst v28  }
0x12d: {  	v18 =	vmul.f32 v26, v18;
	v28 =	vmul.f32 $5.729578020e+01, v32;
	v29 =	vadd.f32 $1.570796370e+00, v13;
	[tilespmem:s4+$0x100] =	vst v19  }
0x12e: {  	v9 =	vmul.f32 $5.729868700e+01, v9;
	v19 =	vtrunc.f32 v30;
	v26 =	vadd.f32 $1.570796370e+00, v11  }
0x12f: {  	v21 =	vmul.f32 v22, v21;
	v29 =	vmul.f32 $5.729578020e+01, v29;
	v30 =	vadd.f32 $1.570796370e+00, v35  }
0x130: {  	v24 =	vsub.f32 $1.000000000e+00, v24;
	v19 =	vcvt.f32.s32 v19;
	v22 =	vmul.f32 $5.729578020e+01, v26  }
0x131: {  	v17 =	vmul.f32 v3, v17;
	v26 =	vmul.f32 $5.729578020e+01, v30;
	[tilespmem:s4+$0x180] =	vst v21  }
0x132: {  	v20 =	vmul.f32 v20, v27;
	vm0 =	vgt.s32 v19, $0x0;
	v21 =	vtrunc.f32 v22  }
0x133: {  	v6 =	vmul.f32 v24, v6;
	v19 =	vnsel vm0, $0x0, v19;
	v22 =	vtrunc.f32 v26;
	[tilespmem:s11+$0x80] =	vst v17  }
0x134: {  	v17 =	vtrunc.f32 v33;
	v19 =	vmin.u32 v19, $0x167;
	v22 =	vcvt.f32.s32 v22;
	[tilespmem:s1+$0x100] =	vst v20  }
0x135: {  	v17 =	vcvt.f32.s32 v17;
	v20 =	vcvt.s32.f32 v19  }
0x136: {  	v6 =	vmul.f32 $5.729868700e+01, v6;
	v24 =	vtrunc.f32 v29;
	v22 =	vadd.s32 $0xFFFFFFFF, v22  }
0x137: {  	v25 =	vmul.f32 $5.729868700e+01, v25;
	vm0 =	vgt.s32 v17, $0x0;
	vm1 =	vgt.s32 v22, $0x0  }
0x138: {  	v8 =	vcvt.f32.s32 v8;
	v26 =	vnsel vm0, $0x0, v17;
	v17 =	vnsel vm1, $0x0, v22  }
0x139: {  	v21 =	vcvt.f32.s32 v21;
	v22 =	vmul.f32 $5.729868700e+01, v23;
	v17 =	vmin.u32 v17, $0xB1  }
0x13a: {  	v30 =	vsub.f32 $1.000000000e+00, v31;
	v23 =	vmul.f32 $5.729578020e+01, v34;
	v29 =	vcvt.s32.f32 v17  }
0x13b: {  	v14 =	vmul.f32 v25, v14;
	v21 =	vadd.s32 $0xFFFFFFFF, v21;
	v26 =	vmin.u32 v26, $0x167  }
0x13c: {  	v25 =	vmul.f32 v25, v27;
	v24 =	vcvt.f32.s32 v24;
	v29 =	vadd.f32 $1.000000000e+00, v29  }
0x13d: {  	v18 =	vmul.f32 $5.729868700e+01, v18;
	v8 =	vadd.s32 $0xFFFFFFFF, v8;
	v27 =	vtrunc.f32 v28;
	[tilespmem:s1+$0x80] =	vst v14  }
0x13e: {  	v4 =	vmul.f32 v30, v4;
	vm0 =	vgt.s32 v8, $0x0;
	v14 =	vmul.f32 $1.745329240e-02, v29;
	[tilespmem:s1+$0x180] =	vst v25  }
0x13f: {  	v25 =	vnsel vm0, $0x0, v8;
	v8 =	vcvt.f32.s32 v27;
	v27 =	vmul.f32 v18, v9  }
0x140: {  	v24 =	vadd.s32 $0xFFFFFFFF, v24;
	v4 =	vmul.f32 $5.729868700e+01, v4;
	s1 =	sadd.s32 s3, s31;
	s3 =	smov.u32 s13;
	s31 =	smov.u32 s2;
	v14 =	vadd.f32 $-1.570796370e+00, v14;
	[tilespmem:s14+$0x0] =	vst v5  }
0x141: {  	vm0 =	vgt.s32 v24, $0x0;
	v9 =	vmul.f32 v22, v9;
	v5 =	vtrunc.f32 v23;
	[tilespmem:s1+$0x80] =	vst v27  }
0x142: {  	v18 =	vmul.f32 v18, v6;
	v5 =	vcvt.f32.s32 v5;
	v14 =	vsub.f32 v35, v14  }
0x143: {  	v24 =	vnsel vm0, $0x0, v24;
	vm0 =	vgt.s32 v21, $0x0;
	v23 =	vcvt.s32.f32 v26;
	[tilespmem:s1+$0x0] =	vst v9  }
0x144: {  	v6 =	vmul.f32 v22, v6;
	v9 =	vmul.f32 v14, v14;
	v27 =	vsub.f32 $1.745329240e-02, v14;
	[tilespmem:s1+$0x180] =	vst v18  }
0x145: {  	v3 =	vmul.f32 v3, v4;
	vm1 =	vgt.s32 v5, $0x0;
	v18 =	vmin.u32 v24, $0xB1  }
0x146: {  	v2 =	vmul.f32 v2, v4;
	vm2 =	vgt.s32 v8, $0x0;
	v22 =	vmul.f32 v27, v27;
	[tilespmem:s1+$0x100] =	vst v6  }
0x147: {  	v4 =	vnsel vm2, $0x0, v8;
	v6 =	vcvt.s32.f32 v18;
	v8 =	vmul.f32 $1.666666720e-01, v9;
	[tilespmem:s11+$0x180] =	vst v3  }
0x148: {  	v3 =	vmin.u32 v4, $0x167;
	v4 =	vnsel vm1, $0x0, v5;
	v5 =	vmul.f32 $1.666666720e-01, v22;
	[tilespmem:s11+$0x100] =	vst v2  }
0x149: {  	v9 =	vmul.f32 $1.745329240e-02, v23;
	v2 =	vmul.f32 $1.745329240e-02, v20;
	v4 =	vmin.u32 v4, $0x167  }
0x14a: {  	v6 =	vadd.f32 $1.000000000e+00, v6;
	v22 =	vmul.u32 $0xB2, v3;
	v5 =	vsub.f32 $1.000000000e+00, v5  }
0x14b: {  	v19 =	vmul.u32 $0xB2, v19;
	v20 =	vcvt.s32.f32 v4;
	v2 =	vadd.f32 $-3.141592740e+00, v2  }
0x14c: {  	v24 =	vmul.u32 $0xB2, v4;
	v23 =	vmul.f32 $1.745329240e-02, v6;
	v5 =	vmul.f32 v5, v27  }
0x14d: {  	v4 =	vnsel vm0, $0x0, v21;
	v6 =	vmul.f32 $1.745329240e-02, v20;
	v20 =	vsub.f32 $1.000000000e+00, v8  }
0x14e: {  	v4 =	vmin.u32 v4, $0xB1;
	v16 =	vsub.f32 v16, v2;
	v2 =	vmul.f32 $5.729868700e+01, v5  }
0x14f: {  	v8 =	vadd.s32 v19, v4;
	v5 =	vadd.f32 $-3.141592740e+00, v9;
	v9 =	vadd.f32 $-3.141592740e+00, v6  }
0x150: {  	v27 =	vcvt.s32.f32 v4;
	v19 =	vmul.f32 v16, v16;
	v21 =	vsub.f32 $1.745329240e-02, v16  }
0x151: {  	v6 =	vsub.f32 v12, v5;
	v4 =	vsub.f32 v15, v9;
	v5 =	vmul.f32 v20, v14  }
0x152: {  	v12 =	vmul.u32 $0xB2, v26;
	v14 =	vcvt.s32.f32 v3;
	v15 =	vmul.f32 v21, v21  }
0x153: {  	v9 =	vsub.f32 $1.745329240e-02, v6;
	v26 =	vsub.f32 $1.745329240e-02, v4;
	v3 =	vmul.f32 $5.729868700e+01, v5  }
0x154: {  	v20 =	vadd.f32 $-1.570796370e+00, v23;
	v19 =	vmul.f32 $1.666666720e-01, v19;
	v23 =	vmul.f32 $1.666666720e-01, v15  }
0x155: {  	v25 =	vmin.u32 v25, $0xB1;
	v27 =	vadd.f32 $1.000000000e+00, v27;
	v28 =	vmul.f32 v26, v26  }
0x156: {  	v5 =	vadd.s32 v12, v25;
	v12 =	vmul.f32 $1.745329240e-02, v14;
	v15 =	vmul.f32 v4, v4  }
0x157: {  	v14 =	vsub.f32 v13, v20;
	v13 =	vmul.f32 $1.745329240e-02, v27;
	v27 =	vmul.f32 $1.666666720e-01, v28  }
0x158: {  	v20 =	vmul.f32 v9, v9;
	v12 =	vadd.f32 $-3.141592740e+00, v12;
	v28 =	vadd.s32 v24, v17  }
0x159: {  	v19 =	vsub.f32 $1.000000000e+00, v19;
	v17 =	vcvt.s32.f32 v25;
	v24 =	vsub.f32 $1.745329240e-02, v14  }
0x15a: {  	v13 =	vadd.f32 $-1.570796370e+00, v13;
	v25 =	vsub.f32 v10, v12;
	v12 =	vmul.f32 v14, v14  }
0x15b: {  	v20 =	vmul.f32 $1.666666720e-01, v20;
	v17 =	vadd.f32 $1.000000000e+00, v17;
	v29 =	vmul.f32 v24, v24  }
0x15c: {  	v13 =	vsub.f32 v11, v13;
	v30 =	vmul.f32 v25, v25;
	v10 =	vsub.f32 $1.745329240e-02, v25  }
0x15d: {  	v16 =	vmul.f32 v19, v16;
	v11 =	vsub.f32 $1.000000000e+00, v20;
	v29 =	vmul.f32 $1.666666720e-01, v29  }
0x15e: {  	v20 =	vsub.f32 $1.745329240e-02, v13;
	v30 =	vmul.f32 $1.666666720e-01, v30;
	v31 =	vmul.f32 v10, v10  }
0x15f: {  	v23 =	vsub.f32 $1.000000000e+00, v23;
	v32 =	vmul.f32 v13, v13;
	v27 =	vsub.f32 $1.000000000e+00, v27  }
0x160: {  	v12 =	vmul.f32 $1.666666720e-01, v12;
	v33 =	vmul.f32 v20, v20;
	v29 =	vsub.f32 $1.000000000e+00, v29  }
0x161: {  	v19 =	vadd.s32 v22, v18;
	v21 =	vmul.f32 v23, v21;
	v18 =	vmul.f32 v27, v26  }
0x162: {  	v22 =	vmul.f32 $1.745329240e-02, v17;
	v23 =	vsub.f32 $1.000000000e+00, v12;
	v12 =	vmul.f32 v29, v24  }
0x163: {  	v17 =	vmul.f32 $5.729868700e+01, v18;
	v24 =	vsub.f32 $1.000000000e+00, v30;
	v29 =	vmul.f32 $1.666666720e-01, v32  }
0x164: {  	s1 =	sadd.s32 s12, s15;
	v18 =	vadd.f32 $-1.570796370e+00, v22;
	v22 =	vmul.f32 $1.666666720e-01, v31;
	v26 =	vmul.f32 v23, v14  }
.Ltmp6:
0x165: {  	s25 =	sadd.s32 s28, s1;
	s2 =	sadd.s32 s10, s1;
	v23 =	vmul.f32 v2, v17;
	v25 =	vmul.f32 v24, v25;
	(pc) =	sbr.rel @p0 .LBB2_6-.Ltmp6, $4  }
0x166: {  	s14 =	sadd.s32 s3, s1;
	s1 =	sadd.s32 s29, s1;
	s11 =	sadd.s32 s10, s31;
	v18 =	vsub.f32 v7, v18;
	v27 =	vsub.f32 $1.000000000e+00, v22;
	v24 =	vmul.f32 v6, v6;
	[tilespmem:s2+$0x0] =	vst v28  }
0x167: {  	v14 =	vmul.f32 $5.729868700e+01, v21;
	v7 =	vmul.f32 $1.666666720e-01, v33;
	[tilespmem:s11+$0x0] =	vst v23  }
0x168: {  	v22 =	vmul.f32 $5.729868700e+01, v26;
	v21 =	vmul.f32 $5.729868700e+01, v25;
	v23 =	vsub.f32 $1.745329240e-02, v18  }
0x169: {  	s18 =	sadd.s32 $0x40, s18;
	s20 =	sadd.s32 $0x40, s20;
	s19 =	sadd.s32 $0x40, s19;
	v26 =	vmul.f32 v18, v18;
	v25 =	vsub.f32 $1.000000000e+00, v29;
	v28 =	vsub.f32 $1.000000000e+00, v7  }
0x16a: {  	v7 =	vmul.f32 v23, v23  }
0x16b: {  	v12 =	vmul.f32 $5.729868700e+01, v12;
	v10 =	vmul.f32 v27, v10  }
0x16c: {  	v16 =	vmul.f32 $5.729868700e+01, v16;
	v15 =	vmul.f32 $1.666666720e-01, v15  }
0x16d: {  	v24 =	vmul.f32 $1.666666720e-01, v24;
	v9 =	vmul.f32 v11, v9  }
0x16e: {  	v53 =	vmul.f32 v22, v21;
	v55 =	vmul.f32 v3, v17  }
0x16f: {  	[tilespmem:s25+$0x0] =	vst v8;
	v20 =	vmul.f32 v28, v20;
	v26 =	vmul.f32 $1.666666720e-01, v26  }
0x170: {  	[tilespmem:s1+$0x0] =	vst v19;
	v13 =	vmul.f32 v25, v13;
	v7 =	vmul.f32 $1.666666720e-01, v7  }
0x171: {  	s2 =	sadd.s32 s29, s31;
	[tilespmem:s14+$0x0] =	vst v5;
	v10 =	vmul.f32 $5.729868700e+01, v10;
	v51 =	vmul.f32 v12, v21  }
0x172: {  	v54 =	vsub.f32 $1.000000000e+00, v24;
	v9 =	vmul.f32 $5.729868700e+01, v9;
	[tilespmem:s2+$0x180] =	vst v53;
	v20 =	vmul.f32 $5.729868700e+01, v20  }
0x173: {  	[tilespmem:s11+$0x80] =	vst v55;
	v58 =	vsub.f32 $1.000000000e+00, v15;
	v13 =	vmul.f32 $5.729868700e+01, v13;
	v49 =	vmul.f32 v12, v10  }
0x174: {  	v50 =	vsub.f32 $1.000000000e+00, v26;
	v10 =	vmul.f32 v22, v10;
	[tilespmem:s2+$0x100] =	vst v51;
	v6 =	vmul.f32 v54, v6  }
0x175: {  	v4 =	vmul.f32 v58, v4;
	v48 =	vmul.f32 v20, v14;
	[tilespmem:s2+$0x0] =	vst v49  }
0x176: {  	s28 =	sadd.s32 s28, s31;
	v7 =	vsub.f32 $1.000000000e+00, v7;
	v52 =	vmul.f32 v50, v18;
	v56 =	vmul.f32 v20, v16;
	[tilespmem:s2+$0x80] =	vst v10  }
0x177: {  	v57 =	vmul.f32 v13, v14;
	v4 =	vmul.f32 $5.729868700e+01, v4;
	[tilespmem:s28+$0x0] =	vst v48  }
0x178: {  	v59 =	vmul.f32 v13, v16;
	v7 =	vmul.f32 v7, v23;
	[tilespmem:s28+$0x100] =	vst v56  }
0x179: {  	v10 =	vmul.f32 $5.729868700e+01, v52;
	[tilespmem:s28+$0x80] =	vst v57;
	v3 =	vmul.f32 v3, v4  }
0x17a: {  	v6 =	vmul.f32 $5.729868700e+01, v6;
	[tilespmem:s28+$0x180] =	vst v59;
	v2 =	vmul.f32 v2, v4  }
0x17b: {  	v7 =	vmul.f32 $5.729868700e+01, v7;
	v60 =	vmul.f32 v10, v9;
	[tilespmem:s11+$0x180] =	vst v3  }
0x17c: {  	s31 =	sadd.s32 s3, s31;
	v62 =	vmul.f32 v10, v6;
	[tilespmem:s11+$0x100] =	vst v2  }
0x17d: {  	v61 =	vmul.f32 v7, v9;
	[tilespmem:s31+$0x80] =	vst v60  }
0x17e: {  	v63 =	vmul.f32 v7, v6;
	[tilespmem:s31+$0x180] =	vst v62  }
0x17f: {  	p0 =	seq.s32 s30, $0x1;
	[tilespmem:s31+$0x0] =	vst v61  }
0x180: {  	s1 =	simm.s32 @p0 $0x80;
	s3 =	simm.s32 @p0 $0xD200;
	s2 =	simm.s32 @p0 $0x380;
	[tilespmem:s31+$0x100] =	vst v63  }
0x181: {  	[tilespmem:s3], [sflag:$0x2] =	stream.indirect.gather @p0 [hbm4b:s6+s1], $0x80, s2, s1, $0xb8;
	[tilespmem:$0x1C200] =	vst v63  }
0x182: {  	s2 =	simm.s32 @p0 $0x480;
	s3 =	simm.s32 @p0 $0x11200  }
0x183: {  	[tilespmem:s3], [sflag:$0x2] =	stream.indirect.gather @p0 [hbm4b:s6+s1], $0x80, s2, s1, $0xb8;
	[tilespmem:$0x1C200] =	vst v63  }
0x184: {  	s2 =	simm.s32 @p0 $0x580;
	s3 =	simm.s32 @p0 $0x15200  }
0x185: {  	[tilespmem:s3], [sflag:$0x2] =	stream.indirect.gather @p0 [hbm4b:s6+s1], $0x80, s2, s1, $0xb8;
	[tilespmem:$0x1C200] =	vst v63  }
0x186: {  	s1 =	simm.s32 @!p0 $0x80;
	s2 =	simm.s32 @!p0 $0x300;
	s3 =	simm.s32 @!p0 $0x1200  }
0x187: {  	[tilespmem:s3], [sflag:$0x1] =	stream.indirect.gather @!p0 [hbm4b:s6+s1], $0x80, s2, s1, $0xb8;
	[tilespmem:$0x1C200] =	vst v63  }
0x188: {  	s2 =	simm.s32 @!p0 $0x400;
	s3 =	simm.s32 @!p0 $0x5200  }
0x189: {  	[tilespmem:s3], [sflag:$0x1] =	stream.indirect.gather @!p0 [hbm4b:s6+s1], $0x80, s2, s1, $0xb8;
	[tilespmem:$0x1C200] =	vst v63  }
0x18a: {  	s23 =	smov.u32 s21;
	s2 =	simm.s32 @!p0 $0x500;
	s3 =	simm.s32 @!p0 $0x9200  }
0x18b: {  	[tilespmem:s3], [sflag:$0x1] =	stream.indirect.gather @!p0 [hbm4b:s6+s1], $0x80, s2, s1, $0xb8;
	[tilespmem:$0x1C200] =	vst v63  }
.LBB2_8:
0x18c: {  	s1 =	sand.u32 $0x1, s0  }
0x18d: {  	s3 =	smul.u32 $0x1800, s1  }
0x18e: {  	p0 =	seq.s32 s1, $0x1;
	s1 =	smul.u32 $0x30000, s1  }
0x18f: {  	s2 =	simm.s32 $0x2  }
0x190: {  	s2 =	simm.s32 @!p0 $0x1;
	s1 =	sshrl.u32 s1, $0x2  }
0x191: {  	_ =	swait.ge [sflag:s2], $0xC000;
	s1 =	sor.u32 $0x1200, s1  }
0x192: {  	s30 =	sshrl.u32 s3, $0x2;
	[sflag:s2] =	ssyncset.done $0x0;
	v2 =	vmov s1  }
0x193: {  	s31 =	sshll.u32 s0, $0x5;
	[sflag:s2] =	ssyncadd.s32 $0xFFFF4000;
	s2 =	sadd.s32 $0x600, s30  }
0x194: {  	s29 =	simm.s32 $0x0;
	s28 =	sor.u32 s23, s31;
	[dreg:$0x3] =	wrdreg s2  }
.LBB2_9:
0x195: {  	s0 =	rddreg [dreg:$0x3];
	s1 =	sshll.u32 s29, $0x6;
	s8 =	sshll.u32 s29, $0xB  }
0x196: {  	s30 =	sshll.u32 s29, $0x4;
	s1 =	sand.u32 $0x600, s1;
	s10 =	sand.u32 $0x3FFFF800, s8  }
0x197: {  	s2 =	sand.u32 $0x40, s30;
	s3 =	sadd.s32 s1, s0;
	v7 =	vld.idx.msk [tilespmem:v2+s10+$0x0 ss:$0x1], $0xffff  }
0x198: {  	v8 =	vld.idx.msk [tilespmem:v2+s10+$0x20 ss:$0x1], $0xffff;
	s0 =	sadd.s32 s2, s3  }
0x199: {  	v6 =	vld [tilespmem:s0+$0x0]  }
0x19a: {  	v5 =	vld [tilespmem:s0+$0x80]  }
0x19b: {  	v3 =	vld [tilespmem:s0+$0x100]  }
0x19c: {  	v4 =	vld [tilespmem:s0+$0x180]  }
0x19d: {  	v9 =	vld.idx.msk [tilespmem:v2+s10+$0x40 ss:$0x1], $0xffff  }
0x19e: {  	v11 =	vld.idx.msk [tilespmem:v2+s10+$0x60 ss:$0x1], $0xffff  }
0x19f: {  	v12 =	vmov s30  }
0x1a0: {  	v16 =	vshll.u32 v12, $0x3;
	v10 =	vbroadcast v6, $0x0;
	v13 =	vbroadcast v5, $0x0  }
0x1a1: {  	v12 =	vand.u32 $0x40, v12;
	v14 =	vbroadcast v3, $0x0;
	v15 =	vbroadcast v4, $0x0  }
0x1a2: {  	v16 =	vand.u32 $0xC00, v16;
	v7 =	vmul.f32 v7, v10;
	v8 =	vmul.f32 v8, v13  }
0x1a3: {  	v12 =	vor.u32 v12, v16;
	v9 =	vmul.f32 v9, v14;
	v11 =	vmul.f32 v11, v15  }
0x1a4: {  	v16 =	vadd.s32 v0, v12  }
0x1a5: {  	v7 =	vadd.f32 v8, v7;
	v49 =	vadd.f32 v11, v9;
	_ =	sdelay $0x1  }
0x1a6: {  	v7 =	vadd.f32 v49, v7;
	_ =	sdelay $0x1  }
0x1a7: {  	[tilespmem:v16+s22+$0x0] =	vst.idx.msk $0xffff, v7  }
0x1a8: {  	v7 =	vld.idx.msk [tilespmem:v2+s10+$0x10 ss:$0x1], $0xffff  }
0x1a9: {  	v50 =	vld.idx.msk [tilespmem:v2+s10+$0x30 ss:$0x1], $0xffff  }
0x1aa: {  	v51 =	vld.idx.msk [tilespmem:v2+s10+$0x50 ss:$0x1], $0xffff  }
0x1ab: {  	v52 =	vld.idx.msk [tilespmem:v2+s10+$0x70 ss:$0x1], $0xffff;
	_ =	sdelay $0x3  }
0x1ac: {  	v7 =	vmul.f32 v7, v10;
	v8 =	vmul.f32 v50, v13  }
0x1ad: {  	v9 =	vmul.f32 v51, v14;
	v53 =	vmul.f32 v52, v15  }
0x1ae: {  	v54 =	vadd.s32 v1, v12  }
0x1af: {  	v7 =	vadd.f32 v8, v7;
	v55 =	vadd.f32 v53, v9;
	_ =	sdelay $0x1  }
0x1b0: {  	s11 =	sor.u32 $0x1, s30;
	v7 =	vadd.f32 v55, v7  }
0x1b1: {  	s12 =	sshll.u32 s11, $0x7  }
0x1b2: {  	s1 =	sand.u32 $0x3FFFF880, s12;
	[tilespmem:v54+s22+$0x0] =	vst.idx.msk $0xffff, v7  }
0x1b3: {  	v7 =	vld.idx.msk [tilespmem:v2+s1+$0x0 ss:$0x1], $0xffff  }
0x1b4: {  	v56 =	vld.idx.msk [tilespmem:v2+s1+$0x20 ss:$0x1], $0xffff  }
0x1b5: {  	v57 =	vld.idx.msk [tilespmem:v2+s1+$0x40 ss:$0x1], $0xffff  }
0x1b6: {  	v11 =	vld.idx.msk [tilespmem:v2+s1+$0x60 ss:$0x1], $0xffff  }
0x1b7: {  	v59 =	vmov s11  }
0x1b8: {  	v63 =	vshll.u32 v59, $0x3;
	v58 =	vbroadcast v6, $0x1;
	v60 =	vbroadcast v5, $0x1  }
0x1b9: {  	v12 =	vand.u32 $0x41, v59;
	v61 =	vbroadcast v3, $0x1;
	v62 =	vbroadcast v4, $0x1  }
0x1ba: {  	v16 =	vand.u32 $0xC00, v63;
	v7 =	vmul.f32 v7, v58;
	v8 =	vmul.f32 v56, v60  }
0x1bb: {  	v12 =	vor.u32 v12, v16;
	v9 =	vmul.f32 v57, v61;
	v11 =	vmul.f32 v11, v62  }
0x1bc: {  	v16 =	vadd.s32 v0, v12  }
0x1bd: {  	v7 =	vadd.f32 v8, v7;
	v20 =	vadd.f32 v11, v9;
	_ =	sdelay $0x1  }
0x1be: {  	v7 =	vadd.f32 v20, v7;
	_ =	sdelay $0x1  }
0x1bf: {  	[tilespmem:v16+s22+$0x0] =	vst.idx.msk $0xffff, v7  }
0x1c0: {  	v7 =	vld.idx.msk [tilespmem:v2+s1+$0x10 ss:$0x1], $0xffff  }
0x1c1: {  	v21 =	vld.idx.msk [tilespmem:v2+s1+$0x30 ss:$0x1], $0xffff  }
0x1c2: {  	v22 =	vld.idx.msk [tilespmem:v2+s1+$0x50 ss:$0x1], $0xffff  }
0x1c3: {  	v23 =	vld.idx.msk [tilespmem:v2+s1+$0x70 ss:$0x1], $0xffff;
	_ =	sdelay $0x3  }
0x1c4: {  	v7 =	vmul.f32 v7, v58;
	v8 =	vmul.f32 v21, v60  }
0x1c5: {  	v9 =	vmul.f32 v22, v61;
	v24 =	vmul.f32 v23, v62  }
0x1c6: {  	v25 =	vadd.s32 v1, v12  }
0x1c7: {  	v7 =	vadd.f32 v8, v7;
	v26 =	vadd.f32 v24, v9;
	_ =	sdelay $0x1  }
0x1c8: {  	s13 =	sor.u32 $0x2, s30;
	v7 =	vadd.f32 v26, v7  }
0x1c9: {  	s14 =	sshll.u32 s13, $0x7  }
0x1ca: {  	s1 =	sand.u32 $0x3FFFF900, s14;
	[tilespmem:v25+s22+$0x0] =	vst.idx.msk $0xffff, v7  }
0x1cb: {  	v7 =	vld.idx.msk [tilespmem:v2+s1+$0x0 ss:$0x1], $0xffff  }
0x1cc: {  	v27 =	vld.idx.msk [tilespmem:v2+s1+$0x20 ss:$0x1], $0xffff  }
0x1cd: {  	v28 =	vld.idx.msk [tilespmem:v2+s1+$0x40 ss:$0x1], $0xffff  }
0x1ce: {  	v11 =	vld.idx.msk [tilespmem:v2+s1+$0x60 ss:$0x1], $0xffff  }
0x1cf: {  	v30 =	vmov s13  }
0x1d0: {  	v34 =	vshll.u32 v30, $0x3;
	v29 =	vbroadcast v6, $0x2;
	v31 =	vbroadcast v5, $0x2  }
0x1d1: {  	v32 =	vbroadcast v3, $0x2;
	v33 =	vbroadcast v4, $0x2;
	v12 =	vand.u32 $0x42, v30  }
0x1d2: {  	v16 =	vand.u32 $0xC00, v34;
	v7 =	vmul.f32 v7, v29;
	v8 =	vmul.f32 v27, v31  }
0x1d3: {  	v12 =	vor.u32 v12, v16;
	v9 =	vmul.f32 v28, v32;
	v11 =	vmul.f32 v11, v33  }
0x1d4: {  	v16 =	vadd.s32 v0, v12  }
0x1d5: {  	v7 =	vadd.f32 v8, v7;
	v35 =	vadd.f32 v11, v9;
	_ =	sdelay $0x1  }
0x1d6: {  	v7 =	vadd.f32 v35, v7;
	_ =	sdelay $0x1  }
0x1d7: {  	[tilespmem:v16+s22+$0x0] =	vst.idx.msk $0xffff, v7  }
0x1d8: {  	v7 =	vld.idx.msk [tilespmem:v2+s1+$0x10 ss:$0x1], $0xffff  }
0x1d9: {  	v36 =	vld.idx.msk [tilespmem:v2+s1+$0x30 ss:$0x1], $0xffff  }
0x1da: {  	v37 =	vld.idx.msk [tilespmem:v2+s1+$0x50 ss:$0x1], $0xffff  }
0x1db: {  	v38 =	vld.idx.msk [tilespmem:v2+s1+$0x70 ss:$0x1], $0xffff;
	_ =	sdelay $0x3  }
0x1dc: {  	v7 =	vmul.f32 v7, v29;
	v8 =	vmul.f32 v36, v31  }
0x1dd: {  	v9 =	vmul.f32 v37, v32;
	v39 =	vmul.f32 v38, v33  }
0x1de: {  	v40 =	vadd.s32 v1, v12  }
0x1df: {  	v7 =	vadd.f32 v8, v7;
	v41 =	vadd.f32 v39, v9;
	_ =	sdelay $0x1  }
0x1e0: {  	s15 =	sor.u32 $0x3, s30;
	v7 =	vadd.f32 v41, v7  }
0x1e1: {  	s16 =	sshll.u32 s15, $0x7  }
0x1e2: {  	s1 =	sand.u32 $0x3FFFF980, s16;
	[tilespmem:v40+s22+$0x0] =	vst.idx.msk $0xffff, v7  }
0x1e3: {  	v7 =	vld.idx.msk [tilespmem:v2+s1+$0x0 ss:$0x1], $0xffff  }
0x1e4: {  	v42 =	vld.idx.msk [tilespmem:v2+s1+$0x20 ss:$0x1], $0xffff  }
0x1e5: {  	v43 =	vld.idx.msk [tilespmem:v2+s1+$0x40 ss:$0x1], $0xffff  }
0x1e6: {  	v11 =	vld.idx.msk [tilespmem:v2+s1+$0x60 ss:$0x1], $0xffff  }
0x1e7: {  	v44 =	vbroadcast v6, $0x3  }
0x1e8: {  	v45 =	vmov s15;
	v46 =	vbroadcast v5, $0x3;
	v47 =	vbroadcast v3, $0x3  }
0x1e9: {  	v48 =	vbroadcast v4, $0x3;
	v49 =	vshll.u32 v45, $0x3;
	v12 =	vand.u32 $0x43, v45  }
0x1ea: {  	v16 =	vand.u32 $0xC00, v49;
	v7 =	vmul.f32 v7, v44;
	v8 =	vmul.f32 v42, v46  }
0x1eb: {  	v12 =	vor.u32 v12, v16;
	v9 =	vmul.f32 v43, v47;
	v11 =	vmul.f32 v11, v48  }
0x1ec: {  	v16 =	vadd.s32 v0, v12  }
0x1ed: {  	v7 =	vadd.f32 v8, v7;
	v50 =	vadd.f32 v11, v9;
	_ =	sdelay $0x1  }
0x1ee: {  	v7 =	vadd.f32 v50, v7;
	_ =	sdelay $0x1  }
0x1ef: {  	[tilespmem:v16+s22+$0x0] =	vst.idx.msk $0xffff, v7  }
0x1f0: {  	v7 =	vld.idx.msk [tilespmem:v2+s1+$0x10 ss:$0x1], $0xffff  }
0x1f1: {  	v51 =	vld.idx.msk [tilespmem:v2+s1+$0x30 ss:$0x1], $0xffff  }
0x1f2: {  	v52 =	vld.idx.msk [tilespmem:v2+s1+$0x50 ss:$0x1], $0xffff  }
0x1f3: {  	v53 =	vld.idx.msk [tilespmem:v2+s1+$0x70 ss:$0x1], $0xffff;
	_ =	sdelay $0x3  }
0x1f4: {  	v7 =	vmul.f32 v7, v44;
	v8 =	vmul.f32 v51, v46  }
0x1f5: {  	v9 =	vmul.f32 v52, v47;
	v54 =	vmul.f32 v53, v48  }
0x1f6: {  	v55 =	vadd.s32 v1, v12  }
0x1f7: {  	v7 =	vadd.f32 v8, v7;
	v56 =	vadd.f32 v54, v9;
	_ =	sdelay $0x1  }
0x1f8: {  	s17 =	sor.u32 $0x4, s30;
	v7 =	vadd.f32 v56, v7  }
0x1f9: {  	s18 =	sshll.u32 s17, $0x7  }
0x1fa: {  	s1 =	sand.u32 $0x3FFFFA00, s18;
	[tilespmem:v55+s22+$0x0] =	vst.idx.msk $0xffff, v7  }
0x1fb: {  	v7 =	vld.idx.msk [tilespmem:v2+s1+$0x0 ss:$0x1], $0xffff  }
0x1fc: {  	v57 =	vld.idx.msk [tilespmem:v2+s1+$0x20 ss:$0x1], $0xffff  }
0x1fd: {  	v58 =	vld.idx.msk [tilespmem:v2+s1+$0x40 ss:$0x1], $0xffff  }
0x1fe: {  	v11 =	vld.idx.msk [tilespmem:v2+s1+$0x60 ss:$0x1], $0xffff  }
0x1ff: {  	v59 =	vbroadcast v6, $0x4  }
0x200: {  	v63 =	vbroadcast v4, $0x4;
	v60 =	vmov s17;
	v61 =	vbroadcast v5, $0x4  }
0x201: {  	v62 =	vbroadcast v3, $0x4;
	v20 =	vshll.u32 v60, $0x3;
	v12 =	vand.u32 $0x44, v60  }
0x202: {  	v16 =	vand.u32 $0xC00, v20;
	v7 =	vmul.f32 v7, v59;
	v8 =	vmul.f32 v57, v61  }
0x203: {  	v12 =	vor.u32 v12, v16;
	v9 =	vmul.f32 v58, v62;
	v11 =	vmul.f32 v11, v63  }
0x204: {  	v16 =	vadd.s32 v0, v12  }
0x205: {  	v7 =	vadd.f32 v8, v7;
	v21 =	vadd.f32 v11, v9;
	_ =	sdelay $0x1  }
0x206: {  	v7 =	vadd.f32 v21, v7;
	_ =	sdelay $0x1  }
0x207: {  	[tilespmem:v16+s22+$0x0] =	vst.idx.msk $0xffff, v7  }
0x208: {  	v7 =	vld.idx.msk [tilespmem:v2+s1+$0x10 ss:$0x1], $0xffff  }
0x209: {  	v22 =	vld.idx.msk [tilespmem:v2+s1+$0x30 ss:$0x1], $0xffff  }
0x20a: {  	v23 =	vld.idx.msk [tilespmem:v2+s1+$0x50 ss:$0x1], $0xffff  }
0x20b: {  	v24 =	vld.idx.msk [tilespmem:v2+s1+$0x70 ss:$0x1], $0xffff;
	_ =	sdelay $0x3  }
0x20c: {  	v7 =	vmul.f32 v7, v59;
	v8 =	vmul.f32 v22, v61  }
0x20d: {  	v9 =	vmul.f32 v23, v62;
	v25 =	vmul.f32 v24, v63  }
0x20e: {  	v26 =	vadd.s32 v1, v12  }
0x20f: {  	v7 =	vadd.f32 v8, v7;
	v27 =	vadd.f32 v25, v9;
	_ =	sdelay $0x1  }
0x210: {  	s19 =	sor.u32 $0x5, s30;
	v7 =	vadd.f32 v27, v7  }
0x211: {  	s20 =	sshll.u32 s19, $0x7  }
0x212: {  	s1 =	sand.u32 $0x3FFFFA80, s20;
	[tilespmem:v26+s22+$0x0] =	vst.idx.msk $0xffff, v7  }
0x213: {  	v7 =	vld.idx.msk [tilespmem:v2+s1+$0x0 ss:$0x1], $0xffff  }
0x214: {  	v28 =	vld.idx.msk [tilespmem:v2+s1+$0x20 ss:$0x1], $0xffff  }
0x215: {  	v29 =	vld.idx.msk [tilespmem:v2+s1+$0x40 ss:$0x1], $0xffff  }
0x216: {  	v11 =	vld.idx.msk [tilespmem:v2+s1+$0x60 ss:$0x1], $0xffff  }
0x217: {  	v30 =	vbroadcast v6, $0x5  }
0x218: {  	v34 =	vbroadcast v4, $0x5;
	v31 =	vmov s19;
	v32 =	vbroadcast v5, $0x5  }
0x219: {  	v33 =	vbroadcast v3, $0x5;
	v35 =	vshll.u32 v31, $0x3;
	v12 =	vand.u32 $0x45, v31  }
0x21a: {  	v16 =	vand.u32 $0xC00, v35;
	v7 =	vmul.f32 v7, v30;
	v8 =	vmul.f32 v28, v32  }
0x21b: {  	v12 =	vor.u32 v12, v16;
	v9 =	vmul.f32 v29, v33;
	v11 =	vmul.f32 v11, v34  }
0x21c: {  	v16 =	vadd.s32 v0, v12  }
0x21d: {  	v7 =	vadd.f32 v8, v7;
	v36 =	vadd.f32 v11, v9;
	_ =	sdelay $0x1  }
0x21e: {  	v7 =	vadd.f32 v36, v7;
	_ =	sdelay $0x1  }
0x21f: {  	[tilespmem:v16+s22+$0x0] =	vst.idx.msk $0xffff, v7  }
0x220: {  	v7 =	vld.idx.msk [tilespmem:v2+s1+$0x10 ss:$0x1], $0xffff  }
0x221: {  	v37 =	vld.idx.msk [tilespmem:v2+s1+$0x30 ss:$0x1], $0xffff  }
0x222: {  	v38 =	vld.idx.msk [tilespmem:v2+s1+$0x50 ss:$0x1], $0xffff  }
0x223: {  	v39 =	vld.idx.msk [tilespmem:v2+s1+$0x70 ss:$0x1], $0xffff;
	_ =	sdelay $0x3  }
0x224: {  	v7 =	vmul.f32 v7, v30;
	v8 =	vmul.f32 v37, v32  }
0x225: {  	v9 =	vmul.f32 v38, v33;
	v40 =	vmul.f32 v39, v34  }
0x226: {  	v41 =	vadd.s32 v1, v12  }
0x227: {  	v7 =	vadd.f32 v8, v7;
	v42 =	vadd.f32 v40, v9;
	_ =	sdelay $0x1  }
0x228: {  	s21 =	sor.u32 $0x6, s30;
	v7 =	vadd.f32 v42, v7  }
0x229: {  	s24 =	sshll.u32 s21, $0x7  }
0x22a: {  	s1 =	sand.u32 $0x3FFFFB00, s24;
	[tilespmem:v41+s22+$0x0] =	vst.idx.msk $0xffff, v7  }
0x22b: {  	v7 =	vld.idx.msk [tilespmem:v2+s1+$0x0 ss:$0x1], $0xffff  }
0x22c: {  	v43 =	vld.idx.msk [tilespmem:v2+s1+$0x20 ss:$0x1], $0xffff  }
0x22d: {  	v44 =	vld.idx.msk [tilespmem:v2+s1+$0x40 ss:$0x1], $0xffff  }
0x22e: {  	v11 =	vld.idx.msk [tilespmem:v2+s1+$0x60 ss:$0x1], $0xffff  }
0x22f: {  	v45 =	vbroadcast v6, $0x6  }
0x230: {  	v49 =	vbroadcast v4, $0x6;
	v46 =	vmov s21;
	v47 =	vbroadcast v5, $0x6  }
0x231: {  	v48 =	vbroadcast v3, $0x6;
	v50 =	vshll.u32 v46, $0x3;
	v12 =	vand.u32 $0x46, v46  }
0x232: {  	v16 =	vand.u32 $0xC00, v50;
	v7 =	vmul.f32 v7, v45;
	v8 =	vmul.f32 v43, v47  }
0x233: {  	v12 =	vor.u32 v12, v16;
	v9 =	vmul.f32 v44, v48;
	v11 =	vmul.f32 v11, v49  }
0x234: {  	v16 =	vadd.s32 v0, v12  }
0x235: {  	v7 =	vadd.f32 v8, v7;
	v51 =	vadd.f32 v11, v9;
	_ =	sdelay $0x1  }
0x236: {  	v7 =	vadd.f32 v51, v7;
	_ =	sdelay $0x1  }
0x237: {  	[tilespmem:v16+s22+$0x0] =	vst.idx.msk $0xffff, v7  }
0x238: {  	v7 =	vld.idx.msk [tilespmem:v2+s1+$0x10 ss:$0x1], $0xffff  }
0x239: {  	v52 =	vld.idx.msk [tilespmem:v2+s1+$0x30 ss:$0x1], $0xffff  }
0x23a: {  	v53 =	vld.idx.msk [tilespmem:v2+s1+$0x50 ss:$0x1], $0xffff  }
0x23b: {  	v54 =	vld.idx.msk [tilespmem:v2+s1+$0x70 ss:$0x1], $0xffff;
	_ =	sdelay $0x3  }
0x23c: {  	v7 =	vmul.f32 v7, v45;
	v8 =	vmul.f32 v52, v47  }
0x23d: {  	v9 =	vmul.f32 v53, v48;
	v55 =	vmul.f32 v54, v49  }
0x23e: {  	v56 =	vadd.s32 v1, v12  }
0x23f: {  	v7 =	vadd.f32 v8, v7;
	v57 =	vadd.f32 v55, v9;
	_ =	sdelay $0x1  }
0x240: {  	s25 =	sor.u32 $0x7, s30;
	v7 =	vadd.f32 v57, v7  }
0x241: {  	s31 =	sshll.u32 s25, $0x7  }
0x242: {  	s1 =	sand.u32 $0x3FFFFB80, s31;
	[tilespmem:v56+s22+$0x0] =	vst.idx.msk $0xffff, v7  }
0x243: {  	v7 =	vld.idx.msk [tilespmem:v2+s1+$0x0 ss:$0x1], $0xffff  }
0x244: {  	v58 =	vld.idx.msk [tilespmem:v2+s1+$0x20 ss:$0x1], $0xffff  }
0x245: {  	v59 =	vld.idx.msk [tilespmem:v2+s1+$0x40 ss:$0x1], $0xffff  }
0x246: {  	v11 =	vld.idx.msk [tilespmem:v2+s1+$0x60 ss:$0x1], $0xffff  }
0x247: {  	v60 =	vbroadcast v6, $0x7  }
0x248: {  	v20 =	vbroadcast v4, $0x7;
	v61 =	vmov s25;
	v62 =	vbroadcast v5, $0x7  }
0x249: {  	v63 =	vbroadcast v3, $0x7;
	v21 =	vshll.u32 v61, $0x3;
	v12 =	vand.u32 $0x47, v61  }
0x24a: {  	v16 =	vand.u32 $0xC00, v21;
	v7 =	vmul.f32 v7, v60;
	v8 =	vmul.f32 v58, v62  }
0x24b: {  	v12 =	vor.u32 v12, v16;
	v9 =	vmul.f32 v59, v63;
	v11 =	vmul.f32 v11, v20  }
0x24c: {  	v16 =	vadd.s32 v0, v12  }
0x24d: {  	v7 =	vadd.f32 v8, v7;
	v22 =	vadd.f32 v11, v9;
	_ =	sdelay $0x1  }
0x24e: {  	v7 =	vadd.f32 v22, v7;
	_ =	sdelay $0x1  }
0x24f: {  	[tilespmem:v16+s22+$0x0] =	vst.idx.msk $0xffff, v7  }
0x250: {  	v7 =	vld.idx.msk [tilespmem:v2+s1+$0x10 ss:$0x1], $0xffff  }
0x251: {  	v23 =	vld.idx.msk [tilespmem:v2+s1+$0x30 ss:$0x1], $0xffff  }
0x252: {  	v24 =	vld.idx.msk [tilespmem:v2+s1+$0x50 ss:$0x1], $0xffff  }
0x253: {  	v25 =	vld.idx.msk [tilespmem:v2+s1+$0x70 ss:$0x1], $0xffff;
	_ =	sdelay $0x3  }
0x254: {  	v7 =	vmul.f32 v7, v60;
	v8 =	vmul.f32 v23, v62  }
0x255: {  	v9 =	vmul.f32 v24, v63;
	v26 =	vmul.f32 v25, v20  }
0x256: {  	v27 =	vadd.s32 v1, v12  }
0x257: {  	v7 =	vadd.f32 v8, v7;
	v28 =	vadd.f32 v26, v9;
	_ =	sdelay $0x1  }
0x258: {  	s2 =	sor.u32 $0x8, s30;
	v7 =	vadd.f32 v28, v7  }
0x259: {  	s4 =	sshll.u32 s2, $0x7  }
0x25a: {  	s1 =	sand.u32 $0x3FFFFC00, s4;
	[tilespmem:v27+s22+$0x0] =	vst.idx.msk $0xffff, v7  }
0x25b: {  	v7 =	vld.idx.msk [tilespmem:v2+s1+$0x0 ss:$0x1], $0xffff  }
0x25c: {  	v29 =	vld.idx.msk [tilespmem:v2+s1+$0x20 ss:$0x1], $0xffff  }
0x25d: {  	v30 =	vld.idx.msk [tilespmem:v2+s1+$0x40 ss:$0x1], $0xffff  }
0x25e: {  	v11 =	vld.idx.msk [tilespmem:v2+s1+$0x60 ss:$0x1], $0xffff  }
0x25f: {  	v31 =	vbroadcast v6, $0x8  }
0x260: {  	v35 =	vbroadcast v4, $0x8;
	v32 =	vmov s2;
	v33 =	vbroadcast v5, $0x8  }
0x261: {  	v34 =	vbroadcast v3, $0x8;
	v36 =	vshll.u32 v32, $0x3;
	v12 =	vand.u32 $0x48, v32  }
0x262: {  	v16 =	vand.u32 $0xC00, v36;
	v7 =	vmul.f32 v7, v31;
	v8 =	vmul.f32 v29, v33  }
0x263: {  	v12 =	vor.u32 v12, v16;
	v9 =	vmul.f32 v30, v34;
	v11 =	vmul.f32 v11, v35  }
0x264: {  	v16 =	vadd.s32 v0, v12  }
0x265: {  	v7 =	vadd.f32 v8, v7;
	v37 =	vadd.f32 v11, v9;
	_ =	sdelay $0x1  }
0x266: {  	v7 =	vadd.f32 v37, v7;
	_ =	sdelay $0x1  }
0x267: {  	[tilespmem:v16+s22+$0x0] =	vst.idx.msk $0xffff, v7  }
0x268: {  	v7 =	vld.idx.msk [tilespmem:v2+s1+$0x10 ss:$0x1], $0xffff  }
0x269: {  	v38 =	vld.idx.msk [tilespmem:v2+s1+$0x30 ss:$0x1], $0xffff  }
0x26a: {  	v39 =	vld.idx.msk [tilespmem:v2+s1+$0x50 ss:$0x1], $0xffff  }
0x26b: {  	v40 =	vld.idx.msk [tilespmem:v2+s1+$0x70 ss:$0x1], $0xffff;
	_ =	sdelay $0x3  }
0x26c: {  	v7 =	vmul.f32 v7, v31;
	v8 =	vmul.f32 v38, v33  }
0x26d: {  	v9 =	vmul.f32 v39, v34;
	v41 =	vmul.f32 v40, v35  }
0x26e: {  	v42 =	vadd.s32 v1, v12  }
0x26f: {  	v7 =	vadd.f32 v8, v7;
	v43 =	vadd.f32 v41, v9;
	_ =	sdelay $0x1  }
0x270: {  	s5 =	sor.u32 $0x9, s30;
	v7 =	vadd.f32 v43, v7  }
0x271: {  	s7 =	sshll.u32 s5, $0x7  }
0x272: {  	s1 =	sand.u32 $0x3FFFFC80, s7;
	[tilespmem:v42+s22+$0x0] =	vst.idx.msk $0xffff, v7  }
0x273: {  	v7 =	vld.idx.msk [tilespmem:v2+s1+$0x0 ss:$0x1], $0xffff  }
0x274: {  	v44 =	vld.idx.msk [tilespmem:v2+s1+$0x20 ss:$0x1], $0xffff  }
0x275: {  	v45 =	vld.idx.msk [tilespmem:v2+s1+$0x40 ss:$0x1], $0xffff  }
0x276: {  	v11 =	vld.idx.msk [tilespmem:v2+s1+$0x60 ss:$0x1], $0xffff  }
0x277: {  	v46 =	vbroadcast v6, $0x9  }
0x278: {  	v50 =	vbroadcast v4, $0x9;
	v47 =	vmov s5;
	v48 =	vbroadcast v5, $0x9  }
0x279: {  	v49 =	vbroadcast v3, $0x9;
	v51 =	vshll.u32 v47, $0x3;
	v12 =	vand.u32 $0x49, v47  }
0x27a: {  	v16 =	vand.u32 $0xC00, v51;
	v7 =	vmul.f32 v7, v46;
	v8 =	vmul.f32 v44, v48  }
0x27b: {  	v12 =	vor.u32 v12, v16;
	v9 =	vmul.f32 v45, v49;
	v11 =	vmul.f32 v11, v50  }
0x27c: {  	v16 =	vadd.s32 v0, v12  }
0x27d: {  	v7 =	vadd.f32 v8, v7;
	v52 =	vadd.f32 v11, v9;
	_ =	sdelay $0x1  }
0x27e: {  	v7 =	vadd.f32 v52, v7;
	_ =	sdelay $0x1  }
0x27f: {  	[tilespmem:v16+s22+$0x0] =	vst.idx.msk $0xffff, v7  }
0x280: {  	v7 =	vld.idx.msk [tilespmem:v2+s1+$0x10 ss:$0x1], $0xffff  }
0x281: {  	v53 =	vld.idx.msk [tilespmem:v2+s1+$0x30 ss:$0x1], $0xffff  }
0x282: {  	v54 =	vld.idx.msk [tilespmem:v2+s1+$0x50 ss:$0x1], $0xffff  }
0x283: {  	v55 =	vld.idx.msk [tilespmem:v2+s1+$0x70 ss:$0x1], $0xffff;
	_ =	sdelay $0x3  }
0x284: {  	v7 =	vmul.f32 v7, v46;
	v8 =	vmul.f32 v53, v48  }
0x285: {  	v9 =	vmul.f32 v54, v49;
	v56 =	vmul.f32 v55, v50  }
0x286: {  	v57 =	vadd.s32 v1, v12  }
0x287: {  	v7 =	vadd.f32 v8, v7;
	v58 =	vadd.f32 v56, v9;
	_ =	sdelay $0x1  }
0x288: {  	s8 =	sor.u32 $0xA, s30;
	v7 =	vadd.f32 v58, v7  }
0x289: {  	s10 =	sshll.u32 s8, $0x7  }
0x28a: {  	s1 =	sand.u32 $0x3FFFFD00, s10;
	[tilespmem:v57+s22+$0x0] =	vst.idx.msk $0xffff, v7  }
0x28b: {  	v7 =	vld.idx.msk [tilespmem:v2+s1+$0x0 ss:$0x1], $0xffff  }
0x28c: {  	v59 =	vld.idx.msk [tilespmem:v2+s1+$0x20 ss:$0x1], $0xffff  }
0x28d: {  	v60 =	vld.idx.msk [tilespmem:v2+s1+$0x40 ss:$0x1], $0xffff  }
0x28e: {  	v11 =	vld.idx.msk [tilespmem:v2+s1+$0x60 ss:$0x1], $0xffff  }
0x28f: {  	v61 =	vbroadcast v6, $0xA  }
0x290: {  	v21 =	vbroadcast v4, $0xA;
	v62 =	vmov s8;
	v63 =	vbroadcast v5, $0xA  }
0x291: {  	v20 =	vbroadcast v3, $0xA;
	v22 =	vshll.u32 v62, $0x3;
	v12 =	vand.u32 $0x4A, v62  }
0x292: {  	v16 =	vand.u32 $0xC00, v22;
	v7 =	vmul.f32 v7, v61;
	v8 =	vmul.f32 v59, v63  }
0x293: {  	v12 =	vor.u32 v12, v16;
	v9 =	vmul.f32 v60, v20;
	v11 =	vmul.f32 v11, v21  }
0x294: {  	v16 =	vadd.s32 v0, v12  }
0x295: {  	v7 =	vadd.f32 v8, v7;
	v23 =	vadd.f32 v11, v9;
	_ =	sdelay $0x1  }
0x296: {  	v7 =	vadd.f32 v23, v7;
	_ =	sdelay $0x1  }
0x297: {  	[tilespmem:v16+s22+$0x0] =	vst.idx.msk $0xffff, v7  }
0x298: {  	v7 =	vld.idx.msk [tilespmem:v2+s1+$0x10 ss:$0x1], $0xffff  }
0x299: {  	v24 =	vld.idx.msk [tilespmem:v2+s1+$0x30 ss:$0x1], $0xffff  }
0x29a: {  	v25 =	vld.idx.msk [tilespmem:v2+s1+$0x50 ss:$0x1], $0xffff  }
0x29b: {  	v26 =	vld.idx.msk [tilespmem:v2+s1+$0x70 ss:$0x1], $0xffff;
	_ =	sdelay $0x3  }
0x29c: {  	v7 =	vmul.f32 v7, v61;
	v8 =	vmul.f32 v24, v63  }
0x29d: {  	v9 =	vmul.f32 v25, v20;
	v27 =	vmul.f32 v26, v21  }
0x29e: {  	v28 =	vadd.s32 v1, v12  }
0x29f: {  	v7 =	vadd.f32 v8, v7;
	v29 =	vadd.f32 v27, v9;
	_ =	sdelay $0x1  }
0x2a0: {  	s11 =	sor.u32 $0xB, s30;
	v7 =	vadd.f32 v29, v7  }
0x2a1: {  	s12 =	sshll.u32 s11, $0x7  }
0x2a2: {  	s1 =	sand.u32 $0x3FFFFD80, s12;
	[tilespmem:v28+s22+$0x0] =	vst.idx.msk $0xffff, v7  }
0x2a3: {  	v7 =	vld.idx.msk [tilespmem:v2+s1+$0x0 ss:$0x1], $0xffff  }
0x2a4: {  	v30 =	vld.idx.msk [tilespmem:v2+s1+$0x20 ss:$0x1], $0xffff  }
0x2a5: {  	v31 =	vld.idx.msk [tilespmem:v2+s1+$0x40 ss:$0x1], $0xffff  }
0x2a6: {  	v11 =	vld.idx.msk [tilespmem:v2+s1+$0x60 ss:$0x1], $0xffff  }
0x2a7: {  	v32 =	vbroadcast v6, $0xB  }
0x2a8: {  	v36 =	vbroadcast v4, $0xB;
	v33 =	vmov s11;
	v34 =	vbroadcast v5, $0xB  }
0x2a9: {  	v35 =	vbroadcast v3, $0xB;
	v37 =	vshll.u32 v33, $0x3;
	v12 =	vand.u32 $0x4B, v33  }
0x2aa: {  	v16 =	vand.u32 $0xC00, v37;
	v7 =	vmul.f32 v7, v32;
	v8 =	vmul.f32 v30, v34  }
0x2ab: {  	v12 =	vor.u32 v12, v16;
	v9 =	vmul.f32 v31, v35;
	v11 =	vmul.f32 v11, v36  }
0x2ac: {  	v16 =	vadd.s32 v0, v12  }
0x2ad: {  	v7 =	vadd.f32 v8, v7;
	v38 =	vadd.f32 v11, v9;
	_ =	sdelay $0x1  }
0x2ae: {  	v7 =	vadd.f32 v38, v7;
	_ =	sdelay $0x1  }
0x2af: {  	[tilespmem:v16+s22+$0x0] =	vst.idx.msk $0xffff, v7  }
0x2b0: {  	v7 =	vld.idx.msk [tilespmem:v2+s1+$0x10 ss:$0x1], $0xffff  }
0x2b1: {  	v39 =	vld.idx.msk [tilespmem:v2+s1+$0x30 ss:$0x1], $0xffff  }
0x2b2: {  	v40 =	vld.idx.msk [tilespmem:v2+s1+$0x50 ss:$0x1], $0xffff  }
0x2b3: {  	v41 =	vld.idx.msk [tilespmem:v2+s1+$0x70 ss:$0x1], $0xffff;
	_ =	sdelay $0x3  }
0x2b4: {  	v7 =	vmul.f32 v7, v32;
	v8 =	vmul.f32 v39, v34  }
0x2b5: {  	v9 =	vmul.f32 v40, v35;
	v42 =	vmul.f32 v41, v36  }
0x2b6: {  	v43 =	vadd.s32 v1, v12  }
0x2b7: {  	v7 =	vadd.f32 v8, v7;
	v44 =	vadd.f32 v42, v9;
	_ =	sdelay $0x1  }
0x2b8: {  	s13 =	sor.u32 $0xC, s30;
	v7 =	vadd.f32 v44, v7  }
0x2b9: {  	s14 =	sshll.u32 s13, $0x7  }
0x2ba: {  	s1 =	sand.u32 $0x3FFFFE00, s14;
	[tilespmem:v43+s22+$0x0] =	vst.idx.msk $0xffff, v7  }
0x2bb: {  	v7 =	vld.idx.msk [tilespmem:v2+s1+$0x0 ss:$0x1], $0xffff  }
0x2bc: {  	v45 =	vld.idx.msk [tilespmem:v2+s1+$0x20 ss:$0x1], $0xffff  }
0x2bd: {  	v46 =	vld.idx.msk [tilespmem:v2+s1+$0x40 ss:$0x1], $0xffff  }
0x2be: {  	v11 =	vld.idx.msk [tilespmem:v2+s1+$0x60 ss:$0x1], $0xffff  }
0x2bf: {  	v47 =	vbroadcast v6, $0xC  }
0x2c0: {  	v51 =	vbroadcast v4, $0xC;
	v48 =	vmov s13;
	v49 =	vbroadcast v5, $0xC  }
0x2c1: {  	v50 =	vbroadcast v3, $0xC;
	v52 =	vshll.u32 v48, $0x3;
	v12 =	vand.u32 $0x4C, v48  }
0x2c2: {  	v16 =	vand.u32 $0xC00, v52;
	v7 =	vmul.f32 v7, v47;
	v8 =	vmul.f32 v45, v49  }
0x2c3: {  	v12 =	vor.u32 v12, v16;
	v9 =	vmul.f32 v46, v50;
	v11 =	vmul.f32 v11, v51  }
0x2c4: {  	v16 =	vadd.s32 v0, v12  }
0x2c5: {  	v7 =	vadd.f32 v8, v7;
	v53 =	vadd.f32 v11, v9;
	_ =	sdelay $0x1  }
0x2c6: {  	v7 =	vadd.f32 v53, v7;
	_ =	sdelay $0x1  }
0x2c7: {  	[tilespmem:v16+s22+$0x0] =	vst.idx.msk $0xffff, v7  }
0x2c8: {  	v7 =	vld.idx.msk [tilespmem:v2+s1+$0x10 ss:$0x1], $0xffff  }
0x2c9: {  	v54 =	vld.idx.msk [tilespmem:v2+s1+$0x30 ss:$0x1], $0xffff  }
0x2ca: {  	v55 =	vld.idx.msk [tilespmem:v2+s1+$0x50 ss:$0x1], $0xffff  }
0x2cb: {  	v56 =	vld.idx.msk [tilespmem:v2+s1+$0x70 ss:$0x1], $0xffff;
	_ =	sdelay $0x3  }
0x2cc: {  	v7 =	vmul.f32 v7, v47;
	v8 =	vmul.f32 v54, v49  }
0x2cd: {  	v9 =	vmul.f32 v55, v50;
	v57 =	vmul.f32 v56, v51  }
0x2ce: {  	v58 =	vadd.s32 v1, v12  }
0x2cf: {  	v7 =	vadd.f32 v8, v7;
	v59 =	vadd.f32 v57, v9;
	_ =	sdelay $0x1  }
0x2d0: {  	s15 =	sor.u32 $0xD, s30;
	v7 =	vadd.f32 v59, v7  }
0x2d1: {  	s16 =	sshll.u32 s15, $0x7  }
0x2d2: {  	s1 =	sand.u32 $0x3FFFFE80, s16;
	[tilespmem:v58+s22+$0x0] =	vst.idx.msk $0xffff, v7  }
0x2d3: {  	v7 =	vld.idx.msk [tilespmem:v2+s1+$0x0 ss:$0x1], $0xffff  }
0x2d4: {  	v60 =	vld.idx.msk [tilespmem:v2+s1+$0x20 ss:$0x1], $0xffff  }
0x2d5: {  	v61 =	vld.idx.msk [tilespmem:v2+s1+$0x40 ss:$0x1], $0xffff  }
0x2d6: {  	v11 =	vld.idx.msk [tilespmem:v2+s1+$0x60 ss:$0x1], $0xffff  }
0x2d7: {  	v62 =	vbroadcast v6, $0xD  }
0x2d8: {  	v22 =	vbroadcast v4, $0xD;
	v63 =	vmov s15;
	v20 =	vbroadcast v5, $0xD  }
0x2d9: {  	v21 =	vbroadcast v3, $0xD;
	v23 =	vshll.u32 v63, $0x3;
	v12 =	vand.u32 $0x4D, v63  }
0x2da: {  	v16 =	vand.u32 $0xC00, v23;
	v7 =	vmul.f32 v7, v62;
	v8 =	vmul.f32 v60, v20  }
0x2db: {  	v12 =	vor.u32 v12, v16;
	v9 =	vmul.f32 v61, v21;
	v11 =	vmul.f32 v11, v22  }
0x2dc: {  	v16 =	vadd.s32 v0, v12  }
0x2dd: {  	v7 =	vadd.f32 v8, v7;
	v24 =	vadd.f32 v11, v9;
	_ =	sdelay $0x1  }
0x2de: {  	v7 =	vadd.f32 v24, v7;
	_ =	sdelay $0x1  }
0x2df: {  	[tilespmem:v16+s22+$0x0] =	vst.idx.msk $0xffff, v7  }
0x2e0: {  	v7 =	vld.idx.msk [tilespmem:v2+s1+$0x10 ss:$0x1], $0xffff  }
0x2e1: {  	v25 =	vld.idx.msk [tilespmem:v2+s1+$0x30 ss:$0x1], $0xffff  }
0x2e2: {  	v26 =	vld.idx.msk [tilespmem:v2+s1+$0x50 ss:$0x1], $0xffff  }
0x2e3: {  	v27 =	vld.idx.msk [tilespmem:v2+s1+$0x70 ss:$0x1], $0xffff;
	_ =	sdelay $0x3  }
0x2e4: {  	v7 =	vmul.f32 v7, v62;
	v8 =	vmul.f32 v25, v20  }
0x2e5: {  	v9 =	vmul.f32 v26, v21;
	v28 =	vmul.f32 v27, v22  }
0x2e6: {  	v29 =	vadd.s32 v1, v12  }
0x2e7: {  	v7 =	vadd.f32 v8, v7;
	v30 =	vadd.f32 v28, v9;
	_ =	sdelay $0x1  }
0x2e8: {  	s17 =	sor.u32 $0xE, s30;
	v7 =	vadd.f32 v30, v7  }
0x2e9: {  	s18 =	sshll.u32 s17, $0x7  }
0x2ea: {  	s1 =	sand.u32 $0x3FFFFF00, s18;
	[tilespmem:v29+s22+$0x0] =	vst.idx.msk $0xffff, v7  }
0x2eb: {  	v7 =	vld.idx.msk [tilespmem:v2+s1+$0x0 ss:$0x1], $0xffff  }
0x2ec: {  	v31 =	vld.idx.msk [tilespmem:v2+s1+$0x20 ss:$0x1], $0xffff  }
0x2ed: {  	v32 =	vld.idx.msk [tilespmem:v2+s1+$0x40 ss:$0x1], $0xffff  }
0x2ee: {  	v11 =	vld.idx.msk [tilespmem:v2+s1+$0x60 ss:$0x1], $0xffff  }
0x2ef: {  	v33 =	vbroadcast v6, $0xE  }
0x2f0: {  	v37 =	vbroadcast v4, $0xE;
	v34 =	vmov s17;
	v35 =	vbroadcast v5, $0xE  }
0x2f1: {  	v36 =	vbroadcast v3, $0xE;
	v38 =	vshll.u32 v34, $0x3;
	v12 =	vand.u32 $0x4E, v34  }
0x2f2: {  	v16 =	vand.u32 $0xC00, v38;
	v7 =	vmul.f32 v7, v33;
	v8 =	vmul.f32 v31, v35  }
0x2f3: {  	v12 =	vor.u32 v12, v16;
	v9 =	vmul.f32 v32, v36;
	v11 =	vmul.f32 v11, v37  }
0x2f4: {  	v16 =	vadd.s32 v0, v12  }
0x2f5: {  	v7 =	vadd.f32 v8, v7;
	v39 =	vadd.f32 v11, v9;
	_ =	sdelay $0x1  }
0x2f6: {  	v7 =	vadd.f32 v39, v7;
	_ =	sdelay $0x1  }
0x2f7: {  	[tilespmem:v16+s22+$0x0] =	vst.idx.msk $0xffff, v7  }
0x2f8: {  	v7 =	vld.idx.msk [tilespmem:v2+s1+$0x10 ss:$0x1], $0xffff  }
0x2f9: {  	v40 =	vld.idx.msk [tilespmem:v2+s1+$0x30 ss:$0x1], $0xffff  }
0x2fa: {  	v41 =	vld.idx.msk [tilespmem:v2+s1+$0x50 ss:$0x1], $0xffff  }
0x2fb: {  	v42 =	vld.idx.msk [tilespmem:v2+s1+$0x70 ss:$0x1], $0xffff;
	_ =	sdelay $0x3  }
0x2fc: {  	v7 =	vmul.f32 v7, v33;
	v8 =	vmul.f32 v40, v35  }
0x2fd: {  	v9 =	vmul.f32 v41, v36;
	v43 =	vmul.f32 v42, v37  }
0x2fe: {  	v44 =	vadd.s32 v1, v12  }
0x2ff: {  	v7 =	vadd.f32 v8, v7;
	v45 =	vadd.f32 v43, v9;
	_ =	sdelay $0x1  }
0x300: {  	s0 =	sshllo.u32 s29, $0x4;
	v7 =	vadd.f32 v45, v7  }
0x301: {  	s19 =	sshll.u32 s0, $0x7  }
0x302: {  	s31 =	sand.u32 $0x3FFFFF80, s19;
	[tilespmem:v44+s22+$0x0] =	vst.idx.msk $0xffff, v7  }
0x303: {  	s20 =	sor.u32 $0x10, s30;
	v13 =	vld.idx.msk [tilespmem:v2+s31+$0x0 ss:$0x1], $0xffff  }
0x304: {  	s21 =	sand.u32 $0x50, s20;
	v11 =	vld.idx.msk [tilespmem:v2+s31+$0x20 ss:$0x1], $0xffff  }
0x305: {  	s2 =	sadd.s32 s21, s3;
	v12 =	vld.idx.msk [tilespmem:v2+s31+$0x40 ss:$0x1], $0xffff  }
0x306: {  	v10 =	vld [tilespmem:s2+$0x0]  }
0x307: {  	v9 =	vld [tilespmem:s2+$0x80]  }
0x308: {  	s4 =	sshll.u32 s20, $0x7;
	v8 =	vld [tilespmem:s2+$0x100]  }
0x309: {  	s24 =	sand.u32 $0x3FFFF800, s4;
	v7 =	vld [tilespmem:s2+$0x180]  }
0x30a: {  	v46 =	vld.idx.msk [tilespmem:v2+s24+$0x0 ss:$0x1], $0xffff  }
0x30b: {  	v47 =	vld.idx.msk [tilespmem:v2+s24+$0x20 ss:$0x1], $0xffff  }
0x30c: {  	v48 =	vld.idx.msk [tilespmem:v2+s24+$0x40 ss:$0x1], $0xffff  }
0x30d: {  	v18 =	vld.idx.msk [tilespmem:v2+s24+$0x60 ss:$0x1], $0xffff  }
0x30e: {  	v19 =	vmov s20  }
0x30f: {  	v23 =	vshll.u32 v19, $0x3;
	v17 =	vbroadcast v10, $0x0;
	v20 =	vbroadcast v9, $0x0  }
0x310: {  	v19 =	vand.u32 $0x50, v19;
	v21 =	vbroadcast v8, $0x0;
	v22 =	vbroadcast v7, $0x0  }
0x311: {  	v23 =	vand.u32 $0xC00, v23;
	v14 =	vmul.f32 v46, v17;
	v15 =	vmul.f32 v47, v20  }
0x312: {  	v19 =	vor.u32 v19, v23;
	v16 =	vmul.f32 v48, v21;
	v18 =	vmul.f32 v18, v22  }
0x313: {  	v23 =	vadd.s32 v0, v19  }
0x314: {  	v14 =	vadd.f32 v15, v14;
	v49 =	vadd.f32 v18, v16;
	_ =	sdelay $0x1  }
0x315: {  	v14 =	vadd.f32 v49, v14;
	_ =	sdelay $0x1  }
0x316: {  	[tilespmem:v23+s22+$0x0] =	vst.idx.msk $0xffff, v14  }
0x317: {  	v14 =	vld.idx.msk [tilespmem:v2+s24+$0x10 ss:$0x1], $0xffff  }
0x318: {  	v50 =	vld.idx.msk [tilespmem:v2+s24+$0x30 ss:$0x1], $0xffff  }
0x319: {  	v51 =	vld.idx.msk [tilespmem:v2+s24+$0x50 ss:$0x1], $0xffff  }
0x31a: {  	v52 =	vld.idx.msk [tilespmem:v2+s24+$0x70 ss:$0x1], $0xffff;
	_ =	sdelay $0x3  }
0x31b: {  	v14 =	vmul.f32 v14, v17;
	v15 =	vmul.f32 v50, v20  }
0x31c: {  	v16 =	vmul.f32 v51, v21;
	v53 =	vmul.f32 v52, v22  }
0x31d: {  	v54 =	vadd.s32 v1, v19  }
0x31e: {  	v14 =	vadd.f32 v15, v14;
	v55 =	vadd.f32 v53, v16;
	_ =	sdelay $0x1  }
0x31f: {  	s25 =	sor.u32 $0x11, s30;
	v14 =	vadd.f32 v55, v14  }
0x320: {  	s4 =	sshll.u32 s25, $0x7  }
0x321: {  	s2 =	sand.u32 $0x3FFFF880, s4;
	[tilespmem:v54+s22+$0x0] =	vst.idx.msk $0xffff, v14  }
0x322: {  	v14 =	vld.idx.msk [tilespmem:v2+s2+$0x0 ss:$0x1], $0xffff  }
0x323: {  	v56 =	vld.idx.msk [tilespmem:v2+s2+$0x20 ss:$0x1], $0xffff  }
0x324: {  	v57 =	vld.idx.msk [tilespmem:v2+s2+$0x40 ss:$0x1], $0xffff  }
0x325: {  	v18 =	vld.idx.msk [tilespmem:v2+s2+$0x60 ss:$0x1], $0xffff  }
0x326: {  	v59 =	vmov s25  }
0x327: {  	v63 =	vshll.u32 v59, $0x3;
	v58 =	vbroadcast v10, $0x1;
	v60 =	vbroadcast v9, $0x1  }
0x328: {  	v19 =	vand.u32 $0x51, v59;
	v61 =	vbroadcast v8, $0x1;
	v62 =	vbroadcast v7, $0x1  }
0x329: {  	v23 =	vand.u32 $0xC00, v63;
	v14 =	vmul.f32 v14, v58;
	v15 =	vmul.f32 v56, v60  }
0x32a: {  	v19 =	vor.u32 v19, v23;
	v16 =	vmul.f32 v57, v61;
	v18 =	vmul.f32 v18, v62  }
0x32b: {  	v23 =	vadd.s32 v0, v19  }
0x32c: {  	v14 =	vadd.f32 v15, v14;
	v18 =	vadd.f32 v18, v16;
	_ =	sdelay $0x1  }
0x32d: {  	v14 =	vadd.f32 v18, v14;
	_ =	sdelay $0x1  }
0x32e: {  	[tilespmem:v23+s22+$0x0] =	vst.idx.msk $0xffff, v14  }
0x32f: {  	v14 =	vld.idx.msk [tilespmem:v2+s2+$0x10 ss:$0x1], $0xffff  }
0x330: {  	v24 =	vld.idx.msk [tilespmem:v2+s2+$0x30 ss:$0x1], $0xffff  }
0x331: {  	v25 =	vld.idx.msk [tilespmem:v2+s2+$0x50 ss:$0x1], $0xffff  }
0x332: {  	v26 =	vld.idx.msk [tilespmem:v2+s2+$0x70 ss:$0x1], $0xffff;
	_ =	sdelay $0x3  }
0x333: {  	v14 =	vmul.f32 v14, v58;
	v15 =	vmul.f32 v24, v60  }
0x334: {  	v16 =	vmul.f32 v25, v61;
	v27 =	vmul.f32 v26, v62  }
0x335: {  	v28 =	vadd.s32 v1, v19  }
0x336: {  	v14 =	vadd.f32 v15, v14;
	v29 =	vadd.f32 v27, v16;
	_ =	sdelay $0x1  }
0x337: {  	s5 =	sor.u32 $0x12, s30;
	v14 =	vadd.f32 v29, v14  }
0x338: {  	s7 =	sshll.u32 s5, $0x7  }
0x339: {  	s2 =	sand.u32 $0x3FFFF900, s7;
	[tilespmem:v28+s22+$0x0] =	vst.idx.msk $0xffff, v14  }
0x33a: {  	v14 =	vld.idx.msk [tilespmem:v2+s2+$0x0 ss:$0x1], $0xffff  }
0x33b: {  	v30 =	vld.idx.msk [tilespmem:v2+s2+$0x20 ss:$0x1], $0xffff  }
0x33c: {  	v31 =	vld.idx.msk [tilespmem:v2+s2+$0x40 ss:$0x1], $0xffff  }
0x33d: {  	v18 =	vld.idx.msk [tilespmem:v2+s2+$0x60 ss:$0x1], $0xffff  }
0x33e: {  	v33 =	vmov s5  }
0x33f: {  	v37 =	vshll.u32 v33, $0x3;
	v32 =	vbroadcast v10, $0x2;
	v34 =	vbroadcast v9, $0x2  }
0x340: {  	v35 =	vbroadcast v8, $0x2;
	v36 =	vbroadcast v7, $0x2;
	v19 =	vand.u32 $0x52, v33  }
0x341: {  	v23 =	vand.u32 $0xC00, v37;
	v14 =	vmul.f32 v14, v32;
	v15 =	vmul.f32 v30, v34  }
0x342: {  	v19 =	vor.u32 v19, v23;
	v16 =	vmul.f32 v31, v35;
	v18 =	vmul.f32 v18, v36  }
0x343: {  	v23 =	vadd.s32 v0, v19  }
0x344: {  	v14 =	vadd.f32 v15, v14;
	v38 =	vadd.f32 v18, v16;
	_ =	sdelay $0x1  }
0x345: {  	v14 =	vadd.f32 v38, v14;
	_ =	sdelay $0x1  }
0x346: {  	[tilespmem:v23+s22+$0x0] =	vst.idx.msk $0xffff, v14  }
0x347: {  	v14 =	vld.idx.msk [tilespmem:v2+s2+$0x10 ss:$0x1], $0xffff  }
0x348: {  	v39 =	vld.idx.msk [tilespmem:v2+s2+$0x30 ss:$0x1], $0xffff  }
0x349: {  	v40 =	vld.idx.msk [tilespmem:v2+s2+$0x50 ss:$0x1], $0xffff  }
0x34a: {  	v41 =	vld.idx.msk [tilespmem:v2+s2+$0x70 ss:$0x1], $0xffff;
	_ =	sdelay $0x3  }
0x34b: {  	v14 =	vmul.f32 v14, v32;
	v15 =	vmul.f32 v39, v34  }
0x34c: {  	v16 =	vmul.f32 v40, v35;
	v42 =	vmul.f32 v41, v36  }
0x34d: {  	v43 =	vadd.s32 v1, v19  }
0x34e: {  	v14 =	vadd.f32 v15, v14;
	v44 =	vadd.f32 v42, v16;
	_ =	sdelay $0x1  }
0x34f: {  	s8 =	sor.u32 $0x13, s30;
	v14 =	vadd.f32 v44, v14  }
0x350: {  	s10 =	sshll.u32 s8, $0x7  }
0x351: {  	s2 =	sand.u32 $0x3FFFF980, s10;
	[tilespmem:v43+s22+$0x0] =	vst.idx.msk $0xffff, v14  }
0x352: {  	v14 =	vld.idx.msk [tilespmem:v2+s2+$0x0 ss:$0x1], $0xffff  }
0x353: {  	v45 =	vld.idx.msk [tilespmem:v2+s2+$0x20 ss:$0x1], $0xffff  }
0x354: {  	v46 =	vld.idx.msk [tilespmem:v2+s2+$0x40 ss:$0x1], $0xffff  }
0x355: {  	v18 =	vld.idx.msk [tilespmem:v2+s2+$0x60 ss:$0x1], $0xffff  }
0x356: {  	v47 =	vbroadcast v10, $0x3  }
0x357: {  	v48 =	vmov s8;
	v49 =	vbroadcast v9, $0x3;
	v50 =	vbroadcast v8, $0x3  }
0x358: {  	v51 =	vbroadcast v7, $0x3;
	v52 =	vshll.u32 v48, $0x3;
	v19 =	vand.u32 $0x53, v48  }
0x359: {  	v23 =	vand.u32 $0xC00, v52;
	v14 =	vmul.f32 v14, v47;
	v15 =	vmul.f32 v45, v49  }
0x35a: {  	v19 =	vor.u32 v19, v23;
	v16 =	vmul.f32 v46, v50;
	v18 =	vmul.f32 v18, v51  }
0x35b: {  	v23 =	vadd.s32 v0, v19  }
0x35c: {  	v14 =	vadd.f32 v15, v14;
	v53 =	vadd.f32 v18, v16;
	_ =	sdelay $0x1  }
0x35d: {  	v14 =	vadd.f32 v53, v14;
	_ =	sdelay $0x1  }
0x35e: {  	[tilespmem:v23+s22+$0x0] =	vst.idx.msk $0xffff, v14  }
0x35f: {  	v14 =	vld.idx.msk [tilespmem:v2+s2+$0x10 ss:$0x1], $0xffff  }
0x360: {  	v54 =	vld.idx.msk [tilespmem:v2+s2+$0x30 ss:$0x1], $0xffff  }
0x361: {  	v55 =	vld.idx.msk [tilespmem:v2+s2+$0x50 ss:$0x1], $0xffff  }
0x362: {  	v56 =	vld.idx.msk [tilespmem:v2+s2+$0x70 ss:$0x1], $0xffff;
	_ =	sdelay $0x3  }
0x363: {  	s13 =	sor.u32 $0x20, s30;
	v14 =	vmul.f32 v14, v47;
	v15 =	vmul.f32 v54, v49  }
0x364: {  	s5 =	sand.u32 $0x60, s13;
	v16 =	vmul.f32 v55, v50;
	v57 =	vmul.f32 v56, v51  }
0x365: {  	s5 =	sadd.s32 s5, s3;
	s7 =	sshll.u32 s13, $0x7;
	v58 =	vadd.s32 v1, v19  }
0x366: {  	v17 =	vld [tilespmem:s5+$0x180];
	s14 =	sand.u32 $0x3FFFF800, s7;
	v14 =	vadd.f32 v15, v14;
	v59 =	vadd.f32 v57, v16  }
0x367: {  	v27 =	vld.idx.msk [tilespmem:v2+s14+$0x0 ss:$0x1], $0xffff  }
0x368: {  	s11 =	sor.u32 $0x14, s30;
	v16 =	vld [tilespmem:s5+$0x80];
	v14 =	vadd.f32 v59, v14  }
0x369: {  	s12 =	sshll.u32 s11, $0x7;
	v15 =	vld [tilespmem:s5+$0x100]  }
0x36a: {  	s2 =	sand.u32 $0x3FFFFA00, s12;
	[tilespmem:v58+s22+$0x0] =	vst.idx.msk $0xffff, v14;
	v14 =	vld [tilespmem:s5+$0x0]  }
0x36b: {  	v18 =	vld.idx.msk [tilespmem:v2+s2+$0x0 ss:$0x1], $0xffff  }
0x36c: {  	v60 =	vld.idx.msk [tilespmem:v2+s2+$0x20 ss:$0x1], $0xffff  }
0x36d: {  	v63 =	vbroadcast v10, $0x4;
	v33 =	vbroadcast v17, $0x0;
	v61 =	vld.idx.msk [tilespmem:v2+s2+$0x40 ss:$0x1], $0xffff  }
0x36e: {  	v24 =	vbroadcast v8, $0x4;
	v25 =	vbroadcast v7, $0x4;
	v26 =	vmov s11;
	v62 =	vld.idx.msk [tilespmem:v2+s2+$0x60 ss:$0x1], $0xffff  }
0x36f: {  	v28 =	vld.idx.msk [tilespmem:v2+s14+$0x20 ss:$0x1], $0xffff;
	v40 =	vbroadcast v9, $0x4;
	v41 =	vshll.u32 v26, $0x3;
	v42 =	vand.u32 $0x54, v26  }
0x370: {  	v44 =	vld.idx.msk [tilespmem:v2+s14+$0x60 ss:$0x1], $0xffff;
	v46 =	vmov s13;
	v31 =	vbroadcast v16, $0x0;
	v32 =	vbroadcast v15, $0x0  }
0x371: {  	v43 =	vld.idx.msk [tilespmem:v2+s14+$0x40 ss:$0x1], $0xffff;
	v34 =	vshll.u32 v46, $0x3;
	v18 =	vmul.f32 v18, v63;
	v19 =	vmul.f32 v60, v40  }
0x372: {  	v34 =	vand.u32 $0xC00, v34;
	v30 =	vbroadcast v14, $0x0;
	v20 =	vmul.f32 v61, v24  }
0x373: {  	v21 =	vmul.f32 v62, v25;
	v18 =	vadd.f32 v19, v18;
	v19 =	vand.u32 $0xC00, v41  }
0x374: {  	v28 =	vmul.f32 v28, v31;
	v27 =	vmul.f32 v27, v30;
	v29 =	vor.u32 v42, v19  }
0x375: {  	v20 =	vadd.f32 v21, v20;
	v21 =	vand.u32 $0x60, v46;
	v45 =	vadd.s32 v0, v29  }
0x376: {  	s15 =	sor.u32 $0x30, s30;
	v26 =	vmul.f32 v43, v32;
	v19 =	vmul.f32 v44, v33;
	v34 =	vor.u32 v21, v34  }
0x377: {  	s17 =	sshll.u32 s15, $0x7;
	v47 =	vadd.f32 v28, v27;
	v21 =	vadd.s32 v0, v34  }
0x378: {  	s18 =	sand.u32 $0x3FFFF800, s17;
	v18 =	vadd.f32 v20, v18;
	v19 =	vadd.f32 v19, v26  }
0x379: {  	v56 =	vld.idx.msk [tilespmem:v2+s18+$0x0 ss:$0x1], $0xffff  }
0x37a: {  	v59 =	vld.idx.msk [tilespmem:v2+s18+$0x20 ss:$0x1], $0xffff;
	[tilespmem:v45+s22+$0x0] =	vst.idx.msk $0xffff, v18;
	v18 =	vadd.f32 v19, v47  }
0x37b: {  	v20 =	vld.idx.msk [tilespmem:v2+s2+$0x10 ss:$0x1], $0xffff  }
0x37c: {  	v48 =	vld.idx.msk [tilespmem:v2+s2+$0x30 ss:$0x1], $0xffff;
	[tilespmem:v21+s22+$0x0] =	vst.idx.msk $0xffff, v18  }
0x37d: {  	v51 =	vld.idx.msk [tilespmem:v2+s14+$0x10 ss:$0x1], $0xffff  }
0x37e: {  	v35 =	vld.idx.msk [tilespmem:v2+s14+$0x30 ss:$0x1], $0xffff  }
0x37f: {  	v36 =	vld.idx.msk [tilespmem:v2+s14+$0x50 ss:$0x1], $0xffff  }
0x380: {  	v37 =	vld.idx.msk [tilespmem:v2+s14+$0x70 ss:$0x1], $0xffff  }
0x381: {  	s16 =	sand.u32 $0x70, s15;
	v49 =	vld.idx.msk [tilespmem:v2+s2+$0x50 ss:$0x1], $0xffff  }
0x382: {  	v50 =	vld.idx.msk [tilespmem:v2+s2+$0x70 ss:$0x1], $0xffff;
	s2 =	sadd.s32 s16, s3  }
0x383: {  	v21 =	vld [tilespmem:s2+$0x0]  }
0x384: {  	v18 =	vld [tilespmem:s2+$0x80];
	v52 =	vmul.f32 v51, v30;
	v53 =	vmul.f32 v35, v31  }
0x385: {  	v46 =	vmov s15;
	v19 =	vld [tilespmem:s2+$0x100];
	v54 =	vmul.f32 v36, v32;
	v55 =	vmul.f32 v37, v33  }
0x386: {  	v27 =	vand.u32 $0x70, v46;
	v58 =	vadd.s32 v1, v34;
	v22 =	vmul.f32 v20, v63;
	v20 =	vld [tilespmem:s2+$0x180]  }
0x387: {  	v61 =	vld.idx.msk [tilespmem:v2+s18+$0x40 ss:$0x1], $0xffff;
	v47 =	vshll.u32 v46, $0x3;
	v26 =	vadd.f32 v53, v52;
	v60 =	vadd.f32 v55, v54  }
0x388: {  	v62 =	vld.idx.msk [tilespmem:v2+s18+$0x60 ss:$0x1], $0xffff;
	v29 =	vadd.s32 v1, v29;
	v34 =	vand.u32 $0xC00, v47;
	v23 =	vmul.f32 v48, v40  }
0x389: {  	s20 =	sor.u32 $0x21, s30;
	v24 =	vmul.f32 v49, v24;
	v25 =	vmul.f32 v50, v25;
	v26 =	vadd.f32 v60, v26  }
0x38a: {  	s21 =	sshll.u32 s20, $0x7;
	v22 =	vadd.f32 v23, v22;
	v23 =	vbroadcast v21, $0x0;
	v33 =	vbroadcast v18, $0x0  }
0x38b: {  	s3 =	sand.u32 $0x3FFFF880, s21;
	v57 =	vadd.f32 v25, v24;
	v24 =	vbroadcast v19, $0x0;
	[tilespmem:v58+s22+$0x0] =	vst.idx.msk $0xffff, v26;
	v26 =	vbroadcast v20, $0x0  }
0x38c: {  	v27 =	vor.u32 v27, v34;
	v31 =	vmul.f32 v56, v23;
	v25 =	vmul.f32 v59, v33;
	v48 =	vld.idx.msk [tilespmem:v2+s3+$0x0 ss:$0x1], $0xffff  }
0x38d: {  	s19 =	sor.u32 $0x15, s30;
	v22 =	vadd.f32 v57, v22;
	v28 =	vmul.f32 v61, v24;
	v49 =	vld.idx.msk [tilespmem:v2+s3+$0x20 ss:$0x1], $0xffff;
	v30 =	vmul.f32 v62, v26  }
0x38e: {  	s24 =	sshll.u32 s19, $0x7;
	v43 =	vbroadcast v16, $0x1;
	v51 =	vadd.s32 v0, v27;
	v50 =	vld.idx.msk [tilespmem:v2+s3+$0x40 ss:$0x1], $0xffff  }
0x38f: {  	s1 =	sand.u32 $0x3FFFFA80, s24;
	[tilespmem:v29+s22+$0x0] =	vst.idx.msk $0xffff, v22;
	v25 =	vadd.f32 v25, v31;
	v39 =	vld.idx.msk [tilespmem:v2+s3+$0x60 ss:$0x1], $0xffff;
	v28 =	vadd.f32 v30, v28  }
0x390: {  	v38 =	vbroadcast v14, $0x1;
	v41 =	vmov s20;
	v44 =	vbroadcast v15, $0x1;
	v52 =	vld.idx.msk [tilespmem:v2+s1+$0x0 ss:$0x1], $0xffff  }
0x391: {  	v45 =	vbroadcast v17, $0x1;
	v46 =	vshll.u32 v41, $0x3;
	v42 =	vld.idx.msk [tilespmem:v2+s1+$0x20 ss:$0x1], $0xffff;
	v25 =	vadd.f32 v28, v25  }
0x392: {  	v41 =	vand.u32 $0x61, v41;
	v46 =	vand.u32 $0xC00, v46;
	v40 =	vbroadcast v7, $0x5;
	v53 =	vld.idx.msk [tilespmem:v2+s1+$0x40 ss:$0x1], $0xffff  }
0x393: {  	v63 =	vmov s19;
	v47 =	vld.idx.msk [tilespmem:v2+s1+$0x60 ss:$0x1], $0xffff;
	v35 =	vmul.f32 v48, v38;
	v36 =	vmul.f32 v49, v43;
	[tilespmem:v51+s22+$0x0] =	vst.idx.msk $0xffff, v25  }
0x394: {  	v56 =	vor.u32 v41, v46;
	v54 =	vmul.f32 v50, v44;
	v55 =	vmul.f32 v39, v45;
	v57 =	vld.idx.msk [tilespmem:v2+s18+$0x10 ss:$0x1], $0xffff  }
0x395: {  	v59 =	vadd.s32 v0, v56;
	v22 =	vbroadcast v10, $0x5;
	v29 =	vbroadcast v9, $0x5;
	v60 =	vld.idx.msk [tilespmem:v2+s18+$0x30 ss:$0x1], $0xffff  }
0x396: {  	v58 =	vshll.u32 v63, $0x3;
	v35 =	vadd.f32 v36, v35;
	v25 =	vadd.f32 v55, v54;
	v61 =	vld.idx.msk [tilespmem:v2+s18+$0x50 ss:$0x1], $0xffff  }
0x397: {  	v32 =	vand.u32 $0x55, v63;
	v31 =	vbroadcast v8, $0x5;
	v41 =	vand.u32 $0xC00, v58;
	v62 =	vld.idx.msk [tilespmem:v2+s18+$0x70 ss:$0x1], $0xffff  }
0x398: {  	v30 =	vmul.f32 v52, v22;
	v42 =	vmul.f32 v42, v29;
	v25 =	vadd.f32 v25, v35  }
0x399: {  	v32 =	vor.u32 v32, v41;
	v47 =	vmul.f32 v47, v40;
	v28 =	vmul.f32 v53, v31  }
0x39a: {  	v63 =	vadd.s32 v0, v32;
	v30 =	vadd.f32 v42, v30;
	[tilespmem:v59+s22+$0x0] =	vst.idx.msk $0xffff, v25  }
0x39b: {  	v28 =	vadd.f32 v47, v28;
	v25 =	vld.idx.msk [tilespmem:v2+s3+$0x10 ss:$0x1], $0xffff;
	v23 =	vmul.f32 v57, v23;
	v33 =	vmul.f32 v60, v33  }
0x39c: {  	v39 =	vld.idx.msk [tilespmem:v2+s3+$0x30 ss:$0x1], $0xffff;
	v24 =	vmul.f32 v61, v24;
	v26 =	vmul.f32 v62, v26  }
0x39d: {  	v27 =	vadd.s32 v1, v27;
	v28 =	vadd.f32 v28, v30;
	v41 =	vld.idx.msk [tilespmem:v2+s3+$0x50 ss:$0x1], $0xffff  }
0x39e: {  	v42 =	vld.idx.msk [tilespmem:v2+s3+$0x70 ss:$0x1], $0xffff;
	v23 =	vadd.f32 v33, v23;
	v24 =	vadd.f32 v26, v24;
	_ =	sdelay $0x1  }
0x39f: {  	s25 =	sor.u32 $0x31, s30;
	[tilespmem:v63+s22+$0x0] =	vst.idx.msk $0xffff, v28;
	v23 =	vadd.f32 v24, v23  }
0x3a0: {  	s4 =	sshll.u32 s25, $0x7;
	v46 =	vld.idx.msk [tilespmem:v2+s1+$0x10 ss:$0x1], $0xffff  }
0x3a1: {  	s2 =	sand.u32 $0x3FFFF880, s4;
	v47 =	vld.idx.msk [tilespmem:v2+s1+$0x30 ss:$0x1], $0xffff;
	v25 =	vmul.f32 v25, v38;
	v30 =	vmul.f32 v39, v43;
	[tilespmem:v27+s22+$0x0] =	vst.idx.msk $0xffff, v23  }
0x3a2: {  	v49 =	vmul.f32 v41, v44;
	v50 =	vmul.f32 v42, v45;
	v51 =	vld.idx.msk [tilespmem:v2+s2+$0x0 ss:$0x1], $0xffff  }
0x3a3: {  	v52 =	vadd.s32 v1, v56;
	v53 =	vld.idx.msk [tilespmem:v2+s2+$0x20 ss:$0x1], $0xffff  }
0x3a4: {  	v25 =	vadd.f32 v30, v25;
	v23 =	vadd.f32 v50, v49;
	v54 =	vld.idx.msk [tilespmem:v2+s2+$0x40 ss:$0x1], $0xffff  }
0x3a5: {  	v35 =	vbroadcast v18, $0x1;
	v63 =	vadd.s32 v1, v32;
	v55 =	vld.idx.msk [tilespmem:v2+s2+$0x60 ss:$0x1], $0xffff  }
0x3a6: {  	s5 =	sor.u32 $0x22, s30;
	v48 =	vld.idx.msk [tilespmem:v2+s1+$0x50 ss:$0x1], $0xffff;
	v57 =	vmov s25;
	v26 =	vbroadcast v20, $0x1;
	v23 =	vadd.f32 v23, v25  }
0x3a7: {  	s7 =	sshll.u32 s5, $0x7;
	v58 =	vshll.u32 v57, $0x3;
	v22 =	vmul.f32 v46, v22;
	v30 =	vbroadcast v21, $0x1  }
0x3a8: {  	s8 =	sand.u32 $0x3FFFF900, s7;
	v56 =	vld.idx.msk [tilespmem:v2+s1+$0x70 ss:$0x1], $0xffff;
	v36 =	vand.u32 $0xC00, v58;
	v29 =	vmul.f32 v47, v29;
	[tilespmem:v52+s22+$0x0] =	vst.idx.msk $0xffff, v23;
	v23 =	vbroadcast v19, $0x1  }
0x3a9: {  	v25 =	vand.u32 $0x71, v57;
	v59 =	vld.idx.msk [tilespmem:v2+s8+$0x0 ss:$0x1], $0xffff;
	v28 =	vmul.f32 v51, v30;
	v34 =	vmul.f32 v53, v35  }
0x3aa: {  	v25 =	vor.u32 v25, v36;
	v60 =	vld.idx.msk [tilespmem:v2+s8+$0x20 ss:$0x1], $0xffff;
	v27 =	vmul.f32 v54, v23;
	v33 =	vmul.f32 v55, v26  }
0x3ab: {  	v24 =	vmul.f32 v48, v31;
	v39 =	vbroadcast v14, $0x2;
	v36 =	vadd.s32 v0, v25;
	v61 =	vld.idx.msk [tilespmem:v2+s8+$0x40 ss:$0x1], $0xffff  }
0x3ac: {  	v45 =	vmov s5;
	v62 =	vld.idx.msk [tilespmem:v2+s8+$0x60 ss:$0x1], $0xffff;
	v28 =	vadd.f32 v34, v28;
	v27 =	vadd.f32 v33, v27  }
0x3ad: {  	v47 =	vbroadcast v16, $0x2;
	v22 =	vadd.f32 v29, v22;
	v29 =	vmul.f32 v56, v40  }
0x3ae: {  	v44 =	vbroadcast v17, $0x2;
	v48 =	vshll.u32 v45, $0x3;
	v27 =	vadd.f32 v27, v28  }
0x3af: {  	v32 =	vand.u32 $0x62, v45;
	v24 =	vadd.f32 v29, v24;
	v28 =	vbroadcast v15, $0x2  }
0x3b0: {  	v41 =	vand.u32 $0xC00, v48;
	v46 =	vmul.f32 v59, v39;
	v38 =	vmul.f32 v60, v47;
	[tilespmem:v36+s22+$0x0] =	vst.idx.msk $0xffff, v27  }
0x3b1: {  	v32 =	vor.u32 v32, v41;
	v50 =	vmul.f32 v62, v44;
	v49 =	vmul.f32 v61, v28;
	v36 =	vld.idx.msk [tilespmem:v2+s2+$0x10 ss:$0x1], $0xffff  }
0x3b2: {  	v22 =	vadd.f32 v24, v22;
	v51 =	vadd.s32 v0, v32;
	v52 =	vld.idx.msk [tilespmem:v2+s2+$0x30 ss:$0x1], $0xffff  }
0x3b3: {  	s10 =	sor.u32 $0x16, s30;
	v33 =	vadd.f32 v38, v46;
	v53 =	vld.idx.msk [tilespmem:v2+s2+$0x50 ss:$0x1], $0xffff;
	v27 =	vadd.f32 v50, v49  }
0x3b4: {  	s11 =	sshll.u32 s10, $0x7;
	v54 =	vld.idx.msk [tilespmem:v2+s2+$0x70 ss:$0x1], $0xffff  }
0x3b5: {  	s12 =	sand.u32 $0x3FFFFB00, s11;
	[tilespmem:v63+s22+$0x0] =	vst.idx.msk $0xffff, v22;
	v55 =	vadd.f32 v27, v33  }
0x3b6: {  	v56 =	vld.idx.msk [tilespmem:v2+s12+$0x0 ss:$0x1], $0xffff  }
0x3b7: {  	v29 =	vld.idx.msk [tilespmem:v2+s12+$0x20 ss:$0x1], $0xffff;
	[tilespmem:v51+s22+$0x0] =	vst.idx.msk $0xffff, v55  }
0x3b8: {  	v57 =	vmul.f32 v36, v30;
	v58 =	vmul.f32 v52, v35;
	v22 =	vld.idx.msk [tilespmem:v2+s8+$0x10 ss:$0x1], $0xffff  }
0x3b9: {  	v23 =	vmul.f32 v53, v23;
	v26 =	vmul.f32 v54, v26;
	v59 =	vld.idx.msk [tilespmem:v2+s8+$0x30 ss:$0x1], $0xffff  }
0x3ba: {  	v25 =	vadd.s32 v1, v25;
	v60 =	vld.idx.msk [tilespmem:v2+s8+$0x50 ss:$0x1], $0xffff  }
0x3bb: {  	v31 =	vbroadcast v10, $0x6;
	v61 =	vld.idx.msk [tilespmem:v2+s8+$0x70 ss:$0x1], $0xffff;
	v24 =	vadd.f32 v58, v57;
	v23 =	vadd.f32 v26, v23  }
0x3bc: {  	v46 =	vld.idx.msk [tilespmem:v2+s12+$0x60 ss:$0x1], $0xffff;
	v36 =	vbroadcast v9, $0x6  }
0x3bd: {  	s13 =	sor.u32 $0x32, s30;
	v40 =	vbroadcast v18, $0x2;
	v62 =	vmul.f32 v56, v31;
	v23 =	vadd.f32 v23, v24  }
0x3be: {  	s14 =	sshll.u32 s13, $0x7;
	v45 =	vld.idx.msk [tilespmem:v2+s12+$0x40 ss:$0x1], $0xffff;
	v30 =	vbroadcast v7, $0x6;
	v63 =	vmul.f32 v29, v36  }
0x3bf: {  	s1 =	sand.u32 $0x3FFFF900, s14;
	v22 =	vmul.f32 v22, v39;
	v33 =	vmul.f32 v59, v47;
	[tilespmem:v25+s22+$0x0] =	vst.idx.msk $0xffff, v23  }
0x3c0: {  	v32 =	vadd.s32 v1, v32;
	v48 =	vmul.f32 v60, v28;
	v49 =	vmul.f32 v61, v44;
	v50 =	vld.idx.msk [tilespmem:v2+s1+$0x0 ss:$0x1], $0xffff  }
0x3c1: {  	v29 =	vbroadcast v8, $0x6;
	v55 =	vmul.f32 v46, v30;
	v57 =	vmov s13;
	v52 =	vld.idx.msk [tilespmem:v2+s1+$0x20 ss:$0x1], $0xffff  }
0x3c2: {  	v47 =	vmov s10;
	v53 =	vld.idx.msk [tilespmem:v2+s1+$0x40 ss:$0x1], $0xffff;
	v22 =	vadd.f32 v33, v22;
	v25 =	vadd.f32 v49, v48  }
0x3c3: {  	v58 =	vshll.u32 v57, $0x3;
	v24 =	vmul.f32 v45, v29;
	v23 =	vshll.u32 v47, $0x3;
	v54 =	vld.idx.msk [tilespmem:v2+s1+$0x60 ss:$0x1], $0xffff  }
0x3c4: {  	s15 =	sor.u32 $0x23, s30;
	v51 =	vand.u32 $0x56, v47;
	v23 =	vand.u32 $0xC00, v23;
	v22 =	vadd.f32 v25, v22  }
0x3c5: {  	s16 =	sshll.u32 s15, $0x7;
	v41 =	vand.u32 $0xC00, v58;
	v33 =	vbroadcast v21, $0x2;
	v23 =	vor.u32 v51, v23  }
0x3c6: {  	s17 =	sand.u32 $0x3FFFF980, s16;
	v56 =	vadd.s32 v0, v23;
	[tilespmem:v32+s22+$0x0] =	vst.idx.msk $0xffff, v22;
	v22 =	vbroadcast v19, $0x2;
	v32 =	vbroadcast v20, $0x2  }
0x3c7: {  	v25 =	vand.u32 $0x72, v57;
	v34 =	vmul.f32 v50, v33;
	v37 =	vmul.f32 v52, v40;
	v59 =	vld.idx.msk [tilespmem:v2+s17+$0x0 ss:$0x1], $0xffff  }
0x3c8: {  	v25 =	vor.u32 v25, v41;
	v60 =	vld.idx.msk [tilespmem:v2+s17+$0x20 ss:$0x1], $0xffff;
	v28 =	vmul.f32 v53, v22;
	v35 =	vmul.f32 v54, v32  }
0x3c9: {  	v26 =	vadd.f32 v63, v62;
	v24 =	vadd.f32 v55, v24;
	v62 =	vadd.s32 v0, v25;
	v61 =	vld.idx.msk [tilespmem:v2+s17+$0x40 ss:$0x1], $0xffff  }
0x3ca: {  	v47 =	vmov s15;
	v63 =	vld.idx.msk [tilespmem:v2+s17+$0x60 ss:$0x1], $0xffff;
	v34 =	vadd.f32 v37, v34;
	v28 =	vadd.f32 v35, v28  }
0x3cb: {  	v24 =	vadd.f32 v24, v26;
	v49 =	vbroadcast v16, $0x3;
	v26 =	vand.u32 $0x63, v47  }
0x3cc: {  	v41 =	vbroadcast v14, $0x3;
	v52 =	vshll.u32 v47, $0x3;
	v28 =	vadd.f32 v28, v34  }
0x3cd: {  	v51 =	vbroadcast v17, $0x3;
	v50 =	vbroadcast v15, $0x3;
	v39 =	vand.u32 $0xC00, v52;
	[tilespmem:v56+s22+$0x0] =	vst.idx.msk $0xffff, v24  }
0x3ce: {  	v53 =	vld.idx.msk [tilespmem:v2+s12+$0x10 ss:$0x1], $0xffff;
	v48 =	vmul.f32 v59, v41;
	v43 =	vmul.f32 v60, v49;
	[tilespmem:v62+s22+$0x0] =	vst.idx.msk $0xffff, v28  }
0x3cf: {  	v26 =	vor.u32 v26, v39;
	v27 =	vmul.f32 v61, v50;
	v54 =	vmul.f32 v63, v51;
	v38 =	vld.idx.msk [tilespmem:v2+s1+$0x10 ss:$0x1], $0xffff  }
0x3d0: {  	v39 =	vadd.s32 v0, v26;
	v55 =	vld.idx.msk [tilespmem:v2+s1+$0x30 ss:$0x1], $0xffff  }
0x3d1: {  	v35 =	vadd.f32 v43, v48;
	v27 =	vadd.f32 v54, v27;
	v56 =	vld.idx.msk [tilespmem:v2+s1+$0x50 ss:$0x1], $0xffff  }
0x3d2: {  	v57 =	vld.idx.msk [tilespmem:v2+s1+$0x70 ss:$0x1], $0xffff  }
0x3d3: {  	v58 =	vld.idx.msk [tilespmem:v2+s12+$0x30 ss:$0x1], $0xffff;
	v27 =	vadd.f32 v27, v35  }
0x3d4: {  	v59 =	vld.idx.msk [tilespmem:v2+s12+$0x50 ss:$0x1], $0xffff  }
0x3d5: {  	v60 =	vld.idx.msk [tilespmem:v2+s12+$0x70 ss:$0x1], $0xffff;
	[tilespmem:v39+s22+$0x0] =	vst.idx.msk $0xffff, v27  }
0x3d6: {  	v27 =	vld.idx.msk [tilespmem:v2+s17+$0x10 ss:$0x1], $0xffff;
	v33 =	vmul.f32 v38, v33;
	v61 =	vmul.f32 v55, v40  }
0x3d7: {  	v39 =	vld.idx.msk [tilespmem:v2+s17+$0x30 ss:$0x1], $0xffff;
	v22 =	vmul.f32 v56, v22;
	v62 =	vmul.f32 v57, v32  }
0x3d8: {  	v25 =	vadd.s32 v1, v25;
	v63 =	vld.idx.msk [tilespmem:v2+s17+$0x50 ss:$0x1], $0xffff  }
0x3d9: {  	v44 =	vld.idx.msk [tilespmem:v2+s17+$0x70 ss:$0x1], $0xffff;
	v33 =	vadd.f32 v61, v33;
	v22 =	vadd.f32 v62, v22;
	_ =	sdelay $0x1  }
0x3da: {  	s18 =	sor.u32 $0x33, s30;
	v47 =	vmul.f32 v53, v31;
	v48 =	vmul.f32 v58, v36;
	v22 =	vadd.f32 v22, v33  }
0x3db: {  	s19 =	sshll.u32 s18, $0x7;
	v29 =	vmul.f32 v59, v29;
	v30 =	vmul.f32 v60, v30  }
0x3dc: {  	s2 =	sand.u32 $0x3FFFF980, s19;
	v27 =	vmul.f32 v27, v41;
	v49 =	vmul.f32 v39, v49;
	[tilespmem:v25+s22+$0x0] =	vst.idx.msk $0xffff, v22  }
0x3dd: {  	v23 =	vadd.s32 v1, v23;
	v50 =	vmul.f32 v63, v50;
	v51 =	vmul.f32 v44, v51;
	v25 =	vld.idx.msk [tilespmem:v2+s2+$0x0 ss:$0x1], $0xffff  }
0x3de: {  	v26 =	vadd.s32 v1, v26;
	v28 =	vadd.f32 v48, v47;
	v29 =	vadd.f32 v30, v29;
	v52 =	vld.idx.msk [tilespmem:v2+s2+$0x20 ss:$0x1], $0xffff  }
0x3df: {  	v27 =	vadd.f32 v49, v27;
	v22 =	vadd.f32 v51, v50;
	v53 =	vld.idx.msk [tilespmem:v2+s2+$0x40 ss:$0x1], $0xffff  }
0x3e0: {  	s20 =	sor.u32 $0x17, s30;
	v28 =	vadd.f32 v29, v28;
	v54 =	vld.idx.msk [tilespmem:v2+s2+$0x60 ss:$0x1], $0xffff  }
0x3e1: {  	s21 =	sor.u32 $0x24, s30;
	s25 =	sshll.u32 s20, $0x7;
	v55 =	vmov s18;
	v22 =	vadd.f32 v22, v27  }
0x3e2: {  	s24 =	sshll.u32 s21, $0x7;
	s1 =	sand.u32 $0x3FFFFB80, s25;
	v29 =	vbroadcast v21, $0x3;
	v56 =	vshll.u32 v55, $0x3;
	[tilespmem:v23+s22+$0x0] =	vst.idx.msk $0xffff, v28;
	v33 =	vbroadcast v18, $0x3  }
0x3e3: {  	s3 =	sand.u32 $0x3FFFFA00, s24;
	v34 =	vand.u32 $0xC00, v56;
	v62 =	vld.idx.msk [tilespmem:v2+s1+$0x0 ss:$0x1], $0xffff;
	[tilespmem:v26+s22+$0x0] =	vst.idx.msk $0xffff, v22;
	v22 =	vbroadcast v19, $0x3;
	v26 =	vbroadcast v20, $0x3  }
0x3e4: {  	v27 =	vand.u32 $0x73, v55;
	v57 =	vld.idx.msk [tilespmem:v2+s3+$0x0 ss:$0x1], $0xffff;
	v25 =	vmul.f32 v25, v29;
	v30 =	vmul.f32 v52, v33  }
0x3e5: {  	v27 =	vor.u32 v27, v34;
	v58 =	vld.idx.msk [tilespmem:v2+s3+$0x20 ss:$0x1], $0xffff;
	v24 =	vmul.f32 v53, v22;
	v31 =	vmul.f32 v54, v26  }
0x3e6: {  	v60 =	vadd.s32 v0, v27;
	v59 =	vld.idx.msk [tilespmem:v2+s3+$0x40 ss:$0x1], $0xffff  }
0x3e7: {  	v61 =	vld.idx.msk [tilespmem:v2+s3+$0x60 ss:$0x1], $0xffff;
	v25 =	vadd.f32 v30, v25;
	v24 =	vadd.f32 v31, v24  }
0x3e8: {  	v43 =	vbroadcast v16, $0x4;
	v63 =	vmov s21;
	v48 =	vld.idx.msk [tilespmem:v2+s1+$0x20 ss:$0x1], $0xffff  }
0x3e9: {  	v38 =	vbroadcast v14, $0x4;
	v41 =	vand.u32 $0x64, v63;
	v49 =	vld.idx.msk [tilespmem:v2+s1+$0x40 ss:$0x1], $0xffff;
	v24 =	vadd.f32 v24, v25  }
0x3ea: {  	v50 =	vbroadcast v15, $0x4;
	v51 =	vbroadcast v17, $0x4;
	v52 =	vshll.u32 v63, $0x3;
	v53 =	vld.idx.msk [tilespmem:v2+s1+$0x60 ss:$0x1], $0xffff  }
0x3eb: {  	v46 =	vand.u32 $0xC00, v52;
	v35 =	vmul.f32 v57, v38;
	v36 =	vmul.f32 v58, v43;
	[tilespmem:v60+s22+$0x0] =	vst.idx.msk $0xffff, v24  }
0x3ec: {  	v56 =	vor.u32 v41, v46;
	v54 =	vmul.f32 v59, v50;
	v55 =	vmul.f32 v61, v51;
	v57 =	vld.idx.msk [tilespmem:v2+s2+$0x10 ss:$0x1], $0xffff  }
0x3ed: {  	v23 =	vbroadcast v10, $0x7;
	v59 =	vadd.s32 v0, v56;
	v60 =	vld.idx.msk [tilespmem:v2+s2+$0x30 ss:$0x1], $0xffff  }
0x3ee: {  	v35 =	vadd.f32 v36, v35;
	v24 =	vadd.f32 v55, v54;
	v61 =	vld.idx.msk [tilespmem:v2+s2+$0x50 ss:$0x1], $0xffff  }
0x3ef: {  	v32 =	vmov s20;
	v28 =	vbroadcast v9, $0x7;
	v30 =	vmul.f32 v62, v23;
	v62 =	vld.idx.msk [tilespmem:v2+s2+$0x70 ss:$0x1], $0xffff  }
0x3f0: {  	v40 =	vbroadcast v7, $0x7;
	v31 =	vbroadcast v8, $0x7;
	v24 =	vadd.f32 v24, v35  }
0x3f1: {  	v42 =	vmul.f32 v48, v28;
	v58 =	vshll.u32 v32, $0x3;
	v32 =	vand.u32 $0x57, v32  }
0x3f2: {  	v25 =	vmul.f32 v49, v31;
	v41 =	vand.u32 $0xC00, v58;
	v47 =	vmul.f32 v53, v40;
	[tilespmem:v59+s22+$0x0] =	vst.idx.msk $0xffff, v24  }
0x3f3: {  	v32 =	vor.u32 v32, v41;
	v24 =	vld.idx.msk [tilespmem:v2+s3+$0x10 ss:$0x1], $0xffff;
	v29 =	vmul.f32 v57, v29;
	v33 =	vmul.f32 v60, v33  }
0x3f4: {  	v63 =	vadd.s32 v0, v32;
	v39 =	vld.idx.msk [tilespmem:v2+s3+$0x30 ss:$0x1], $0xffff;
	v22 =	vmul.f32 v61, v22;
	v26 =	vmul.f32 v62, v26  }
0x3f5: {  	v27 =	vadd.s32 v1, v27;
	v30 =	vadd.f32 v42, v30;
	v25 =	vadd.f32 v47, v25;
	v41 =	vld.idx.msk [tilespmem:v2+s3+$0x50 ss:$0x1], $0xffff  }
0x3f6: {  	v42 =	vld.idx.msk [tilespmem:v2+s3+$0x70 ss:$0x1], $0xffff;
	v29 =	vadd.f32 v33, v29;
	v22 =	vadd.f32 v26, v22  }
0x3f7: {  	v25 =	vadd.f32 v25, v30  }
0x3f8: {  	s4 =	sor.u32 $0x34, s30;
	v22 =	vadd.f32 v22, v29  }
0x3f9: {  	s5 =	sshll.u32 s4, $0x7;
	[tilespmem:v63+s22+$0x0] =	vst.idx.msk $0xffff, v25  }
0x3fa: {  	s2 =	sand.u32 $0x3FFFFA00, s5;
	v46 =	vld.idx.msk [tilespmem:v2+s1+$0x10 ss:$0x1], $0xffff;
	v24 =	vmul.f32 v24, v38;
	v30 =	vmul.f32 v39, v43;
	[tilespmem:v27+s22+$0x0] =	vst.idx.msk $0xffff, v22  }
0x3fb: {  	v49 =	vmul.f32 v41, v50;
	v25 =	vmul.f32 v42, v51;
	v27 =	vld.idx.msk [tilespmem:v2+s2+$0x0 ss:$0x1], $0xffff  }
0x3fc: {  	v50 =	vadd.s32 v1, v56;
	v51 =	vld.idx.msk [tilespmem:v2+s2+$0x20 ss:$0x1], $0xffff  }
0x3fd: {  	v24 =	vadd.f32 v30, v24;
	v22 =	vadd.f32 v25, v49;
	v52 =	vld.idx.msk [tilespmem:v2+s2+$0x40 ss:$0x1], $0xffff  }
0x3fe: {  	v45 =	vbroadcast v15, $0x5;
	v53 =	vld.idx.msk [tilespmem:v2+s2+$0x60 ss:$0x1], $0xffff  }
0x3ff: {  	s7 =	sor.u32 $0x25, s30;
	v44 =	vbroadcast v16, $0x5;
	v55 =	vmov s4;
	v47 =	vld.idx.msk [tilespmem:v2+s1+$0x30 ss:$0x1], $0xffff;
	v22 =	vadd.f32 v22, v24  }
0x400: {  	s8 =	sshll.u32 s7, $0x7;
	v35 =	vbroadcast v18, $0x4;
	v48 =	vld.idx.msk [tilespmem:v2+s1+$0x50 ss:$0x1], $0xffff;
	v56 =	vshll.u32 v55, $0x3;
	v30 =	vbroadcast v21, $0x4  }
0x401: {  	s10 =	sand.u32 $0x3FFFFA80, s8;
	v54 =	vld.idx.msk [tilespmem:v2+s1+$0x70 ss:$0x1], $0xffff;
	v26 =	vbroadcast v20, $0x4;
	v36 =	vand.u32 $0xC00, v56;
	[tilespmem:v50+s22+$0x0] =	vst.idx.msk $0xffff, v22;
	v22 =	vbroadcast v19, $0x4  }
0x402: {  	v24 =	vand.u32 $0x74, v55;
	v57 =	vld.idx.msk [tilespmem:v2+s10+$0x0 ss:$0x1], $0xffff;
	v27 =	vmul.f32 v27, v30;
	v34 =	vmul.f32 v51, v35  }
0x403: {  	v24 =	vor.u32 v24, v36;
	v58 =	vld.idx.msk [tilespmem:v2+s10+$0x20 ss:$0x1], $0xffff;
	v25 =	vmul.f32 v52, v22;
	v33 =	vmul.f32 v53, v26  }
0x404: {  	v61 =	vadd.s32 v1, v32;
	v62 =	vmov s7;
	v36 =	vadd.s32 v0, v24;
	v59 =	vld.idx.msk [tilespmem:v2+s10+$0x40 ss:$0x1], $0xffff  }
0x405: {  	v39 =	vbroadcast v14, $0x5;
	v60 =	vld.idx.msk [tilespmem:v2+s10+$0x60 ss:$0x1], $0xffff;
	v27 =	vadd.f32 v34, v27;
	v25 =	vadd.f32 v33, v25  }
0x406: {  	v32 =	vand.u32 $0x65, v62;
	v23 =	vmul.f32 v46, v23;
	v28 =	vmul.f32 v47, v28  }
0x407: {  	v29 =	vmul.f32 v48, v31;
	v46 =	vbroadcast v17, $0x5;
	v25 =	vadd.f32 v25, v27  }
0x408: {  	v47 =	vshll.u32 v62, $0x3;
	v23 =	vadd.f32 v28, v23;
	v28 =	vmul.f32 v54, v40  }
0x409: {  	v41 =	vand.u32 $0xC00, v47;
	v63 =	vmul.f32 v57, v39;
	v38 =	vmul.f32 v58, v44;
	[tilespmem:v36+s22+$0x0] =	vst.idx.msk $0xffff, v25  }
0x40a: {  	v32 =	vor.u32 v32, v41;
	v48 =	vmul.f32 v59, v45;
	v49 =	vmul.f32 v60, v46;
	v36 =	vld.idx.msk [tilespmem:v2+s2+$0x10 ss:$0x1], $0xffff  }
0x40b: {  	v28 =	vadd.f32 v28, v29;
	v50 =	vadd.s32 v0, v32;
	v51 =	vld.idx.msk [tilespmem:v2+s2+$0x30 ss:$0x1], $0xffff  }
0x40c: {  	v33 =	vadd.f32 v38, v63;
	v25 =	vadd.f32 v49, v48;
	v52 =	vld.idx.msk [tilespmem:v2+s2+$0x50 ss:$0x1], $0xffff  }
0x40d: {  	s11 =	sor.u32 $0x18, s30;
	v23 =	vadd.f32 v28, v23;
	v53 =	vld.idx.msk [tilespmem:v2+s2+$0x70 ss:$0x1], $0xffff  }
0x40e: {  	s12 =	sshll.u32 s11, $0x7;
	v54 =	vadd.f32 v25, v33  }
0x40f: {  	s13 =	sand.u32 $0x3FFFFC00, s12;
	[tilespmem:v61+s22+$0x0] =	vst.idx.msk $0xffff, v23  }
0x410: {  	v55 =	vld.idx.msk [tilespmem:v2+s13+$0x0 ss:$0x1], $0xffff;
	[tilespmem:v50+s22+$0x0] =	vst.idx.msk $0xffff, v54  }
0x411: {  	v23 =	vld.idx.msk [tilespmem:v2+s10+$0x10 ss:$0x1], $0xffff;
	v56 =	vmul.f32 v36, v30;
	v57 =	vmul.f32 v51, v35  }
0x412: {  	v58 =	vld.idx.msk [tilespmem:v2+s10+$0x30 ss:$0x1], $0xffff;
	v22 =	vmul.f32 v52, v22;
	v26 =	vmul.f32 v53, v26  }
0x413: {  	v24 =	vadd.s32 v1, v24;
	v59 =	vld.idx.msk [tilespmem:v2+s10+$0x50 ss:$0x1], $0xffff  }
0x414: {  	v60 =	vld.idx.msk [tilespmem:v2+s10+$0x70 ss:$0x1], $0xffff;
	v28 =	vadd.f32 v57, v56;
	v22 =	vadd.f32 v26, v22  }
0x415: {  	v31 =	vbroadcast v10, $0x8;
	v29 =	vld.idx.msk [tilespmem:v2+s13+$0x20 ss:$0x1], $0xffff  }
0x416: {  	s14 =	sor.u32 $0x35, s30;
	v40 =	vbroadcast v18, $0x5;
	v22 =	vadd.f32 v22, v28  }
0x417: {  	s15 =	sshll.u32 s14, $0x7;
	v32 =	vadd.s32 v1, v32;
	v63 =	vld.idx.msk [tilespmem:v2+s13+$0x60 ss:$0x1], $0xffff;
	v25 =	vmul.f32 v55, v31;
	v36 =	vbroadcast v9, $0x8  }
0x418: {  	s1 =	sand.u32 $0x3FFFFA80, s15;
	v62 =	vld.idx.msk [tilespmem:v2+s13+$0x40 ss:$0x1], $0xffff;
	v54 =	vmov s14;
	v23 =	vmul.f32 v23, v39;
	v33 =	vmul.f32 v58, v44;
	[tilespmem:v24+s22+$0x0] =	vst.idx.msk $0xffff, v22  }
0x419: {  	v55 =	vshll.u32 v54, $0x3;
	v45 =	vmul.f32 v59, v45;
	v46 =	vmul.f32 v60, v46;
	v47 =	vld.idx.msk [tilespmem:v2+s1+$0x0 ss:$0x1], $0xffff  }
0x41a: {  	v30 =	vbroadcast v7, $0x8;
	v41 =	vand.u32 $0xC00, v55;
	v61 =	vmul.f32 v29, v36;
	v49 =	vld.idx.msk [tilespmem:v2+s1+$0x20 ss:$0x1], $0xffff  }
0x41b: {  	v44 =	vmov s11;
	v23 =	vadd.f32 v33, v23;
	v24 =	vadd.f32 v46, v45;
	v50 =	vld.idx.msk [tilespmem:v2+s1+$0x40 ss:$0x1], $0xffff  }
0x41c: {  	v29 =	vbroadcast v8, $0x8;
	v52 =	vmul.f32 v63, v30;
	v22 =	vshll.u32 v44, $0x3;
	v51 =	vld.idx.msk [tilespmem:v2+s1+$0x60 ss:$0x1], $0xffff  }
0x41d: {  	s16 =	sor.u32 $0x26, s30;
	v48 =	vand.u32 $0x58, v44;
	v22 =	vand.u32 $0xC00, v22;
	v23 =	vadd.f32 v24, v23  }
0x41e: {  	s17 =	sshll.u32 s16, $0x7;
	v28 =	vmul.f32 v62, v29;
	v33 =	vbroadcast v21, $0x5;
	v22 =	vor.u32 v48, v22  }
0x41f: {  	s18 =	sand.u32 $0x3FFFFB00, s17;
	v24 =	vand.u32 $0x75, v54;
	[tilespmem:v32+s22+$0x0] =	vst.idx.msk $0xffff, v23;
	v23 =	vbroadcast v19, $0x5;
	v32 =	vbroadcast v20, $0x5  }
0x420: {  	v53 =	vadd.s32 v0, v22;
	v56 =	vld.idx.msk [tilespmem:v2+s18+$0x0 ss:$0x1], $0xffff;
	v34 =	vmul.f32 v47, v33;
	v37 =	vmul.f32 v49, v40  }
0x421: {  	v24 =	vor.u32 v24, v41;
	v57 =	vld.idx.msk [tilespmem:v2+s18+$0x20 ss:$0x1], $0xffff;
	v27 =	vmul.f32 v50, v23;
	v35 =	vmul.f32 v51, v32  }
0x422: {  	v25 =	vadd.f32 v61, v25;
	v58 =	vadd.f32 v52, v28;
	v60 =	vadd.s32 v0, v24;
	v59 =	vld.idx.msk [tilespmem:v2+s18+$0x40 ss:$0x1], $0xffff  }
0x423: {  	v62 =	vmov s16;
	v61 =	vld.idx.msk [tilespmem:v2+s18+$0x60 ss:$0x1], $0xffff;
	v34 =	vadd.f32 v37, v34;
	v27 =	vadd.f32 v35, v27  }
0x424: {  	v26 =	vand.u32 $0x66, v62;
	v25 =	vadd.f32 v58, v25;
	v48 =	vbroadcast v16, $0x6  }
0x425: {  	v41 =	vbroadcast v14, $0x6;
	v50 =	vshll.u32 v62, $0x3;
	v27 =	vadd.f32 v27, v34  }
0x426: {  	v49 =	vbroadcast v15, $0x6;
	v39 =	vand.u32 $0xC00, v50;
	[tilespmem:v53+s22+$0x0] =	vst.idx.msk $0xffff, v25;
	v34 =	vbroadcast v17, $0x6  }
0x427: {  	v51 =	vld.idx.msk [tilespmem:v2+s13+$0x10 ss:$0x1], $0xffff;
	v63 =	vmul.f32 v56, v41;
	v43 =	vmul.f32 v57, v48;
	[tilespmem:v60+s22+$0x0] =	vst.idx.msk $0xffff, v27  }
0x428: {  	v26 =	vor.u32 v26, v39;
	v52 =	vmul.f32 v59, v49;
	v53 =	vmul.f32 v61, v34;
	v38 =	vld.idx.msk [tilespmem:v2+s1+$0x10 ss:$0x1], $0xffff  }
0x429: {  	v39 =	vadd.s32 v0, v26;
	v54 =	vld.idx.msk [tilespmem:v2+s1+$0x30 ss:$0x1], $0xffff  }
0x42a: {  	v35 =	vadd.f32 v43, v63;
	v55 =	vld.idx.msk [tilespmem:v2+s1+$0x50 ss:$0x1], $0xffff;
	v27 =	vadd.f32 v53, v52  }
0x42b: {  	v56 =	vld.idx.msk [tilespmem:v2+s1+$0x70 ss:$0x1], $0xffff  }
0x42c: {  	v58 =	vld.idx.msk [tilespmem:v2+s13+$0x50 ss:$0x1], $0xffff;
	v27 =	vadd.f32 v27, v35  }
0x42d: {  	v57 =	vld.idx.msk [tilespmem:v2+s13+$0x30 ss:$0x1], $0xffff  }
0x42e: {  	v59 =	vld.idx.msk [tilespmem:v2+s13+$0x70 ss:$0x1], $0xffff;
	[tilespmem:v39+s22+$0x0] =	vst.idx.msk $0xffff, v27  }
0x42f: {  	v33 =	vmul.f32 v38, v33;
	v60 =	vmul.f32 v54, v40;
	v27 =	vld.idx.msk [tilespmem:v2+s18+$0x10 ss:$0x1], $0xffff  }
0x430: {  	v23 =	vmul.f32 v55, v23;
	v61 =	vmul.f32 v56, v32;
	v39 =	vld.idx.msk [tilespmem:v2+s18+$0x30 ss:$0x1], $0xffff  }
0x431: {  	v24 =	vadd.s32 v1, v24;
	v62 =	vld.idx.msk [tilespmem:v2+s18+$0x50 ss:$0x1], $0xffff  }
0x432: {  	v63 =	vld.idx.msk [tilespmem:v2+s18+$0x70 ss:$0x1], $0xffff;
	v33 =	vadd.f32 v60, v33;
	v23 =	vadd.f32 v61, v23;
	_ =	sdelay $0x1  }
0x433: {  	s19 =	sor.u32 $0x36, s30;
	v44 =	vmul.f32 v51, v31;
	v29 =	vmul.f32 v58, v29;
	v23 =	vadd.f32 v23, v33  }
0x434: {  	s20 =	sshll.u32 s19, $0x7;
	v47 =	vmul.f32 v57, v36;
	v30 =	vmul.f32 v59, v30  }
0x435: {  	s2 =	sand.u32 $0x3FFFFB00, s20;
	v27 =	vmul.f32 v27, v41;
	v48 =	vmul.f32 v39, v48;
	[tilespmem:v24+s22+$0x0] =	vst.idx.msk $0xffff, v23  }
0x436: {  	v49 =	vmul.f32 v62, v49;
	v50 =	vmul.f32 v63, v34;
	v51 =	vld.idx.msk [tilespmem:v2+s2+$0x0 ss:$0x1], $0xffff  }
0x437: {  	v26 =	vadd.s32 v1, v26;
	v28 =	vadd.f32 v47, v44;
	v29 =	vadd.f32 v30, v29;
	v52 =	vld.idx.msk [tilespmem:v2+s2+$0x20 ss:$0x1], $0xffff  }
0x438: {  	v53 =	vld.idx.msk [tilespmem:v2+s2+$0x40 ss:$0x1], $0xffff;
	v27 =	vadd.f32 v48, v27;
	v23 =	vadd.f32 v50, v49  }
0x439: {  	v22 =	vadd.s32 v1, v22;
	v54 =	vld.idx.msk [tilespmem:v2+s2+$0x60 ss:$0x1], $0xffff  }
0x43a: {  	s24 =	sor.u32 $0x27, s30;
	v55 =	vmov s19;
	v28 =	vadd.f32 v29, v28;
	v23 =	vadd.f32 v23, v27  }
0x43b: {  	s25 =	sshll.u32 s24, $0x7;
	v29 =	vbroadcast v21, $0x6;
	v56 =	vshll.u32 v55, $0x3;
	v33 =	vbroadcast v18, $0x6  }
0x43c: {  	s3 =	sand.u32 $0x3FFFFB80, s25;
	v34 =	vand.u32 $0xC00, v56;
	[tilespmem:v26+s22+$0x0] =	vst.idx.msk $0xffff, v23;
	v23 =	vbroadcast v19, $0x6;
	v26 =	vbroadcast v20, $0x6  }
0x43d: {  	v27 =	vand.u32 $0x76, v55;
	v25 =	vmul.f32 v51, v29;
	v30 =	vmul.f32 v52, v33;
	v57 =	vld.idx.msk [tilespmem:v2+s3+$0x0 ss:$0x1], $0xffff  }
0x43e: {  	s21 =	sor.u32 $0x19, s30;
	v27 =	vor.u32 v27, v34;
	v58 =	vld.idx.msk [tilespmem:v2+s3+$0x20 ss:$0x1], $0xffff;
	v24 =	vmul.f32 v53, v23;
	v31 =	vmul.f32 v54, v26  }
0x43f: {  	s4 =	sshll.u32 s21, $0x7;
	v60 =	vadd.s32 v0, v27;
	v59 =	vld.idx.msk [tilespmem:v2+s3+$0x40 ss:$0x1], $0xffff  }
0x440: {  	s1 =	sand.u32 $0x3FFFFC80, s4;
	[tilespmem:v22+s22+$0x0] =	vst.idx.msk $0xffff, v28;
	v61 =	vld.idx.msk [tilespmem:v2+s3+$0x60 ss:$0x1], $0xffff;
	v25 =	vadd.f32 v30, v25;
	v24 =	vadd.f32 v31, v24  }
0x441: {  	v43 =	vbroadcast v16, $0x7;
	v38 =	vbroadcast v14, $0x7;
	v62 =	vld.idx.msk [tilespmem:v2+s1+$0x0 ss:$0x1], $0xffff;
	v63 =	vmov s24  }
0x442: {  	v41 =	vand.u32 $0x67, v63;
	v48 =	vld.idx.msk [tilespmem:v2+s1+$0x20 ss:$0x1], $0xffff;
	v52 =	vshll.u32 v63, $0x3;
	v24 =	vadd.f32 v24, v25  }
0x443: {  	v49 =	vld.idx.msk [tilespmem:v2+s1+$0x40 ss:$0x1], $0xffff;
	v50 =	vbroadcast v15, $0x7;
	v51 =	vbroadcast v17, $0x7;
	v46 =	vand.u32 $0xC00, v52  }
0x444: {  	v53 =	vld.idx.msk [tilespmem:v2+s1+$0x60 ss:$0x1], $0xffff;
	v35 =	vmul.f32 v57, v38;
	v36 =	vmul.f32 v58, v43;
	[tilespmem:v60+s22+$0x0] =	vst.idx.msk $0xffff, v24  }
0x445: {  	v56 =	vor.u32 v41, v46;
	v54 =	vmul.f32 v59, v50;
	v55 =	vmul.f32 v61, v51;
	v57 =	vld.idx.msk [tilespmem:v2+s2+$0x10 ss:$0x1], $0xffff  }
0x446: {  	v22 =	vbroadcast v10, $0x9;
	v59 =	vadd.s32 v0, v56;
	v60 =	vld.idx.msk [tilespmem:v2+s2+$0x30 ss:$0x1], $0xffff  }
0x447: {  	v35 =	vadd.f32 v36, v35;
	v24 =	vadd.f32 v55, v54;
	v61 =	vld.idx.msk [tilespmem:v2+s2+$0x50 ss:$0x1], $0xffff  }
0x448: {  	v32 =	vmov s21;
	v28 =	vbroadcast v9, $0x9;
	v30 =	vmul.f32 v62, v22;
	v62 =	vld.idx.msk [tilespmem:v2+s2+$0x70 ss:$0x1], $0xffff  }
0x449: {  	v40 =	vbroadcast v7, $0x9;
	v31 =	vbroadcast v8, $0x9;
	v24 =	vadd.f32 v24, v35  }
0x44a: {  	v42 =	vmul.f32 v48, v28;
	v58 =	vshll.u32 v32, $0x3;
	v32 =	vand.u32 $0x59, v32  }
0x44b: {  	v25 =	vmul.f32 v49, v31;
	v41 =	vand.u32 $0xC00, v58;
	v47 =	vmul.f32 v53, v40;
	[tilespmem:v59+s22+$0x0] =	vst.idx.msk $0xffff, v24  }
0x44c: {  	v32 =	vor.u32 v32, v41;
	v24 =	vld.idx.msk [tilespmem:v2+s3+$0x10 ss:$0x1], $0xffff;
	v29 =	vmul.f32 v57, v29;
	v33 =	vmul.f32 v60, v33  }
0x44d: {  	v63 =	vadd.s32 v0, v32;
	v39 =	vld.idx.msk [tilespmem:v2+s3+$0x30 ss:$0x1], $0xffff;
	v23 =	vmul.f32 v61, v23;
	v26 =	vmul.f32 v62, v26  }
0x44e: {  	v27 =	vadd.s32 v1, v27;
	v30 =	vadd.f32 v42, v30;
	v25 =	vadd.f32 v47, v25;
	v41 =	vld.idx.msk [tilespmem:v2+s3+$0x50 ss:$0x1], $0xffff  }
0x44f: {  	v42 =	vld.idx.msk [tilespmem:v2+s3+$0x70 ss:$0x1], $0xffff;
	v29 =	vadd.f32 v33, v29;
	v23 =	vadd.f32 v26, v23  }
0x450: {  	v25 =	vadd.f32 v25, v30  }
0x451: {  	s7 =	sor.u32 $0x37, s30;
	v23 =	vadd.f32 v23, v29  }
0x452: {  	s8 =	sshll.u32 s7, $0x7;
	[tilespmem:v63+s22+$0x0] =	vst.idx.msk $0xffff, v25  }
0x453: {  	s2 =	sand.u32 $0x3FFFFB80, s8;
	v46 =	vld.idx.msk [tilespmem:v2+s1+$0x10 ss:$0x1], $0xffff;
	v24 =	vmul.f32 v24, v38;
	v30 =	vmul.f32 v39, v43;
	[tilespmem:v27+s22+$0x0] =	vst.idx.msk $0xffff, v23  }
0x454: {  	v49 =	vmul.f32 v41, v50;
	v25 =	vmul.f32 v42, v51;
	v27 =	vld.idx.msk [tilespmem:v2+s2+$0x0 ss:$0x1], $0xffff  }
0x455: {  	v50 =	vadd.s32 v1, v56;
	v51 =	vld.idx.msk [tilespmem:v2+s2+$0x20 ss:$0x1], $0xffff  }
0x456: {  	v24 =	vadd.f32 v30, v24;
	v23 =	vadd.f32 v25, v49;
	v52 =	vld.idx.msk [tilespmem:v2+s2+$0x40 ss:$0x1], $0xffff  }
0x457: {  	v45 =	vbroadcast v15, $0x8;
	v53 =	vld.idx.msk [tilespmem:v2+s2+$0x60 ss:$0x1], $0xffff  }
0x458: {  	s10 =	sor.u32 $0x28, s30;
	v44 =	vbroadcast v16, $0x8;
	v55 =	vmov s7;
	v47 =	vld.idx.msk [tilespmem:v2+s1+$0x30 ss:$0x1], $0xffff;
	v23 =	vadd.f32 v23, v24  }
0x459: {  	s11 =	sshll.u32 s10, $0x7;
	v35 =	vbroadcast v18, $0x7;
	v48 =	vld.idx.msk [tilespmem:v2+s1+$0x50 ss:$0x1], $0xffff;
	v56 =	vshll.u32 v55, $0x3;
	v30 =	vbroadcast v21, $0x7  }
0x45a: {  	s12 =	sand.u32 $0x3FFFFC00, s11;
	v54 =	vld.idx.msk [tilespmem:v2+s1+$0x70 ss:$0x1], $0xffff;
	v26 =	vbroadcast v20, $0x7;
	v36 =	vand.u32 $0xC00, v56;
	[tilespmem:v50+s22+$0x0] =	vst.idx.msk $0xffff, v23;
	v23 =	vbroadcast v19, $0x7  }
0x45b: {  	v24 =	vand.u32 $0x77, v55;
	v57 =	vld.idx.msk [tilespmem:v2+s12+$0x0 ss:$0x1], $0xffff;
	v27 =	vmul.f32 v27, v30;
	v34 =	vmul.f32 v51, v35  }
0x45c: {  	v24 =	vor.u32 v24, v36;
	v58 =	vld.idx.msk [tilespmem:v2+s12+$0x20 ss:$0x1], $0xffff;
	v25 =	vmul.f32 v52, v23;
	v33 =	vmul.f32 v53, v26  }
0x45d: {  	v61 =	vadd.s32 v1, v32;
	v62 =	vmov s10;
	v36 =	vadd.s32 v0, v24;
	v59 =	vld.idx.msk [tilespmem:v2+s12+$0x40 ss:$0x1], $0xffff  }
0x45e: {  	v39 =	vbroadcast v14, $0x8;
	v60 =	vld.idx.msk [tilespmem:v2+s12+$0x60 ss:$0x1], $0xffff;
	v27 =	vadd.f32 v34, v27;
	v25 =	vadd.f32 v33, v25  }
0x45f: {  	v32 =	vand.u32 $0x68, v62;
	v22 =	vmul.f32 v46, v22;
	v28 =	vmul.f32 v47, v28  }
0x460: {  	v29 =	vmul.f32 v48, v31;
	v46 =	vbroadcast v17, $0x8;
	v25 =	vadd.f32 v25, v27  }
0x461: {  	v47 =	vshll.u32 v62, $0x3;
	v22 =	vadd.f32 v28, v22;
	v28 =	vmul.f32 v54, v40  }
0x462: {  	v41 =	vand.u32 $0xC00, v47;
	v63 =	vmul.f32 v57, v39;
	v38 =	vmul.f32 v58, v44;
	[tilespmem:v36+s22+$0x0] =	vst.idx.msk $0xffff, v25  }
0x463: {  	v32 =	vor.u32 v32, v41;
	v48 =	vmul.f32 v59, v45;
	v49 =	vmul.f32 v60, v46;
	v36 =	vld.idx.msk [tilespmem:v2+s2+$0x10 ss:$0x1], $0xffff  }
0x464: {  	v28 =	vadd.f32 v28, v29;
	v50 =	vadd.s32 v0, v32;
	v51 =	vld.idx.msk [tilespmem:v2+s2+$0x30 ss:$0x1], $0xffff  }
0x465: {  	v33 =	vadd.f32 v38, v63;
	v25 =	vadd.f32 v49, v48;
	v52 =	vld.idx.msk [tilespmem:v2+s2+$0x50 ss:$0x1], $0xffff  }
0x466: {  	s13 =	sor.u32 $0x1A, s30;
	v22 =	vadd.f32 v28, v22;
	v53 =	vld.idx.msk [tilespmem:v2+s2+$0x70 ss:$0x1], $0xffff  }
0x467: {  	s14 =	sshll.u32 s13, $0x7;
	v54 =	vadd.f32 v25, v33  }
0x468: {  	s15 =	sand.u32 $0x3FFFFD00, s14;
	[tilespmem:v61+s22+$0x0] =	vst.idx.msk $0xffff, v22  }
0x469: {  	v55 =	vld.idx.msk [tilespmem:v2+s15+$0x0 ss:$0x1], $0xffff;
	[tilespmem:v50+s22+$0x0] =	vst.idx.msk $0xffff, v54  }
0x46a: {  	v22 =	vld.idx.msk [tilespmem:v2+s12+$0x10 ss:$0x1], $0xffff;
	v56 =	vmul.f32 v36, v30;
	v57 =	vmul.f32 v51, v35  }
0x46b: {  	v58 =	vld.idx.msk [tilespmem:v2+s12+$0x30 ss:$0x1], $0xffff;
	v23 =	vmul.f32 v52, v23;
	v26 =	vmul.f32 v53, v26  }
0x46c: {  	v24 =	vadd.s32 v1, v24;
	v59 =	vld.idx.msk [tilespmem:v2+s12+$0x50 ss:$0x1], $0xffff  }
0x46d: {  	v60 =	vld.idx.msk [tilespmem:v2+s12+$0x70 ss:$0x1], $0xffff;
	v28 =	vadd.f32 v57, v56;
	v23 =	vadd.f32 v26, v23  }
0x46e: {  	v31 =	vbroadcast v10, $0xA;
	v29 =	vld.idx.msk [tilespmem:v2+s15+$0x20 ss:$0x1], $0xffff  }
0x46f: {  	s16 =	sor.u32 $0x38, s30;
	v40 =	vbroadcast v18, $0x8;
	v23 =	vadd.f32 v23, v28  }
0x470: {  	s17 =	sshll.u32 s16, $0x7;
	v32 =	vadd.s32 v1, v32;
	v63 =	vld.idx.msk [tilespmem:v2+s15+$0x60 ss:$0x1], $0xffff;
	v25 =	vmul.f32 v55, v31;
	v36 =	vbroadcast v9, $0xA  }
0x471: {  	s1 =	sand.u32 $0x3FFFFC00, s17;
	v62 =	vld.idx.msk [tilespmem:v2+s15+$0x40 ss:$0x1], $0xffff;
	v54 =	vmov s16;
	v22 =	vmul.f32 v22, v39;
	v33 =	vmul.f32 v58, v44;
	[tilespmem:v24+s22+$0x0] =	vst.idx.msk $0xffff, v23  }
0x472: {  	v55 =	vshll.u32 v54, $0x3;
	v45 =	vmul.f32 v59, v45;
	v46 =	vmul.f32 v60, v46;
	v47 =	vld.idx.msk [tilespmem:v2+s1+$0x0 ss:$0x1], $0xffff  }
0x473: {  	v30 =	vbroadcast v7, $0xA;
	v41 =	vand.u32 $0xC00, v55;
	v61 =	vmul.f32 v29, v36;
	v49 =	vld.idx.msk [tilespmem:v2+s1+$0x20 ss:$0x1], $0xffff  }
0x474: {  	v44 =	vmov s13;
	v22 =	vadd.f32 v33, v22;
	v24 =	vadd.f32 v46, v45;
	v50 =	vld.idx.msk [tilespmem:v2+s1+$0x40 ss:$0x1], $0xffff  }
0x475: {  	v29 =	vbroadcast v8, $0xA;
	v52 =	vmul.f32 v63, v30;
	v23 =	vshll.u32 v44, $0x3;
	v51 =	vld.idx.msk [tilespmem:v2+s1+$0x60 ss:$0x1], $0xffff  }
0x476: {  	s18 =	sor.u32 $0x29, s30;
	v48 =	vand.u32 $0x5A, v44;
	v23 =	vand.u32 $0xC00, v23;
	v22 =	vadd.f32 v24, v22  }
0x477: {  	s19 =	sshll.u32 s18, $0x7;
	v28 =	vmul.f32 v62, v29;
	v33 =	vbroadcast v21, $0x8;
	v23 =	vor.u32 v48, v23  }
0x478: {  	s20 =	sand.u32 $0x3FFFFC80, s19;
	v24 =	vand.u32 $0x78, v54;
	[tilespmem:v32+s22+$0x0] =	vst.idx.msk $0xffff, v22;
	v22 =	vbroadcast v19, $0x8;
	v32 =	vbroadcast v20, $0x8  }
0x479: {  	v53 =	vadd.s32 v0, v23;
	v56 =	vld.idx.msk [tilespmem:v2+s20+$0x0 ss:$0x1], $0xffff;
	v34 =	vmul.f32 v47, v33;
	v37 =	vmul.f32 v49, v40  }
0x47a: {  	v24 =	vor.u32 v24, v41;
	v57 =	vld.idx.msk [tilespmem:v2+s20+$0x20 ss:$0x1], $0xffff;
	v27 =	vmul.f32 v50, v22;
	v35 =	vmul.f32 v51, v32  }
0x47b: {  	v25 =	vadd.f32 v61, v25;
	v58 =	vadd.f32 v52, v28;
	v60 =	vadd.s32 v0, v24;
	v59 =	vld.idx.msk [tilespmem:v2+s20+$0x40 ss:$0x1], $0xffff  }
0x47c: {  	v62 =	vmov s18;
	v61 =	vld.idx.msk [tilespmem:v2+s20+$0x60 ss:$0x1], $0xffff;
	v34 =	vadd.f32 v37, v34;
	v27 =	vadd.f32 v35, v27  }
0x47d: {  	v26 =	vand.u32 $0x69, v62;
	v25 =	vadd.f32 v58, v25;
	v41 =	vbroadcast v14, $0x9  }
0x47e: {  	v50 =	vshll.u32 v62, $0x3;
	v37 =	vbroadcast v16, $0x9;
	v27 =	vadd.f32 v27, v34  }
0x47f: {  	v48 =	vbroadcast v15, $0x9;
	v49 =	vbroadcast v17, $0x9;
	v39 =	vand.u32 $0xC00, v50;
	[tilespmem:v53+s22+$0x0] =	vst.idx.msk $0xffff, v25  }
0x480: {  	v51 =	vld.idx.msk [tilespmem:v2+s15+$0x10 ss:$0x1], $0xffff;
	v63 =	vmul.f32 v56, v41;
	v43 =	vmul.f32 v57, v37;
	[tilespmem:v60+s22+$0x0] =	vst.idx.msk $0xffff, v27  }
0x481: {  	v26 =	vor.u32 v26, v39;
	v52 =	vmul.f32 v59, v48;
	v53 =	vmul.f32 v61, v49;
	v38 =	vld.idx.msk [tilespmem:v2+s1+$0x10 ss:$0x1], $0xffff  }
0x482: {  	v39 =	vadd.s32 v0, v26;
	v54 =	vld.idx.msk [tilespmem:v2+s1+$0x30 ss:$0x1], $0xffff  }
0x483: {  	v35 =	vadd.f32 v43, v63;
	v27 =	vadd.f32 v53, v52;
	v55 =	vld.idx.msk [tilespmem:v2+s1+$0x50 ss:$0x1], $0xffff  }
0x484: {  	v56 =	vld.idx.msk [tilespmem:v2+s1+$0x70 ss:$0x1], $0xffff  }
0x485: {  	v58 =	vld.idx.msk [tilespmem:v2+s15+$0x50 ss:$0x1], $0xffff;
	v27 =	vadd.f32 v27, v35  }
0x486: {  	v57 =	vld.idx.msk [tilespmem:v2+s15+$0x30 ss:$0x1], $0xffff  }
0x487: {  	v59 =	vld.idx.msk [tilespmem:v2+s15+$0x70 ss:$0x1], $0xffff;
	[tilespmem:v39+s22+$0x0] =	vst.idx.msk $0xffff, v27  }
0x488: {  	v27 =	vld.idx.msk [tilespmem:v2+s20+$0x10 ss:$0x1], $0xffff;
	v33 =	vmul.f32 v38, v33;
	v60 =	vmul.f32 v54, v40  }
0x489: {  	v39 =	vld.idx.msk [tilespmem:v2+s20+$0x30 ss:$0x1], $0xffff;
	v22 =	vmul.f32 v55, v22;
	v61 =	vmul.f32 v56, v32  }
0x48a: {  	v24 =	vadd.s32 v1, v24;
	v62 =	vld.idx.msk [tilespmem:v2+s20+$0x50 ss:$0x1], $0xffff  }
0x48b: {  	v63 =	vld.idx.msk [tilespmem:v2+s20+$0x70 ss:$0x1], $0xffff;
	v33 =	vadd.f32 v60, v33;
	v22 =	vadd.f32 v61, v22;
	_ =	sdelay $0x1  }
0x48c: {  	s21 =	sor.u32 $0x39, s30;
	v44 =	vmul.f32 v51, v31;
	v29 =	vmul.f32 v58, v29;
	v22 =	vadd.f32 v22, v33  }
0x48d: {  	s24 =	sshll.u32 s21, $0x7;
	v45 =	vmul.f32 v57, v36;
	v30 =	vmul.f32 v59, v30  }
0x48e: {  	s1 =	sand.u32 $0x3FFFFC80, s24;
	v27 =	vmul.f32 v27, v41;
	v46 =	vmul.f32 v39, v37;
	[tilespmem:v24+s22+$0x0] =	vst.idx.msk $0xffff, v22  }
0x48f: {  	v48 =	vmul.f32 v62, v48;
	v49 =	vmul.f32 v63, v49;
	v50 =	vld.idx.msk [tilespmem:v2+s1+$0x0 ss:$0x1], $0xffff  }
0x490: {  	v26 =	vadd.s32 v1, v26;
	v28 =	vadd.f32 v45, v44;
	v29 =	vadd.f32 v30, v29;
	v51 =	vld.idx.msk [tilespmem:v2+s1+$0x20 ss:$0x1], $0xffff  }
0x491: {  	v47 =	vadd.s32 v1, v23;
	v27 =	vadd.f32 v46, v27;
	v23 =	vadd.f32 v49, v48;
	v52 =	vld.idx.msk [tilespmem:v2+s1+$0x40 ss:$0x1], $0xffff  }
0x492: {  	v53 =	vld.idx.msk [tilespmem:v2+s1+$0x60 ss:$0x1], $0xffff  }
0x493: {  	s7 =	sor.u32 $0x2A, s30;
	v54 =	vmov s21;
	v28 =	vadd.f32 v29, v28;
	v23 =	vadd.f32 v23, v27  }
0x494: {  	s8 =	sshll.u32 s7, $0x7;
	v29 =	vbroadcast v21, $0x9;
	v55 =	vshll.u32 v54, $0x3;
	v27 =	vbroadcast v18, $0x9  }
0x495: {  	s3 =	sand.u32 $0x3FFFFD00, s8;
	v32 =	vand.u32 $0xC00, v55;
	[tilespmem:v26+s22+$0x0] =	vst.idx.msk $0xffff, v23;
	v23 =	vbroadcast v19, $0x9;
	v26 =	vbroadcast v20, $0x9  }
0x496: {  	v22 =	vand.u32 $0x79, v54;
	v56 =	vld.idx.msk [tilespmem:v2+s3+$0x0 ss:$0x1], $0xffff;
	v25 =	vmul.f32 v50, v29;
	v30 =	vmul.f32 v51, v27  }
0x497: {  	s25 =	sor.u32 $0x1B, s30;
	v22 =	vor.u32 v22, v32;
	v57 =	vld.idx.msk [tilespmem:v2+s3+$0x20 ss:$0x1], $0xffff;
	v24 =	vmul.f32 v52, v23;
	v31 =	vmul.f32 v53, v26  }
0x498: {  	s5 =	sshll.u32 s25, $0x7;
	v59 =	vadd.s32 v0, v22;
	v58 =	vld.idx.msk [tilespmem:v2+s3+$0x40 ss:$0x1], $0xffff  }
0x499: {  	s2 =	sand.u32 $0x3FFFFD80, s5;
	[tilespmem:v47+s22+$0x0] =	vst.idx.msk $0xffff, v28;
	v60 =	vld.idx.msk [tilespmem:v2+s3+$0x60 ss:$0x1], $0xffff;
	v25 =	vadd.f32 v30, v25;
	v24 =	vadd.f32 v31, v24  }
0x49a: {  	v61 =	vmov s7;
	v37 =	vbroadcast v14, $0xA;
	v62 =	vld.idx.msk [tilespmem:v2+s2+$0x20 ss:$0x1], $0xffff  }
0x49b: {  	v39 =	vbroadcast v16, $0xA;
	v63 =	vld.idx.msk [tilespmem:v2+s2+$0x40 ss:$0x1], $0xffff;
	v50 =	vshll.u32 v61, $0x3;
	v24 =	vadd.f32 v24, v25  }
0x49c: {  	v48 =	vbroadcast v15, $0xA;
	v49 =	vbroadcast v17, $0xA;
	v51 =	vld.idx.msk [tilespmem:v2+s2+$0x60 ss:$0x1], $0xffff;
	v42 =	vand.u32 $0xC00, v50  }
0x49d: {  	v30 =	vand.u32 $0x6A, v61;
	v33 =	vmul.f32 v56, v37;
	v34 =	vmul.f32 v57, v39;
	[tilespmem:v59+s22+$0x0] =	vst.idx.msk $0xffff, v24  }
0x49e: {  	v30 =	vor.u32 v30, v42;
	v52 =	vmul.f32 v58, v48;
	v53 =	vmul.f32 v60, v49;
	v36 =	vld.idx.msk [tilespmem:v2+s1+$0x10 ss:$0x1], $0xffff  }
0x49f: {  	v54 =	vadd.s32 v0, v30;
	v55 =	vld.idx.msk [tilespmem:v2+s1+$0x30 ss:$0x1], $0xffff  }
0x4a0: {  	v33 =	vadd.f32 v34, v33;
	v24 =	vadd.f32 v53, v52;
	v56 =	vld.idx.msk [tilespmem:v2+s1+$0x50 ss:$0x1], $0xffff  }
0x4a1: {  	v38 =	vbroadcast v9, $0xB;
	v58 =	vld.idx.msk [tilespmem:v2+s1+$0x70 ss:$0x1], $0xffff  }
0x4a2: {  	v28 =	vld.idx.msk [tilespmem:v2+s2+$0x0 ss:$0x1], $0xffff;
	v46 =	vbroadcast v7, $0xB;
	v42 =	vbroadcast v8, $0xB;
	v24 =	vadd.f32 v24, v33  }
0x4a3: {  	v32 =	vbroadcast v10, $0xB;
	v31 =	vmul.f32 v62, v38  }
0x4a4: {  	v25 =	vmul.f32 v63, v42;
	v43 =	vmul.f32 v51, v46;
	[tilespmem:v54+s22+$0x0] =	vst.idx.msk $0xffff, v24  }
0x4a5: {  	v62 =	vld.idx.msk [tilespmem:v2+s3+$0x10 ss:$0x1], $0xffff;
	v29 =	vmul.f32 v36, v29;
	v27 =	vmul.f32 v55, v27  }
0x4a6: {  	v22 =	vadd.s32 v1, v22;
	v63 =	vld.idx.msk [tilespmem:v2+s3+$0x30 ss:$0x1], $0xffff;
	v23 =	vmul.f32 v56, v23;
	v26 =	vmul.f32 v58, v26  }
0x4a7: {  	v28 =	vmul.f32 v28, v32;
	v57 =	vmov s25;
	v25 =	vadd.f32 v43, v25;
	v43 =	vld.idx.msk [tilespmem:v2+s3+$0x70 ss:$0x1], $0xffff  }
0x4a8: {  	v59 =	vshll.u32 v57, $0x3;
	v36 =	vld.idx.msk [tilespmem:v2+s3+$0x50 ss:$0x1], $0xffff;
	v27 =	vadd.f32 v27, v29;
	v23 =	vadd.f32 v26, v23  }
0x4a9: {  	v60 =	vand.u32 $0x5B, v57;
	v33 =	vand.u32 $0xC00, v59  }
0x4aa: {  	s10 =	sor.u32 $0x3A, s30;
	v28 =	vadd.f32 v31, v28;
	v31 =	vor.u32 v60, v33;
	v23 =	vadd.f32 v23, v27  }
0x4ab: {  	s11 =	sshll.u32 s10, $0x7;
	v61 =	vadd.s32 v0, v31  }
0x4ac: {  	s1 =	sand.u32 $0x3FFFFD00, s11;
	v44 =	vmul.f32 v62, v37;
	v45 =	vmul.f32 v63, v39;
	[tilespmem:v22+s22+$0x0] =	vst.idx.msk $0xffff, v23  }
0x4ad: {  	v47 =	vmul.f32 v36, v48;
	v48 =	vmul.f32 v43, v49;
	v49 =	vld.idx.msk [tilespmem:v2+s1+$0x0 ss:$0x1], $0xffff  }
0x4ae: {  	v50 =	vadd.s32 v1, v30;
	v25 =	vadd.f32 v25, v28;
	v51 =	vld.idx.msk [tilespmem:v2+s1+$0x20 ss:$0x1], $0xffff  }
0x4af: {  	v26 =	vadd.f32 v45, v44;
	v22 =	vadd.f32 v48, v47;
	v52 =	vld.idx.msk [tilespmem:v2+s1+$0x40 ss:$0x1], $0xffff  }
0x4b0: {  	v53 =	vld.idx.msk [tilespmem:v2+s1+$0x60 ss:$0x1], $0xffff  }
0x4b1: {  	v55 =	vmov s10;
	[tilespmem:v61+s22+$0x0] =	vst.idx.msk $0xffff, v25;
	v22 =	vadd.f32 v22, v26  }
0x4b2: {  	v34 =	vbroadcast v18, $0xA;
	v57 =	vshll.u32 v55, $0x3;
	v24 =	vld.idx.msk [tilespmem:v2+s2+$0x10 ss:$0x1], $0xffff;
	v27 =	vbroadcast v21, $0xA  }
0x4b3: {  	s12 =	sor.u32 $0x2B, s30;
	v29 =	vbroadcast v20, $0xA;
	v25 =	vld.idx.msk [tilespmem:v2+s2+$0x30 ss:$0x1], $0xffff;
	v36 =	vand.u32 $0xC00, v57;
	[tilespmem:v50+s22+$0x0] =	vst.idx.msk $0xffff, v22;
	v22 =	vbroadcast v19, $0xA  }
0x4b4: {  	s13 =	sshll.u32 s12, $0x7;
	v54 =	vld.idx.msk [tilespmem:v2+s2+$0x50 ss:$0x1], $0xffff;
	v26 =	vand.u32 $0x7A, v55;
	v28 =	vmul.f32 v49, v27;
	v30 =	vmul.f32 v51, v34  }
0x4b5: {  	s3 =	sand.u32 $0x3FFFFD80, s13;
	v56 =	vld.idx.msk [tilespmem:v2+s2+$0x70 ss:$0x1], $0xffff;
	v26 =	vor.u32 v26, v36;
	v33 =	vmul.f32 v53, v29;
	v23 =	vmul.f32 v52, v22  }
0x4b6: {  	v61 =	vadd.s32 v0, v26;
	v58 =	vld.idx.msk [tilespmem:v2+s3+$0x0 ss:$0x1], $0xffff  }
0x4b7: {  	v59 =	vld.idx.msk [tilespmem:v2+s3+$0x20 ss:$0x1], $0xffff;
	v28 =	vadd.f32 v30, v28;
	v23 =	vadd.f32 v33, v23  }
0x4b8: {  	v40 =	vbroadcast v14, $0xB;
	v60 =	vld.idx.msk [tilespmem:v2+s3+$0x40 ss:$0x1], $0xffff  }
0x4b9: {  	v31 =	vadd.s32 v1, v31;
	v47 =	vbroadcast v16, $0xB;
	v62 =	vld.idx.msk [tilespmem:v2+s3+$0x60 ss:$0x1], $0xffff;
	v23 =	vadd.f32 v23, v28  }
0x4ba: {  	v45 =	vmov s12;
	v48 =	vbroadcast v15, $0xB;
	v24 =	vmul.f32 v24, v32  }
0x4bb: {  	v25 =	vmul.f32 v25, v38;
	v32 =	vmul.f32 v54, v42;
	v50 =	vshll.u32 v45, $0x3;
	[tilespmem:v61+s22+$0x0] =	vst.idx.msk $0xffff, v23  }
0x4bc: {  	v63 =	vmul.f32 v56, v46;
	v49 =	vbroadcast v17, $0xB;
	v43 =	vand.u32 $0xC00, v50;
	v38 =	vld.idx.msk [tilespmem:v2+s1+$0x10 ss:$0x1], $0xffff  }
0x4bd: {  	v33 =	vand.u32 $0x6B, v45;
	v46 =	vmul.f32 v58, v40;
	v39 =	vmul.f32 v59, v47;
	v55 =	vld.idx.msk [tilespmem:v2+s1+$0x30 ss:$0x1], $0xffff  }
0x4be: {  	v33 =	vor.u32 v33, v43;
	v51 =	vmul.f32 v60, v48;
	v52 =	vmul.f32 v62, v49;
	v56 =	vld.idx.msk [tilespmem:v2+s1+$0x50 ss:$0x1], $0xffff  }
0x4bf: {  	v24 =	vadd.f32 v25, v24;
	v53 =	vadd.f32 v63, v32;
	v54 =	vadd.s32 v0, v33;
	v57 =	vld.idx.msk [tilespmem:v2+s1+$0x70 ss:$0x1], $0xffff  }
0x4c0: {  	v35 =	vadd.f32 v39, v46;
	v23 =	vadd.f32 v52, v51  }
0x4c1: {  	s14 =	sor.u32 $0x1C, s30;
	v24 =	vadd.f32 v53, v24  }
0x4c2: {  	s15 =	sshll.u32 s14, $0x7;
	v23 =	vadd.f32 v23, v35  }
0x4c3: {  	s16 =	sand.u32 $0x3FFFFE00, s15;
	[tilespmem:v31+s22+$0x0] =	vst.idx.msk $0xffff, v24;
	v27 =	vmul.f32 v38, v27;
	v58 =	vmul.f32 v55, v34  }
0x4c4: {  	v24 =	vld.idx.msk [tilespmem:v2+s16+$0x0 ss:$0x1], $0xffff;
	[tilespmem:v54+s22+$0x0] =	vst.idx.msk $0xffff, v23;
	v22 =	vmul.f32 v56, v22;
	v25 =	vmul.f32 v57, v29  }
0x4c5: {  	v26 =	vadd.s32 v1, v26;
	v23 =	vld.idx.msk [tilespmem:v2+s3+$0x10 ss:$0x1], $0xffff  }
0x4c6: {  	v59 =	vld.idx.msk [tilespmem:v2+s3+$0x30 ss:$0x1], $0xffff;
	v27 =	vadd.f32 v58, v27;
	v22 =	vadd.f32 v25, v22  }
0x4c7: {  	v60 =	vld.idx.msk [tilespmem:v2+s3+$0x50 ss:$0x1], $0xffff  }
0x4c8: {  	s17 =	sor.u32 $0x3B, s30;
	v61 =	vld.idx.msk [tilespmem:v2+s3+$0x70 ss:$0x1], $0xffff;
	v22 =	vadd.f32 v22, v27  }
0x4c9: {  	s18 =	sshll.u32 s17, $0x7;
	v62 =	vld.idx.msk [tilespmem:v2+s16+$0x20 ss:$0x1], $0xffff  }
0x4ca: {  	v30 =	vbroadcast v9, $0xC;
	s1 =	sand.u32 $0x3FFFFD80, s18;
	[tilespmem:v26+s22+$0x0] =	vst.idx.msk $0xffff, v22  }
0x4cb: {  	v39 =	vbroadcast v19, $0xB;
	v27 =	vbroadcast v10, $0xC;
	v45 =	vld.idx.msk [tilespmem:v2+s1+$0x0 ss:$0x1], $0xffff  }
0x4cc: {  	v23 =	vmul.f32 v23, v40;
	v31 =	vmul.f32 v59, v47;
	v46 =	vld.idx.msk [tilespmem:v2+s1+$0x20 ss:$0x1], $0xffff  }
0x4cd: {  	v52 =	vmov s17;
	v43 =	vmul.f32 v60, v48;
	v44 =	vmul.f32 v61, v49;
	v48 =	vld.idx.msk [tilespmem:v2+s1+$0x40 ss:$0x1], $0xffff  }
0x4ce: {  	v53 =	vshll.u32 v52, $0x3;
	v25 =	vmul.f32 v62, v30;
	v24 =	vmul.f32 v24, v27;
	v50 =	vld.idx.msk [tilespmem:v2+s1+$0x60 ss:$0x1], $0xffff  }
0x4cf: {  	v38 =	vbroadcast v18, $0xB;
	v23 =	vadd.f32 v31, v23;
	v22 =	vadd.f32 v44, v43  }
0x4d0: {  	v47 =	vadd.s32 v1, v33;
	v24 =	vadd.f32 v25, v24;
	v25 =	vbroadcast v21, $0xB  }
0x4d1: {  	v55 =	vand.u32 $0xC00, v53;
	v40 =	vbroadcast v20, $0xB;
	v22 =	vadd.f32 v22, v23  }
0x4d2: {  	v63 =	vld.idx.msk [tilespmem:v2+s16+$0x40 ss:$0x1], $0xffff;
	v23 =	vand.u32 $0x7B, v52;
	v28 =	vmul.f32 v45, v25;
	v54 =	vmul.f32 v46, v38  }
0x4d3: {  	s19 =	sor.u32 $0x2C, s30;
	v51 =	vld.idx.msk [tilespmem:v2+s16+$0x60 ss:$0x1], $0xffff;
	v23 =	vor.u32 v23, v55;
	v56 =	vmul.f32 v48, v39;
	v57 =	vmul.f32 v50, v40  }
0x4d4: {  	s20 =	sshll.u32 s19, $0x7;
	v61 =	vadd.s32 v0, v23  }
0x4d5: {  	v35 =	vbroadcast v8, $0xC;
	s3 =	sand.u32 $0x3FFFFE00, s20;
	[tilespmem:v47+s22+$0x0] =	vst.idx.msk $0xffff, v22;
	v22 =	vadd.f32 v54, v28;
	v47 =	vadd.f32 v57, v56  }
0x4d6: {  	v37 =	vbroadcast v7, $0xC;
	v60 =	vld.idx.msk [tilespmem:v2+s3+$0x0 ss:$0x1], $0xffff  }
0x4d7: {  	v58 =	vmul.f32 v63, v35;
	v49 =	vmov s14;
	v63 =	vld.idx.msk [tilespmem:v2+s3+$0x20 ss:$0x1], $0xffff;
	v22 =	vadd.f32 v47, v22  }
0x4d8: {  	v59 =	vmul.f32 v51, v37;
	v62 =	vshll.u32 v49, $0x3;
	v51 =	vld.idx.msk [tilespmem:v2+s3+$0x60 ss:$0x1], $0xffff  }
0x4d9: {  	v48 =	vand.u32 $0x5C, v49;
	v49 =	vand.u32 $0xC00, v62;
	v50 =	vld.idx.msk [tilespmem:v2+s3+$0x40 ss:$0x1], $0xffff;
	[tilespmem:v61+s22+$0x0] =	vst.idx.msk $0xffff, v22  }
0x4da: {  	v26 =	vadd.f32 v59, v58;
	v29 =	vor.u32 v48, v49;
	v55 =	vld.idx.msk [tilespmem:v2+s1+$0x10 ss:$0x1], $0xffff  }
0x4db: {  	v41 =	vbroadcast v16, $0xC;
	v36 =	vbroadcast v17, $0xC;
	v52 =	vadd.s32 v0, v29;
	v56 =	vld.idx.msk [tilespmem:v2+s1+$0x30 ss:$0x1], $0xffff  }
0x4dc: {  	v53 =	vmov s19;
	v31 =	vbroadcast v14, $0xC;
	v24 =	vadd.f32 v26, v24;
	v57 =	vld.idx.msk [tilespmem:v2+s1+$0x50 ss:$0x1], $0xffff  }
0x4dd: {  	v54 =	vshll.u32 v53, $0x3;
	v28 =	vand.u32 $0x6C, v53;
	v22 =	vbroadcast v15, $0xC;
	v59 =	vld.idx.msk [tilespmem:v2+s1+$0x70 ss:$0x1], $0xffff  }
0x4de: {  	v43 =	vand.u32 $0xC00, v54;
	v34 =	vmul.f32 v60, v31;
	v42 =	vmul.f32 v63, v41  }
0x4df: {  	v33 =	vmul.f32 v51, v36;
	v28 =	vor.u32 v28, v43;
	v32 =	vmul.f32 v50, v22  }
0x4e0: {  	v58 =	vadd.s32 v0, v28;
	v34 =	vadd.f32 v42, v34;
	[tilespmem:v52+s22+$0x0] =	vst.idx.msk $0xffff, v24  }
0x4e1: {  	v32 =	vadd.f32 v33, v32;
	v25 =	vmul.f32 v55, v25;
	v38 =	vmul.f32 v56, v38  }
0x4e2: {  	v60 =	vld.idx.msk [tilespmem:v2+s16+$0x10 ss:$0x1], $0xffff;
	v45 =	vmul.f32 v57, v39;
	v26 =	vmul.f32 v59, v40  }
0x4e3: {  	v23 =	vadd.s32 v1, v23;
	v61 =	vld.idx.msk [tilespmem:v2+s16+$0x30 ss:$0x1], $0xffff;
	v32 =	vadd.f32 v32, v34  }
0x4e4: {  	v62 =	vld.idx.msk [tilespmem:v2+s16+$0x50 ss:$0x1], $0xffff;
	v25 =	vadd.f32 v38, v25;
	v24 =	vadd.f32 v26, v45  }
0x4e5: {  	v63 =	vld.idx.msk [tilespmem:v2+s16+$0x70 ss:$0x1], $0xffff  }
0x4e6: {  	s21 =	sor.u32 $0x3C, s30;
	[tilespmem:v58+s22+$0x0] =	vst.idx.msk $0xffff, v32;
	v24 =	vadd.f32 v24, v25  }
0x4e7: {  	s24 =	sshll.u32 s21, $0x7;
	v32 =	vld.idx.msk [tilespmem:v2+s3+$0x10 ss:$0x1], $0xffff  }
0x4e8: {  	s25 =	sand.u32 $0x3FFFFE00, s24;
	v46 =	vld.idx.msk [tilespmem:v2+s3+$0x30 ss:$0x1], $0xffff;
	[tilespmem:v23+s22+$0x0] =	vst.idx.msk $0xffff, v24  }
0x4e9: {  	v47 =	vmul.f32 v60, v27;
	v48 =	vmul.f32 v61, v30;
	v24 =	vld.idx.msk [tilespmem:v2+s25+$0x0 ss:$0x1], $0xffff  }
0x4ea: {  	v50 =	vmul.f32 v62, v35;
	v51 =	vmul.f32 v63, v37;
	v57 =	vld.idx.msk [tilespmem:v2+s25+$0x20 ss:$0x1], $0xffff  }
0x4eb: {  	v44 =	vmov s21;
	v59 =	vld.idx.msk [tilespmem:v2+s25+$0x40 ss:$0x1], $0xffff  }
0x4ec: {  	v53 =	vadd.s32 v1, v29;
	v26 =	vadd.f32 v48, v47;
	v54 =	vadd.f32 v51, v50;
	v61 =	vld.idx.msk [tilespmem:v2+s25+$0x60 ss:$0x1], $0xffff  }
0x4ed: {  	v33 =	vbroadcast v21, $0xC;
	v37 =	vbroadcast v19, $0xC;
	v30 =	vand.u32 $0x7C, v44;
	v49 =	vld.idx.msk [tilespmem:v2+s3+$0x50 ss:$0x1], $0xffff  }
0x4ee: {  	v45 =	vbroadcast v18, $0xC;
	v38 =	vbroadcast v20, $0xC;
	v26 =	vadd.f32 v54, v26  }
0x4ef: {  	v52 =	vld.idx.msk [tilespmem:v2+s3+$0x70 ss:$0x1], $0xffff;
	v55 =	vmul.f32 v32, v31;
	v56 =	vmul.f32 v46, v41;
	v46 =	vshll.u32 v44, $0x3  }
0x4f0: {  	v39 =	vand.u32 $0xC00, v46;
	v24 =	vmul.f32 v24, v33;
	v31 =	vmul.f32 v57, v45  }
0x4f1: {  	s5 =	sor.u32 $0x1D, s30;
	v30 =	vor.u32 v30, v39;
	v32 =	vmul.f32 v59, v37;
	v34 =	vmul.f32 v61, v38  }
0x4f2: {  	s7 =	sshll.u32 s5, $0x7;
	v22 =	vmul.f32 v49, v22;
	v49 =	vadd.s32 v0, v30  }
0x4f3: {  	s8 =	sand.u32 $0x3FFFFE80, s7;
	[tilespmem:v53+s22+$0x0] =	vst.idx.msk $0xffff, v26;
	v24 =	vadd.f32 v31, v24;
	v50 =	vadd.f32 v34, v32  }
0x4f4: {  	v58 =	vmul.f32 v52, v36;
	v62 =	vld.idx.msk [tilespmem:v2+s8+$0x0 ss:$0x1], $0xffff  }
0x4f5: {  	v63 =	vld.idx.msk [tilespmem:v2+s8+$0x20 ss:$0x1], $0xffff;
	v52 =	vadd.f32 v50, v24  }
0x4f6: {  	v47 =	vld.idx.msk [tilespmem:v2+s8+$0x40 ss:$0x1], $0xffff;
	v27 =	vadd.f32 v56, v55;
	v22 =	vadd.f32 v58, v22  }
0x4f7: {  	v48 =	vld.idx.msk [tilespmem:v2+s8+$0x60 ss:$0x1], $0xffff;
	[tilespmem:v49+s22+$0x0] =	vst.idx.msk $0xffff, v52  }
0x4f8: {  	v28 =	vadd.s32 v1, v28;
	v60 =	vmov s5;
	v22 =	vadd.f32 v22, v27;
	v27 =	vld.idx.msk [tilespmem:v2+s25+$0x10 ss:$0x1], $0xffff  }
0x4f9: {  	v51 =	vshll.u32 v60, $0x3;
	v23 =	vbroadcast v10, $0xD;
	v26 =	vbroadcast v9, $0xD;
	v58 =	vld.idx.msk [tilespmem:v2+s25+$0x30 ss:$0x1], $0xffff  }
0x4fa: {  	v25 =	vand.u32 $0x5D, v60;
	v32 =	vbroadcast v8, $0xD;
	v34 =	vbroadcast v7, $0xD;
	v59 =	vld.idx.msk [tilespmem:v2+s25+$0x50 ss:$0x1], $0xffff  }
0x4fb: {  	v39 =	vand.u32 $0xC00, v51;
	v35 =	vmul.f32 v62, v23;
	v29 =	vmul.f32 v63, v26;
	v60 =	vld.idx.msk [tilespmem:v2+s25+$0x70 ss:$0x1], $0xffff  }
0x4fc: {  	s10 =	sor.u32 $0x2D, s30;
	v25 =	vor.u32 v25, v39;
	v53 =	vmul.f32 v47, v32;
	v54 =	vmul.f32 v48, v34  }
0x4fd: {  	s11 =	sshll.u32 s10, $0x7;
	v39 =	vadd.s32 v0, v25  }
0x4fe: {  	s2 =	sand.u32 $0x3FFFFE80, s11;
	[tilespmem:v28+s22+$0x0] =	vst.idx.msk $0xffff, v22;
	v57 =	vadd.f32 v29, v35;
	v24 =	vadd.f32 v54, v53  }
0x4ff: {  	v56 =	vld.idx.msk [tilespmem:v2+s2+$0x20 ss:$0x1], $0xffff;
	v27 =	vmul.f32 v27, v33;
	v28 =	vmul.f32 v58, v45  }
0x500: {  	v55 =	vld.idx.msk [tilespmem:v2+s2+$0x0 ss:$0x1], $0xffff;
	v22 =	vadd.f32 v24, v57;
	v24 =	vmul.f32 v59, v37;
	v29 =	vmul.f32 v60, v38  }
0x501: {  	v35 =	vbroadcast v16, $0xD;
	v62 =	vld.idx.msk [tilespmem:v2+s2+$0x60 ss:$0x1], $0xffff;
	v47 =	vadd.s32 v1, v30  }
0x502: {  	v61 =	vld.idx.msk [tilespmem:v2+s2+$0x40 ss:$0x1], $0xffff;
	[tilespmem:v39+s22+$0x0] =	vst.idx.msk $0xffff, v22;
	v27 =	vadd.f32 v28, v27;
	v24 =	vadd.f32 v29, v24  }
0x503: {  	v43 =	vbroadcast v17, $0xD;
	v25 =	vadd.s32 v1, v25;
	v39 =	vld.idx.msk [tilespmem:v2+s8+$0x10 ss:$0x1], $0xffff  }
0x504: {  	s12 =	sor.u32 $0x3D, s30;
	v40 =	vmul.f32 v56, v35;
	v63 =	vld.idx.msk [tilespmem:v2+s8+$0x30 ss:$0x1], $0xffff;
	v45 =	vmov s10;
	v24 =	vadd.f32 v24, v27  }
0x505: {  	s13 =	sshll.u32 s12, $0x7;
	v22 =	vbroadcast v14, $0xD;
	v46 =	vld.idx.msk [tilespmem:v2+s8+$0x50 ss:$0x1], $0xffff;
	v38 =	vbroadcast v15, $0xD;
	v49 =	vshll.u32 v45, $0x3  }
0x506: {  	s3 =	sand.u32 $0x3FFFFE80, s13;
	v42 =	vmul.f32 v62, v43;
	v48 =	vld.idx.msk [tilespmem:v2+s8+$0x70 ss:$0x1], $0xffff;
	v36 =	vand.u32 $0x6D, v45;
	v29 =	vand.u32 $0xC00, v49;
	[tilespmem:v47+s22+$0x0] =	vst.idx.msk $0xffff, v24  }
0x507: {  	v31 =	vmul.f32 v55, v22;
	v41 =	vmul.f32 v61, v38;
	v29 =	vor.u32 v36, v29;
	v54 =	vld.idx.msk [tilespmem:v2+s3+$0x0 ss:$0x1], $0xffff  }
0x508: {  	v59 =	vmov s12;
	v37 =	vbroadcast v19, $0xD;
	v50 =	vadd.s32 v0, v29;
	v55 =	vld.idx.msk [tilespmem:v2+s3+$0x20 ss:$0x1], $0xffff  }
0x509: {  	v31 =	vadd.f32 v40, v31;
	v23 =	vmul.f32 v39, v23;
	v51 =	vadd.f32 v42, v41;
	v56 =	vld.idx.msk [tilespmem:v2+s3+$0x40 ss:$0x1], $0xffff  }
0x50a: {  	v45 =	vand.u32 $0x7D, v59;
	v26 =	vmul.f32 v63, v26;
	v52 =	vmul.f32 v46, v32;
	v57 =	vld.idx.msk [tilespmem:v2+s3+$0x60 ss:$0x1], $0xffff  }
0x50b: {  	v53 =	vmul.f32 v48, v34;
	v27 =	vbroadcast v21, $0xD;
	v31 =	vadd.f32 v51, v31  }
0x50c: {  	v61 =	vshll.u32 v59, $0x3;
	v34 =	vbroadcast v18, $0xD;
	v39 =	vbroadcast v20, $0xD  }
0x50d: {  	v46 =	vand.u32 $0xC00, v61;
	v23 =	vadd.f32 v26, v23;
	v24 =	vadd.f32 v53, v52;
	[tilespmem:v50+s22+$0x0] =	vst.idx.msk $0xffff, v31  }
0x50e: {  	v32 =	vor.u32 v45, v46;
	v58 =	vld.idx.msk [tilespmem:v2+s2+$0x10 ss:$0x1], $0xffff;
	v30 =	vmul.f32 v54, v27;
	v63 =	vmul.f32 v55, v34  }
0x50f: {  	s14 =	sor.u32 $0x1E, s30;
	v23 =	vadd.f32 v24, v23;
	v31 =	vld.idx.msk [tilespmem:v2+s2+$0x30 ss:$0x1], $0xffff;
	v26 =	vmul.f32 v56, v37;
	v28 =	vmul.f32 v57, v39  }
0x510: {  	s15 =	sshll.u32 s14, $0x7;
	v33 =	vadd.s32 v0, v32;
	v60 =	vld.idx.msk [tilespmem:v2+s2+$0x50 ss:$0x1], $0xffff  }
0x511: {  	s1 =	sand.u32 $0x3FFFFF00, s15;
	[tilespmem:v25+s22+$0x0] =	vst.idx.msk $0xffff, v23;
	v62 =	vld.idx.msk [tilespmem:v2+s2+$0x70 ss:$0x1], $0xffff;
	v25 =	vadd.f32 v63, v30;
	v26 =	vadd.f32 v28, v26  }
0x512: {  	v47 =	vld.idx.msk [tilespmem:v2+s1+$0x0 ss:$0x1], $0xffff  }
0x513: {  	v48 =	vld.idx.msk [tilespmem:v2+s1+$0x20 ss:$0x1], $0xffff;
	v25 =	vadd.f32 v26, v25  }
0x514: {  	v36 =	vbroadcast v7, $0xE;
	v50 =	vld.idx.msk [tilespmem:v2+s1+$0x40 ss:$0x1], $0xffff  }
0x515: {  	v41 =	vbroadcast v10, $0xE;
	v29 =	vadd.s32 v1, v29;
	v53 =	vld.idx.msk [tilespmem:v2+s1+$0x60 ss:$0x1], $0xffff;
	v30 =	vbroadcast v8, $0xE;
	[tilespmem:v33+s22+$0x0] =	vst.idx.msk $0xffff, v25  }
0x516: {  	v54 =	vmov s14;
	v22 =	vmul.f32 v58, v22;
	v49 =	vmul.f32 v31, v35;
	v33 =	vld.idx.msk [tilespmem:v2+s3+$0x10 ss:$0x1], $0xffff  }
0x517: {  	v56 =	vshll.u32 v54, $0x3;
	v51 =	vmul.f32 v60, v38;
	v23 =	vmul.f32 v62, v43;
	v57 =	vld.idx.msk [tilespmem:v2+s3+$0x30 ss:$0x1], $0xffff  }
0x518: {  	v24 =	vand.u32 $0x5E, v54;
	v31 =	vbroadcast v9, $0xE;
	v52 =	vmul.f32 v47, v41;
	v58 =	vld.idx.msk [tilespmem:v2+s3+$0x50 ss:$0x1], $0xffff  }
0x519: {  	v28 =	vmul.f32 v50, v30;
	v22 =	vadd.f32 v49, v22;
	v23 =	vadd.f32 v23, v51;
	v59 =	vld.idx.msk [tilespmem:v2+s3+$0x70 ss:$0x1], $0xffff  }
0x51a: {  	v38 =	vand.u32 $0xC00, v56;
	v35 =	vmul.f32 v53, v36;
	v55 =	vmul.f32 v48, v31  }
0x51b: {  	s16 =	sor.u32 $0x2E, s30;
	v24 =	vor.u32 v24, v38;
	v22 =	vadd.f32 v23, v22  }
0x51c: {  	s17 =	sshll.u32 s16, $0x7;
	v60 =	vadd.s32 v0, v24;
	v62 =	vadd.f32 v35, v28;
	v25 =	vadd.f32 v55, v52  }
0x51d: {  	s2 =	sand.u32 $0x3FFFFF00, s17;
	[tilespmem:v29+s22+$0x0] =	vst.idx.msk $0xffff, v22;
	v27 =	vmul.f32 v33, v27;
	v23 =	vmul.f32 v57, v34  }
0x51e: {  	v61 =	vld.idx.msk [tilespmem:v2+s2+$0x0 ss:$0x1], $0xffff;
	v45 =	vmul.f32 v58, v37;
	v22 =	vmul.f32 v59, v39  }
0x51f: {  	v32 =	vadd.s32 v1, v32;
	v25 =	vadd.f32 v62, v25;
	v63 =	vld.idx.msk [tilespmem:v2+s2+$0x20 ss:$0x1], $0xffff  }
0x520: {  	v43 =	vld.idx.msk [tilespmem:v2+s2+$0x40 ss:$0x1], $0xffff;
	v23 =	vadd.f32 v23, v27;
	v22 =	vadd.f32 v22, v45  }
0x521: {  	v6 =	vbroadcast v6, $0xF;
	v4 =	vbroadcast v4, $0xF;
	v44 =	vld.idx.msk [tilespmem:v2+s2+$0x60 ss:$0x1], $0xffff;
	[tilespmem:v60+s22+$0x0] =	vst.idx.msk $0xffff, v25  }
0x522: {  	s18 =	sor.u32 $0x3E, s30;
	v40 =	vbroadcast v19, $0xE;
	v46 =	vmov s16;
	v48 =	vld.idx.msk [tilespmem:v2+s1+$0x10 ss:$0x1], $0xffff;
	v22 =	vadd.f32 v22, v23  }
0x523: {  	s19 =	sshll.u32 s18, $0x7;
	v42 =	vbroadcast v16, $0xE;
	v50 =	vshll.u32 v46, $0x3;
	v49 =	vbroadcast v15, $0xE;
	v52 =	vld.idx.msk [tilespmem:v2+s1+$0x50 ss:$0x1], $0xffff  }
0x524: {  	s20 =	sand.u32 $0x3FFFFF00, s19;
	v38 =	vand.u32 $0xC00, v50;
	v35 =	vbroadcast v14, $0xE;
	v25 =	vand.u32 $0x6E, v46;
	v53 =	vld.idx.msk [tilespmem:v2+s1+$0x70 ss:$0x1], $0xffff;
	[tilespmem:v32+s22+$0x0] =	vst.idx.msk $0xffff, v22  }
0x525: {  	v37 =	vbroadcast v17, $0xE;
	v25 =	vor.u32 v25, v38;
	v38 =	vbroadcast v18, $0xE;
	v56 =	vld.idx.msk [tilespmem:v2+s20+$0x0 ss:$0x1], $0xffff  }
0x526: {  	v47 =	vmul.f32 v61, v35;
	v28 =	vmul.f32 v63, v42;
	v57 =	vld.idx.msk [tilespmem:v2+s20+$0x20 ss:$0x1], $0xffff  }
0x527: {  	v60 =	vmov s18;
	v26 =	vmul.f32 v43, v49;
	v33 =	vmul.f32 v44, v37;
	v58 =	vld.idx.msk [tilespmem:v2+s20+$0x40 ss:$0x1], $0xffff  }
0x528: {  	v62 =	vshll.u32 v60, $0x3;
	v54 =	vadd.s32 v0, v25;
	v55 =	vadd.f32 v28, v47;
	v32 =	vld.idx.msk [tilespmem:v2+s20+$0x60 ss:$0x1], $0xffff  }
0x529: {  	v26 =	vadd.f32 v33, v26;
	v27 =	vmul.f32 v48, v41;
	v23 =	vmul.f32 v52, v30  }
0x52a: {  	v43 =	vand.u32 $0xC00, v62;
	v30 =	vbroadcast v21, $0xE;
	v59 =	vmul.f32 v53, v36  }
0x52b: {  	v41 =	vbroadcast v20, $0xE;
	v36 =	vand.u32 $0x7E, v60;
	v22 =	vadd.f32 v26, v55  }
0x52c: {  	v36 =	vor.u32 v36, v43;
	v28 =	vmul.f32 v56, v30;
	v29 =	vmul.f32 v57, v38  }
0x52d: {  	v51 =	vld.idx.msk [tilespmem:v2+s1+$0x30 ss:$0x1], $0xffff;
	[tilespmem:v54+s22+$0x0] =	vst.idx.msk $0xffff, v22;
	v26 =	vmul.f32 v58, v40;
	v32 =	vmul.f32 v32, v41  }
0x52e: {  	v5 =	vbroadcast v5, $0xF;
	v3 =	vbroadcast v3, $0xF;
	v46 =	vadd.s32 v0, v36;
	v22 =	vld.idx.msk [tilespmem:v2+s2+$0x10 ss:$0x1], $0xffff  }
0x52f: {  	v13 =	vmul.f32 v13, v6;
	v61 =	vld.idx.msk [tilespmem:v2+s2+$0x30 ss:$0x1], $0xffff;
	v28 =	vadd.f32 v29, v28;
	v26 =	vadd.f32 v32, v26  }
0x530: {  	v11 =	vmul.f32 v11, v5;
	v12 =	vmul.f32 v12, v3;
	v63 =	vld.idx.msk [tilespmem:v2+s2+$0x50 ss:$0x1], $0xffff  }
0x531: {  	v19 =	vbroadcast v19, $0xF;
	v7 =	vbroadcast v7, $0xF;
	v45 =	vld.idx.msk [tilespmem:v2+s2+$0x70 ss:$0x1], $0xffff;
	v26 =	vadd.f32 v26, v28  }
0x532: {  	v10 =	vbroadcast v10, $0xF;
	v31 =	vmul.f32 v51, v31  }
0x533: {  	v8 =	vbroadcast v8, $0xF;
	v9 =	vbroadcast v9, $0xF;
	v24 =	vadd.s32 v1, v24;
	v48 =	vld.idx.msk [tilespmem:v2+s31+$0x60 ss:$0x1], $0xffff;
	[tilespmem:v46+s22+$0x0] =	vst.idx.msk $0xffff, v26  }
0x534: {  	v15 =	vbroadcast v15, $0xF;
	v27 =	vadd.f32 v31, v27;
	v23 =	vadd.f32 v59, v23;
	v26 =	vld.idx.msk [tilespmem:v2+s20+$0x10 ss:$0x1], $0xffff  }
0x535: {  	v11 =	vadd.f32 v11, v13;
	v22 =	vmul.f32 v22, v35;
	v47 =	vmul.f32 v61, v42;
	v51 =	vld.idx.msk [tilespmem:v2+s20+$0x30 ss:$0x1], $0xffff  }
0x536: {  	s21 =	sor.u32 $0x1F, s30;
	v23 =	vadd.f32 v23, v27;
	v49 =	vmul.f32 v63, v49;
	v50 =	vmul.f32 v45, v37;
	v53 =	vld.idx.msk [tilespmem:v2+s20+$0x50 ss:$0x1], $0xffff  }
0x537: {  	s24 =	sshll.u32 s21, $0x7;
	v17 =	vbroadcast v17, $0xF;
	v25 =	vadd.s32 v1, v25;
	v52 =	vmov s0;
	v54 =	vld.idx.msk [tilespmem:v2+s20+$0x70 ss:$0x1], $0xffff  }
0x538: {  	s2 =	sand.u32 $0x3FFFFF80, s24;
	[tilespmem:v24+s22+$0x0] =	vst.idx.msk $0xffff, v23;
	v28 =	vshll.u32 v52, $0x3;
	v22 =	vadd.f32 v47, v22;
	v23 =	vadd.f32 v50, v49  }
0x539: {  	v18 =	vbroadcast v18, $0xF;
	v55 =	vand.u32 $0x4F, v52;
	v24 =	vld.idx.msk [tilespmem:v2+s2+$0x0 ss:$0x1], $0xffff;
	v28 =	vand.u32 $0xC00, v28  }
0x53a: {  	s25 =	sor.u32 $0x2F, s30;
	v57 =	vld.idx.msk [tilespmem:v2+s2+$0x20 ss:$0x1], $0xffff;
	v29 =	vmul.f32 v48, v4;
	v22 =	vadd.f32 v23, v22;
	v23 =	vor.u32 v55, v28  }
0x53b: {  	s0 =	sshll.u32 s25, $0x7;
	v58 =	vld.idx.msk [tilespmem:v2+s2+$0x40 ss:$0x1], $0xffff;
	v61 =	vadd.s32 v0, v23;
	v26 =	vmul.f32 v26, v30;
	v27 =	vmul.f32 v51, v38  }
0x53c: {  	s0 =	sand.u32 $0x3FFFFF80, s0;
	v60 =	vld.idx.msk [tilespmem:v2+s2+$0x60 ss:$0x1], $0xffff;
	[tilespmem:v25+s22+$0x0] =	vst.idx.msk $0xffff, v22;
	v13 =	vmul.f32 v53, v40;
	v31 =	vmul.f32 v54, v41  }
0x53d: {  	v21 =	vbroadcast v21, $0xF;
	v12 =	vadd.f32 v29, v12;
	v62 =	vld.idx.msk [tilespmem:v2+s0+$0x0 ss:$0x1], $0xffff;
	v41 =	vadd.s32 v1, v36  }
0x53e: {  	v56 =	vmov s21;
	v63 =	vld.idx.msk [tilespmem:v2+s0+$0x20 ss:$0x1], $0xffff;
	v26 =	vadd.f32 v27, v26;
	v13 =	vadd.f32 v31, v13  }
0x53f: {  	v59 =	vmov s25;
	v44 =	vand.u32 $0x5F, v56;
	v11 =	vadd.f32 v12, v11;
	v42 =	vld.idx.msk [tilespmem:v2+s0+$0x60 ss:$0x1], $0xffff  }
0x540: {  	s30 =	sor.u32 $0x3F, s30;
	v24 =	vmul.f32 v24, v10;
	v32 =	vmul.f32 v57, v9;
	v40 =	vld.idx.msk [tilespmem:v2+s0+$0x40 ss:$0x1], $0xffff;
	v13 =	vadd.f32 v13, v26  }
0x541: {  	s1 =	sshll.u32 s30, $0x7;
	v29 =	vshll.u32 v56, $0x3;
	v43 =	vmul.f32 v60, v7;
	v22 =	vmul.f32 v58, v8;
	[tilespmem:v61+s22+$0x0] =	vst.idx.msk $0xffff, v11  }
0x542: {  	s1 =	sand.u32 $0x3FFFFF80, s1;
	v29 =	vand.u32 $0xC00, v29;
	v11 =	vbroadcast v14, $0xF;
	v14 =	vbroadcast v16, $0xF;
	v16 =	vld.idx.msk [tilespmem:v2+s31+$0x10 ss:$0x1], $0xffff;
	[tilespmem:v41+s22+$0x0] =	vst.idx.msk $0xffff, v13  }
0x543: {  	v24 =	vadd.f32 v32, v24;
	v22 =	vadd.f32 v43, v22;
	v13 =	vor.u32 v44, v29;
	v49 =	vld.idx.msk [tilespmem:v2+s1+$0x0 ss:$0x1], $0xffff  }
0x544: {  	v46 =	vmul.f32 v62, v11;
	v12 =	vmul.f32 v63, v14;
	v50 =	vadd.s32 v0, v13;
	v51 =	vld.idx.msk [tilespmem:v2+s1+$0x20 ss:$0x1], $0xffff  }
0x545: {  	v52 =	vshll.u32 v59, $0x3;
	v48 =	vmul.f32 v42, v17;
	v47 =	vmul.f32 v40, v15;
	v53 =	vld.idx.msk [tilespmem:v2+s1+$0x40 ss:$0x1], $0xffff  }
0x546: {  	v25 =	vand.u32 $0x6F, v59;
	v22 =	vadd.f32 v22, v24;
	v29 =	vand.u32 $0xC00, v52;
	v54 =	vld.idx.msk [tilespmem:v2+s1+$0x60 ss:$0x1], $0xffff  }
0x547: {  	v55 =	vld.idx.msk [tilespmem:v2+s31+$0x30 ss:$0x1], $0xffff;
	v12 =	vadd.f32 v12, v46;
	v28 =	vadd.f32 v48, v47;
	v24 =	vor.u32 v25, v29  }
0x548: {  	v20 =	vbroadcast v20, $0xF;
	v45 =	vmov s30;
	v56 =	vld.idx.msk [tilespmem:v2+s31+$0x50 ss:$0x1], $0xffff;
	v57 =	vadd.s32 v0, v24  }
0x549: {  	v60 =	vshll.u32 v45, $0x3;
	v59 =	vld.idx.msk [tilespmem:v2+s31+$0x70 ss:$0x1], $0xffff;
	v26 =	vand.u32 $0x7F, v45;
	v12 =	vadd.f32 v28, v12;
	[tilespmem:v50+s22+$0x0] =	vst.idx.msk $0xffff, v22  }
0x54a: {  	v58 =	vmul.f32 v49, v21;
	v32 =	vmul.f32 v51, v18;
	v22 =	vand.u32 $0xC00, v60;
	v27 =	vld.idx.msk [tilespmem:v2+s2+$0x10 ss:$0x1], $0xffff  }
0x54b: {  	v30 =	vmul.f32 v53, v19;
	v33 =	vmul.f32 v54, v20;
	v61 =	vld.idx.msk [tilespmem:v2+s2+$0x30 ss:$0x1], $0xffff;
	v22 =	vor.u32 v26, v22  }
0x54c: {  	v62 =	vld.idx.msk [tilespmem:v2+s2+$0x50 ss:$0x1], $0xffff;
	v63 =	vadd.s32 v0, v22  }
0x54d: {  	[tilespmem:v57+s22+$0x0] =	vst.idx.msk $0xffff, v12;
	v41 =	vld.idx.msk [tilespmem:v2+s2+$0x70 ss:$0x1], $0xffff;
	v40 =	vadd.f32 v32, v58;
	v42 =	vadd.f32 v33, v30  }
0x54e: {  	v43 =	vld.idx.msk [tilespmem:v2+s0+$0x10 ss:$0x1], $0xffff  }
0x54f: {  	v44 =	vld.idx.msk [tilespmem:v2+s0+$0x30 ss:$0x1], $0xffff;
	v12 =	vadd.f32 v42, v40  }
0x550: {  	v6 =	vmul.f32 v16, v6;
	v5 =	vmul.f32 v55, v5;
	v45 =	vld.idx.msk [tilespmem:v2+s0+$0x50 ss:$0x1], $0xffff  }
0x551: {  	v3 =	vmul.f32 v56, v3;
	v4 =	vmul.f32 v59, v4;
	v46 =	vld.idx.msk [tilespmem:v2+s0+$0x70 ss:$0x1], $0xffff;
	[tilespmem:v63+s22+$0x0] =	vst.idx.msk $0xffff, v12  }
0x552: {  	v47 =	vld.idx.msk [tilespmem:v2+s1+$0x10 ss:$0x1], $0xffff  }
0x553: {  	v5 =	vadd.f32 v5, v6;
	v3 =	vadd.f32 v4, v3;
	v48 =	vld.idx.msk [tilespmem:v2+s1+$0x30 ss:$0x1], $0xffff  }
0x554: {  	v13 =	vadd.s32 v1, v13;
	v49 =	vld.idx.msk [tilespmem:v2+s1+$0x50 ss:$0x1], $0xffff  }
0x555: {  	v3 =	vadd.f32 v3, v5;
	v10 =	vmul.f32 v27, v10;
	v9 =	vmul.f32 v61, v9;
	v51 =	vld.idx.msk [tilespmem:v2+s1+$0x70 ss:$0x1], $0xffff  }
0x556: {  	v60 =	vadd.s32 v1, v24;
	v8 =	vmul.f32 v62, v8;
	v7 =	vmul.f32 v41, v7  }
0x557: {  	v57 =	vadd.s32 v1, v23;
	v53 =	vmul.f32 v43, v11;
	v54 =	vmul.f32 v44, v14  }
0x558: {  	v55 =	vmul.f32 v45, v15;
	v56 =	vmul.f32 v46, v17;
	v50 =	vadd.f32 v9, v10  }
0x559: {  	v7 =	vadd.f32 v7, v8;
	v58 =	vmul.f32 v47, v21;
	v59 =	vmul.f32 v48, v18  }
0x55a: {  	v6 =	vadd.f32 v54, v53;
	v4 =	vmul.f32 v49, v19;
	v8 =	vmul.f32 v51, v20  }
0x55b: {  	p0 =	slt.u32 s29, $0x14;
	v62 =	vadd.s32 v1, v22;
	v61 =	vadd.f32 v56, v55;
	v52 =	vadd.f32 v7, v50  }
.Ltmp7:
0x55c: {  	v63 =	vadd.f32 v59, v58;
	v4 =	vadd.f32 v8, v4;
	(pc) =	sbr.rel @p0 .LBB2_9-.Ltmp7, $4  }
0x55d: {  	[tilespmem:v57+s22+$0x0] =	vst.idx.msk $0xffff, v3;
	v3 =	vadd.f32 v61, v6  }
0x55e: {  	[tilespmem:v13+s22+$0x0] =	vst.idx.msk $0xffff, v52;
	v4 =	vadd.f32 v4, v63  }
0x55f: {  	s31 =	sadd.s32 $0x4, s29;
	[tilespmem:v60+s22+$0x0] =	vst.idx.msk $0xffff, v3  }
0x560: {  	s29 =	smov.u32 s31;
	[tilespmem:v62+s22+$0x0] =	vst.idx.msk $0xffff, v4  }
0x561: {  	p0 =	sgt.u32 s28, $0x515  }
.Ltmp8:
0x562: {  	_ = 	snop;
	(pc) =	sbr.rel @!p0 .LBB2_11-.Ltmp8, $1  }
0x563: {  	_ =	sdelay $0x3  }
0x564: {  	p0 =	sne.s32 s28, $0x516  }
.Ltmp9:
0x565: {  	_ = 	snop;
	(pc) =	sbr.rel @p0 .LBB2_15-.Ltmp9, $1  }
0x566: {  	_ =	sdelay $0x3  }
.Ltmp10:
0x567: {  	(pc) =	sbr.rel .LBB2_14-.Ltmp10, $4  }
0x568: {  	_ = 	snop  }
0x569: {  	s0 =	simm.s32 $0x0;
	s1 =	rddreg [dreg:$0x6]  }
0x56a: {  	[hbm4b:s1+s0] =	stream.linear.scatter [tilespmem:s22], [sflag:$0x3], $0x3000, $0x38;
	[tilespmem:$0x1C200] =	vst v63  }
0x56b: {  	s0 =	simm.s32 $0x3  }
.LBB2_17:
0x56c: {  	_ =	sfence.sel $0x180000  }
0x56d: {  	[bflag:$0x0] =	sbarrier.arrive $0xFFFF  }
0x56e: {  	_ =	strace $0x90000047  }
0x56f: {  	s0 =	stileid.u32;
	[bflag:$0x2] =	sbarrier.arrive $0xFFFF  }
0x570: {  	p0 =	sne.s32 s0, $0x0;
	s0 =	rddreg [dreg:$0x2]  }
0x571: {  	s0 =	sadd.s32 @!p0 $0x100000, s0  }
0x572: {  	[sflag:s0] =	ssyncadd.tile.s32 @!p0 $0x1;
	_ =	shalt  }
.Lfunc_end2:
_tile_overlayer_lowered:
.L_overlay_start_2:
0x573: {  	(tag) =	ssettag $0x2  }
0x574: {  	s0 =	rddreg [dreg:$0x0];
	s2 =	stileid.u32  }
0x575: {  	s1 =	rddreg [dreg:$0x1];
	p0 =	sne.s32 s2, $0x0  }
0x576: {  	s3 =	rddreg [dreg:$0x2];
	[bflag:$0x3] =	sbarrier.arrive $0xFFFF;
	s2 =	simm.s32 @!p0 $0x1C03  }
0x577: {  	[timem:s3], [sflag:s2] =	dma.local @!p0 [hbm:s0], s1  }
0x578: {  	s0 =	simm.s32 @!p0 $0x3  }
0x579: {  	_ =	swait.ge @!p0 [sflag:s0], s1  }
0x57a: {  	s1 =	ssub.s32 @!p0 $0x0, s1;
	[sflag:s0] =	ssyncset.done @!p0 $0x0  }
0x57b: {  	[sflag:s0] =	ssyncadd.s32 @!p0 s1  }
0x57c: {  	[bflag:$0x3] =	sbarrier.arrive $0xFFFF  }
0x57d: {  	_ =	shalt  }

</sc_bundles>
